<compile_context>
chip_gen: v7x
topology: tpu7x:2x2x1
jax: 0.10.2.dev20260603
libtpu: 0.0.44.dev20260713+nightly
codegen_flags: <defaults>
</compile_context>

<pallas_src>
import functools

import numpy as np
import jax
import jax.numpy as jnp
from jax import lax
from jax.experimental import pallas as pl
from jax.experimental.pallas import tpu as pltpu
from jax.experimental.pallas import tpu_sc as plsc

KEEP = 32
B = 16
HW = 1024
NC, NS, L = 2, 16, 16
NW = NC * NS
ROWS_PER_W = B * HW // NW
CH = 32
NCHUNK = ROWS_PER_W // CH
NEG = np.float32(-3.0e38)


def _resize_weights(in_size: int = 512, out_size: int = 32) -> np.ndarray:
    inv_scale = np.float32(in_size / out_size)
    sample_f = (np.arange(out_size, dtype=np.float32) + np.float32(0.5)) * inv_scale - np.float32(0.5)
    x = np.abs(sample_f[None, :] - np.arange(in_size, dtype=np.float32)[:, None]) / inv_scale
    w = np.maximum(np.float32(0.0), np.float32(1.0) - x).astype(np.float32)
    w = w / w.sum(axis=0, keepdims=True)
    return w.astype(np.float32)


def _mask_tc(ref_mask, w):
    def body(m_ref, w_ref, o_ref):
        m = m_ref[0]
        ww = w_ref[...]
        t = lax.dot_general(ww, m, (((0,), (0,)), ((), ())),
                            precision=lax.Precision.HIGHEST)
        o = lax.dot_general(t, ww, (((1,), (0,)), ((), ())),
                            precision=lax.Precision.HIGHEST)
        o_ref[0] = (o > 0.5).astype(jnp.float32)

    return pl.pallas_call(
        body,
        grid=(B,),
        in_specs=[pl.BlockSpec((1, 512, 512), lambda i: (i, 0, 0)),
                  pl.BlockSpec((512, 32), lambda i: (0, 0))],
        out_specs=pl.BlockSpec((1, 32, 32), lambda i: (i, 0, 0)),
        out_shape=jax.ShapeDtypeStruct((B, 32, 32), jnp.float32),
    )(ref_mask, w)


def _sort16(v):
    return plsc.sort_key_val(v, v, descending=True)[0]


def _side_update(hi, lo, th, v):
    def merge(ops):
        hi, lo, v = ops
        sv = _sort16(v)
        lo2 = jnp.maximum(lo, lax.rev(sv, (0,)))
        h2 = jnp.maximum(hi, lo2)
        l2 = jnp.minimum(hi, lo2)
        hs = _sort16(h2)
        ls = _sort16(l2)
        nth = lax.gather(
            ls, jnp.full((L, 1), L - 1, jnp.int32),
            lax.GatherDimensionNumbers(offset_dims=(), collapsed_slice_dims=(0,),
                                       start_index_map=(0,)),
            (1,), mode=lax.GatherScatterMode.PROMISE_IN_BOUNDS)
        return hs, ls, nth

    def skip(ops):
        hi, lo, _ = ops
        return hi, lo, th

    return lax.cond(jnp.any(v > th), merge, skip, (hi, lo, v))


def _topk_sc(corr, mask):
    mesh = plsc.VectorSubcoreMesh(core_axis_name="c", subcore_axis_name="s")

    @functools.partial(
        pl.kernel,
        mesh=mesh,
        compiler_params=pltpu.CompilerParams(needs_layout_passes=False),
        out_type=jax.ShapeDtypeStruct((B, HW, 2 * KEEP), jnp.float32),
        scratch_types=[
            pltpu.VMEM((HW,), jnp.float32),
            pltpu.VMEM((2, CH, HW), jnp.float32),
            pltpu.VMEM((CH, 2 * KEEP), jnp.float32),
            pltpu.SemaphoreType.DMA,
            pltpu.SemaphoreType.DMA,
        ],
    )
    def k(corr_hbm, mask_hbm, out_hbm, mask_v, in_v, out_v, sem0, sem1):
        wid = lax.axis_index("c") * NS + lax.axis_index("s")
        b = wid // 2
        r0 = (wid % 2) * ROWS_PER_W
        sems = (sem0, sem1)

        pltpu.sync_copy(mask_hbm.at[b], mask_v)
        pltpu.async_copy(corr_hbm.at[b, pl.ds(r0, CH), :], in_v.at[0], sems[0])

        neg16 = jnp.full((L,), NEG, jnp.float32)

        def row_body(buf):
            def body(i, _):
                def vec_body(j, carry):
                    fh, fl, ft, bh, bl, bt = carry
                    v = in_v[buf, i, pl.ds(j * L, L)]
                    mm = mask_v[pl.ds(j * L, L)]
                    fv = v * mm
                    bv = v - fv
                    fh, fl, ft = _side_update(fh, fl, ft, fv)
                    bh, bl, bt = _side_update(bh, bl, bt, bv)
                    return fh, fl, ft, bh, bl, bt

                fh, fl, _, bh, bl, _ = lax.fori_loop(
                    0, HW // L, vec_body,
                    (neg16, neg16, neg16, neg16, neg16, neg16))
                out_v[i, pl.ds(0, L)] = bh
                out_v[i, pl.ds(L, L)] = bl
                out_v[i, pl.ds(2 * L, L)] = fh
                out_v[i, pl.ds(3 * L, L)] = fl
                return 0

            lax.fori_loop(0, CH, body, 0)

        for g in range(NCHUNK):
            buf = g % 2
            pltpu.make_async_copy(
                corr_hbm.at[b, pl.ds(r0 + g * CH, CH), :],
                in_v.at[buf], sems[buf]).wait()
            if g + 1 < NCHUNK:
                pltpu.async_copy(
                    corr_hbm.at[b, pl.ds(r0 + (g + 1) * CH, CH), :],
                    in_v.at[1 - buf], sems[1 - buf])
            row_body(buf)
            pltpu.sync_copy(out_v, out_hbm.at[b, pl.ds(r0 + g * CH, CH), :])

    return k(corr, mask)


def kernel(corr_features, ref_mask):
    batch, ch, cw, rh, rw = corr_features.shape
    corr = corr_features.reshape(batch, ch * cw, rh * rw)
    w = jnp.asarray(_resize_weights(ref_mask.shape[-1], rh))
    fg = _mask_tc(ref_mask.reshape(batch, ref_mask.shape[-2], ref_mask.shape[-1]), w)
    fg = fg.reshape(batch, rh * rw)
    out = _topk_sc(corr, fg)
    out = out.transpose(0, 2, 1).reshape(batch, 2 * KEEP, ch, cw)
    return out

# --- scband reference (transcript-rebuilt; emitter-appended) ---
"""Pipeline reference for scband-masked-topk-31293131718893 (READ-ONLY COPY).

The authoritative reference and input builder live on the scoring server;
editing this copy changes nothing except your own understanding.
"""

import jax, jax.numpy as jnp
import numpy as np

KEEP_TOPK = 32

def setup_inputs(seed: int = 0) -> dict:
    key = jax.random.key(seed)
    k1, k2 = jax.random.split(key)
    corr_features = jax.random.normal(k1, (16, 32, 32, 32, 32), dtype=jnp.float32)
    ref_mask = jax.random.uniform(k2, (16, 1, 512, 512), dtype=jnp.float32)
    return {"corr_features": corr_features, "ref_mask": ref_mask}

def reference(corr_features, ref_mask):
    batch_size, cur_h, cur_w, ref_h, ref_w = corr_features.shape
    corr = corr_features.reshape(batch_size, cur_h * cur_w, ref_h * ref_w)
    # F.interpolate(..., mode='bilinear', align_corners=False) matches
    # jax.image.resize with method='linear' (half-pixel centers)
    m = jax.image.resize(ref_mask, (batch_size, 1, ref_h, ref_w), method='linear')
    m = m.reshape(batch_size, 1, ref_h * ref_w)
    fg_corr = corr * (m > 0.5).astype(jnp.float32)
    bg_corr = corr * (m <= 0.5).astype(jnp.float32)
    fg_top, _ = jax.lax.top_k(fg_corr, KEEP_TOPK)
    bg_top, _ = jax.lax.top_k(bg_corr, KEEP_TOPK)
    fg_top = fg_top.reshape(batch_size, cur_h, cur_w, KEEP_TOPK).transpose(0, 3, 1, 2)
    bg_top = bg_top.reshape(batch_size, cur_h, cur_w, KEEP_TOPK).transpose(0, 3, 1, 2)
    corr_map = jnp.concatenate([bg_top, fg_top], axis=1)
    return corr_map

if __name__ == "__main__":
    import jax
    _d = setup_inputs()
    print(jax.jit(kernel)(*tuple(_d.values())))

</pallas_src>

<mosaic_0001>
#map = affine_map<(d0, d1) -> (0, 0, 0)>
#map1 = affine_map<(d0, d1) -> (0, 0)>
module attributes {stable_mosaic.version = 14 : i64} {
  func.func @k(%arg0: i32, %arg1: i32, %arg2: memref<16x1024x1024xf32, #tpu.memory_space<hbm>>, %arg3: memref<16x1024xf32, #tpu.memory_space<hbm>>, %arg4: memref<16x1024x64xf32, #tpu.memory_space<hbm>>, %arg5: memref<1024xf32, #tpu.memory_space<vmem>>, %arg6: memref<2x32x1024xf32, #tpu.memory_space<vmem>>, %arg7: memref<32x64xf32, #tpu.memory_space<vmem>>, %arg8: memref<!tpu.dma_semaphore, #tpu.memory_space<semaphore_mem>>, %arg9: memref<!tpu.dma_semaphore, #tpu.memory_space<semaphore_mem>>) attributes {dimension_semantics = [#tpu.dimension_semantics<core_parallel>, #tpu.dimension_semantics<subcore_parallel>], iteration_bounds = array<i64: 2, 16>, scalar_prefetch = 0 : i64, scratch_operands = 5 : i64, tpu.core_type = #tpu.core_type<sc_vector_subcore>, window_params = [{transform_indices = #map}, {transform_indices = #map1}, {transform_indices = #map}]} {
    %mul3A = arith.constant 16 : i32
    %mul3A_0 = arith.muli %arg0, %mul3A : i32
    %add3A = arith.addi %mul3A_0, %arg1 : i32
    %jit3A = arith.constant 2 : i32
    %div3A = arith.divsi %add3A, %jit3A : i32
    %sign3A = arith.constant 0 : i32
    %sign3A_1 = arith.cmpi sgt, %add3A, %sign3A : i32
    %sign3A_2 = arith.extui %sign3A_1 : i1 to i32
    %sign3A_3 = arith.constant 0 : i32
    %sign3A_4 = arith.cmpi slt, %add3A, %sign3A_3 : i32
    %sign3A_5 = arith.extui %sign3A_4 : i1 to i32
    %sign3A_6 = arith.subi %sign3A_2, %sign3A_5 : i32
    %sign3A_7 = arith.constant 0 : i32
    %sign3A_8 = arith.cmpi sgt, %jit3A, %sign3A_7 : i32
    %sign3A_9 = arith.extui %sign3A_8 : i1 to i32
    %sign3A_10 = arith.constant 0 : i32
    %sign3A_11 = arith.cmpi slt, %jit3A, %sign3A_10 : i32
    %sign3A_12 = arith.extui %sign3A_11 : i1 to i32
    %sign3A_13 = arith.subi %sign3A_9, %sign3A_12 : i32
    %ne3A = arith.cmpi ne, %sign3A_6, %sign3A_13 : i32
    %rem3A = arith.remsi %add3A, %jit3A : i32
    %ne3A_14 = arith.constant 0 : i32
    %ne3A_15 = arith.cmpi ne, %rem3A, %ne3A_14 : i32
    %and3A = arith.andi %ne3A, %ne3A_15 : i1
    %sub3A = arith.constant 1 : i32
    %sub3A_16 = arith.subi %div3A, %sub3A : i32
    %select_n3A = arith.select %and3A, %sub3A_16, %div3A : i32
    %jit3A_17 = arith.constant 2 : i32
    %eq3A = arith.constant 0 : i32
    %eq3A_18 = arith.cmpi eq, %jit3A_17, %eq3A : i32
    %jit3A_19 = arith.constant 1 : i32
    %select_n3A_20 = arith.select %eq3A_18, %jit3A_19, %jit3A_17 : i32
    %rem3A_21 = arith.remsi %add3A, %select_n3A_20 : i32
    %ne3A_22 = arith.constant 0 : i32
    %ne3A_23 = arith.cmpi ne, %rem3A_21, %ne3A_22 : i32
    %lt3A = arith.constant 0 : i32
    %lt3A_24 = arith.cmpi slt, %rem3A_21, %lt3A : i32
    %lt3A_25 = arith.constant 0 : i32
    %lt3A_26 = arith.cmpi slt, %select_n3A_20, %lt3A_25 : i32
    %ne3A_27 = arith.xori %lt3A_24, %lt3A_26 : i1
    %and3A_28 = arith.andi %ne3A_27, %ne3A_23 : i1
    %add3A_29 = arith.addi %rem3A_21, %select_n3A_20 : i32
    %select_n3A_30 = arith.select %and3A_28, %add3A_29, %rem3A_21 : i32
    %mul3A_31 = arith.constant 512 : i32
    %mul3A_32 = arith.muli %select_n3A_30, %mul3A_31 : i32
    "tpu.region"() ({
      %run_scoped3A = tpu.sem_alloc : memref<!tpu.dma_semaphore, #tpu.memory_space<semaphore_mem>>
      %dma_start3A_717 = arith.constant 0 : i32
      %dma_start3A_718 = tpu.memref_slice %arg3[%select_n3A, %dma_start3A_717] : memref<16x1024xf32, #tpu.memory_space<hbm>> -> memref<1x1024xf32, #tpu.memory_space<hbm>>
      %dma_start3A_719 = tpu.memref_squeeze %dma_start3A_718 : memref<1x1024xf32, #tpu.memory_space<hbm>> -> memref<1024xf32, #tpu.memory_space<hbm>>
      %dma_start3A_720 = arith.constant 0 : i32
      %dma_start3A_721 = tpu.memref_slice %arg3[%select_n3A, %dma_start3A_720] : memref<16x1024xf32, #tpu.memory_space<hbm>> -> memref<1x1024xf32, #tpu.memory_space<hbm>>
      %dma_start3A_722 = tpu.memref_squeeze %dma_start3A_721 : memref<1x1024xf32, #tpu.memory_space<hbm>> -> memref<1024xf32, #tpu.memory_space<hbm>>
      tpu.enqueue_dma source(%dma_start3A_722 : memref<1024xf32, #tpu.memory_space<hbm>>) target(%arg5 : memref<1024xf32, #tpu.memory_space<vmem>>) target_semaphore(%run_scoped3A : memref<!tpu.dma_semaphore, #tpu.memory_space<semaphore_mem>>)
      %dma_wait3A_723 = arith.constant 0 : i32
      %dma_wait3A_724 = tpu.memref_slice %arg3[%select_n3A, %dma_wait3A_723] : memref<16x1024xf32, #tpu.memory_space<hbm>> -> memref<1x1024xf32, #tpu.memory_space<hbm>>
      %dma_wait3A_725 = tpu.memref_squeeze %dma_wait3A_724 : memref<1x1024xf32, #tpu.memory_space<hbm>> -> memref<1024xf32, #tpu.memory_space<hbm>>
      %dma_wait3A_726 = arith.constant 0 : i32
      %dma_wait3A_727 = tpu.memref_slice %arg3[%select_n3A, %dma_wait3A_726] : memref<16x1024xf32, #tpu.memory_space<hbm>> -> memref<1x1024xf32, #tpu.memory_space<hbm>>
      %dma_wait3A_728 = tpu.memref_squeeze %dma_wait3A_727 : memref<1x1024xf32, #tpu.memory_space<hbm>> -> memref<1024xf32, #tpu.memory_space<hbm>>
      tpu.wait_dma2 semaphore(%run_scoped3A : memref<!tpu.dma_semaphore, #tpu.memory_space<semaphore_mem>>) src(%dma_wait3A_728 : memref<1024xf32, #tpu.memory_space<hbm>>) dst(%arg5 : memref<1024xf32, #tpu.memory_space<vmem>>)
      tpu.yield
    }) : () -> ()
    %dma_start3A = arith.constant 0 : i32
    %dma_start3A_33 = arith.constant 0 : i32
    %dma_start3A_34 = arith.constant 0 : i32
    %dma_start3A_35 = tpu.memref_slice %arg6[%dma_start3A, %dma_start3A_33, %dma_start3A_34] : memref<2x32x1024xf32, #tpu.memory_space<vmem>> -> memref<1x32x1024xf32, #tpu.memory_space<vmem>>
    %dma_start3A_36 = tpu.memref_squeeze %dma_start3A_35 : memref<1x32x1024xf32, #tpu.memory_space<vmem>> -> memref<32x1024xf32, #tpu.memory_space<vmem>>
    %dma_start3A_37 = arith.constant 0 : i32
    %dma_start3A_38 = tpu.memref_slice %arg2[%select_n3A, %mul3A_32, %dma_start3A_37] : memref<16x1024x1024xf32, #tpu.memory_space<hbm>> -> memref<1x32x1024xf32, #tpu.memory_space<hbm>>
    %dma_start3A_39 = tpu.memref_squeeze %dma_start3A_38 : memref<1x32x1024xf32, #tpu.memory_space<hbm>> -> memref<32x1024xf32, #tpu.memory_space<hbm>>
    %dma_start3A_40 = arith.constant 0 : i32
    %dma_start3A_41 = arith.constant 0 : i32
    %dma_start3A_42 = tpu.memref_slice %arg6[%dma_start3A, %dma_start3A_40, %dma_start3A_41] : memref<2x32x1024xf32, #tpu.memory_space<vmem>> -> memref<1x32x1024xf32, #tpu.memory_space<vmem>>
    %dma_start3A_43 = tpu.memref_squeeze %dma_start3A_42 : memref<1x32x1024xf32, #tpu.memory_space<vmem>> -> memref<32x1024xf32, #tpu.memory_space<vmem>>
    %dma_start3A_44 = arith.constant 0 : i32
    %dma_start3A_45 = tpu.memref_slice %arg2[%select_n3A, %mul3A_32, %dma_start3A_44] : memref<16x1024x1024xf32, #tpu.memory_space<hbm>> -> memref<1x32x1024xf32, #tpu.memory_space<hbm>>
    %dma_start3A_46 = tpu.memref_squeeze %dma_start3A_45 : memref<1x32x1024xf32, #tpu.memory_space<hbm>> -> memref<32x1024xf32, #tpu.memory_space<hbm>>
    tpu.enqueue_dma source(%dma_start3A_46 : memref<32x1024xf32, #tpu.memory_space<hbm>>) target(%dma_start3A_43 : memref<32x1024xf32, #tpu.memory_space<vmem>>) target_semaphore(%arg8 : memref<!tpu.dma_semaphore, #tpu.memory_space<semaphore_mem>>)
    %broadcast_in_dim3A = arith.constant -3.000000e+38 : f32
    %broadcast_in_dim3A_47 = vector.broadcast %broadcast_in_dim3A : f32 to vector<16xf32>
    %add3A_48 = arith.constant 0 : i32
    %add3A_49 = arith.addi %mul3A_32, %add3A_48 : i32
    %dma_wait3A = arith.constant 0 : i32
    %dma_wait3A_50 = arith.constant 0 : i32
    %dma_wait3A_51 = arith.constant 0 : i32
    %dma_wait3A_52 = tpu.memref_slice %arg6[%dma_wait3A, %dma_wait3A_50, %dma_wait3A_51] : memref<2x32x1024xf32, #tpu.memory_space<vmem>> -> memref<1x32x1024xf32, #tpu.memory_space<vmem>>
    %dma_wait3A_53 = tpu.memref_squeeze %dma_wait3A_52 : memref<1x32x1024xf32, #tpu.memory_space<vmem>> -> memref<32x1024xf32, #tpu.memory_space<vmem>>
    %dma_wait3A_54 = arith.constant 0 : i32
    %dma_wait3A_55 = tpu.memref_slice %arg2[%select_n3A, %add3A_49, %dma_wait3A_54] : memref<16x1024x1024xf32, #tpu.memory_space<hbm>> -> memref<1x32x1024xf32, #tpu.memory_space<hbm>>
    %dma_wait3A_56 = tpu.memref_squeeze %dma_wait3A_55 : memref<1x32x1024xf32, #tpu.memory_space<hbm>> -> memref<32x1024xf32, #tpu.memory_space<hbm>>
    %dma_wait3A_57 = arith.constant 0 : i32
    %dma_wait3A_58 = arith.constant 0 : i32
    %dma_wait3A_59 = tpu.memref_slice %arg6[%dma_wait3A, %dma_wait3A_57, %dma_wait3A_58] : memref<2x32x1024xf32, #tpu.memory_space<vmem>> -> memref<1x32x1024xf32, #tpu.memory_space<vmem>>
    %dma_wait3A_60 = tpu.memref_squeeze %dma_wait3A_59 : memref<1x32x1024xf32, #tpu.memory_space<vmem>> -> memref<32x1024xf32, #tpu.memory_space<vmem>>
    %dma_wait3A_61 = arith.constant 0 : i32
    %dma_wait3A_62 = tpu.memref_slice %arg2[%select_n3A, %add3A_49, %dma_wait3A_61] : memref<16x1024x1024xf32, #tpu.memory_space<hbm>> -> memref<1x32x1024xf32, #tpu.memory_space<hbm>>
    %dma_wait3A_63 = tpu.memref_squeeze %dma_wait3A_62 : memref<1x32x1024xf32, #tpu.memory_space<hbm>> -> memref<32x1024xf32, #tpu.memory_space<hbm>>
    tpu.wait_dma2 semaphore(%arg8 : memref<!tpu.dma_semaphore, #tpu.memory_space<semaphore_mem>>) src(%dma_wait3A_63 : memref<32x1024xf32, #tpu.memory_space<hbm>>) dst(%dma_wait3A_60 : memref<32x1024xf32, #tpu.memory_space<vmem>>)
    %add3A_64 = arith.constant 32 : i32
    %add3A_65 = arith.addi %mul3A_32, %add3A_64 : i32
    %dma_start3A_66 = arith.constant 1 : i32
    %dma_start3A_67 = arith.constant 0 : i32
    %dma_start3A_68 = arith.constant 0 : i32
    %dma_start3A_69 = tpu.memref_slice %arg6[%dma_start3A_66, %dma_start3A_67, %dma_start3A_68] : memref<2x32x1024xf32, #tpu.memory_space<vmem>> -> memref<1x32x1024xf32, #tpu.memory_space<vmem>>
    %dma_start3A_70 = tpu.memref_squeeze %dma_start3A_69 : memref<1x32x1024xf32, #tpu.memory_space<vmem>> -> memref<32x1024xf32, #tpu.memory_space<vmem>>
    %dma_start3A_71 = arith.constant 0 : i32
    %dma_start3A_72 = tpu.memref_slice %arg2[%select_n3A, %add3A_65, %dma_start3A_71] : memref<16x1024x1024xf32, #tpu.memory_space<hbm>> -> memref<1x32x1024xf32, #tpu.memory_space<hbm>>
    %dma_start3A_73 = tpu.memref_squeeze %dma_start3A_72 : memref<1x32x1024xf32, #tpu.memory_space<hbm>> -> memref<32x1024xf32, #tpu.memory_space<hbm>>
    %dma_start3A_74 = arith.constant 0 : i32
    %dma_start3A_75 = arith.constant 0 : i32
    %dma_start3A_76 = tpu.memref_slice %arg6[%dma_start3A_66, %dma_start3A_74, %dma_start3A_75] : memref<2x32x1024xf32, #tpu.memory_space<vmem>> -> memref<1x32x1024xf32, #tpu.memory_space<vmem>>
    %dma_start3A_77 = tpu.memref_squeeze %dma_start3A_76 : memref<1x32x1024xf32, #tpu.memory_space<vmem>> -> memref<32x1024xf32, #tpu.memory_space<vmem>>
    %dma_start3A_78 = arith.constant 0 : i32
    %dma_start3A_79 = tpu.memref_slice %arg2[%select_n3A, %add3A_65, %dma_start3A_78] : memref<16x1024x1024xf32, #tpu.memory_space<hbm>> -> memref<1x32x1024xf32, #tpu.memory_space<hbm>>
    %dma_start3A_80 = tpu.memref_squeeze %dma_start3A_79 : memref<1x32x1024xf32, #tpu.memory_space<hbm>> -> memref<32x1024xf32, #tpu.memory_space<hbm>>
    tpu.enqueue_dma source(%dma_start3A_80 : memref<32x1024xf32, #tpu.memory_space<hbm>>) target(%dma_start3A_77 : memref<32x1024xf32, #tpu.memory_space<vmem>>) target_semaphore(%arg9 : memref<!tpu.dma_semaphore, #tpu.memory_space<semaphore_mem>>)
    %scan3A = arith.constant 0 : i32
    %scan3A_81 = arith.constant 0 : i32
    %scan3A_82 = arith.constant 32 : i32
    %scan3A_83 = arith.addi %scan3A_81, %scan3A_82 : i32
    %scan3A_84 = arith.constant 1 : i32
    %scan3A_85 = scf.for %scan3A_717 = %scan3A_81 to %scan3A_83 step %scan3A_84 iter_args(%scan3A_718 = %scan3A) -> (i32)  : i32 {
      %scan3A_719 = arith.constant 0 : i32
      %scan3A_720 = arith.constant 64 : i32
      %scan3A_721 = arith.addi %scan3A_719, %scan3A_720 : i32
      %scan3A_722 = arith.constant 1 : i32
      %scan3A_723:6 = scf.for %scan3A_737 = %scan3A_719 to %scan3A_721 step %scan3A_722 iter_args(%scan3A_738 = %broadcast_in_dim3A_47, %scan3A_739 = %broadcast_in_dim3A_47, %scan3A_740 = %broadcast_in_dim3A_47, %scan3A_741 = %broadcast_in_dim3A_47, %scan3A_742 = %broadcast_in_dim3A_47, %scan3A_743 = %broadcast_in_dim3A_47) -> (vector<16xf32>, vector<16xf32>, vector<16xf32>, vector<16xf32>, vector<16xf32>, vector<16xf32>)  : i32 {
        %mul3A_744 = arith.constant 16 : i32
        %mul3A_745 = arith.muli %scan3A_737, %mul3A_744 : i32
        %get3A = arith.constant 0 : i32
        %get3A_746 = arith.index_cast %get3A : i32 to index
        %get3A_747 = arith.index_cast %scan3A_717 : i32 to index
        %get3A_748 = arith.index_cast %mul3A_745 : i32 to index
        %get3A_749 = tpu.vector_load %arg6[%get3A_746, %get3A_747, %get3A_748] {strides = array<i32>} : memref<2x32x1024xf32, #tpu.memory_space<vmem>>, vector<16xf32>,
        %mul3A_750 = arith.constant 16 : i32
        %mul3A_751 = arith.muli %scan3A_737, %mul3A_750 : i32
        %get3A_752 = arith.index_cast %mul3A_751 : i32 to index
        %get3A_753 = tpu.vector_load %arg5[%get3A_752] {strides = array<i32>} : memref<1024xf32, #tpu.memory_space<vmem>>, vector<16xf32>,
        %mul3A_754 = arith.mulf %get3A_749, %get3A_753 : vector<16xf32>
        %sub3A_755 = arith.subf %get3A_749, %mul3A_754 : vector<16xf32>
        %gt3A = arith.cmpf ogt, %mul3A_754, %scan3A_740 : vector<16xf32>
        %reduce_or3A = arith.constant 1.000000e+00 : f32
        %reduce_or3A_756 = arith.constant 0.000000e+00 : f32
        %reduce_or3A_757 = vector.broadcast %reduce_or3A : f32 to vector<16xf32>
        %reduce_or3A_758 = vector.broadcast %reduce_or3A_756 : f32 to vector<16xf32>
        %reduce_or3A_759 = arith.select %gt3A, %reduce_or3A_757, %reduce_or3A_758 : vector<16xi1>, vector<16xf32>
        %reduce_or3A_760 = arith.constant true
        %reduce_or3A_761 = vector.broadcast %reduce_or3A_760 : i1 to vector<16xi1>
        %reduce_or3A_762 = tpu.scan <max>, %reduce_or3A_759 masked %reduce_or3A_761 : vector<16xf32>, vector<16xi1> -> vector<16xf32>
        %reduce_or3A_763 = vector.extract %reduce_or3A_762[15] : f32 from vector<16xf32>
        %reduce_or3A_764 = arith.constant 0.000000e+00 : f32
        %reduce_or3A_765 = arith.cmpf ogt, %reduce_or3A_763, %reduce_or3A_764 : f32
        %convert_element_type3A = arith.extui %reduce_or3A_765 : i1 to i32
        %cond3A = arith.constant 0 : i32
        %cond3A_766 = arith.cmpi ne, %convert_element_type3A, %cond3A : i32
        %cond3A_767:3 = scf.if %cond3A_766 -> (vector<16xf32>, vector<16xf32>, vector<16xf32>) {
          %masked_sort3A = arith.constant dense<true> : vector<16xi1>
          %masked_sort3A_784, %masked_sort3A_785, %masked_sort3A_786 = tpu.sort %mul3A_754, %mul3A_754 masked %masked_sort3A {descending = true} : (vector<16xf32>, vector<16xf32>, vector<16xi1>) -> (vector<16xi1>, vector<16xf32>, vector<16xf32>)
          %rev3A = arith.constant 15 : i32
          %rev3A_787 = vector.broadcast %rev3A : i32 to vector<16xi32>
          %rev3A_788 = tpu.iota {dimensions = array<i32: 0>} : vector<16xi32>
          %rev3A_789 = arith.subi %rev3A_787, %rev3A_788 : vector<16xi32>
          %rev3A_790 = tpu.dynamic_gather %masked_sort3A_785[%rev3A_789] in [0] : vector<16xf32>, vector<16xi32> -> vector<16xf32>
          %max3A = arith.maximumf %scan3A_739, %rev3A_790 : vector<16xf32>
          %max3A_791 = arith.maximumf %scan3A_738, %max3A : vector<16xf32>
          %min3A = arith.minimumf %scan3A_738, %max3A : vector<16xf32>
          %masked_sort3A_792 = arith.constant dense<true> : vector<16xi1>
          %masked_sort3A_793, %masked_sort3A_794, %masked_sort3A_795 = tpu.sort %max3A_791, %max3A_791 masked %masked_sort3A_792 {descending = true} : (vector<16xf32>, vector<16xf32>, vector<16xi1>) -> (vector<16xi1>, vector<16xf32>, vector<16xf32>)
          %masked_sort3A_796 = arith.constant dense<true> : vector<16xi1>
          %masked_sort3A_797, %masked_sort3A_798, %masked_sort3A_799 = tpu.sort %min3A, %min3A masked %masked_sort3A_796 {descending = true} : (vector<16xf32>, vector<16xf32>, vector<16xi1>) -> (vector<16xi1>, vector<16xf32>, vector<16xf32>)
          %broadcast_in_dim3A_800 = arith.constant 15 : i32
          %broadcast_in_dim3A_801 = vector.broadcast %broadcast_in_dim3A_800 : i32 to vector<16x1xi32>
          %gather3A = vector.shape_cast %broadcast_in_dim3A_801 : vector<16x1xi32> to vector<16xi32>
          %gather3A_802 = tpu.dynamic_gather %masked_sort3A_798[%gather3A] in [0] : vector<16xf32>, vector<16xi32> -> vector<16xf32>
          scf.yield %masked_sort3A_794, %masked_sort3A_798, %gather3A_802 : vector<16xf32>, vector<16xf32>, vector<16xf32>
        } else {
          scf.yield %scan3A_738, %scan3A_739, %scan3A_740 : vector<16xf32>, vector<16xf32>, vector<16xf32>
        }
        %gt3A_768 = arith.cmpf ogt, %sub3A_755, %scan3A_743 : vector<16xf32>
        %reduce_or3A_769 = arith.constant 1.000000e+00 : f32
        %reduce_or3A_770 = arith.constant 0.000000e+00 : f32
        %reduce_or3A_771 = vector.broadcast %reduce_or3A_769 : f32 to vector<16xf32>
        %reduce_or3A_772 = vector.broadcast %reduce_or3A_770 : f32 to vector<16xf32>
        %reduce_or3A_773 = arith.select %gt3A_768, %reduce_or3A_771, %reduce_or3A_772 : vector<16xi1>, vector<16xf32>
        %reduce_or3A_774 = arith.constant true
        %reduce_or3A_775 = vector.broadcast %reduce_or3A_774 : i1 to vector<16xi1>
        %reduce_or3A_776 = tpu.scan <max>, %reduce_or3A_773 masked %reduce_or3A_775 : vector<16xf32>, vector<16xi1> -> vector<16xf32>
        %reduce_or3A_777 = vector.extract %reduce_or3A_776[15] : f32 from vector<16xf32>
        %reduce_or3A_778 = arith.constant 0.000000e+00 : f32
        %reduce_or3A_779 = arith.cmpf ogt, %reduce_or3A_777, %reduce_or3A_778 : f32
        %convert_element_type3A_780 = arith.extui %reduce_or3A_779 : i1 to i32
        %cond3A_781 = arith.constant 0 : i32
        %cond3A_782 = arith.cmpi ne, %convert_element_type3A_780, %cond3A_781 : i32
        %cond3A_783:3 = scf.if %cond3A_782 -> (vector<16xf32>, vector<16xf32>, vector<16xf32>) {
          %masked_sort3A = arith.constant dense<true> : vector<16xi1>
          %masked_sort3A_784, %masked_sort3A_785, %masked_sort3A_786 = tpu.sort %sub3A_755, %sub3A_755 masked %masked_sort3A {descending = true} : (vector<16xf32>, vector<16xf32>, vector<16xi1>) -> (vector<16xi1>, vector<16xf32>, vector<16xf32>)
          %rev3A = arith.constant 15 : i32
          %rev3A_787 = vector.broadcast %rev3A : i32 to vector<16xi32>
          %rev3A_788 = tpu.iota {dimensions = array<i32: 0>} : vector<16xi32>
          %rev3A_789 = arith.subi %rev3A_787, %rev3A_788 : vector<16xi32>
          %rev3A_790 = tpu.dynamic_gather %masked_sort3A_785[%rev3A_789] in [0] : vector<16xf32>, vector<16xi32> -> vector<16xf32>
          %max3A = arith.maximumf %scan3A_742, %rev3A_790 : vector<16xf32>
          %max3A_791 = arith.maximumf %scan3A_741, %max3A : vector<16xf32>
          %min3A = arith.minimumf %scan3A_741, %max3A : vector<16xf32>
          %masked_sort3A_792 = arith.constant dense<true> : vector<16xi1>
          %masked_sort3A_793, %masked_sort3A_794, %masked_sort3A_795 = tpu.sort %max3A_791, %max3A_791 masked %masked_sort3A_792 {descending = true} : (vector<16xf32>, vector<16xf32>, vector<16xi1>) -> (vector<16xi1>, vector<16xf32>, vector<16xf32>)
          %masked_sort3A_796 = arith.constant dense<true> : vector<16xi1>
          %masked_sort3A_797, %masked_sort3A_798, %masked_sort3A_799 = tpu.sort %min3A, %min3A masked %masked_sort3A_796 {descending = true} : (vector<16xf32>, vector<16xf32>, vector<16xi1>) -> (vector<16xi1>, vector<16xf32>, vector<16xf32>)
          %broadcast_in_dim3A_800 = arith.constant 15 : i32
          %broadcast_in_dim3A_801 = vector.broadcast %broadcast_in_dim3A_800 : i32 to vector<16x1xi32>
          %gather3A = vector.shape_cast %broadcast_in_dim3A_801 : vector<16x1xi32> to vector<16xi32>
          %gather3A_802 = tpu.dynamic_gather %masked_sort3A_798[%gather3A] in [0] : vector<16xf32>, vector<16xi32> -> vector<16xf32>
          scf.yield %masked_sort3A_794, %masked_sort3A_798, %gather3A_802 : vector<16xf32>, vector<16xf32>, vector<16xf32>
        } else {
          scf.yield %scan3A_741, %scan3A_742, %scan3A_743 : vector<16xf32>, vector<16xf32>, vector<16xf32>
        }
        scf.yield %cond3A_767#0, %cond3A_767#1, %cond3A_767#2, %cond3A_783#0, %cond3A_783#1, %cond3A_783#2 : vector<16xf32>, vector<16xf32>, vector<16xf32>, vector<16xf32>, vector<16xf32>, vector<16xf32>
      }
      %scan3A_724 = arith.constant 64 : i32
      %swap3A = arith.index_cast %scan3A_717 : i32 to index
      %swap3A_725 = arith.constant 0 : index
      %swap3A_726 = tpu.vector_load %arg7[%swap3A, %swap3A_725] {strides = array<i32>} : memref<32x64xf32, #tpu.memory_space<vmem>>, vector<16xf32>,
      tpu.vector_store %arg7[%swap3A, %swap3A_725], %scan3A_723#3 {strides = array<i32>} : memref<32x64xf32, #tpu.memory_space<vmem>>, vector<16xf32>,
      %swap3A_727 = arith.index_cast %scan3A_717 : i32 to index
      %swap3A_728 = arith.constant 16 : index
      %swap3A_729 = tpu.vector_load %arg7[%swap3A_727, %swap3A_728] {strides = array<i32>} : memref<32x64xf32, #tpu.memory_space<vmem>>, vector<16xf32>,
      tpu.vector_store %arg7[%swap3A_727, %swap3A_728], %scan3A_723#4 {strides = array<i32>} : memref<32x64xf32, #tpu.memory_space<vmem>>, vector<16xf32>,
      %swap3A_730 = arith.index_cast %scan3A_717 : i32 to index
      %swap3A_731 = arith.constant 32 : index
      %swap3A_732 = tpu.vector_load %arg7[%swap3A_730, %swap3A_731] {strides = array<i32>} : memref<32x64xf32, #tpu.memory_space<vmem>>, vector<16xf32>,
      tpu.vector_store %arg7[%swap3A_730, %swap3A_731], %scan3A_723#0 {strides = array<i32>} : memref<32x64xf32, #tpu.memory_space<vmem>>, vector<16xf32>,
      %swap3A_733 = arith.index_cast %scan3A_717 : i32 to index
      %swap3A_734 = arith.constant 48 : index
      %swap3A_735 = tpu.vector_load %arg7[%swap3A_733, %swap3A_734] {strides = array<i32>} : memref<32x64xf32, #tpu.memory_space<vmem>>, vector<16xf32>,
      tpu.vector_store %arg7[%swap3A_733, %swap3A_734], %scan3A_723#1 {strides = array<i32>} : memref<32x64xf32, #tpu.memory_space<vmem>>, vector<16xf32>,
      %scan3A_736 = arith.constant 0 : i32
      scf.yield %scan3A_736 : i32
    }
    %scan3A_86 = arith.constant 32 : i32
    %add3A_87 = arith.constant 0 : i32
    %add3A_88 = arith.addi %mul3A_32, %add3A_87 : i32
    "tpu.region"() ({
      %run_scoped3A = tpu.sem_alloc : memref<!tpu.dma_semaphore, #tpu.memory_space<semaphore_mem>>
      %dma_start3A_717 = arith.constant 0 : i32
      %dma_start3A_718 = tpu.memref_slice %arg4[%select_n3A, %add3A_88, %dma_start3A_717] : memref<16x1024x64xf32, #tpu.memory_space<hbm>> -> memref<1x32x64xf32, #tpu.memory_space<hbm>>
      %dma_start3A_719 = tpu.memref_squeeze %dma_start3A_718 : memref<1x32x64xf32, #tpu.memory_space<hbm>> -> memref<32x64xf32, #tpu.memory_space<hbm>>
      %dma_start3A_720 = arith.constant 0 : i32
      %dma_start3A_721 = tpu.memref_slice %arg4[%select_n3A, %add3A_88, %dma_start3A_720] : memref<16x1024x64xf32, #tpu.memory_space<hbm>> -> memref<1x32x64xf32, #tpu.memory_space<hbm>>
      %dma_start3A_722 = tpu.memref_squeeze %dma_start3A_721 : memref<1x32x64xf32, #tpu.memory_space<hbm>> -> memref<32x64xf32, #tpu.memory_space<hbm>>
      tpu.enqueue_dma source(%arg7 : memref<32x64xf32, #tpu.memory_space<vmem>>) target(%dma_start3A_722 : memref<32x64xf32, #tpu.memory_space<hbm>>) target_semaphore(%run_scoped3A : memref<!tpu.dma_semaphore, #tpu.memory_space<semaphore_mem>>)
      %dma_wait3A_723 = arith.constant 0 : i32
      %dma_wait3A_724 = tpu.memref_slice %arg4[%select_n3A, %add3A_88, %dma_wait3A_723] : memref<16x1024x64xf32, #tpu.memory_space<hbm>> -> memref<1x32x64xf32, #tpu.memory_space<hbm>>
      %dma_wait3A_725 = tpu.memref_squeeze %dma_wait3A_724 : memref<1x32x64xf32, #tpu.memory_space<hbm>> -> memref<32x64xf32, #tpu.memory_space<hbm>>
      %dma_wait3A_726 = arith.constant 0 : i32
      %dma_wait3A_727 = tpu.memref_slice %arg4[%select_n3A, %add3A_88, %dma_wait3A_726] : memref<16x1024x64xf32, #tpu.memory_space<hbm>> -> memref<1x32x64xf32, #tpu.memory_space<hbm>>
      %dma_wait3A_728 = tpu.memref_squeeze %dma_wait3A_727 : memref<1x32x64xf32, #tpu.memory_space<hbm>> -> memref<32x64xf32, #tpu.memory_space<hbm>>
      tpu.wait_dma2 semaphore(%run_scoped3A : memref<!tpu.dma_semaphore, #tpu.memory_space<semaphore_mem>>) src(%arg7 : memref<32x64xf32, #tpu.memory_space<vmem>>) dst(%dma_wait3A_728 : memref<32x64xf32, #tpu.memory_space<hbm>>)
      tpu.yield
    }) : () -> ()
    %add3A_89 = arith.constant 32 : i32
    %add3A_90 = arith.addi %mul3A_32, %add3A_89 : i32
    %dma_wait3A_91 = arith.constant 1 : i32
    %dma_wait3A_92 = arith.constant 0 : i32
    %dma_wait3A_93 = arith.constant 0 : i32
    %dma_wait3A_94 = tpu.memref_slice %arg6[%dma_wait3A_91, %dma_wait3A_92, %dma_wait3A_93] : memref<2x32x1024xf32, #tpu.memory_space<vmem>> -> memref<1x32x1024xf32, #tpu.memory_space<vmem>>
    %dma_wait3A_95 = tpu.memref_squeeze %dma_wait3A_94 : memref<1x32x1024xf32, #tpu.memory_space<vmem>> -> memref<32x1024xf32, #tpu.memory_space<vmem>>
    %dma_wait3A_96 = arith.constant 0 : i32
    %dma_wait3A_97 = tpu.memref_slice %arg2[%select_n3A, %add3A_90, %dma_wait3A_96] : memref<16x1024x1024xf32, #tpu.memory_space<hbm>> -> memref<1x32x1024xf32, #tpu.memory_space<hbm>>
    %dma_wait3A_98 = tpu.memref_squeeze %dma_wait3A_97 : memref<1x32x1024xf32, #tpu.memory_space<hbm>> -> memref<32x1024xf32, #tpu.memory_space<hbm>>
    %dma_wait3A_99 = arith.constant 0 : i32
    %dma_wait3A_100 = arith.constant 0 : i32
    %dma_wait3A_101 = tpu.memref_slice %arg6[%dma_wait3A_91, %dma_wait3A_99, %dma_wait3A_100] : memref<2x32x1024xf32, #tpu.memory_space<vmem>> -> memref<1x32x1024xf32, #tpu.memory_space<vmem>>
    %dma_wait3A_102 = tpu.memref_squeeze %dma_wait3A_101 : memref<1x32x1024xf32, #tpu.memory_space<vmem>> -> memref<32x1024xf32, #tpu.memory_space<vmem>>
    %dma_wait3A_103 = arith.constant 0 : i32
    %dma_wait3A_104 = tpu.memref_slice %arg2[%select_n3A, %add3A_90, %dma_wait3A_103] : memref<16x1024x1024xf32, #tpu.memory_space<hbm>> -> memref<1x32x1024xf32, #tpu.memory_space<hbm>>
    %dma_wait3A_105 = tpu.memref_squeeze %dma_wait3A_104 : memref<1x32x1024xf32, #tpu.memory_space<hbm>> -> memref<32x1024xf32, #tpu.memory_space<hbm>>
    tpu.wait_dma2 semaphore(%arg9 : memref<!tpu.dma_semaphore, #tpu.memory_space<semaphore_mem>>) src(%dma_wait3A_105 : memref<32x1024xf32, #tpu.memory_space<hbm>>) dst(%dma_wait3A_102 : memref<32x1024xf32, #tpu.memory_space<vmem>>)
    %add3A_106 = arith.constant 64 : i32
    %add3A_107 = arith.addi %mul3A_32, %add3A_106 : i32
    %dma_start3A_108 = arith.constant 0 : i32
    %dma_start3A_109 = arith.constant 0 : i32
    %dma_start3A_110 = arith.constant 0 : i32
    %dma_start3A_111 = tpu.memref_slice %arg6[%dma_start3A_108, %dma_start3A_109, %dma_start3A_110] : memref<2x32x1024xf32, #tpu.memory_space<vmem>> -> memref<1x32x1024xf32, #tpu.memory_space<vmem>>
    %dma_start3A_112 = tpu.memref_squeeze %dma_start3A_111 : memref<1x32x1024xf32, #tpu.memory_space<vmem>> -> memref<32x1024xf32, #tpu.memory_space<vmem>>
    %dma_start3A_113 = arith.constant 0 : i32
    %dma_start3A_114 = tpu.memref_slice %arg2[%select_n3A, %add3A_107, %dma_start3A_113] : memref<16x1024x1024xf32, #tpu.memory_space<hbm>> -> memref<1x32x1024xf32, #tpu.memory_space<hbm>>
    %dma_start3A_115 = tpu.memref_squeeze %dma_start3A_114 : memref<1x32x1024xf32, #tpu.memory_space<hbm>> -> memref<32x1024xf32, #tpu.memory_space<hbm>>
    %dma_start3A_116 = arith.constant 0 : i32
    %dma_start3A_117 = arith.constant 0 : i32
    %dma_start3A_118 = tpu.memref_slice %arg6[%dma_start3A_108, %dma_start3A_116, %dma_start3A_117] : memref<2x32x1024xf32, #tpu.memory_space<vmem>> -> memref<1x32x1024xf32, #tpu.memory_space<vmem>>
    %dma_start3A_119 = tpu.memref_squeeze %dma_start3A_118 : memref<1x32x1024xf32, #tpu.memory_space<vmem>> -> memref<32x1024xf32, #tpu.memory_space<vmem>>
    %dma_start3A_120 = arith.constant 0 : i32
    %dma_start3A_121 = tpu.memref_slice %arg2[%select_n3A, %add3A_107, %dma_start3A_120] : memref<16x1024x1024xf32, #tpu.memory_space<hbm>> -> memref<1x32x1024xf32, #tpu.memory_space<hbm>>
    %dma_start3A_122 = tpu.memref_squeeze %dma_start3A_121 : memref<1x32x1024xf32, #tpu.memory_space<hbm>> -> memref<32x1024xf32, #tpu.memory_space<hbm>>
    tpu.enqueue_dma source(%dma_start3A_122 : memref<32x1024xf32, #tpu.memory_space<hbm>>) target(%dma_start3A_119 : memref<32x1024xf32, #tpu.memory_space<vmem>>) target_semaphore(%arg8 : memref<!tpu.dma_semaphore, #tpu.memory_space<semaphore_mem>>)
    %scan3A_123 = arith.constant 0 : i32
    %scan3A_124 = arith.constant 0 : i32
    %scan3A_125 = arith.constant 32 : i32
    %scan3A_126 = arith.addi %scan3A_124, %scan3A_125 : i32
    %scan3A_127 = arith.constant 1 : i32
    %scan3A_128 = scf.for %scan3A_717 = %scan3A_124 to %scan3A_126 step %scan3A_127 iter_args(%scan3A_718 = %scan3A_123) -> (i32)  : i32 {
      %scan3A_719 = arith.constant 0 : i32
      %scan3A_720 = arith.constant 64 : i32
      %scan3A_721 = arith.addi %scan3A_719, %scan3A_720 : i32
      %scan3A_722 = arith.constant 1 : i32
      %scan3A_723:6 = scf.for %scan3A_737 = %scan3A_719 to %scan3A_721 step %scan3A_722 iter_args(%scan3A_738 = %broadcast_in_dim3A_47, %scan3A_739 = %broadcast_in_dim3A_47, %scan3A_740 = %broadcast_in_dim3A_47, %scan3A_741 = %broadcast_in_dim3A_47, %scan3A_742 = %broadcast_in_dim3A_47, %scan3A_743 = %broadcast_in_dim3A_47) -> (vector<16xf32>, vector<16xf32>, vector<16xf32>, vector<16xf32>, vector<16xf32>, vector<16xf32>)  : i32 {
        %mul3A_744 = arith.constant 16 : i32
        %mul3A_745 = arith.muli %scan3A_737, %mul3A_744 : i32
        %get3A = arith.constant 1 : i32
        %get3A_746 = arith.index_cast %get3A : i32 to index
        %get3A_747 = arith.index_cast %scan3A_717 : i32 to index
        %get3A_748 = arith.index_cast %mul3A_745 : i32 to index
        %get3A_749 = tpu.vector_load %arg6[%get3A_746, %get3A_747, %get3A_748] {strides = array<i32>} : memref<2x32x1024xf32, #tpu.memory_space<vmem>>, vector<16xf32>,
        %mul3A_750 = arith.constant 16 : i32
        %mul3A_751 = arith.muli %scan3A_737, %mul3A_750 : i32
        %get3A_752 = arith.index_cast %mul3A_751 : i32 to index
        %get3A_753 = tpu.vector_load %arg5[%get3A_752] {strides = array<i32>} : memref<1024xf32, #tpu.memory_space<vmem>>, vector<16xf32>,
        %mul3A_754 = arith.mulf %get3A_749, %get3A_753 : vector<16xf32>
        %sub3A_755 = arith.subf %get3A_749, %mul3A_754 : vector<16xf32>
        %gt3A = arith.cmpf ogt, %mul3A_754, %scan3A_740 : vector<16xf32>
        %reduce_or3A = arith.constant 1.000000e+00 : f32
        %reduce_or3A_756 = arith.constant 0.000000e+00 : f32
        %reduce_or3A_757 = vector.broadcast %reduce_or3A : f32 to vector<16xf32>
        %reduce_or3A_758 = vector.broadcast %reduce_or3A_756 : f32 to vector<16xf32>
        %reduce_or3A_759 = arith.select %gt3A, %reduce_or3A_757, %reduce_or3A_758 : vector<16xi1>, vector<16xf32>
        %reduce_or3A_760 = arith.constant true
        %reduce_or3A_761 = vector.broadcast %reduce_or3A_760 : i1 to vector<16xi1>
        %reduce_or3A_762 = tpu.scan <max>, %reduce_or3A_759 masked %reduce_or3A_761 : vector<16xf32>, vector<16xi1> -> vector<16xf32>
        %reduce_or3A_763 = vector.extract %reduce_or3A_762[15] : f32 from vector<16xf32>
        %reduce_or3A_764 = arith.constant 0.000000e+00 : f32
        %reduce_or3A_765 = arith.cmpf ogt, %reduce_or3A_763, %reduce_or3A_764 : f32
        %convert_element_type3A = arith.extui %reduce_or3A_765 : i1 to i32
        %cond3A = arith.constant 0 : i32
        %cond3A_766 = arith.cmpi ne, %convert_element_type3A, %cond3A : i32
        %cond3A_767:3 = scf.if %cond3A_766 -> (vector<16xf32>, vector<16xf32>, vector<16xf32>) {
          %masked_sort3A = arith.constant dense<true> : vector<16xi1>
          %masked_sort3A_784, %masked_sort3A_785, %masked_sort3A_786 = tpu.sort %mul3A_754, %mul3A_754 masked %masked_sort3A {descending = true} : (vector<16xf32>, vector<16xf32>, vector<16xi1>) -> (vector<16xi1>, vector<16xf32>, vector<16xf32>)
          %rev3A = arith.constant 15 : i32
          %rev3A_787 = vector.broadcast %rev3A : i32 to vector<16xi32>
          %rev3A_788 = tpu.iota {dimensions = array<i32: 0>} : vector<16xi32>
          %rev3A_789 = arith.subi %rev3A_787, %rev3A_788 : vector<16xi32>
          %rev3A_790 = tpu.dynamic_gather %masked_sort3A_785[%rev3A_789] in [0] : vector<16xf32>, vector<16xi32> -> vector<16xf32>
          %max3A = arith.maximumf %scan3A_739, %rev3A_790 : vector<16xf32>
          %max3A_791 = arith.maximumf %scan3A_738, %max3A : vector<16xf32>
          %min3A = arith.minimumf %scan3A_738, %max3A : vector<16xf32>
          %masked_sort3A_792 = arith.constant dense<true> : vector<16xi1>
          %masked_sort3A_793, %masked_sort3A_794, %masked_sort3A_795 = tpu.sort %max3A_791, %max3A_791 masked %masked_sort3A_792 {descending = true} : (vector<16xf32>, vector<16xf32>, vector<16xi1>) -> (vector<16xi1>, vector<16xf32>, vector<16xf32>)
          %masked_sort3A_796 = arith.constant dense<true> : vector<16xi1>
          %masked_sort3A_797, %masked_sort3A_798, %masked_sort3A_799 = tpu.sort %min3A, %min3A masked %masked_sort3A_796 {descending = true} : (vector<16xf32>, vector<16xf32>, vector<16xi1>) -> (vector<16xi1>, vector<16xf32>, vector<16xf32>)
          %broadcast_in_dim3A_800 = arith.constant 15 : i32
          %broadcast_in_dim3A_801 = vector.broadcast %broadcast_in_dim3A_800 : i32 to vector<16x1xi32>
          %gather3A = vector.shape_cast %broadcast_in_dim3A_801 : vector<16x1xi32> to vector<16xi32>
          %gather3A_802 = tpu.dynamic_gather %masked_sort3A_798[%gather3A] in [0] : vector<16xf32>, vector<16xi32> -> vector<16xf32>
          scf.yield %masked_sort3A_794, %masked_sort3A_798, %gather3A_802 : vector<16xf32>, vector<16xf32>, vector<16xf32>
        } else {
          scf.yield %scan3A_738, %scan3A_739, %scan3A_740 : vector<16xf32>, vector<16xf32>, vector<16xf32>
        }
        %gt3A_768 = arith.cmpf ogt, %sub3A_755, %scan3A_743 : vector<16xf32>
        %reduce_or3A_769 = arith.constant 1.000000e+00 : f32
        %reduce_or3A_770 = arith.constant 0.000000e+00 : f32
        %reduce_or3A_771 = vector.broadcast %reduce_or3A_769 : f32 to vector<16xf32>
        %reduce_or3A_772 = vector.broadcast %reduce_or3A_770 : f32 to vector<16xf32>
        %reduce_or3A_773 = arith.select %gt3A_768, %reduce_or3A_771, %reduce_or3A_772 : vector<16xi1>, vector<16xf32>
        %reduce_or3A_774 = arith.constant true
        %reduce_or3A_775 = vector.broadcast %reduce_or3A_774 : i1 to vector<16xi1>
        %reduce_or3A_776 = tpu.scan <max>, %reduce_or3A_773 masked %reduce_or3A_775 : vector<16xf32>, vector<16xi1> -> vector<16xf32>
        %reduce_or3A_777 = vector.extract %reduce_or3A_776[15] : f32 from vector<16xf32>
        %reduce_or3A_778 = arith.constant 0.000000e+00 : f32
        %reduce_or3A_779 = arith.cmpf ogt, %reduce_or3A_777, %reduce_or3A_778 : f32
        %convert_element_type3A_780 = arith.extui %reduce_or3A_779 : i1 to i32
        %cond3A_781 = arith.constant 0 : i32
        %cond3A_782 = arith.cmpi ne, %convert_element_type3A_780, %cond3A_781 : i32
        %cond3A_783:3 = scf.if %cond3A_782 -> (vector<16xf32>, vector<16xf32>, vector<16xf32>) {
          %masked_sort3A = arith.constant dense<true> : vector<16xi1>
          %masked_sort3A_784, %masked_sort3A_785, %masked_sort3A_786 = tpu.sort %sub3A_755, %sub3A_755 masked %masked_sort3A {descending = true} : (vector<16xf32>, vector<16xf32>, vector<16xi1>) -> (vector<16xi1>, vector<16xf32>, vector<16xf32>)
          %rev3A = arith.constant 15 : i32
          %rev3A_787 = vector.broadcast %rev3A : i32 to vector<16xi32>
          %rev3A_788 = tpu.iota {dimensions = array<i32: 0>} : vector<16xi32>
          %rev3A_789 = arith.subi %rev3A_787, %rev3A_788 : vector<16xi32>
          %rev3A_790 = tpu.dynamic_gather %masked_sort3A_785[%rev3A_789] in [0] : vector<16xf32>, vector<16xi32> -> vector<16xf32>
          %max3A = arith.maximumf %scan3A_742, %rev3A_790 : vector<16xf32>
          %max3A_791 = arith.maximumf %scan3A_741, %max3A : vector<16xf32>
          %min3A = arith.minimumf %scan3A_741, %max3A : vector<16xf32>
          %masked_sort3A_792 = arith.constant dense<true> : vector<16xi1>
          %masked_sort3A_793, %masked_sort3A_794, %masked_sort3A_795 = tpu.sort %max3A_791, %max3A_791 masked %masked_sort3A_792 {descending = true} : (vector<16xf32>, vector<16xf32>, vector<16xi1>) -> (vector<16xi1>, vector<16xf32>, vector<16xf32>)
          %masked_sort3A_796 = arith.constant dense<true> : vector<16xi1>
          %masked_sort3A_797, %masked_sort3A_798, %masked_sort3A_799 = tpu.sort %min3A, %min3A masked %masked_sort3A_796 {descending = true} : (vector<16xf32>, vector<16xf32>, vector<16xi1>) -> (vector<16xi1>, vector<16xf32>, vector<16xf32>)
          %broadcast_in_dim3A_800 = arith.constant 15 : i32
          %broadcast_in_dim3A_801 = vector.broadcast %broadcast_in_dim3A_800 : i32 to vector<16x1xi32>
          %gather3A = vector.shape_cast %broadcast_in_dim3A_801 : vector<16x1xi32> to vector<16xi32>
          %gather3A_802 = tpu.dynamic_gather %masked_sort3A_798[%gather3A] in [0] : vector<16xf32>, vector<16xi32> -> vector<16xf32>
          scf.yield %masked_sort3A_794, %masked_sort3A_798, %gather3A_802 : vector<16xf32>, vector<16xf32>, vector<16xf32>
        } else {
          scf.yield %scan3A_741, %scan3A_742, %scan3A_743 : vector<16xf32>, vector<16xf32>, vector<16xf32>
        }
        scf.yield %cond3A_767#0, %cond3A_767#1, %cond3A_767#2, %cond3A_783#0, %cond3A_783#1, %cond3A_783#2 : vector<16xf32>, vector<16xf32>, vector<16xf32>, vector<16xf32>, vector<16xf32>, vector<16xf32>
      }
      %scan3A_724 = arith.constant 64 : i32
      %swap3A = arith.index_cast %scan3A_717 : i32 to index
      %swap3A_725 = arith.constant 0 : index
      %swap3A_726 = tpu.vector_load %arg7[%swap3A, %swap3A_725] {strides = array<i32>} : memref<32x64xf32, #tpu.memory_space<vmem>>, vector<16xf32>,
      tpu.vector_store %arg7[%swap3A, %swap3A_725], %scan3A_723#3 {strides = array<i32>} : memref<32x64xf32, #tpu.memory_space<vmem>>, vector<16xf32>,
      %swap3A_727 = arith.index_cast %scan3A_717 : i32 to index
      %swap3A_728 = arith.constant 16 : index
      %swap3A_729 = tpu.vector_load %arg7[%swap3A_727, %swap3A_728] {strides = array<i32>} : memref<32x64xf32, #tpu.memory_space<vmem>>, vector<16xf32>,
      tpu.vector_store %arg7[%swap3A_727, %swap3A_728], %scan3A_723#4 {strides = array<i32>} : memref<32x64xf32, #tpu.memory_space<vmem>>, vector<16xf32>,
      %swap3A_730 = arith.index_cast %scan3A_717 : i32 to index
      %swap3A_731 = arith.constant 32 : index
      %swap3A_732 = tpu.vector_load %arg7[%swap3A_730, %swap3A_731] {strides = array<i32>} : memref<32x64xf32, #tpu.memory_space<vmem>>, vector<16xf32>,
      tpu.vector_store %arg7[%swap3A_730, %swap3A_731], %scan3A_723#0 {strides = array<i32>} : memref<32x64xf32, #tpu.memory_space<vmem>>, vector<16xf32>,
      %swap3A_733 = arith.index_cast %scan3A_717 : i32 to index
      %swap3A_734 = arith.constant 48 : index
      %swap3A_735 = tpu.vector_load %arg7[%swap3A_733, %swap3A_734] {strides = array<i32>} : memref<32x64xf32, #tpu.memory_space<vmem>>, vector<16xf32>,
      tpu.vector_store %arg7[%swap3A_733, %swap3A_734], %scan3A_723#1 {strides = array<i32>} : memref<32x64xf32, #tpu.memory_space<vmem>>, vector<16xf32>,
      %scan3A_736 = arith.constant 0 : i32
      scf.yield %scan3A_736 : i32
    }
    %scan3A_129 = arith.constant 32 : i32
    %add3A_130 = arith.constant 32 : i32
    %add3A_131 = arith.addi %mul3A_32, %add3A_130 : i32
    "tpu.region"() ({
      %run_scoped3A = tpu.sem_alloc : memref<!tpu.dma_semaphore, #tpu.memory_space<semaphore_mem>>
      %dma_start3A_717 = arith.constant 0 : i32
      %dma_start3A_718 = tpu.memref_slice %arg4[%select_n3A, %add3A_131, %dma_start3A_717] : memref<16x1024x64xf32, #tpu.memory_space<hbm>> -> memref<1x32x64xf32, #tpu.memory_space<hbm>>
      %dma_start3A_719 = tpu.memref_squeeze %dma_start3A_718 : memref<1x32x64xf32, #tpu.memory_space<hbm>> -> memref<32x64xf32, #tpu.memory_space<hbm>>
      %dma_start3A_720 = arith.constant 0 : i32
      %dma_start3A_721 = tpu.memref_slice %arg4[%select_n3A, %add3A_131, %dma_start3A_720] : memref<16x1024x64xf32, #tpu.memory_space<hbm>> -> memref<1x32x64xf32, #tpu.memory_space<hbm>>
      %dma_start3A_722 = tpu.memref_squeeze %dma_start3A_721 : memref<1x32x64xf32, #tpu.memory_space<hbm>> -> memref<32x64xf32, #tpu.memory_space<hbm>>
      tpu.enqueue_dma source(%arg7 : memref<32x64xf32, #tpu.memory_space<vmem>>) target(%dma_start3A_722 : memref<32x64xf32, #tpu.memory_space<hbm>>) target_semaphore(%run_scoped3A : memref<!tpu.dma_semaphore, #tpu.memory_space<semaphore_mem>>)
      %dma_wait3A_723 = arith.constant 0 : i32
      %dma_wait3A_724 = tpu.memref_slice %arg4[%select_n3A, %add3A_131, %dma_wait3A_723] : memref<16x1024x64xf32, #tpu.memory_space<hbm>> -> memref<1x32x64xf32, #tpu.memory_space<hbm>>
      %dma_wait3A_725 = tpu.memref_squeeze %dma_wait3A_724 : memref<1x32x64xf32, #tpu.memory_space<hbm>> -> memref<32x64xf32, #tpu.memory_space<hbm>>
      %dma_wait3A_726 = arith.constant 0 : i32
      %dma_wait3A_727 = tpu.memref_slice %arg4[%select_n3A, %add3A_131, %dma_wait3A_726] : memref<16x1024x64xf32, #tpu.memory_space<hbm>> -> memref<1x32x64xf32, #tpu.memory_space<hbm>>
      %dma_wait3A_728 = tpu.memref_squeeze %dma_wait3A_727 : memref<1x32x64xf32, #tpu.memory_space<hbm>> -> memref<32x64xf32, #tpu.memory_space<hbm>>
      tpu.wait_dma2 semaphore(%run_scoped3A : memref<!tpu.dma_semaphore, #tpu.memory_space<semaphore_mem>>) src(%arg7 : memref<32x64xf32, #tpu.memory_space<vmem>>) dst(%dma_wait3A_728 : memref<32x64xf32, #tpu.memory_space<hbm>>)
      tpu.yield
    }) : () -> ()
    %add3A_132 = arith.constant 64 : i32
    %add3A_133 = arith.addi %mul3A_32, %add3A_132 : i32
    %dma_wait3A_134 = arith.constant 0 : i32
    %dma_wait3A_135 = arith.constant 0 : i32
    %dma_wait3A_136 = arith.constant 0 : i32
    %dma_wait3A_137 = tpu.memref_slice %arg6[%dma_wait3A_134, %dma_wait3A_135, %dma_wait3A_136] : memref<2x32x1024xf32, #tpu.memory_space<vmem>> -> memref<1x32x1024xf32, #tpu.memory_space<vmem>>
    %dma_wait3A_138 = tpu.memref_squeeze %dma_wait3A_137 : memref<1x32x1024xf32, #tpu.memory_space<vmem>> -> memref<32x1024xf32, #tpu.memory_space<vmem>>
    %dma_wait3A_139 = arith.constant 0 : i32
    %dma_wait3A_140 = tpu.memref_slice %arg2[%select_n3A, %add3A_133, %dma_wait3A_139] : memref<16x1024x1024xf32, #tpu.memory_space<hbm>> -> memref<1x32x1024xf32, #tpu.memory_space<hbm>>
    %dma_wait3A_141 = tpu.memref_squeeze %dma_wait3A_140 : memref<1x32x1024xf32, #tpu.memory_space<hbm>> -> memref<32x1024xf32, #tpu.memory_space<hbm>>
    %dma_wait3A_142 = arith.constant 0 : i32
    %dma_wait3A_143 = arith.constant 0 : i32
    %dma_wait3A_144 = tpu.memref_slice %arg6[%dma_wait3A_134, %dma_wait3A_142, %dma_wait3A_143] : memref<2x32x1024xf32, #tpu.memory_space<vmem>> -> memref<1x32x1024xf32, #tpu.memory_space<vmem>>
    %dma_wait3A_145 = tpu.memref_squeeze %dma_wait3A_144 : memref<1x32x1024xf32, #tpu.memory_space<vmem>> -> memref<32x1024xf32, #tpu.memory_space<vmem>>
    %dma_wait3A_146 = arith.constant 0 : i32
    %dma_wait3A_147 = tpu.memref_slice %arg2[%select_n3A, %add3A_133, %dma_wait3A_146] : memref<16x1024x1024xf32, #tpu.memory_space<hbm>> -> memref<1x32x1024xf32, #tpu.memory_space<hbm>>
    %dma_wait3A_148 = tpu.memref_squeeze %dma_wait3A_147 : memref<1x32x1024xf32, #tpu.memory_space<hbm>> -> memref<32x1024xf32, #tpu.memory_space<hbm>>
    tpu.wait_dma2 semaphore(%arg8 : memref<!tpu.dma_semaphore, #tpu.memory_space<semaphore_mem>>) src(%dma_wait3A_148 : memref<32x1024xf32, #tpu.memory_space<hbm>>) dst(%dma_wait3A_145 : memref<32x1024xf32, #tpu.memory_space<vmem>>)
    %add3A_149 = arith.constant 96 : i32
    %add3A_150 = arith.addi %mul3A_32, %add3A_149 : i32
    %dma_start3A_151 = arith.constant 1 : i32
    %dma_start3A_152 = arith.constant 0 : i32
    %dma_start3A_153 = arith.constant 0 : i32
    %dma_start3A_154 = tpu.memref_slice %arg6[%dma_start3A_151, %dma_start3A_152, %dma_start3A_153] : memref<2x32x1024xf32, #tpu.memory_space<vmem>> -> memref<1x32x1024xf32, #tpu.memory_space<vmem>>
    %dma_start3A_155 = tpu.memref_squeeze %dma_start3A_154 : memref<1x32x1024xf32, #tpu.memory_space<vmem>> -> memref<32x1024xf32, #tpu.memory_space<vmem>>
    %dma_start3A_156 = arith.constant 0 : i32
    %dma_start3A_157 = tpu.memref_slice %arg2[%select_n3A, %add3A_150, %dma_start3A_156] : memref<16x1024x1024xf32, #tpu.memory_space<hbm>> -> memref<1x32x1024xf32, #tpu.memory_space<hbm>>
    %dma_start3A_158 = tpu.memref_squeeze %dma_start3A_157 : memref<1x32x1024xf32, #tpu.memory_space<hbm>> -> memref<32x1024xf32, #tpu.memory_space<hbm>>
    %dma_start3A_159 = arith.constant 0 : i32
    %dma_start3A_160 = arith.constant 0 : i32
    %dma_start3A_161 = tpu.memref_slice %arg6[%dma_start3A_151, %dma_start3A_159, %dma_start3A_160] : memref<2x32x1024xf32, #tpu.memory_space<vmem>> -> memref<1x32x1024xf32, #tpu.memory_space<vmem>>
    %dma_start3A_162 = tpu.memref_squeeze %dma_start3A_161 : memref<1x32x1024xf32, #tpu.memory_space<vmem>> -> memref<32x1024xf32, #tpu.memory_space<vmem>>
    %dma_start3A_163 = arith.constant 0 : i32
    %dma_start3A_164 = tpu.memref_slice %arg2[%select_n3A, %add3A_150, %dma_start3A_163] : memref<16x1024x1024xf32, #tpu.memory_space<hbm>> -> memref<1x32x1024xf32, #tpu.memory_space<hbm>>
    %dma_start3A_165 = tpu.memref_squeeze %dma_start3A_164 : memref<1x32x1024xf32, #tpu.memory_space<hbm>> -> memref<32x1024xf32, #tpu.memory_space<hbm>>
    tpu.enqueue_dma source(%dma_start3A_165 : memref<32x1024xf32, #tpu.memory_space<hbm>>) target(%dma_start3A_162 : memref<32x1024xf32, #tpu.memory_space<vmem>>) target_semaphore(%arg9 : memref<!tpu.dma_semaphore, #tpu.memory_space<semaphore_mem>>)
    %scan3A_166 = arith.constant 0 : i32
    %scan3A_167 = arith.constant 0 : i32
    %scan3A_168 = arith.constant 32 : i32
    %scan3A_169 = arith.addi %scan3A_167, %scan3A_168 : i32
    %scan3A_170 = arith.constant 1 : i32
    %scan3A_171 = scf.for %scan3A_717 = %scan3A_167 to %scan3A_169 step %scan3A_170 iter_args(%scan3A_718 = %scan3A_166) -> (i32)  : i32 {
      %scan3A_719 = arith.constant 0 : i32
      %scan3A_720 = arith.constant 64 : i32
      %scan3A_721 = arith.addi %scan3A_719, %scan3A_720 : i32
      %scan3A_722 = arith.constant 1 : i32
      %scan3A_723:6 = scf.for %scan3A_737 = %scan3A_719 to %scan3A_721 step %scan3A_722 iter_args(%scan3A_738 = %broadcast_in_dim3A_47, %scan3A_739 = %broadcast_in_dim3A_47, %scan3A_740 = %broadcast_in_dim3A_47, %scan3A_741 = %broadcast_in_dim3A_47, %scan3A_742 = %broadcast_in_dim3A_47, %scan3A_743 = %broadcast_in_dim3A_47) -> (vector<16xf32>, vector<16xf32>, vector<16xf32>, vector<16xf32>, vector<16xf32>, vector<16xf32>)  : i32 {
        %mul3A_744 = arith.constant 16 : i32
        %mul3A_745 = arith.muli %scan3A_737, %mul3A_744 : i32
        %get3A = arith.constant 0 : i32
        %get3A_746 = arith.index_cast %get3A : i32 to index
        %get3A_747 = arith.index_cast %scan3A_717 : i32 to index
        %get3A_748 = arith.index_cast %mul3A_745 : i32 to index
        %get3A_749 = tpu.vector_load %arg6[%get3A_746, %get3A_747, %get3A_748] {strides = array<i32>} : memref<2x32x1024xf32, #tpu.memory_space<vmem>>, vector<16xf32>,
        %mul3A_750 = arith.constant 16 : i32
        %mul3A_751 = arith.muli %scan3A_737, %mul3A_750 : i32
        %get3A_752 = arith.index_cast %mul3A_751 : i32 to index
        %get3A_753 = tpu.vector_load %arg5[%get3A_752] {strides = array<i32>} : memref<1024xf32, #tpu.memory_space<vmem>>, vector<16xf32>,
        %mul3A_754 = arith.mulf %get3A_749, %get3A_753 : vector<16xf32>
        %sub3A_755 = arith.subf %get3A_749, %mul3A_754 : vector<16xf32>
        %gt3A = arith.cmpf ogt, %mul3A_754, %scan3A_740 : vector<16xf32>
        %reduce_or3A = arith.constant 1.000000e+00 : f32
        %reduce_or3A_756 = arith.constant 0.000000e+00 : f32
        %reduce_or3A_757 = vector.broadcast %reduce_or3A : f32 to vector<16xf32>
        %reduce_or3A_758 = vector.broadcast %reduce_or3A_756 : f32 to vector<16xf32>
        %reduce_or3A_759 = arith.select %gt3A, %reduce_or3A_757, %reduce_or3A_758 : vector<16xi1>, vector<16xf32>
        %reduce_or3A_760 = arith.constant true
        %reduce_or3A_761 = vector.broadcast %reduce_or3A_760 : i1 to vector<16xi1>
        %reduce_or3A_762 = tpu.scan <max>, %reduce_or3A_759 masked %reduce_or3A_761 : vector<16xf32>, vector<16xi1> -> vector<16xf32>
        %reduce_or3A_763 = vector.extract %reduce_or3A_762[15] : f32 from vector<16xf32>
        %reduce_or3A_764 = arith.constant 0.000000e+00 : f32
        %reduce_or3A_765 = arith.cmpf ogt, %reduce_or3A_763, %reduce_or3A_764 : f32
        %convert_element_type3A = arith.extui %reduce_or3A_765 : i1 to i32
        %cond3A = arith.constant 0 : i32
        %cond3A_766 = arith.cmpi ne, %convert_element_type3A, %cond3A : i32
        %cond3A_767:3 = scf.if %cond3A_766 -> (vector<16xf32>, vector<16xf32>, vector<16xf32>) {
          %masked_sort3A = arith.constant dense<true> : vector<16xi1>
          %masked_sort3A_784, %masked_sort3A_785, %masked_sort3A_786 = tpu.sort %mul3A_754, %mul3A_754 masked %masked_sort3A {descending = true} : (vector<16xf32>, vector<16xf32>, vector<16xi1>) -> (vector<16xi1>, vector<16xf32>, vector<16xf32>)
          %rev3A = arith.constant 15 : i32
          %rev3A_787 = vector.broadcast %rev3A : i32 to vector<16xi32>
          %rev3A_788 = tpu.iota {dimensions = array<i32: 0>} : vector<16xi32>
          %rev3A_789 = arith.subi %rev3A_787, %rev3A_788 : vector<16xi32>
          %rev3A_790 = tpu.dynamic_gather %masked_sort3A_785[%rev3A_789] in [0] : vector<16xf32>, vector<16xi32> -> vector<16xf32>
          %max3A = arith.maximumf %scan3A_739, %rev3A_790 : vector<16xf32>
          %max3A_791 = arith.maximumf %scan3A_738, %max3A : vector<16xf32>
          %min3A = arith.minimumf %scan3A_738, %max3A : vector<16xf32>
          %masked_sort3A_792 = arith.constant dense<true> : vector<16xi1>
          %masked_sort3A_793, %masked_sort3A_794, %masked_sort3A_795 = tpu.sort %max3A_791, %max3A_791 masked %masked_sort3A_792 {descending = true} : (vector<16xf32>, vector<16xf32>, vector<16xi1>) -> (vector<16xi1>, vector<16xf32>, vector<16xf32>)
          %masked_sort3A_796 = arith.constant dense<true> : vector<16xi1>
          %masked_sort3A_797, %masked_sort3A_798, %masked_sort3A_799 = tpu.sort %min3A, %min3A masked %masked_sort3A_796 {descending = true} : (vector<16xf32>, vector<16xf32>, vector<16xi1>) -> (vector<16xi1>, vector<16xf32>, vector<16xf32>)
          %broadcast_in_dim3A_800 = arith.constant 15 : i32
          %broadcast_in_dim3A_801 = vector.broadcast %broadcast_in_dim3A_800 : i32 to vector<16x1xi32>
          %gather3A = vector.shape_cast %broadcast_in_dim3A_801 : vector<16x1xi32> to vector<16xi32>
          %gather3A_802 = tpu.dynamic_gather %masked_sort3A_798[%gather3A] in [0] : vector<16xf32>, vector<16xi32> -> vector<16xf32>
          scf.yield %masked_sort3A_794, %masked_sort3A_798, %gather3A_802 : vector<16xf32>, vector<16xf32>, vector<16xf32>
        } else {
          scf.yield %scan3A_738, %scan3A_739, %scan3A_740 : vector<16xf32>, vector<16xf32>, vector<16xf32>
        }
        %gt3A_768 = arith.cmpf ogt, %sub3A_755, %scan3A_743 : vector<16xf32>
        %reduce_or3A_769 = arith.constant 1.000000e+00 : f32
        %reduce_or3A_770 = arith.constant 0.000000e+00 : f32
        %reduce_or3A_771 = vector.broadcast %reduce_or3A_769 : f32 to vector<16xf32>
        %reduce_or3A_772 = vector.broadcast %reduce_or3A_770 : f32 to vector<16xf32>
        %reduce_or3A_773 = arith.select %gt3A_768, %reduce_or3A_771, %reduce_or3A_772 : vector<16xi1>, vector<16xf32>
        %reduce_or3A_774 = arith.constant true
        %reduce_or3A_775 = vector.broadcast %reduce_or3A_774 : i1 to vector<16xi1>
        %reduce_or3A_776 = tpu.scan <max>, %reduce_or3A_773 masked %reduce_or3A_775 : vector<16xf32>, vector<16xi1> -> vector<16xf32>
        %reduce_or3A_777 = vector.extract %reduce_or3A_776[15] : f32 from vector<16xf32>
        %reduce_or3A_778 = arith.constant 0.000000e+00 : f32
        %reduce_or3A_779 = arith.cmpf ogt, %reduce_or3A_777, %reduce_or3A_778 : f32
        %convert_element_type3A_780 = arith.extui %reduce_or3A_779 : i1 to i32
        %cond3A_781 = arith.constant 0 : i32
        %cond3A_782 = arith.cmpi ne, %convert_element_type3A_780, %cond3A_781 : i32
        %cond3A_783:3 = scf.if %cond3A_782 -> (vector<16xf32>, vector<16xf32>, vector<16xf32>) {
          %masked_sort3A = arith.constant dense<true> : vector<16xi1>
          %masked_sort3A_784, %masked_sort3A_785, %masked_sort3A_786 = tpu.sort %sub3A_755, %sub3A_755 masked %masked_sort3A {descending = true} : (vector<16xf32>, vector<16xf32>, vector<16xi1>) -> (vector<16xi1>, vector<16xf32>, vector<16xf32>)
          %rev3A = arith.constant 15 : i32
          %rev3A_787 = vector.broadcast %rev3A : i32 to vector<16xi32>
          %rev3A_788 = tpu.iota {dimensions = array<i32: 0>} : vector<16xi32>
          %rev3A_789 = arith.subi %rev3A_787, %rev3A_788 : vector<16xi32>
          %rev3A_790 = tpu.dynamic_gather %masked_sort3A_785[%rev3A_789] in [0] : vector<16xf32>, vector<16xi32> -> vector<16xf32>
          %max3A = arith.maximumf %scan3A_742, %rev3A_790 : vector<16xf32>
          %max3A_791 = arith.maximumf %scan3A_741, %max3A : vector<16xf32>
          %min3A = arith.minimumf %scan3A_741, %max3A : vector<16xf32>
          %masked_sort3A_792 = arith.constant dense<true> : vector<16xi1>
          %masked_sort3A_793, %masked_sort3A_794, %masked_sort3A_795 = tpu.sort %max3A_791, %max3A_791 masked %masked_sort3A_792 {descending = true} : (vector<16xf32>, vector<16xf32>, vector<16xi1>) -> (vector<16xi1>, vector<16xf32>, vector<16xf32>)
          %masked_sort3A_796 = arith.constant dense<true> : vector<16xi1>
          %masked_sort3A_797, %masked_sort3A_798, %masked_sort3A_799 = tpu.sort %min3A, %min3A masked %masked_sort3A_796 {descending = true} : (vector<16xf32>, vector<16xf32>, vector<16xi1>) -> (vector<16xi1>, vector<16xf32>, vector<16xf32>)
          %broadcast_in_dim3A_800 = arith.constant 15 : i32
          %broadcast_in_dim3A_801 = vector.broadcast %broadcast_in_dim3A_800 : i32 to vector<16x1xi32>
          %gather3A = vector.shape_cast %broadcast_in_dim3A_801 : vector<16x1xi32> to vector<16xi32>
          %gather3A_802 = tpu.dynamic_gather %masked_sort3A_798[%gather3A] in [0] : vector<16xf32>, vector<16xi32> -> vector<16xf32>
          scf.yield %masked_sort3A_794, %masked_sort3A_798, %gather3A_802 : vector<16xf32>, vector<16xf32>, vector<16xf32>
        } else {
          scf.yield %scan3A_741, %scan3A_742, %scan3A_743 : vector<16xf32>, vector<16xf32>, vector<16xf32>
        }
        scf.yield %cond3A_767#0, %cond3A_767#1, %cond3A_767#2, %cond3A_783#0, %cond3A_783#1, %cond3A_783#2 : vector<16xf32>, vector<16xf32>, vector<16xf32>, vector<16xf32>, vector<16xf32>, vector<16xf32>
      }
      %scan3A_724 = arith.constant 64 : i32
      %swap3A = arith.index_cast %scan3A_717 : i32 to index
      %swap3A_725 = arith.constant 0 : index
      %swap3A_726 = tpu.vector_load %arg7[%swap3A, %swap3A_725] {strides = array<i32>} : memref<32x64xf32, #tpu.memory_space<vmem>>, vector<16xf32>,
      tpu.vector_store %arg7[%swap3A, %swap3A_725], %scan3A_723#3 {strides = array<i32>} : memref<32x64xf32, #tpu.memory_space<vmem>>, vector<16xf32>,
      %swap3A_727 = arith.index_cast %scan3A_717 : i32 to index
      %swap3A_728 = arith.constant 16 : index
      %swap3A_729 = tpu.vector_load %arg7[%swap3A_727, %swap3A_728] {strides = array<i32>} : memref<32x64xf32, #tpu.memory_space<vmem>>, vector<16xf32>,
      tpu.vector_store %arg7[%swap3A_727, %swap3A_728], %scan3A_723#4 {strides = array<i32>} : memref<32x64xf32, #tpu.memory_space<vmem>>, vector<16xf32>,
      %swap3A_730 = arith.index_cast %scan3A_717 : i32 to index
      %swap3A_731 = arith.constant 32 : index
      %swap3A_732 = tpu.vector_load %arg7[%swap3A_730, %swap3A_731] {strides = array<i32>} : memref<32x64xf32, #tpu.memory_space<vmem>>, vector<16xf32>,
      tpu.vector_store %arg7[%swap3A_730, %swap3A_731], %scan3A_723#0 {strides = array<i32>} : memref<32x64xf32, #tpu.memory_space<vmem>>, vector<16xf32>,
      %swap3A_733 = arith.index_cast %scan3A_717 : i32 to index
      %swap3A_734 = arith.constant 48 : index
      %swap3A_735 = tpu.vector_load %arg7[%swap3A_733, %swap3A_734] {strides = array<i32>} : memref<32x64xf32, #tpu.memory_space<vmem>>, vector<16xf32>,
      tpu.vector_store %arg7[%swap3A_733, %swap3A_734], %scan3A_723#1 {strides = array<i32>} : memref<32x64xf32, #tpu.memory_space<vmem>>, vector<16xf32>,
      %scan3A_736 = arith.constant 0 : i32
      scf.yield %scan3A_736 : i32
    }
    %scan3A_172 = arith.constant 32 : i32
    %add3A_173 = arith.constant 64 : i32
    %add3A_174 = arith.addi %mul3A_32, %add3A_173 : i32
    "tpu.region"() ({
      %run_scoped3A = tpu.sem_alloc : memref<!tpu.dma_semaphore, #tpu.memory_space<semaphore_mem>>
      %dma_start3A_717 = arith.constant 0 : i32
      %dma_start3A_718 = tpu.memref_slice %arg4[%select_n3A, %add3A_174, %dma_start3A_717] : memref<16x1024x64xf32, #tpu.memory_space<hbm>> -> memref<1x32x64xf32, #tpu.memory_space<hbm>>
      %dma_start3A_719 = tpu.memref_squeeze %dma_start3A_718 : memref<1x32x64xf32, #tpu.memory_space<hbm>> -> memref<32x64xf32, #tpu.memory_space<hbm>>
      %dma_start3A_720 = arith.constant 0 : i32
      %dma_start3A_721 = tpu.memref_slice %arg4[%select_n3A, %add3A_174, %dma_start3A_720] : memref<16x1024x64xf32, #tpu.memory_space<hbm>> -> memref<1x32x64xf32, #tpu.memory_space<hbm>>
      %dma_start3A_722 = tpu.memref_squeeze %dma_start3A_721 : memref<1x32x64xf32, #tpu.memory_space<hbm>> -> memref<32x64xf32, #tpu.memory_space<hbm>>
      tpu.enqueue_dma source(%arg7 : memref<32x64xf32, #tpu.memory_space<vmem>>) target(%dma_start3A_722 : memref<32x64xf32, #tpu.memory_space<hbm>>) target_semaphore(%run_scoped3A : memref<!tpu.dma_semaphore, #tpu.memory_space<semaphore_mem>>)
      %dma_wait3A_723 = arith.constant 0 : i32
      %dma_wait3A_724 = tpu.memref_slice %arg4[%select_n3A, %add3A_174, %dma_wait3A_723] : memref<16x1024x64xf32, #tpu.memory_space<hbm>> -> memref<1x32x64xf32, #tpu.memory_space<hbm>>
      %dma_wait3A_725 = tpu.memref_squeeze %dma_wait3A_724 : memref<1x32x64xf32, #tpu.memory_space<hbm>> -> memref<32x64xf32, #tpu.memory_space<hbm>>
      %dma_wait3A_726 = arith.constant 0 : i32
      %dma_wait3A_727 = tpu.memref_slice %arg4[%select_n3A, %add3A_174, %dma_wait3A_726] : memref<16x1024x64xf32, #tpu.memory_space<hbm>> -> memref<1x32x64xf32, #tpu.memory_space<hbm>>
      %dma_wait3A_728 = tpu.memref_squeeze %dma_wait3A_727 : memref<1x32x64xf32, #tpu.memory_space<hbm>> -> memref<32x64xf32, #tpu.memory_space<hbm>>
      tpu.wait_dma2 semaphore(%run_scoped3A : memref<!tpu.dma_semaphore, #tpu.memory_space<semaphore_mem>>) src(%arg7 : memref<32x64xf32, #tpu.memory_space<vmem>>) dst(%dma_wait3A_728 : memref<32x64xf32, #tpu.memory_space<hbm>>)
      tpu.yield
    }) : () -> ()
    %add3A_175 = arith.constant 96 : i32
    %add3A_176 = arith.addi %mul3A_32, %add3A_175 : i32
    %dma_wait3A_177 = arith.constant 1 : i32
    %dma_wait3A_178 = arith.constant 0 : i32
    %dma_wait3A_179 = arith.constant 0 : i32
    %dma_wait3A_180 = tpu.memref_slice %arg6[%dma_wait3A_177, %dma_wait3A_178, %dma_wait3A_179] : memref<2x32x1024xf32, #tpu.memory_space<vmem>> -> memref<1x32x1024xf32, #tpu.memory_space<vmem>>
    %dma_wait3A_181 = tpu.memref_squeeze %dma_wait3A_180 : memref<1x32x1024xf32, #tpu.memory_space<vmem>> -> memref<32x1024xf32, #tpu.memory_space<vmem>>
    %dma_wait3A_182 = arith.constant 0 : i32
    %dma_wait3A_183 = tpu.memref_slice %arg2[%select_n3A, %add3A_176, %dma_wait3A_182] : memref<16x1024x1024xf32, #tpu.memory_space<hbm>> -> memref<1x32x1024xf32, #tpu.memory_space<hbm>>
    %dma_wait3A_184 = tpu.memref_squeeze %dma_wait3A_183 : memref<1x32x1024xf32, #tpu.memory_space<hbm>> -> memref<32x1024xf32, #tpu.memory_space<hbm>>
    %dma_wait3A_185 = arith.constant 0 : i32
    %dma_wait3A_186 = arith.constant 0 : i32
    %dma_wait3A_187 = tpu.memref_slice %arg6[%dma_wait3A_177, %dma_wait3A_185, %dma_wait3A_186] : memref<2x32x1024xf32, #tpu.memory_space<vmem>> -> memref<1x32x1024xf32, #tpu.memory_space<vmem>>
    %dma_wait3A_188 = tpu.memref_squeeze %dma_wait3A_187 : memref<1x32x1024xf32, #tpu.memory_space<vmem>> -> memref<32x1024xf32, #tpu.memory_space<vmem>>
    %dma_wait3A_189 = arith.constant 0 : i32
    %dma_wait3A_190 = tpu.memref_slice %arg2[%select_n3A, %add3A_176, %dma_wait3A_189] : memref<16x1024x1024xf32, #tpu.memory_space<hbm>> -> memref<1x32x1024xf32, #tpu.memory_space<hbm>>
    %dma_wait3A_191 = tpu.memref_squeeze %dma_wait3A_190 : memref<1x32x1024xf32, #tpu.memory_space<hbm>> -> memref<32x1024xf32, #tpu.memory_space<hbm>>
    tpu.wait_dma2 semaphore(%arg9 : memref<!tpu.dma_semaphore, #tpu.memory_space<semaphore_mem>>) src(%dma_wait3A_191 : memref<32x1024xf32, #tpu.memory_space<hbm>>) dst(%dma_wait3A_188 : memref<32x1024xf32, #tpu.memory_space<vmem>>)
    %add3A_192 = arith.constant 128 : i32
    %add3A_193 = arith.addi %mul3A_32, %add3A_192 : i32
    %dma_start3A_194 = arith.constant 0 : i32
    %dma_start3A_195 = arith.constant 0 : i32
    %dma_start3A_196 = arith.constant 0 : i32
    %dma_start3A_197 = tpu.memref_slice %arg6[%dma_start3A_194, %dma_start3A_195, %dma_start3A_196] : memref<2x32x1024xf32, #tpu.memory_space<vmem>> -> memref<1x32x1024xf32, #tpu.memory_space<vmem>>
    %dma_start3A_198 = tpu.memref_squeeze %dma_start3A_197 : memref<1x32x1024xf32, #tpu.memory_space<vmem>> -> memref<32x1024xf32, #tpu.memory_space<vmem>>
    %dma_start3A_199 = arith.constant 0 : i32
    %dma_start3A_200 = tpu.memref_slice %arg2[%select_n3A, %add3A_193, %dma_start3A_199] : memref<16x1024x1024xf32, #tpu.memory_space<hbm>> -> memref<1x32x1024xf32, #tpu.memory_space<hbm>>
    %dma_start3A_201 = tpu.memref_squeeze %dma_start3A_200 : memref<1x32x1024xf32, #tpu.memory_space<hbm>> -> memref<32x1024xf32, #tpu.memory_space<hbm>>
    %dma_start3A_202 = arith.constant 0 : i32
    %dma_start3A_203 = arith.constant 0 : i32
    %dma_start3A_204 = tpu.memref_slice %arg6[%dma_start3A_194, %dma_start3A_202, %dma_start3A_203] : memref<2x32x1024xf32, #tpu.memory_space<vmem>> -> memref<1x32x1024xf32, #tpu.memory_space<vmem>>
    %dma_start3A_205 = tpu.memref_squeeze %dma_start3A_204 : memref<1x32x1024xf32, #tpu.memory_space<vmem>> -> memref<32x1024xf32, #tpu.memory_space<vmem>>
    %dma_start3A_206 = arith.constant 0 : i32
    %dma_start3A_207 = tpu.memref_slice %arg2[%select_n3A, %add3A_193, %dma_start3A_206] : memref<16x1024x1024xf32, #tpu.memory_space<hbm>> -> memref<1x32x1024xf32, #tpu.memory_space<hbm>>
    %dma_start3A_208 = tpu.memref_squeeze %dma_start3A_207 : memref<1x32x1024xf32, #tpu.memory_space<hbm>> -> memref<32x1024xf32, #tpu.memory_space<hbm>>
    tpu.enqueue_dma source(%dma_start3A_208 : memref<32x1024xf32, #tpu.memory_space<hbm>>) target(%dma_start3A_205 : memref<32x1024xf32, #tpu.memory_space<vmem>>) target_semaphore(%arg8 : memref<!tpu.dma_semaphore, #tpu.memory_space<semaphore_mem>>)
    %scan3A_209 = arith.constant 0 : i32
    %scan3A_210 = arith.constant 0 : i32
    %scan3A_211 = arith.constant 32 : i32
    %scan3A_212 = arith.addi %scan3A_210, %scan3A_211 : i32
    %scan3A_213 = arith.constant 1 : i32
    %scan3A_214 = scf.for %scan3A_717 = %scan3A_210 to %scan3A_212 step %scan3A_213 iter_args(%scan3A_718 = %scan3A_209) -> (i32)  : i32 {
      %scan3A_719 = arith.constant 0 : i32
      %scan3A_720 = arith.constant 64 : i32
      %scan3A_721 = arith.addi %scan3A_719, %scan3A_720 : i32
      %scan3A_722 = arith.constant 1 : i32
      %scan3A_723:6 = scf.for %scan3A_737 = %scan3A_719 to %scan3A_721 step %scan3A_722 iter_args(%scan3A_738 = %broadcast_in_dim3A_47, %scan3A_739 = %broadcast_in_dim3A_47, %scan3A_740 = %broadcast_in_dim3A_47, %scan3A_741 = %broadcast_in_dim3A_47, %scan3A_742 = %broadcast_in_dim3A_47, %scan3A_743 = %broadcast_in_dim3A_47) -> (vector<16xf32>, vector<16xf32>, vector<16xf32>, vector<16xf32>, vector<16xf32>, vector<16xf32>)  : i32 {
        %mul3A_744 = arith.constant 16 : i32
        %mul3A_745 = arith.muli %scan3A_737, %mul3A_744 : i32
        %get3A = arith.constant 1 : i32
        %get3A_746 = arith.index_cast %get3A : i32 to index
        %get3A_747 = arith.index_cast %scan3A_717 : i32 to index
        %get3A_748 = arith.index_cast %mul3A_745 : i32 to index
        %get3A_749 = tpu.vector_load %arg6[%get3A_746, %get3A_747, %get3A_748] {strides = array<i32>} : memref<2x32x1024xf32, #tpu.memory_space<vmem>>, vector<16xf32>,
        %mul3A_750 = arith.constant 16 : i32
        %mul3A_751 = arith.muli %scan3A_737, %mul3A_750 : i32
        %get3A_752 = arith.index_cast %mul3A_751 : i32 to index
        %get3A_753 = tpu.vector_load %arg5[%get3A_752] {strides = array<i32>} : memref<1024xf32, #tpu.memory_space<vmem>>, vector<16xf32>,
        %mul3A_754 = arith.mulf %get3A_749, %get3A_753 : vector<16xf32>
        %sub3A_755 = arith.subf %get3A_749, %mul3A_754 : vector<16xf32>
        %gt3A = arith.cmpf ogt, %mul3A_754, %scan3A_740 : vector<16xf32>
        %reduce_or3A = arith.constant 1.000000e+00 : f32
        %reduce_or3A_756 = arith.constant 0.000000e+00 : f32
        %reduce_or3A_757 = vector.broadcast %reduce_or3A : f32 to vector<16xf32>
        %reduce_or3A_758 = vector.broadcast %reduce_or3A_756 : f32 to vector<16xf32>
        %reduce_or3A_759 = arith.select %gt3A, %reduce_or3A_757, %reduce_or3A_758 : vector<16xi1>, vector<16xf32>
        %reduce_or3A_760 = arith.constant true
        %reduce_or3A_761 = vector.broadcast %reduce_or3A_760 : i1 to vector<16xi1>
        %reduce_or3A_762 = tpu.scan <max>, %reduce_or3A_759 masked %reduce_or3A_761 : vector<16xf32>, vector<16xi1> -> vector<16xf32>
        %reduce_or3A_763 = vector.extract %reduce_or3A_762[15] : f32 from vector<16xf32>
        %reduce_or3A_764 = arith.constant 0.000000e+00 : f32
        %reduce_or3A_765 = arith.cmpf ogt, %reduce_or3A_763, %reduce_or3A_764 : f32
        %convert_element_type3A = arith.extui %reduce_or3A_765 : i1 to i32
        %cond3A = arith.constant 0 : i32
        %cond3A_766 = arith.cmpi ne, %convert_element_type3A, %cond3A : i32
        %cond3A_767:3 = scf.if %cond3A_766 -> (vector<16xf32>, vector<16xf32>, vector<16xf32>) {
          %masked_sort3A = arith.constant dense<true> : vector<16xi1>
          %masked_sort3A_784, %masked_sort3A_785, %masked_sort3A_786 = tpu.sort %mul3A_754, %mul3A_754 masked %masked_sort3A {descending = true} : (vector<16xf32>, vector<16xf32>, vector<16xi1>) -> (vector<16xi1>, vector<16xf32>, vector<16xf32>)
          %rev3A = arith.constant 15 : i32
          %rev3A_787 = vector.broadcast %rev3A : i32 to vector<16xi32>
          %rev3A_788 = tpu.iota {dimensions = array<i32: 0>} : vector<16xi32>
          %rev3A_789 = arith.subi %rev3A_787, %rev3A_788 : vector<16xi32>
          %rev3A_790 = tpu.dynamic_gather %masked_sort3A_785[%rev3A_789] in [0] : vector<16xf32>, vector<16xi32> -> vector<16xf32>
          %max3A = arith.maximumf %scan3A_739, %rev3A_790 : vector<16xf32>
          %max3A_791 = arith.maximumf %scan3A_738, %max3A : vector<16xf32>
          %min3A = arith.minimumf %scan3A_738, %max3A : vector<16xf32>
          %masked_sort3A_792 = arith.constant dense<true> : vector<16xi1>
          %masked_sort3A_793, %masked_sort3A_794, %masked_sort3A_795 = tpu.sort %max3A_791, %max3A_791 masked %masked_sort3A_792 {descending = true} : (vector<16xf32>, vector<16xf32>, vector<16xi1>) -> (vector<16xi1>, vector<16xf32>, vector<16xf32>)
          %masked_sort3A_796 = arith.constant dense<true> : vector<16xi1>
          %masked_sort3A_797, %masked_sort3A_798, %masked_sort3A_799 = tpu.sort %min3A, %min3A masked %masked_sort3A_796 {descending = true} : (vector<16xf32>, vector<16xf32>, vector<16xi1>) -> (vector<16xi1>, vector<16xf32>, vector<16xf32>)
          %broadcast_in_dim3A_800 = arith.constant 15 : i32
          %broadcast_in_dim3A_801 = vector.broadcast %broadcast_in_dim3A_800 : i32 to vector<16x1xi32>
          %gather3A = vector.shape_cast %broadcast_in_dim3A_801 : vector<16x1xi32> to vector<16xi32>
          %gather3A_802 = tpu.dynamic_gather %masked_sort3A_798[%gather3A] in [0] : vector<16xf32>, vector<16xi32> -> vector<16xf32>
          scf.yield %masked_sort3A_794, %masked_sort3A_798, %gather3A_802 : vector<16xf32>, vector<16xf32>, vector<16xf32>
        } else {
          scf.yield %scan3A_738, %scan3A_739, %scan3A_740 : vector<16xf32>, vector<16xf32>, vector<16xf32>
        }
        %gt3A_768 = arith.cmpf ogt, %sub3A_755, %scan3A_743 : vector<16xf32>
        %reduce_or3A_769 = arith.constant 1.000000e+00 : f32
        %reduce_or3A_770 = arith.constant 0.000000e+00 : f32
        %reduce_or3A_771 = vector.broadcast %reduce_or3A_769 : f32 to vector<16xf32>
        %reduce_or3A_772 = vector.broadcast %reduce_or3A_770 : f32 to vector<16xf32>
        %reduce_or3A_773 = arith.select %gt3A_768, %reduce_or3A_771, %reduce_or3A_772 : vector<16xi1>, vector<16xf32>
        %reduce_or3A_774 = arith.constant true
        %reduce_or3A_775 = vector.broadcast %reduce_or3A_774 : i1 to vector<16xi1>
        %reduce_or3A_776 = tpu.scan <max>, %reduce_or3A_773 masked %reduce_or3A_775 : vector<16xf32>, vector<16xi1> -> vector<16xf32>
        %reduce_or3A_777 = vector.extract %reduce_or3A_776[15] : f32 from vector<16xf32>
        %reduce_or3A_778 = arith.constant 0.000000e+00 : f32
        %reduce_or3A_779 = arith.cmpf ogt, %reduce_or3A_777, %reduce_or3A_778 : f32
        %convert_element_type3A_780 = arith.extui %reduce_or3A_779 : i1 to i32
        %cond3A_781 = arith.constant 0 : i32
        %cond3A_782 = arith.cmpi ne, %convert_element_type3A_780, %cond3A_781 : i32
        %cond3A_783:3 = scf.if %cond3A_782 -> (vector<16xf32>, vector<16xf32>, vector<16xf32>) {
          %masked_sort3A = arith.constant dense<true> : vector<16xi1>
          %masked_sort3A_784, %masked_sort3A_785, %masked_sort3A_786 = tpu.sort %sub3A_755, %sub3A_755 masked %masked_sort3A {descending = true} : (vector<16xf32>, vector<16xf32>, vector<16xi1>) -> (vector<16xi1>, vector<16xf32>, vector<16xf32>)
          %rev3A = arith.constant 15 : i32
          %rev3A_787 = vector.broadcast %rev3A : i32 to vector<16xi32>
          %rev3A_788 = tpu.iota {dimensions = array<i32: 0>} : vector<16xi32>
          %rev3A_789 = arith.subi %rev3A_787, %rev3A_788 : vector<16xi32>
          %rev3A_790 = tpu.dynamic_gather %masked_sort3A_785[%rev3A_789] in [0] : vector<16xf32>, vector<16xi32> -> vector<16xf32>
          %max3A = arith.maximumf %scan3A_742, %rev3A_790 : vector<16xf32>
          %max3A_791 = arith.maximumf %scan3A_741, %max3A : vector<16xf32>
          %min3A = arith.minimumf %scan3A_741, %max3A : vector<16xf32>
          %masked_sort3A_792 = arith.constant dense<true> : vector<16xi1>
          %masked_sort3A_793, %masked_sort3A_794, %masked_sort3A_795 = tpu.sort %max3A_791, %max3A_791 masked %masked_sort3A_792 {descending = true} : (vector<16xf32>, vector<16xf32>, vector<16xi1>) -> (vector<16xi1>, vector<16xf32>, vector<16xf32>)
          %masked_sort3A_796 = arith.constant dense<true> : vector<16xi1>
          %masked_sort3A_797, %masked_sort3A_798, %masked_sort3A_799 = tpu.sort %min3A, %min3A masked %masked_sort3A_796 {descending = true} : (vector<16xf32>, vector<16xf32>, vector<16xi1>) -> (vector<16xi1>, vector<16xf32>, vector<16xf32>)
          %broadcast_in_dim3A_800 = arith.constant 15 : i32
          %broadcast_in_dim3A_801 = vector.broadcast %broadcast_in_dim3A_800 : i32 to vector<16x1xi32>
          %gather3A = vector.shape_cast %broadcast_in_dim3A_801 : vector<16x1xi32> to vector<16xi32>
          %gather3A_802 = tpu.dynamic_gather %masked_sort3A_798[%gather3A] in [0] : vector<16xf32>, vector<16xi32> -> vector<16xf32>
          scf.yield %masked_sort3A_794, %masked_sort3A_798, %gather3A_802 : vector<16xf32>, vector<16xf32>, vector<16xf32>
        } else {
          scf.yield %scan3A_741, %scan3A_742, %scan3A_743 : vector<16xf32>, vector<16xf32>, vector<16xf32>
        }
        scf.yield %cond3A_767#0, %cond3A_767#1, %cond3A_767#2, %cond3A_783#0, %cond3A_783#1, %cond3A_783#2 : vector<16xf32>, vector<16xf32>, vector<16xf32>, vector<16xf32>, vector<16xf32>, vector<16xf32>
      }
      %scan3A_724 = arith.constant 64 : i32
      %swap3A = arith.index_cast %scan3A_717 : i32 to index
      %swap3A_725 = arith.constant 0 : index
      %swap3A_726 = tpu.vector_load %arg7[%swap3A, %swap3A_725] {strides = array<i32>} : memref<32x64xf32, #tpu.memory_space<vmem>>, vector<16xf32>,
      tpu.vector_store %arg7[%swap3A, %swap3A_725], %scan3A_723#3 {strides = array<i32>} : memref<32x64xf32, #tpu.memory_space<vmem>>, vector<16xf32>,
      %swap3A_727 = arith.index_cast %scan3A_717 : i32 to index
      %swap3A_728 = arith.constant 16 : index
      %swap3A_729 = tpu.vector_load %arg7[%swap3A_727, %swap3A_728] {strides = array<i32>} : memref<32x64xf32, #tpu.memory_space<vmem>>, vector<16xf32>,
      tpu.vector_store %arg7[%swap3A_727, %swap3A_728], %scan3A_723#4 {strides = array<i32>} : memref<32x64xf32, #tpu.memory_space<vmem>>, vector<16xf32>,
      %swap3A_730 = arith.index_cast %scan3A_717 : i32 to index
      %swap3A_731 = arith.constant 32 : index
      %swap3A_732 = tpu.vector_load %arg7[%swap3A_730, %swap3A_731] {strides = array<i32>} : memref<32x64xf32, #tpu.memory_space<vmem>>, vector<16xf32>,
      tpu.vector_store %arg7[%swap3A_730, %swap3A_731], %scan3A_723#0 {strides = array<i32>} : memref<32x64xf32, #tpu.memory_space<vmem>>, vector<16xf32>,
      %swap3A_733 = arith.index_cast %scan3A_717 : i32 to index
      %swap3A_734 = arith.constant 48 : index
      %swap3A_735 = tpu.vector_load %arg7[%swap3A_733, %swap3A_734] {strides = array<i32>} : memref<32x64xf32, #tpu.memory_space<vmem>>, vector<16xf32>,
      tpu.vector_store %arg7[%swap3A_733, %swap3A_734], %scan3A_723#1 {strides = array<i32>} : memref<32x64xf32, #tpu.memory_space<vmem>>, vector<16xf32>,
      %scan3A_736 = arith.constant 0 : i32
      scf.yield %scan3A_736 : i32
    }
    %scan3A_215 = arith.constant 32 : i32
    %add3A_216 = arith.constant 96 : i32
    %add3A_217 = arith.addi %mul3A_32, %add3A_216 : i32
    "tpu.region"() ({
      %run_scoped3A = tpu.sem_alloc : memref<!tpu.dma_semaphore, #tpu.memory_space<semaphore_mem>>
      %dma_start3A_717 = arith.constant 0 : i32
      %dma_start3A_718 = tpu.memref_slice %arg4[%select_n3A, %add3A_217, %dma_start3A_717] : memref<16x1024x64xf32, #tpu.memory_space<hbm>> -> memref<1x32x64xf32, #tpu.memory_space<hbm>>
      %dma_start3A_719 = tpu.memref_squeeze %dma_start3A_718 : memref<1x32x64xf32, #tpu.memory_space<hbm>> -> memref<32x64xf32, #tpu.memory_space<hbm>>
      %dma_start3A_720 = arith.constant 0 : i32
      %dma_start3A_721 = tpu.memref_slice %arg4[%select_n3A, %add3A_217, %dma_start3A_720] : memref<16x1024x64xf32, #tpu.memory_space<hbm>> -> memref<1x32x64xf32, #tpu.memory_space<hbm>>
      %dma_start3A_722 = tpu.memref_squeeze %dma_start3A_721 : memref<1x32x64xf32, #tpu.memory_space<hbm>> -> memref<32x64xf32, #tpu.memory_space<hbm>>
      tpu.enqueue_dma source(%arg7 : memref<32x64xf32, #tpu.memory_space<vmem>>) target(%dma_start3A_722 : memref<32x64xf32, #tpu.memory_space<hbm>>) target_semaphore(%run_scoped3A : memref<!tpu.dma_semaphore, #tpu.memory_space<semaphore_mem>>)
      %dma_wait3A_723 = arith.constant 0 : i32
      %dma_wait3A_724 = tpu.memref_slice %arg4[%select_n3A, %add3A_217, %dma_wait3A_723] : memref<16x1024x64xf32, #tpu.memory_space<hbm>> -> memref<1x32x64xf32, #tpu.memory_space<hbm>>
      %dma_wait3A_725 = tpu.memref_squeeze %dma_wait3A_724 : memref<1x32x64xf32, #tpu.memory_space<hbm>> -> memref<32x64xf32, #tpu.memory_space<hbm>>
      %dma_wait3A_726 = arith.constant 0 : i32
      %dma_wait3A_727 = tpu.memref_slice %arg4[%select_n3A, %add3A_217, %dma_wait3A_726] : memref<16x1024x64xf32, #tpu.memory_space<hbm>> -> memref<1x32x64xf32, #tpu.memory_space<hbm>>
      %dma_wait3A_728 = tpu.memref_squeeze %dma_wait3A_727 : memref<1x32x64xf32, #tpu.memory_space<hbm>> -> memref<32x64xf32, #tpu.memory_space<hbm>>
      tpu.wait_dma2 semaphore(%run_scoped3A : memref<!tpu.dma_semaphore, #tpu.memory_space<semaphore_mem>>) src(%arg7 : memref<32x64xf32, #tpu.memory_space<vmem>>) dst(%dma_wait3A_728 : memref<32x64xf32, #tpu.memory_space<hbm>>)
      tpu.yield
    }) : () -> ()
    %add3A_218 = arith.constant 128 : i32
    %add3A_219 = arith.addi %mul3A_32, %add3A_218 : i32
    %dma_wait3A_220 = arith.constant 0 : i32
    %dma_wait3A_221 = arith.constant 0 : i32
    %dma_wait3A_222 = arith.constant 0 : i32
    %dma_wait3A_223 = tpu.memref_slice %arg6[%dma_wait3A_220, %dma_wait3A_221, %dma_wait3A_222] : memref<2x32x1024xf32, #tpu.memory_space<vmem>> -> memref<1x32x1024xf32, #tpu.memory_space<vmem>>
    %dma_wait3A_224 = tpu.memref_squeeze %dma_wait3A_223 : memref<1x32x1024xf32, #tpu.memory_space<vmem>> -> memref<32x1024xf32, #tpu.memory_space<vmem>>
    %dma_wait3A_225 = arith.constant 0 : i32
    %dma_wait3A_226 = tpu.memref_slice %arg2[%select_n3A, %add3A_219, %dma_wait3A_225] : memref<16x1024x1024xf32, #tpu.memory_space<hbm>> -> memref<1x32x1024xf32, #tpu.memory_space<hbm>>
    %dma_wait3A_227 = tpu.memref_squeeze %dma_wait3A_226 : memref<1x32x1024xf32, #tpu.memory_space<hbm>> -> memref<32x1024xf32, #tpu.memory_space<hbm>>
    %dma_wait3A_228 = arith.constant 0 : i32
    %dma_wait3A_229 = arith.constant 0 : i32
    %dma_wait3A_230 = tpu.memref_slice %arg6[%dma_wait3A_220, %dma_wait3A_228, %dma_wait3A_229] : memref<2x32x1024xf32, #tpu.memory_space<vmem>> -> memref<1x32x1024xf32, #tpu.memory_space<vmem>>
    %dma_wait3A_231 = tpu.memref_squeeze %dma_wait3A_230 : memref<1x32x1024xf32, #tpu.memory_space<vmem>> -> memref<32x1024xf32, #tpu.memory_space<vmem>>
    %dma_wait3A_232 = arith.constant 0 : i32
    %dma_wait3A_233 = tpu.memref_slice %arg2[%select_n3A, %add3A_219, %dma_wait3A_232] : memref<16x1024x1024xf32, #tpu.memory_space<hbm>> -> memref<1x32x1024xf32, #tpu.memory_space<hbm>>
    %dma_wait3A_234 = tpu.memref_squeeze %dma_wait3A_233 : memref<1x32x1024xf32, #tpu.memory_space<hbm>> -> memref<32x1024xf32, #tpu.memory_space<hbm>>
    tpu.wait_dma2 semaphore(%arg8 : memref<!tpu.dma_semaphore, #tpu.memory_space<semaphore_mem>>) src(%dma_wait3A_234 : memref<32x1024xf32, #tpu.memory_space<hbm>>) dst(%dma_wait3A_231 : memref<32x1024xf32, #tpu.memory_space<vmem>>)
    %add3A_235 = arith.constant 160 : i32
    %add3A_236 = arith.addi %mul3A_32, %add3A_235 : i32
    %dma_start3A_237 = arith.constant 1 : i32
    %dma_start3A_238 = arith.constant 0 : i32
    %dma_start3A_239 = arith.constant 0 : i32
    %dma_start3A_240 = tpu.memref_slice %arg6[%dma_start3A_237, %dma_start3A_238, %dma_start3A_239] : memref<2x32x1024xf32, #tpu.memory_space<vmem>> -> memref<1x32x1024xf32, #tpu.memory_space<vmem>>
    %dma_start3A_241 = tpu.memref_squeeze %dma_start3A_240 : memref<1x32x1024xf32, #tpu.memory_space<vmem>> -> memref<32x1024xf32, #tpu.memory_space<vmem>>
    %dma_start3A_242 = arith.constant 0 : i32
    %dma_start3A_243 = tpu.memref_slice %arg2[%select_n3A, %add3A_236, %dma_start3A_242] : memref<16x1024x1024xf32, #tpu.memory_space<hbm>> -> memref<1x32x1024xf32, #tpu.memory_space<hbm>>
    %dma_start3A_244 = tpu.memref_squeeze %dma_start3A_243 : memref<1x32x1024xf32, #tpu.memory_space<hbm>> -> memref<32x1024xf32, #tpu.memory_space<hbm>>
    %dma_start3A_245 = arith.constant 0 : i32
    %dma_start3A_246 = arith.constant 0 : i32
    %dma_start3A_247 = tpu.memref_slice %arg6[%dma_start3A_237, %dma_start3A_245, %dma_start3A_246] : memref<2x32x1024xf32, #tpu.memory_space<vmem>> -> memref<1x32x1024xf32, #tpu.memory_space<vmem>>
    %dma_start3A_248 = tpu.memref_squeeze %dma_start3A_247 : memref<1x32x1024xf32, #tpu.memory_space<vmem>> -> memref<32x1024xf32, #tpu.memory_space<vmem>>
    %dma_start3A_249 = arith.constant 0 : i32
    %dma_start3A_250 = tpu.memref_slice %arg2[%select_n3A, %add3A_236, %dma_start3A_249] : memref<16x1024x1024xf32, #tpu.memory_space<hbm>> -> memref<1x32x1024xf32, #tpu.memory_space<hbm>>
    %dma_start3A_251 = tpu.memref_squeeze %dma_start3A_250 : memref<1x32x1024xf32, #tpu.memory_space<hbm>> -> memref<32x1024xf32, #tpu.memory_space<hbm>>
    tpu.enqueue_dma source(%dma_start3A_251 : memref<32x1024xf32, #tpu.memory_space<hbm>>) target(%dma_start3A_248 : memref<32x1024xf32, #tpu.memory_space<vmem>>) target_semaphore(%arg9 : memref<!tpu.dma_semaphore, #tpu.memory_space<semaphore_mem>>)
    %scan3A_252 = arith.constant 0 : i32
    %scan3A_253 = arith.constant 0 : i32
    %scan3A_254 = arith.constant 32 : i32
    %scan3A_255 = arith.addi %scan3A_253, %scan3A_254 : i32
    %scan3A_256 = arith.constant 1 : i32
    %scan3A_257 = scf.for %scan3A_717 = %scan3A_253 to %scan3A_255 step %scan3A_256 iter_args(%scan3A_718 = %scan3A_252) -> (i32)  : i32 {
      %scan3A_719 = arith.constant 0 : i32
      %scan3A_720 = arith.constant 64 : i32
      %scan3A_721 = arith.addi %scan3A_719, %scan3A_720 : i32
      %scan3A_722 = arith.constant 1 : i32
      %scan3A_723:6 = scf.for %scan3A_737 = %scan3A_719 to %scan3A_721 step %scan3A_722 iter_args(%scan3A_738 = %broadcast_in_dim3A_47, %scan3A_739 = %broadcast_in_dim3A_47, %scan3A_740 = %broadcast_in_dim3A_47, %scan3A_741 = %broadcast_in_dim3A_47, %scan3A_742 = %broadcast_in_dim3A_47, %scan3A_743 = %broadcast_in_dim3A_47) -> (vector<16xf32>, vector<16xf32>, vector<16xf32>, vector<16xf32>, vector<16xf32>, vector<16xf32>)  : i32 {
        %mul3A_744 = arith.constant 16 : i32
        %mul3A_745 = arith.muli %scan3A_737, %mul3A_744 : i32
        %get3A = arith.constant 0 : i32
        %get3A_746 = arith.index_cast %get3A : i32 to index
        %get3A_747 = arith.index_cast %scan3A_717 : i32 to index
        %get3A_748 = arith.index_cast %mul3A_745 : i32 to index
        %get3A_749 = tpu.vector_load %arg6[%get3A_746, %get3A_747, %get3A_748] {strides = array<i32>} : memref<2x32x1024xf32, #tpu.memory_space<vmem>>, vector<16xf32>,
        %mul3A_750 = arith.constant 16 : i32
        %mul3A_751 = arith.muli %scan3A_737, %mul3A_750 : i32
        %get3A_752 = arith.index_cast %mul3A_751 : i32 to index
        %get3A_753 = tpu.vector_load %arg5[%get3A_752] {strides = array<i32>} : memref<1024xf32, #tpu.memory_space<vmem>>, vector<16xf32>,
        %mul3A_754 = arith.mulf %get3A_749, %get3A_753 : vector<16xf32>
        %sub3A_755 = arith.subf %get3A_749, %mul3A_754 : vector<16xf32>
        %gt3A = arith.cmpf ogt, %mul3A_754, %scan3A_740 : vector<16xf32>
        %reduce_or3A = arith.constant 1.000000e+00 : f32
        %reduce_or3A_756 = arith.constant 0.000000e+00 : f32
        %reduce_or3A_757 = vector.broadcast %reduce_or3A : f32 to vector<16xf32>
        %reduce_or3A_758 = vector.broadcast %reduce_or3A_756 : f32 to vector<16xf32>
        %reduce_or3A_759 = arith.select %gt3A, %reduce_or3A_757, %reduce_or3A_758 : vector<16xi1>, vector<16xf32>
        %reduce_or3A_760 = arith.constant true
        %reduce_or3A_761 = vector.broadcast %reduce_or3A_760 : i1 to vector<16xi1>
        %reduce_or3A_762 = tpu.scan <max>, %reduce_or3A_759 masked %reduce_or3A_761 : vector<16xf32>, vector<16xi1> -> vector<16xf32>
        %reduce_or3A_763 = vector.extract %reduce_or3A_762[15] : f32 from vector<16xf32>
        %reduce_or3A_764 = arith.constant 0.000000e+00 : f32
        %reduce_or3A_765 = arith.cmpf ogt, %reduce_or3A_763, %reduce_or3A_764 : f32
        %convert_element_type3A = arith.extui %reduce_or3A_765 : i1 to i32
        %cond3A = arith.constant 0 : i32
        %cond3A_766 = arith.cmpi ne, %convert_element_type3A, %cond3A : i32
        %cond3A_767:3 = scf.if %cond3A_766 -> (vector<16xf32>, vector<16xf32>, vector<16xf32>) {
          %masked_sort3A = arith.constant dense<true> : vector<16xi1>
          %masked_sort3A_784, %masked_sort3A_785, %masked_sort3A_786 = tpu.sort %mul3A_754, %mul3A_754 masked %masked_sort3A {descending = true} : (vector<16xf32>, vector<16xf32>, vector<16xi1>) -> (vector<16xi1>, vector<16xf32>, vector<16xf32>)
          %rev3A = arith.constant 15 : i32
          %rev3A_787 = vector.broadcast %rev3A : i32 to vector<16xi32>
          %rev3A_788 = tpu.iota {dimensions = array<i32: 0>} : vector<16xi32>
          %rev3A_789 = arith.subi %rev3A_787, %rev3A_788 : vector<16xi32>
          %rev3A_790 = tpu.dynamic_gather %masked_sort3A_785[%rev3A_789] in [0] : vector<16xf32>, vector<16xi32> -> vector<16xf32>
          %max3A = arith.maximumf %scan3A_739, %rev3A_790 : vector<16xf32>
          %max3A_791 = arith.maximumf %scan3A_738, %max3A : vector<16xf32>
          %min3A = arith.minimumf %scan3A_738, %max3A : vector<16xf32>
          %masked_sort3A_792 = arith.constant dense<true> : vector<16xi1>
          %masked_sort3A_793, %masked_sort3A_794, %masked_sort3A_795 = tpu.sort %max3A_791, %max3A_791 masked %masked_sort3A_792 {descending = true} : (vector<16xf32>, vector<16xf32>, vector<16xi1>) -> (vector<16xi1>, vector<16xf32>, vector<16xf32>)
          %masked_sort3A_796 = arith.constant dense<true> : vector<16xi1>
          %masked_sort3A_797, %masked_sort3A_798, %masked_sort3A_799 = tpu.sort %min3A, %min3A masked %masked_sort3A_796 {descending = true} : (vector<16xf32>, vector<16xf32>, vector<16xi1>) -> (vector<16xi1>, vector<16xf32>, vector<16xf32>)
          %broadcast_in_dim3A_800 = arith.constant 15 : i32
          %broadcast_in_dim3A_801 = vector.broadcast %broadcast_in_dim3A_800 : i32 to vector<16x1xi32>
          %gather3A = vector.shape_cast %broadcast_in_dim3A_801 : vector<16x1xi32> to vector<16xi32>
          %gather3A_802 = tpu.dynamic_gather %masked_sort3A_798[%gather3A] in [0] : vector<16xf32>, vector<16xi32> -> vector<16xf32>
          scf.yield %masked_sort3A_794, %masked_sort3A_798, %gather3A_802 : vector<16xf32>, vector<16xf32>, vector<16xf32>
        } else {
          scf.yield %scan3A_738, %scan3A_739, %scan3A_740 : vector<16xf32>, vector<16xf32>, vector<16xf32>
        }
        %gt3A_768 = arith.cmpf ogt, %sub3A_755, %scan3A_743 : vector<16xf32>
        %reduce_or3A_769 = arith.constant 1.000000e+00 : f32
        %reduce_or3A_770 = arith.constant 0.000000e+00 : f32
        %reduce_or3A_771 = vector.broadcast %reduce_or3A_769 : f32 to vector<16xf32>
        %reduce_or3A_772 = vector.broadcast %reduce_or3A_770 : f32 to vector<16xf32>
        %reduce_or3A_773 = arith.select %gt3A_768, %reduce_or3A_771, %reduce_or3A_772 : vector<16xi1>, vector<16xf32>
        %reduce_or3A_774 = arith.constant true
        %reduce_or3A_775 = vector.broadcast %reduce_or3A_774 : i1 to vector<16xi1>
        %reduce_or3A_776 = tpu.scan <max>, %reduce_or3A_773 masked %reduce_or3A_775 : vector<16xf32>, vector<16xi1> -> vector<16xf32>
        %reduce_or3A_777 = vector.extract %reduce_or3A_776[15] : f32 from vector<16xf32>
        %reduce_or3A_778 = arith.constant 0.000000e+00 : f32
        %reduce_or3A_779 = arith.cmpf ogt, %reduce_or3A_777, %reduce_or3A_778 : f32
        %convert_element_type3A_780 = arith.extui %reduce_or3A_779 : i1 to i32
        %cond3A_781 = arith.constant 0 : i32
        %cond3A_782 = arith.cmpi ne, %convert_element_type3A_780, %cond3A_781 : i32
        %cond3A_783:3 = scf.if %cond3A_782 -> (vector<16xf32>, vector<16xf32>, vector<16xf32>) {
          %masked_sort3A = arith.constant dense<true> : vector<16xi1>
          %masked_sort3A_784, %masked_sort3A_785, %masked_sort3A_786 = tpu.sort %sub3A_755, %sub3A_755 masked %masked_sort3A {descending = true} : (vector<16xf32>, vector<16xf32>, vector<16xi1>) -> (vector<16xi1>, vector<16xf32>, vector<16xf32>)
          %rev3A = arith.constant 15 : i32
          %rev3A_787 = vector.broadcast %rev3A : i32 to vector<16xi32>
          %rev3A_788 = tpu.iota {dimensions = array<i32: 0>} : vector<16xi32>
          %rev3A_789 = arith.subi %rev3A_787, %rev3A_788 : vector<16xi32>
          %rev3A_790 = tpu.dynamic_gather %masked_sort3A_785[%rev3A_789] in [0] : vector<16xf32>, vector<16xi32> -> vector<16xf32>
          %max3A = arith.maximumf %scan3A_742, %rev3A_790 : vector<16xf32>
          %max3A_791 = arith.maximumf %scan3A_741, %max3A : vector<16xf32>
          %min3A = arith.minimumf %scan3A_741, %max3A : vector<16xf32>
          %masked_sort3A_792 = arith.constant dense<true> : vector<16xi1>
          %masked_sort3A_793, %masked_sort3A_794, %masked_sort3A_795 = tpu.sort %max3A_791, %max3A_791 masked %masked_sort3A_792 {descending = true} : (vector<16xf32>, vector<16xf32>, vector<16xi1>) -> (vector<16xi1>, vector<16xf32>, vector<16xf32>)
          %masked_sort3A_796 = arith.constant dense<true> : vector<16xi1>
          %masked_sort3A_797, %masked_sort3A_798, %masked_sort3A_799 = tpu.sort %min3A, %min3A masked %masked_sort3A_796 {descending = true} : (vector<16xf32>, vector<16xf32>, vector<16xi1>) -> (vector<16xi1>, vector<16xf32>, vector<16xf32>)
          %broadcast_in_dim3A_800 = arith.constant 15 : i32
          %broadcast_in_dim3A_801 = vector.broadcast %broadcast_in_dim3A_800 : i32 to vector<16x1xi32>
          %gather3A = vector.shape_cast %broadcast_in_dim3A_801 : vector<16x1xi32> to vector<16xi32>
          %gather3A_802 = tpu.dynamic_gather %masked_sort3A_798[%gather3A] in [0] : vector<16xf32>, vector<16xi32> -> vector<16xf32>
          scf.yield %masked_sort3A_794, %masked_sort3A_798, %gather3A_802 : vector<16xf32>, vector<16xf32>, vector<16xf32>
        } else {
          scf.yield %scan3A_741, %scan3A_742, %scan3A_743 : vector<16xf32>, vector<16xf32>, vector<16xf32>
        }
        scf.yield %cond3A_767#0, %cond3A_767#1, %cond3A_767#2, %cond3A_783#0, %cond3A_783#1, %cond3A_783#2 : vector<16xf32>, vector<16xf32>, vector<16xf32>, vector<16xf32>, vector<16xf32>, vector<16xf32>
      }
      %scan3A_724 = arith.constant 64 : i32
      %swap3A = arith.index_cast %scan3A_717 : i32 to index
      %swap3A_725 = arith.constant 0 : index
      %swap3A_726 = tpu.vector_load %arg7[%swap3A, %swap3A_725] {strides = array<i32>} : memref<32x64xf32, #tpu.memory_space<vmem>>, vector<16xf32>,
      tpu.vector_store %arg7[%swap3A, %swap3A_725], %scan3A_723#3 {strides = array<i32>} : memref<32x64xf32, #tpu.memory_space<vmem>>, vector<16xf32>,
      %swap3A_727 = arith.index_cast %scan3A_717 : i32 to index
      %swap3A_728 = arith.constant 16 : index
      %swap3A_729 = tpu.vector_load %arg7[%swap3A_727, %swap3A_728] {strides = array<i32>} : memref<32x64xf32, #tpu.memory_space<vmem>>, vector<16xf32>,
      tpu.vector_store %arg7[%swap3A_727, %swap3A_728], %scan3A_723#4 {strides = array<i32>} : memref<32x64xf32, #tpu.memory_space<vmem>>, vector<16xf32>,
      %swap3A_730 = arith.index_cast %scan3A_717 : i32 to index
      %swap3A_731 = arith.constant 32 : index
      %swap3A_732 = tpu.vector_load %arg7[%swap3A_730, %swap3A_731] {strides = array<i32>} : memref<32x64xf32, #tpu.memory_space<vmem>>, vector<16xf32>,
      tpu.vector_store %arg7[%swap3A_730, %swap3A_731], %scan3A_723#0 {strides = array<i32>} : memref<32x64xf32, #tpu.memory_space<vmem>>, vector<16xf32>,
      %swap3A_733 = arith.index_cast %scan3A_717 : i32 to index
      %swap3A_734 = arith.constant 48 : index
      %swap3A_735 = tpu.vector_load %arg7[%swap3A_733, %swap3A_734] {strides = array<i32>} : memref<32x64xf32, #tpu.memory_space<vmem>>, vector<16xf32>,
      tpu.vector_store %arg7[%swap3A_733, %swap3A_734], %scan3A_723#1 {strides = array<i32>} : memref<32x64xf32, #tpu.memory_space<vmem>>, vector<16xf32>,
      %scan3A_736 = arith.constant 0 : i32
      scf.yield %scan3A_736 : i32
    }
    %scan3A_258 = arith.constant 32 : i32
    %add3A_259 = arith.constant 128 : i32
    %add3A_260 = arith.addi %mul3A_32, %add3A_259 : i32
    "tpu.region"() ({
      %run_scoped3A = tpu.sem_alloc : memref<!tpu.dma_semaphore, #tpu.memory_space<semaphore_mem>>
      %dma_start3A_717 = arith.constant 0 : i32
      %dma_start3A_718 = tpu.memref_slice %arg4[%select_n3A, %add3A_260, %dma_start3A_717] : memref<16x1024x64xf32, #tpu.memory_space<hbm>> -> memref<1x32x64xf32, #tpu.memory_space<hbm>>
      %dma_start3A_719 = tpu.memref_squeeze %dma_start3A_718 : memref<1x32x64xf32, #tpu.memory_space<hbm>> -> memref<32x64xf32, #tpu.memory_space<hbm>>
      %dma_start3A_720 = arith.constant 0 : i32
      %dma_start3A_721 = tpu.memref_slice %arg4[%select_n3A, %add3A_260, %dma_start3A_720] : memref<16x1024x64xf32, #tpu.memory_space<hbm>> -> memref<1x32x64xf32, #tpu.memory_space<hbm>>
      %dma_start3A_722 = tpu.memref_squeeze %dma_start3A_721 : memref<1x32x64xf32, #tpu.memory_space<hbm>> -> memref<32x64xf32, #tpu.memory_space<hbm>>
      tpu.enqueue_dma source(%arg7 : memref<32x64xf32, #tpu.memory_space<vmem>>) target(%dma_start3A_722 : memref<32x64xf32, #tpu.memory_space<hbm>>) target_semaphore(%run_scoped3A : memref<!tpu.dma_semaphore, #tpu.memory_space<semaphore_mem>>)
      %dma_wait3A_723 = arith.constant 0 : i32
      %dma_wait3A_724 = tpu.memref_slice %arg4[%select_n3A, %add3A_260, %dma_wait3A_723] : memref<16x1024x64xf32, #tpu.memory_space<hbm>> -> memref<1x32x64xf32, #tpu.memory_space<hbm>>
      %dma_wait3A_725 = tpu.memref_squeeze %dma_wait3A_724 : memref<1x32x64xf32, #tpu.memory_space<hbm>> -> memref<32x64xf32, #tpu.memory_space<hbm>>
      %dma_wait3A_726 = arith.constant 0 : i32
      %dma_wait3A_727 = tpu.memref_slice %arg4[%select_n3A, %add3A_260, %dma_wait3A_726] : memref<16x1024x64xf32, #tpu.memory_space<hbm>> -> memref<1x32x64xf32, #tpu.memory_space<hbm>>
      %dma_wait3A_728 = tpu.memref_squeeze %dma_wait3A_727 : memref<1x32x64xf32, #tpu.memory_space<hbm>> -> memref<32x64xf32, #tpu.memory_space<hbm>>
      tpu.wait_dma2 semaphore(%run_scoped3A : memref<!tpu.dma_semaphore, #tpu.memory_space<semaphore_mem>>) src(%arg7 : memref<32x64xf32, #tpu.memory_space<vmem>>) dst(%dma_wait3A_728 : memref<32x64xf32, #tpu.memory_space<hbm>>)
      tpu.yield
    }) : () -> ()
    %add3A_261 = arith.constant 160 : i32
    %add3A_262 = arith.addi %mul3A_32, %add3A_261 : i32
    %dma_wait3A_263 = arith.constant 1 : i32
    %dma_wait3A_264 = arith.constant 0 : i32
    %dma_wait3A_265 = arith.constant 0 : i32
    %dma_wait3A_266 = tpu.memref_slice %arg6[%dma_wait3A_263, %dma_wait3A_264, %dma_wait3A_265] : memref<2x32x1024xf32, #tpu.memory_space<vmem>> -> memref<1x32x1024xf32, #tpu.memory_space<vmem>>
    %dma_wait3A_267 = tpu.memref_squeeze %dma_wait3A_266 : memref<1x32x1024xf32, #tpu.memory_space<vmem>> -> memref<32x1024xf32, #tpu.memory_space<vmem>>
    %dma_wait3A_268 = arith.constant 0 : i32
    %dma_wait3A_269 = tpu.memref_slice %arg2[%select_n3A, %add3A_262, %dma_wait3A_268] : memref<16x1024x1024xf32, #tpu.memory_space<hbm>> -> memref<1x32x1024xf32, #tpu.memory_space<hbm>>
    %dma_wait3A_270 = tpu.memref_squeeze %dma_wait3A_269 : memref<1x32x1024xf32, #tpu.memory_space<hbm>> -> memref<32x1024xf32, #tpu.memory_space<hbm>>
    %dma_wait3A_271 = arith.constant 0 : i32
    %dma_wait3A_272 = arith.constant 0 : i32
    %dma_wait3A_273 = tpu.memref_slice %arg6[%dma_wait3A_263, %dma_wait3A_271, %dma_wait3A_272] : memref<2x32x1024xf32, #tpu.memory_space<vmem>> -> memref<1x32x1024xf32, #tpu.memory_space<vmem>>
    %dma_wait3A_274 = tpu.memref_squeeze %dma_wait3A_273 : memref<1x32x1024xf32, #tpu.memory_space<vmem>> -> memref<32x1024xf32, #tpu.memory_space<vmem>>
    %dma_wait3A_275 = arith.constant 0 : i32
    %dma_wait3A_276 = tpu.memref_slice %arg2[%select_n3A, %add3A_262, %dma_wait3A_275] : memref<16x1024x1024xf32, #tpu.memory_space<hbm>> -> memref<1x32x1024xf32, #tpu.memory_space<hbm>>
    %dma_wait3A_277 = tpu.memref_squeeze %dma_wait3A_276 : memref<1x32x1024xf32, #tpu.memory_space<hbm>> -> memref<32x1024xf32, #tpu.memory_space<hbm>>
    tpu.wait_dma2 semaphore(%arg9 : memref<!tpu.dma_semaphore, #tpu.memory_space<semaphore_mem>>) src(%dma_wait3A_277 : memref<32x1024xf32, #tpu.memory_space<hbm>>) dst(%dma_wait3A_274 : memref<32x1024xf32, #tpu.memory_space<vmem>>)
    %add3A_278 = arith.constant 192 : i32
    %add3A_279 = arith.addi %mul3A_32, %add3A_278 : i32
    %dma_start3A_280 = arith.constant 0 : i32
    %dma_start3A_281 = arith.constant 0 : i32
    %dma_start3A_282 = arith.constant 0 : i32
    %dma_start3A_283 = tpu.memref_slice %arg6[%dma_start3A_280, %dma_start3A_281, %dma_start3A_282] : memref<2x32x1024xf32, #tpu.memory_space<vmem>> -> memref<1x32x1024xf32, #tpu.memory_space<vmem>>
    %dma_start3A_284 = tpu.memref_squeeze %dma_start3A_283 : memref<1x32x1024xf32, #tpu.memory_space<vmem>> -> memref<32x1024xf32, #tpu.memory_space<vmem>>
    %dma_start3A_285 = arith.constant 0 : i32
    %dma_start3A_286 = tpu.memref_slice %arg2[%select_n3A, %add3A_279, %dma_start3A_285] : memref<16x1024x1024xf32, #tpu.memory_space<hbm>> -> memref<1x32x1024xf32, #tpu.memory_space<hbm>>
    %dma_start3A_287 = tpu.memref_squeeze %dma_start3A_286 : memref<1x32x1024xf32, #tpu.memory_space<hbm>> -> memref<32x1024xf32, #tpu.memory_space<hbm>>
    %dma_start3A_288 = arith.constant 0 : i32
    %dma_start3A_289 = arith.constant 0 : i32
    %dma_start3A_290 = tpu.memref_slice %arg6[%dma_start3A_280, %dma_start3A_288, %dma_start3A_289] : memref<2x32x1024xf32, #tpu.memory_space<vmem>> -> memref<1x32x1024xf32, #tpu.memory_space<vmem>>
    %dma_start3A_291 = tpu.memref_squeeze %dma_start3A_290 : memref<1x32x1024xf32, #tpu.memory_space<vmem>> -> memref<32x1024xf32, #tpu.memory_space<vmem>>
    %dma_start3A_292 = arith.constant 0 : i32
    %dma_start3A_293 = tpu.memref_slice %arg2[%select_n3A, %add3A_279, %dma_start3A_292] : memref<16x1024x1024xf32, #tpu.memory_space<hbm>> -> memref<1x32x1024xf32, #tpu.memory_space<hbm>>
    %dma_start3A_294 = tpu.memref_squeeze %dma_start3A_293 : memref<1x32x1024xf32, #tpu.memory_space<hbm>> -> memref<32x1024xf32, #tpu.memory_space<hbm>>
    tpu.enqueue_dma source(%dma_start3A_294 : memref<32x1024xf32, #tpu.memory_space<hbm>>) target(%dma_start3A_291 : memref<32x1024xf32, #tpu.memory_space<vmem>>) target_semaphore(%arg8 : memref<!tpu.dma_semaphore, #tpu.memory_space<semaphore_mem>>)
    %scan3A_295 = arith.constant 0 : i32
    %scan3A_296 = arith.constant 0 : i32
    %scan3A_297 = arith.constant 32 : i32
    %scan3A_298 = arith.addi %scan3A_296, %scan3A_297 : i32
    %scan3A_299 = arith.constant 1 : i32
    %scan3A_300 = scf.for %scan3A_717 = %scan3A_296 to %scan3A_298 step %scan3A_299 iter_args(%scan3A_718 = %scan3A_295) -> (i32)  : i32 {
      %scan3A_719 = arith.constant 0 : i32
      %scan3A_720 = arith.constant 64 : i32
      %scan3A_721 = arith.addi %scan3A_719, %scan3A_720 : i32
      %scan3A_722 = arith.constant 1 : i32
      %scan3A_723:6 = scf.for %scan3A_737 = %scan3A_719 to %scan3A_721 step %scan3A_722 iter_args(%scan3A_738 = %broadcast_in_dim3A_47, %scan3A_739 = %broadcast_in_dim3A_47, %scan3A_740 = %broadcast_in_dim3A_47, %scan3A_741 = %broadcast_in_dim3A_47, %scan3A_742 = %broadcast_in_dim3A_47, %scan3A_743 = %broadcast_in_dim3A_47) -> (vector<16xf32>, vector<16xf32>, vector<16xf32>, vector<16xf32>, vector<16xf32>, vector<16xf32>)  : i32 {
        %mul3A_744 = arith.constant 16 : i32
        %mul3A_745 = arith.muli %scan3A_737, %mul3A_744 : i32
        %get3A = arith.constant 1 : i32
        %get3A_746 = arith.index_cast %get3A : i32 to index
        %get3A_747 = arith.index_cast %scan3A_717 : i32 to index
        %get3A_748 = arith.index_cast %mul3A_745 : i32 to index
        %get3A_749 = tpu.vector_load %arg6[%get3A_746, %get3A_747, %get3A_748] {strides = array<i32>} : memref<2x32x1024xf32, #tpu.memory_space<vmem>>, vector<16xf32>,
        %mul3A_750 = arith.constant 16 : i32
        %mul3A_751 = arith.muli %scan3A_737, %mul3A_750 : i32
        %get3A_752 = arith.index_cast %mul3A_751 : i32 to index
        %get3A_753 = tpu.vector_load %arg5[%get3A_752] {strides = array<i32>} : memref<1024xf32, #tpu.memory_space<vmem>>, vector<16xf32>,
        %mul3A_754 = arith.mulf %get3A_749, %get3A_753 : vector<16xf32>
        %sub3A_755 = arith.subf %get3A_749, %mul3A_754 : vector<16xf32>
        %gt3A = arith.cmpf ogt, %mul3A_754, %scan3A_740 : vector<16xf32>
        %reduce_or3A = arith.constant 1.000000e+00 : f32
        %reduce_or3A_756 = arith.constant 0.000000e+00 : f32
        %reduce_or3A_757 = vector.broadcast %reduce_or3A : f32 to vector<16xf32>
        %reduce_or3A_758 = vector.broadcast %reduce_or3A_756 : f32 to vector<16xf32>
        %reduce_or3A_759 = arith.select %gt3A, %reduce_or3A_757, %reduce_or3A_758 : vector<16xi1>, vector<16xf32>
        %reduce_or3A_760 = arith.constant true
        %reduce_or3A_761 = vector.broadcast %reduce_or3A_760 : i1 to vector<16xi1>
        %reduce_or3A_762 = tpu.scan <max>, %reduce_or3A_759 masked %reduce_or3A_761 : vector<16xf32>, vector<16xi1> -> vector<16xf32>
        %reduce_or3A_763 = vector.extract %reduce_or3A_762[15] : f32 from vector<16xf32>
        %reduce_or3A_764 = arith.constant 0.000000e+00 : f32
        %reduce_or3A_765 = arith.cmpf ogt, %reduce_or3A_763, %reduce_or3A_764 : f32
        %convert_element_type3A = arith.extui %reduce_or3A_765 : i1 to i32
        %cond3A = arith.constant 0 : i32
        %cond3A_766 = arith.cmpi ne, %convert_element_type3A, %cond3A : i32
        %cond3A_767:3 = scf.if %cond3A_766 -> (vector<16xf32>, vector<16xf32>, vector<16xf32>) {
          %masked_sort3A = arith.constant dense<true> : vector<16xi1>
          %masked_sort3A_784, %masked_sort3A_785, %masked_sort3A_786 = tpu.sort %mul3A_754, %mul3A_754 masked %masked_sort3A {descending = true} : (vector<16xf32>, vector<16xf32>, vector<16xi1>) -> (vector<16xi1>, vector<16xf32>, vector<16xf32>)
          %rev3A = arith.constant 15 : i32
          %rev3A_787 = vector.broadcast %rev3A : i32 to vector<16xi32>
          %rev3A_788 = tpu.iota {dimensions = array<i32: 0>} : vector<16xi32>
          %rev3A_789 = arith.subi %rev3A_787, %rev3A_788 : vector<16xi32>
          %rev3A_790 = tpu.dynamic_gather %masked_sort3A_785[%rev3A_789] in [0] : vector<16xf32>, vector<16xi32> -> vector<16xf32>
          %max3A = arith.maximumf %scan3A_739, %rev3A_790 : vector<16xf32>
          %max3A_791 = arith.maximumf %scan3A_738, %max3A : vector<16xf32>
          %min3A = arith.minimumf %scan3A_738, %max3A : vector<16xf32>
          %masked_sort3A_792 = arith.constant dense<true> : vector<16xi1>
          %masked_sort3A_793, %masked_sort3A_794, %masked_sort3A_795 = tpu.sort %max3A_791, %max3A_791 masked %masked_sort3A_792 {descending = true} : (vector<16xf32>, vector<16xf32>, vector<16xi1>) -> (vector<16xi1>, vector<16xf32>, vector<16xf32>)
          %masked_sort3A_796 = arith.constant dense<true> : vector<16xi1>
          %masked_sort3A_797, %masked_sort3A_798, %masked_sort3A_799 = tpu.sort %min3A, %min3A masked %masked_sort3A_796 {descending = true} : (vector<16xf32>, vector<16xf32>, vector<16xi1>) -> (vector<16xi1>, vector<16xf32>, vector<16xf32>)
          %broadcast_in_dim3A_800 = arith.constant 15 : i32
          %broadcast_in_dim3A_801 = vector.broadcast %broadcast_in_dim3A_800 : i32 to vector<16x1xi32>
          %gather3A = vector.shape_cast %broadcast_in_dim3A_801 : vector<16x1xi32> to vector<16xi32>
          %gather3A_802 = tpu.dynamic_gather %masked_sort3A_798[%gather3A] in [0] : vector<16xf32>, vector<16xi32> -> vector<16xf32>
          scf.yield %masked_sort3A_794, %masked_sort3A_798, %gather3A_802 : vector<16xf32>, vector<16xf32>, vector<16xf32>
        } else {
          scf.yield %scan3A_738, %scan3A_739, %scan3A_740 : vector<16xf32>, vector<16xf32>, vector<16xf32>
        }
        %gt3A_768 = arith.cmpf ogt, %sub3A_755, %scan3A_743 : vector<16xf32>
        %reduce_or3A_769 = arith.constant 1.000000e+00 : f32
        %reduce_or3A_770 = arith.constant 0.000000e+00 : f32
        %reduce_or3A_771 = vector.broadcast %reduce_or3A_769 : f32 to vector<16xf32>
        %reduce_or3A_772 = vector.broadcast %reduce_or3A_770 : f32 to vector<16xf32>
        %reduce_or3A_773 = arith.select %gt3A_768, %reduce_or3A_771, %reduce_or3A_772 : vector<16xi1>, vector<16xf32>
        %reduce_or3A_774 = arith.constant true
        %reduce_or3A_775 = vector.broadcast %reduce_or3A_774 : i1 to vector<16xi1>
        %reduce_or3A_776 = tpu.scan <max>, %reduce_or3A_773 masked %reduce_or3A_775 : vector<16xf32>, vector<16xi1> -> vector<16xf32>
        %reduce_or3A_777 = vector.extract %reduce_or3A_776[15] : f32 from vector<16xf32>
        %reduce_or3A_778 = arith.constant 0.000000e+00 : f32
        %reduce_or3A_779 = arith.cmpf ogt, %reduce_or3A_777, %reduce_or3A_778 : f32
        %convert_element_type3A_780 = arith.extui %reduce_or3A_779 : i1 to i32
        %cond3A_781 = arith.constant 0 : i32
        %cond3A_782 = arith.cmpi ne, %convert_element_type3A_780, %cond3A_781 : i32
        %cond3A_783:3 = scf.if %cond3A_782 -> (vector<16xf32>, vector<16xf32>, vector<16xf32>) {
          %masked_sort3A = arith.constant dense<true> : vector<16xi1>
          %masked_sort3A_784, %masked_sort3A_785, %masked_sort3A_786 = tpu.sort %sub3A_755, %sub3A_755 masked %masked_sort3A {descending = true} : (vector<16xf32>, vector<16xf32>, vector<16xi1>) -> (vector<16xi1>, vector<16xf32>, vector<16xf32>)
          %rev3A = arith.constant 15 : i32
          %rev3A_787 = vector.broadcast %rev3A : i32 to vector<16xi32>
          %rev3A_788 = tpu.iota {dimensions = array<i32: 0>} : vector<16xi32>
          %rev3A_789 = arith.subi %rev3A_787, %rev3A_788 : vector<16xi32>
          %rev3A_790 = tpu.dynamic_gather %masked_sort3A_785[%rev3A_789] in [0] : vector<16xf32>, vector<16xi32> -> vector<16xf32>
          %max3A = arith.maximumf %scan3A_742, %rev3A_790 : vector<16xf32>
          %max3A_791 = arith.maximumf %scan3A_741, %max3A : vector<16xf32>
          %min3A = arith.minimumf %scan3A_741, %max3A : vector<16xf32>
          %masked_sort3A_792 = arith.constant dense<true> : vector<16xi1>
          %masked_sort3A_793, %masked_sort3A_794, %masked_sort3A_795 = tpu.sort %max3A_791, %max3A_791 masked %masked_sort3A_792 {descending = true} : (vector<16xf32>, vector<16xf32>, vector<16xi1>) -> (vector<16xi1>, vector<16xf32>, vector<16xf32>)
          %masked_sort3A_796 = arith.constant dense<true> : vector<16xi1>
          %masked_sort3A_797, %masked_sort3A_798, %masked_sort3A_799 = tpu.sort %min3A, %min3A masked %masked_sort3A_796 {descending = true} : (vector<16xf32>, vector<16xf32>, vector<16xi1>) -> (vector<16xi1>, vector<16xf32>, vector<16xf32>)
          %broadcast_in_dim3A_800 = arith.constant 15 : i32
          %broadcast_in_dim3A_801 = vector.broadcast %broadcast_in_dim3A_800 : i32 to vector<16x1xi32>
          %gather3A = vector.shape_cast %broadcast_in_dim3A_801 : vector<16x1xi32> to vector<16xi32>
          %gather3A_802 = tpu.dynamic_gather %masked_sort3A_798[%gather3A] in [0] : vector<16xf32>, vector<16xi32> -> vector<16xf32>
          scf.yield %masked_sort3A_794, %masked_sort3A_798, %gather3A_802 : vector<16xf32>, vector<16xf32>, vector<16xf32>
        } else {
          scf.yield %scan3A_741, %scan3A_742, %scan3A_743 : vector<16xf32>, vector<16xf32>, vector<16xf32>
        }
        scf.yield %cond3A_767#0, %cond3A_767#1, %cond3A_767#2, %cond3A_783#0, %cond3A_783#1, %cond3A_783#2 : vector<16xf32>, vector<16xf32>, vector<16xf32>, vector<16xf32>, vector<16xf32>, vector<16xf32>
      }
      %scan3A_724 = arith.constant 64 : i32
      %swap3A = arith.index_cast %scan3A_717 : i32 to index
      %swap3A_725 = arith.constant 0 : index
      %swap3A_726 = tpu.vector_load %arg7[%swap3A, %swap3A_725] {strides = array<i32>} : memref<32x64xf32, #tpu.memory_space<vmem>>, vector<16xf32>,
      tpu.vector_store %arg7[%swap3A, %swap3A_725], %scan3A_723#3 {strides = array<i32>} : memref<32x64xf32, #tpu.memory_space<vmem>>, vector<16xf32>,
      %swap3A_727 = arith.index_cast %scan3A_717 : i32 to index
      %swap3A_728 = arith.constant 16 : index
      %swap3A_729 = tpu.vector_load %arg7[%swap3A_727, %swap3A_728] {strides = array<i32>} : memref<32x64xf32, #tpu.memory_space<vmem>>, vector<16xf32>,
      tpu.vector_store %arg7[%swap3A_727, %swap3A_728], %scan3A_723#4 {strides = array<i32>} : memref<32x64xf32, #tpu.memory_space<vmem>>, vector<16xf32>,
      %swap3A_730 = arith.index_cast %scan3A_717 : i32 to index
      %swap3A_731 = arith.constant 32 : index
      %swap3A_732 = tpu.vector_load %arg7[%swap3A_730, %swap3A_731] {strides = array<i32>} : memref<32x64xf32, #tpu.memory_space<vmem>>, vector<16xf32>,
      tpu.vector_store %arg7[%swap3A_730, %swap3A_731], %scan3A_723#0 {strides = array<i32>} : memref<32x64xf32, #tpu.memory_space<vmem>>, vector<16xf32>,
      %swap3A_733 = arith.index_cast %scan3A_717 : i32 to index
      %swap3A_734 = arith.constant 48 : index
      %swap3A_735 = tpu.vector_load %arg7[%swap3A_733, %swap3A_734] {strides = array<i32>} : memref<32x64xf32, #tpu.memory_space<vmem>>, vector<16xf32>,
      tpu.vector_store %arg7[%swap3A_733, %swap3A_734], %scan3A_723#1 {strides = array<i32>} : memref<32x64xf32, #tpu.memory_space<vmem>>, vector<16xf32>,
      %scan3A_736 = arith.constant 0 : i32
      scf.yield %scan3A_736 : i32
    }
    %scan3A_301 = arith.constant 32 : i32
    %add3A_302 = arith.constant 160 : i32
    %add3A_303 = arith.addi %mul3A_32, %add3A_302 : i32
    "tpu.region"() ({
      %run_scoped3A = tpu.sem_alloc : memref<!tpu.dma_semaphore, #tpu.memory_space<semaphore_mem>>
      %dma_start3A_717 = arith.constant 0 : i32
      %dma_start3A_718 = tpu.memref_slice %arg4[%select_n3A, %add3A_303, %dma_start3A_717] : memref<16x1024x64xf32, #tpu.memory_space<hbm>> -> memref<1x32x64xf32, #tpu.memory_space<hbm>>
      %dma_start3A_719 = tpu.memref_squeeze %dma_start3A_718 : memref<1x32x64xf32, #tpu.memory_space<hbm>> -> memref<32x64xf32, #tpu.memory_space<hbm>>
      %dma_start3A_720 = arith.constant 0 : i32
      %dma_start3A_721 = tpu.memref_slice %arg4[%select_n3A, %add3A_303, %dma_start3A_720] : memref<16x1024x64xf32, #tpu.memory_space<hbm>> -> memref<1x32x64xf32, #tpu.memory_space<hbm>>
      %dma_start3A_722 = tpu.memref_squeeze %dma_start3A_721 : memref<1x32x64xf32, #tpu.memory_space<hbm>> -> memref<32x64xf32, #tpu.memory_space<hbm>>
      tpu.enqueue_dma source(%arg7 : memref<32x64xf32, #tpu.memory_space<vmem>>) target(%dma_start3A_722 : memref<32x64xf32, #tpu.memory_space<hbm>>) target_semaphore(%run_scoped3A : memref<!tpu.dma_semaphore, #tpu.memory_space<semaphore_mem>>)
      %dma_wait3A_723 = arith.constant 0 : i32
      %dma_wait3A_724 = tpu.memref_slice %arg4[%select_n3A, %add3A_303, %dma_wait3A_723] : memref<16x1024x64xf32, #tpu.memory_space<hbm>> -> memref<1x32x64xf32, #tpu.memory_space<hbm>>
      %dma_wait3A_725 = tpu.memref_squeeze %dma_wait3A_724 : memref<1x32x64xf32, #tpu.memory_space<hbm>> -> memref<32x64xf32, #tpu.memory_space<hbm>>
      %dma_wait3A_726 = arith.constant 0 : i32
      %dma_wait3A_727 = tpu.memref_slice %arg4[%select_n3A, %add3A_303, %dma_wait3A_726] : memref<16x1024x64xf32, #tpu.memory_space<hbm>> -> memref<1x32x64xf32, #tpu.memory_space<hbm>>
      %dma_wait3A_728 = tpu.memref_squeeze %dma_wait3A_727 : memref<1x32x64xf32, #tpu.memory_space<hbm>> -> memref<32x64xf32, #tpu.memory_space<hbm>>
      tpu.wait_dma2 semaphore(%run_scoped3A : memref<!tpu.dma_semaphore, #tpu.memory_space<semaphore_mem>>) src(%arg7 : memref<32x64xf32, #tpu.memory_space<vmem>>) dst(%dma_wait3A_728 : memref<32x64xf32, #tpu.memory_space<hbm>>)
      tpu.yield
    }) : () -> ()
    %add3A_304 = arith.constant 192 : i32
    %add3A_305 = arith.addi %mul3A_32, %add3A_304 : i32
    %dma_wait3A_306 = arith.constant 0 : i32
    %dma_wait3A_307 = arith.constant 0 : i32
    %dma_wait3A_308 = arith.constant 0 : i32
    %dma_wait3A_309 = tpu.memref_slice %arg6[%dma_wait3A_306, %dma_wait3A_307, %dma_wait3A_308] : memref<2x32x1024xf32, #tpu.memory_space<vmem>> -> memref<1x32x1024xf32, #tpu.memory_space<vmem>>
    %dma_wait3A_310 = tpu.memref_squeeze %dma_wait3A_309 : memref<1x32x1024xf32, #tpu.memory_space<vmem>> -> memref<32x1024xf32, #tpu.memory_space<vmem>>
    %dma_wait3A_311 = arith.constant 0 : i32
    %dma_wait3A_312 = tpu.memref_slice %arg2[%select_n3A, %add3A_305, %dma_wait3A_311] : memref<16x1024x1024xf32, #tpu.memory_space<hbm>> -> memref<1x32x1024xf32, #tpu.memory_space<hbm>>
    %dma_wait3A_313 = tpu.memref_squeeze %dma_wait3A_312 : memref<1x32x1024xf32, #tpu.memory_space<hbm>> -> memref<32x1024xf32, #tpu.memory_space<hbm>>
    %dma_wait3A_314 = arith.constant 0 : i32
    %dma_wait3A_315 = arith.constant 0 : i32
    %dma_wait3A_316 = tpu.memref_slice %arg6[%dma_wait3A_306, %dma_wait3A_314, %dma_wait3A_315] : memref<2x32x1024xf32, #tpu.memory_space<vmem>> -> memref<1x32x1024xf32, #tpu.memory_space<vmem>>
    %dma_wait3A_317 = tpu.memref_squeeze %dma_wait3A_316 : memref<1x32x1024xf32, #tpu.memory_space<vmem>> -> memref<32x1024xf32, #tpu.memory_space<vmem>>
    %dma_wait3A_318 = arith.constant 0 : i32
    %dma_wait3A_319 = tpu.memref_slice %arg2[%select_n3A, %add3A_305, %dma_wait3A_318] : memref<16x1024x1024xf32, #tpu.memory_space<hbm>> -> memref<1x32x1024xf32, #tpu.memory_space<hbm>>
    %dma_wait3A_320 = tpu.memref_squeeze %dma_wait3A_319 : memref<1x32x1024xf32, #tpu.memory_space<hbm>> -> memref<32x1024xf32, #tpu.memory_space<hbm>>
    tpu.wait_dma2 semaphore(%arg8 : memref<!tpu.dma_semaphore, #tpu.memory_space<semaphore_mem>>) src(%dma_wait3A_320 : memref<32x1024xf32, #tpu.memory_space<hbm>>) dst(%dma_wait3A_317 : memref<32x1024xf32, #tpu.memory_space<vmem>>)
    %add3A_321 = arith.constant 224 : i32
    %add3A_322 = arith.addi %mul3A_32, %add3A_321 : i32
    %dma_start3A_323 = arith.constant 1 : i32
    %dma_start3A_324 = arith.constant 0 : i32
    %dma_start3A_325 = arith.constant 0 : i32
    %dma_start3A_326 = tpu.memref_slice %arg6[%dma_start3A_323, %dma_start3A_324, %dma_start3A_325] : memref<2x32x1024xf32, #tpu.memory_space<vmem>> -> memref<1x32x1024xf32, #tpu.memory_space<vmem>>
    %dma_start3A_327 = tpu.memref_squeeze %dma_start3A_326 : memref<1x32x1024xf32, #tpu.memory_space<vmem>> -> memref<32x1024xf32, #tpu.memory_space<vmem>>
    %dma_start3A_328 = arith.constant 0 : i32
    %dma_start3A_329 = tpu.memref_slice %arg2[%select_n3A, %add3A_322, %dma_start3A_328] : memref<16x1024x1024xf32, #tpu.memory_space<hbm>> -> memref<1x32x1024xf32, #tpu.memory_space<hbm>>
    %dma_start3A_330 = tpu.memref_squeeze %dma_start3A_329 : memref<1x32x1024xf32, #tpu.memory_space<hbm>> -> memref<32x1024xf32, #tpu.memory_space<hbm>>
    %dma_start3A_331 = arith.constant 0 : i32
    %dma_start3A_332 = arith.constant 0 : i32
    %dma_start3A_333 = tpu.memref_slice %arg6[%dma_start3A_323, %dma_start3A_331, %dma_start3A_332] : memref<2x32x1024xf32, #tpu.memory_space<vmem>> -> memref<1x32x1024xf32, #tpu.memory_space<vmem>>
    %dma_start3A_334 = tpu.memref_squeeze %dma_start3A_333 : memref<1x32x1024xf32, #tpu.memory_space<vmem>> -> memref<32x1024xf32, #tpu.memory_space<vmem>>
    %dma_start3A_335 = arith.constant 0 : i32
    %dma_start3A_336 = tpu.memref_slice %arg2[%select_n3A, %add3A_322, %dma_start3A_335] : memref<16x1024x1024xf32, #tpu.memory_space<hbm>> -> memref<1x32x1024xf32, #tpu.memory_space<hbm>>
    %dma_start3A_337 = tpu.memref_squeeze %dma_start3A_336 : memref<1x32x1024xf32, #tpu.memory_space<hbm>> -> memref<32x1024xf32, #tpu.memory_space<hbm>>
    tpu.enqueue_dma source(%dma_start3A_337 : memref<32x1024xf32, #tpu.memory_space<hbm>>) target(%dma_start3A_334 : memref<32x1024xf32, #tpu.memory_space<vmem>>) target_semaphore(%arg9 : memref<!tpu.dma_semaphore, #tpu.memory_space<semaphore_mem>>)
    %scan3A_338 = arith.constant 0 : i32
    %scan3A_339 = arith.constant 0 : i32
    %scan3A_340 = arith.constant 32 : i32
    %scan3A_341 = arith.addi %scan3A_339, %scan3A_340 : i32
    %scan3A_342 = arith.constant 1 : i32
    %scan3A_343 = scf.for %scan3A_717 = %scan3A_339 to %scan3A_341 step %scan3A_342 iter_args(%scan3A_718 = %scan3A_338) -> (i32)  : i32 {
      %scan3A_719 = arith.constant 0 : i32
      %scan3A_720 = arith.constant 64 : i32
      %scan3A_721 = arith.addi %scan3A_719, %scan3A_720 : i32
      %scan3A_722 = arith.constant 1 : i32
      %scan3A_723:6 = scf.for %scan3A_737 = %scan3A_719 to %scan3A_721 step %scan3A_722 iter_args(%scan3A_738 = %broadcast_in_dim3A_47, %scan3A_739 = %broadcast_in_dim3A_47, %scan3A_740 = %broadcast_in_dim3A_47, %scan3A_741 = %broadcast_in_dim3A_47, %scan3A_742 = %broadcast_in_dim3A_47, %scan3A_743 = %broadcast_in_dim3A_47) -> (vector<16xf32>, vector<16xf32>, vector<16xf32>, vector<16xf32>, vector<16xf32>, vector<16xf32>)  : i32 {
        %mul3A_744 = arith.constant 16 : i32
        %mul3A_745 = arith.muli %scan3A_737, %mul3A_744 : i32
        %get3A = arith.constant 0 : i32
        %get3A_746 = arith.index_cast %get3A : i32 to index
        %get3A_747 = arith.index_cast %scan3A_717 : i32 to index
        %get3A_748 = arith.index_cast %mul3A_745 : i32 to index
        %get3A_749 = tpu.vector_load %arg6[%get3A_746, %get3A_747, %get3A_748] {strides = array<i32>} : memref<2x32x1024xf32, #tpu.memory_space<vmem>>, vector<16xf32>,
        %mul3A_750 = arith.constant 16 : i32
        %mul3A_751 = arith.muli %scan3A_737, %mul3A_750 : i32
        %get3A_752 = arith.index_cast %mul3A_751 : i32 to index
        %get3A_753 = tpu.vector_load %arg5[%get3A_752] {strides = array<i32>} : memref<1024xf32, #tpu.memory_space<vmem>>, vector<16xf32>,
        %mul3A_754 = arith.mulf %get3A_749, %get3A_753 : vector<16xf32>
        %sub3A_755 = arith.subf %get3A_749, %mul3A_754 : vector<16xf32>
        %gt3A = arith.cmpf ogt, %mul3A_754, %scan3A_740 : vector<16xf32>
        %reduce_or3A = arith.constant 1.000000e+00 : f32
        %reduce_or3A_756 = arith.constant 0.000000e+00 : f32
        %reduce_or3A_757 = vector.broadcast %reduce_or3A : f32 to vector<16xf32>
        %reduce_or3A_758 = vector.broadcast %reduce_or3A_756 : f32 to vector<16xf32>
        %reduce_or3A_759 = arith.select %gt3A, %reduce_or3A_757, %reduce_or3A_758 : vector<16xi1>, vector<16xf32>
        %reduce_or3A_760 = arith.constant true
        %reduce_or3A_761 = vector.broadcast %reduce_or3A_760 : i1 to vector<16xi1>
        %reduce_or3A_762 = tpu.scan <max>, %reduce_or3A_759 masked %reduce_or3A_761 : vector<16xf32>, vector<16xi1> -> vector<16xf32>
        %reduce_or3A_763 = vector.extract %reduce_or3A_762[15] : f32 from vector<16xf32>
        %reduce_or3A_764 = arith.constant 0.000000e+00 : f32
        %reduce_or3A_765 = arith.cmpf ogt, %reduce_or3A_763, %reduce_or3A_764 : f32
        %convert_element_type3A = arith.extui %reduce_or3A_765 : i1 to i32
        %cond3A = arith.constant 0 : i32
        %cond3A_766 = arith.cmpi ne, %convert_element_type3A, %cond3A : i32
        %cond3A_767:3 = scf.if %cond3A_766 -> (vector<16xf32>, vector<16xf32>, vector<16xf32>) {
          %masked_sort3A = arith.constant dense<true> : vector<16xi1>
          %masked_sort3A_784, %masked_sort3A_785, %masked_sort3A_786 = tpu.sort %mul3A_754, %mul3A_754 masked %masked_sort3A {descending = true} : (vector<16xf32>, vector<16xf32>, vector<16xi1>) -> (vector<16xi1>, vector<16xf32>, vector<16xf32>)
          %rev3A = arith.constant 15 : i32
          %rev3A_787 = vector.broadcast %rev3A : i32 to vector<16xi32>
          %rev3A_788 = tpu.iota {dimensions = array<i32: 0>} : vector<16xi32>
          %rev3A_789 = arith.subi %rev3A_787, %rev3A_788 : vector<16xi32>
          %rev3A_790 = tpu.dynamic_gather %masked_sort3A_785[%rev3A_789] in [0] : vector<16xf32>, vector<16xi32> -> vector<16xf32>
          %max3A = arith.maximumf %scan3A_739, %rev3A_790 : vector<16xf32>
          %max3A_791 = arith.maximumf %scan3A_738, %max3A : vector<16xf32>
          %min3A = arith.minimumf %scan3A_738, %max3A : vector<16xf32>
          %masked_sort3A_792 = arith.constant dense<true> : vector<16xi1>
          %masked_sort3A_793, %masked_sort3A_794, %masked_sort3A_795 = tpu.sort %max3A_791, %max3A_791 masked %masked_sort3A_792 {descending = true} : (vector<16xf32>, vector<16xf32>, vector<16xi1>) -> (vector<16xi1>, vector<16xf32>, vector<16xf32>)
          %masked_sort3A_796 = arith.constant dense<true> : vector<16xi1>
          %masked_sort3A_797, %masked_sort3A_798, %masked_sort3A_799 = tpu.sort %min3A, %min3A masked %masked_sort3A_796 {descending = true} : (vector<16xf32>, vector<16xf32>, vector<16xi1>) -> (vector<16xi1>, vector<16xf32>, vector<16xf32>)
          %broadcast_in_dim3A_800 = arith.constant 15 : i32
          %broadcast_in_dim3A_801 = vector.broadcast %broadcast_in_dim3A_800 : i32 to vector<16x1xi32>
          %gather3A = vector.shape_cast %broadcast_in_dim3A_801 : vector<16x1xi32> to vector<16xi32>
          %gather3A_802 = tpu.dynamic_gather %masked_sort3A_798[%gather3A] in [0] : vector<16xf32>, vector<16xi32> -> vector<16xf32>
          scf.yield %masked_sort3A_794, %masked_sort3A_798, %gather3A_802 : vector<16xf32>, vector<16xf32>, vector<16xf32>
        } else {
          scf.yield %scan3A_738, %scan3A_739, %scan3A_740 : vector<16xf32>, vector<16xf32>, vector<16xf32>
        }
        %gt3A_768 = arith.cmpf ogt, %sub3A_755, %scan3A_743 : vector<16xf32>
        %reduce_or3A_769 = arith.constant 1.000000e+00 : f32
        %reduce_or3A_770 = arith.constant 0.000000e+00 : f32
        %reduce_or3A_771 = vector.broadcast %reduce_or3A_769 : f32 to vector<16xf32>
        %reduce_or3A_772 = vector.broadcast %reduce_or3A_770 : f32 to vector<16xf32>
        %reduce_or3A_773 = arith.select %gt3A_768, %reduce_or3A_771, %reduce_or3A_772 : vector<16xi1>, vector<16xf32>
        %reduce_or3A_774 = arith.constant true
        %reduce_or3A_775 = vector.broadcast %reduce_or3A_774 : i1 to vector<16xi1>
        %reduce_or3A_776 = tpu.scan <max>, %reduce_or3A_773 masked %reduce_or3A_775 : vector<16xf32>, vector<16xi1> -> vector<16xf32>
        %reduce_or3A_777 = vector.extract %reduce_or3A_776[15] : f32 from vector<16xf32>
        %reduce_or3A_778 = arith.constant 0.000000e+00 : f32
        %reduce_or3A_779 = arith.cmpf ogt, %reduce_or3A_777, %reduce_or3A_778 : f32
        %convert_element_type3A_780 = arith.extui %reduce_or3A_779 : i1 to i32
        %cond3A_781 = arith.constant 0 : i32
        %cond3A_782 = arith.cmpi ne, %convert_element_type3A_780, %cond3A_781 : i32
        %cond3A_783:3 = scf.if %cond3A_782 -> (vector<16xf32>, vector<16xf32>, vector<16xf32>) {
          %masked_sort3A = arith.constant dense<true> : vector<16xi1>
          %masked_sort3A_784, %masked_sort3A_785, %masked_sort3A_786 = tpu.sort %sub3A_755, %sub3A_755 masked %masked_sort3A {descending = true} : (vector<16xf32>, vector<16xf32>, vector<16xi1>) -> (vector<16xi1>, vector<16xf32>, vector<16xf32>)
          %rev3A = arith.constant 15 : i32
          %rev3A_787 = vector.broadcast %rev3A : i32 to vector<16xi32>
          %rev3A_788 = tpu.iota {dimensions = array<i32: 0>} : vector<16xi32>
          %rev3A_789 = arith.subi %rev3A_787, %rev3A_788 : vector<16xi32>
          %rev3A_790 = tpu.dynamic_gather %masked_sort3A_785[%rev3A_789] in [0] : vector<16xf32>, vector<16xi32> -> vector<16xf32>
          %max3A = arith.maximumf %scan3A_742, %rev3A_790 : vector<16xf32>
          %max3A_791 = arith.maximumf %scan3A_741, %max3A : vector<16xf32>
          %min3A = arith.minimumf %scan3A_741, %max3A : vector<16xf32>
          %masked_sort3A_792 = arith.constant dense<true> : vector<16xi1>
          %masked_sort3A_793, %masked_sort3A_794, %masked_sort3A_795 = tpu.sort %max3A_791, %max3A_791 masked %masked_sort3A_792 {descending = true} : (vector<16xf32>, vector<16xf32>, vector<16xi1>) -> (vector<16xi1>, vector<16xf32>, vector<16xf32>)
          %masked_sort3A_796 = arith.constant dense<true> : vector<16xi1>
          %masked_sort3A_797, %masked_sort3A_798, %masked_sort3A_799 = tpu.sort %min3A, %min3A masked %masked_sort3A_796 {descending = true} : (vector<16xf32>, vector<16xf32>, vector<16xi1>) -> (vector<16xi1>, vector<16xf32>, vector<16xf32>)
          %broadcast_in_dim3A_800 = arith.constant 15 : i32
          %broadcast_in_dim3A_801 = vector.broadcast %broadcast_in_dim3A_800 : i32 to vector<16x1xi32>
          %gather3A = vector.shape_cast %broadcast_in_dim3A_801 : vector<16x1xi32> to vector<16xi32>
          %gather3A_802 = tpu.dynamic_gather %masked_sort3A_798[%gather3A] in [0] : vector<16xf32>, vector<16xi32> -> vector<16xf32>
          scf.yield %masked_sort3A_794, %masked_sort3A_798, %gather3A_802 : vector<16xf32>, vector<16xf32>, vector<16xf32>
        } else {
          scf.yield %scan3A_741, %scan3A_742, %scan3A_743 : vector<16xf32>, vector<16xf32>, vector<16xf32>
        }
        scf.yield %cond3A_767#0, %cond3A_767#1, %cond3A_767#2, %cond3A_783#0, %cond3A_783#1, %cond3A_783#2 : vector<16xf32>, vector<16xf32>, vector<16xf32>, vector<16xf32>, vector<16xf32>, vector<16xf32>
      }
      %scan3A_724 = arith.constant 64 : i32
      %swap3A = arith.index_cast %scan3A_717 : i32 to index
      %swap3A_725 = arith.constant 0 : index
      %swap3A_726 = tpu.vector_load %arg7[%swap3A, %swap3A_725] {strides = array<i32>} : memref<32x64xf32, #tpu.memory_space<vmem>>, vector<16xf32>,
      tpu.vector_store %arg7[%swap3A, %swap3A_725], %scan3A_723#3 {strides = array<i32>} : memref<32x64xf32, #tpu.memory_space<vmem>>, vector<16xf32>,
      %swap3A_727 = arith.index_cast %scan3A_717 : i32 to index
      %swap3A_728 = arith.constant 16 : index
      %swap3A_729 = tpu.vector_load %arg7[%swap3A_727, %swap3A_728] {strides = array<i32>} : memref<32x64xf32, #tpu.memory_space<vmem>>, vector<16xf32>,
      tpu.vector_store %arg7[%swap3A_727, %swap3A_728], %scan3A_723#4 {strides = array<i32>} : memref<32x64xf32, #tpu.memory_space<vmem>>, vector<16xf32>,
      %swap3A_730 = arith.index_cast %scan3A_717 : i32 to index
      %swap3A_731 = arith.constant 32 : index
      %swap3A_732 = tpu.vector_load %arg7[%swap3A_730, %swap3A_731] {strides = array<i32>} : memref<32x64xf32, #tpu.memory_space<vmem>>, vector<16xf32>,
      tpu.vector_store %arg7[%swap3A_730, %swap3A_731], %scan3A_723#0 {strides = array<i32>} : memref<32x64xf32, #tpu.memory_space<vmem>>, vector<16xf32>,
      %swap3A_733 = arith.index_cast %scan3A_717 : i32 to index
      %swap3A_734 = arith.constant 48 : index
      %swap3A_735 = tpu.vector_load %arg7[%swap3A_733, %swap3A_734] {strides = array<i32>} : memref<32x64xf32, #tpu.memory_space<vmem>>, vector<16xf32>,
      tpu.vector_store %arg7[%swap3A_733, %swap3A_734], %scan3A_723#1 {strides = array<i32>} : memref<32x64xf32, #tpu.memory_space<vmem>>, vector<16xf32>,
      %scan3A_736 = arith.constant 0 : i32
      scf.yield %scan3A_736 : i32
    }
    %scan3A_344 = arith.constant 32 : i32
    %add3A_345 = arith.constant 192 : i32
    %add3A_346 = arith.addi %mul3A_32, %add3A_345 : i32
    "tpu.region"() ({
      %run_scoped3A = tpu.sem_alloc : memref<!tpu.dma_semaphore, #tpu.memory_space<semaphore_mem>>
      %dma_start3A_717 = arith.constant 0 : i32
      %dma_start3A_718 = tpu.memref_slice %arg4[%select_n3A, %add3A_346, %dma_start3A_717] : memref<16x1024x64xf32, #tpu.memory_space<hbm>> -> memref<1x32x64xf32, #tpu.memory_space<hbm>>
      %dma_start3A_719 = tpu.memref_squeeze %dma_start3A_718 : memref<1x32x64xf32, #tpu.memory_space<hbm>> -> memref<32x64xf32, #tpu.memory_space<hbm>>
      %dma_start3A_720 = arith.constant 0 : i32
      %dma_start3A_721 = tpu.memref_slice %arg4[%select_n3A, %add3A_346, %dma_start3A_720] : memref<16x1024x64xf32, #tpu.memory_space<hbm>> -> memref<1x32x64xf32, #tpu.memory_space<hbm>>
      %dma_start3A_722 = tpu.memref_squeeze %dma_start3A_721 : memref<1x32x64xf32, #tpu.memory_space<hbm>> -> memref<32x64xf32, #tpu.memory_space<hbm>>
      tpu.enqueue_dma source(%arg7 : memref<32x64xf32, #tpu.memory_space<vmem>>) target(%dma_start3A_722 : memref<32x64xf32, #tpu.memory_space<hbm>>) target_semaphore(%run_scoped3A : memref<!tpu.dma_semaphore, #tpu.memory_space<semaphore_mem>>)
      %dma_wait3A_723 = arith.constant 0 : i32
      %dma_wait3A_724 = tpu.memref_slice %arg4[%select_n3A, %add3A_346, %dma_wait3A_723] : memref<16x1024x64xf32, #tpu.memory_space<hbm>> -> memref<1x32x64xf32, #tpu.memory_space<hbm>>
      %dma_wait3A_725 = tpu.memref_squeeze %dma_wait3A_724 : memref<1x32x64xf32, #tpu.memory_space<hbm>> -> memref<32x64xf32, #tpu.memory_space<hbm>>
      %dma_wait3A_726 = arith.constant 0 : i32
      %dma_wait3A_727 = tpu.memref_slice %arg4[%select_n3A, %add3A_346, %dma_wait3A_726] : memref<16x1024x64xf32, #tpu.memory_space<hbm>> -> memref<1x32x64xf32, #tpu.memory_space<hbm>>
      %dma_wait3A_728 = tpu.memref_squeeze %dma_wait3A_727 : memref<1x32x64xf32, #tpu.memory_space<hbm>> -> memref<32x64xf32, #tpu.memory_space<hbm>>
      tpu.wait_dma2 semaphore(%run_scoped3A : memref<!tpu.dma_semaphore, #tpu.memory_space<semaphore_mem>>) src(%arg7 : memref<32x64xf32, #tpu.memory_space<vmem>>) dst(%dma_wait3A_728 : memref<32x64xf32, #tpu.memory_space<hbm>>)
      tpu.yield
    }) : () -> ()
    %add3A_347 = arith.constant 224 : i32
    %add3A_348 = arith.addi %mul3A_32, %add3A_347 : i32
    %dma_wait3A_349 = arith.constant 1 : i32
    %dma_wait3A_350 = arith.constant 0 : i32
    %dma_wait3A_351 = arith.constant 0 : i32
    %dma_wait3A_352 = tpu.memref_slice %arg6[%dma_wait3A_349, %dma_wait3A_350, %dma_wait3A_351] : memref<2x32x1024xf32, #tpu.memory_space<vmem>> -> memref<1x32x1024xf32, #tpu.memory_space<vmem>>
    %dma_wait3A_353 = tpu.memref_squeeze %dma_wait3A_352 : memref<1x32x1024xf32, #tpu.memory_space<vmem>> -> memref<32x1024xf32, #tpu.memory_space<vmem>>
    %dma_wait3A_354 = arith.constant 0 : i32
    %dma_wait3A_355 = tpu.memref_slice %arg2[%select_n3A, %add3A_348, %dma_wait3A_354] : memref<16x1024x1024xf32, #tpu.memory_space<hbm>> -> memref<1x32x1024xf32, #tpu.memory_space<hbm>>
    %dma_wait3A_356 = tpu.memref_squeeze %dma_wait3A_355 : memref<1x32x1024xf32, #tpu.memory_space<hbm>> -> memref<32x1024xf32, #tpu.memory_space<hbm>>
    %dma_wait3A_357 = arith.constant 0 : i32
    %dma_wait3A_358 = arith.constant 0 : i32
    %dma_wait3A_359 = tpu.memref_slice %arg6[%dma_wait3A_349, %dma_wait3A_357, %dma_wait3A_358] : memref<2x32x1024xf32, #tpu.memory_space<vmem>> -> memref<1x32x1024xf32, #tpu.memory_space<vmem>>
    %dma_wait3A_360 = tpu.memref_squeeze %dma_wait3A_359 : memref<1x32x1024xf32, #tpu.memory_space<vmem>> -> memref<32x1024xf32, #tpu.memory_space<vmem>>
    %dma_wait3A_361 = arith.constant 0 : i32
    %dma_wait3A_362 = tpu.memref_slice %arg2[%select_n3A, %add3A_348, %dma_wait3A_361] : memref<16x1024x1024xf32, #tpu.memory_space<hbm>> -> memref<1x32x1024xf32, #tpu.memory_space<hbm>>
    %dma_wait3A_363 = tpu.memref_squeeze %dma_wait3A_362 : memref<1x32x1024xf32, #tpu.memory_space<hbm>> -> memref<32x1024xf32, #tpu.memory_space<hbm>>
    tpu.wait_dma2 semaphore(%arg9 : memref<!tpu.dma_semaphore, #tpu.memory_space<semaphore_mem>>) src(%dma_wait3A_363 : memref<32x1024xf32, #tpu.memory_space<hbm>>) dst(%dma_wait3A_360 : memref<32x1024xf32, #tpu.memory_space<vmem>>)
    %add3A_364 = arith.constant 256 : i32
    %add3A_365 = arith.addi %mul3A_32, %add3A_364 : i32
    %dma_start3A_366 = arith.constant 0 : i32
    %dma_start3A_367 = arith.constant 0 : i32
    %dma_start3A_368 = arith.constant 0 : i32
    %dma_start3A_369 = tpu.memref_slice %arg6[%dma_start3A_366, %dma_start3A_367, %dma_start3A_368] : memref<2x32x1024xf32, #tpu.memory_space<vmem>> -> memref<1x32x1024xf32, #tpu.memory_space<vmem>>
    %dma_start3A_370 = tpu.memref_squeeze %dma_start3A_369 : memref<1x32x1024xf32, #tpu.memory_space<vmem>> -> memref<32x1024xf32, #tpu.memory_space<vmem>>
    %dma_start3A_371 = arith.constant 0 : i32
    %dma_start3A_372 = tpu.memref_slice %arg2[%select_n3A, %add3A_365, %dma_start3A_371] : memref<16x1024x1024xf32, #tpu.memory_space<hbm>> -> memref<1x32x1024xf32, #tpu.memory_space<hbm>>
    %dma_start3A_373 = tpu.memref_squeeze %dma_start3A_372 : memref<1x32x1024xf32, #tpu.memory_space<hbm>> -> memref<32x1024xf32, #tpu.memory_space<hbm>>
    %dma_start3A_374 = arith.constant 0 : i32
    %dma_start3A_375 = arith.constant 0 : i32
    %dma_start3A_376 = tpu.memref_slice %arg6[%dma_start3A_366, %dma_start3A_374, %dma_start3A_375] : memref<2x32x1024xf32, #tpu.memory_space<vmem>> -> memref<1x32x1024xf32, #tpu.memory_space<vmem>>
    %dma_start3A_377 = tpu.memref_squeeze %dma_start3A_376 : memref<1x32x1024xf32, #tpu.memory_space<vmem>> -> memref<32x1024xf32, #tpu.memory_space<vmem>>
    %dma_start3A_378 = arith.constant 0 : i32
    %dma_start3A_379 = tpu.memref_slice %arg2[%select_n3A, %add3A_365, %dma_start3A_378] : memref<16x1024x1024xf32, #tpu.memory_space<hbm>> -> memref<1x32x1024xf32, #tpu.memory_space<hbm>>
    %dma_start3A_380 = tpu.memref_squeeze %dma_start3A_379 : memref<1x32x1024xf32, #tpu.memory_space<hbm>> -> memref<32x1024xf32, #tpu.memory_space<hbm>>
    tpu.enqueue_dma source(%dma_start3A_380 : memref<32x1024xf32, #tpu.memory_space<hbm>>) target(%dma_start3A_377 : memref<32x1024xf32, #tpu.memory_space<vmem>>) target_semaphore(%arg8 : memref<!tpu.dma_semaphore, #tpu.memory_space<semaphore_mem>>)
    %scan3A_381 = arith.constant 0 : i32
    %scan3A_382 = arith.constant 0 : i32
    %scan3A_383 = arith.constant 32 : i32
    %scan3A_384 = arith.addi %scan3A_382, %scan3A_383 : i32
    %scan3A_385 = arith.constant 1 : i32
    %scan3A_386 = scf.for %scan3A_717 = %scan3A_382 to %scan3A_384 step %scan3A_385 iter_args(%scan3A_718 = %scan3A_381) -> (i32)  : i32 {
      %scan3A_719 = arith.constant 0 : i32
      %scan3A_720 = arith.constant 64 : i32
      %scan3A_721 = arith.addi %scan3A_719, %scan3A_720 : i32
      %scan3A_722 = arith.constant 1 : i32
      %scan3A_723:6 = scf.for %scan3A_737 = %scan3A_719 to %scan3A_721 step %scan3A_722 iter_args(%scan3A_738 = %broadcast_in_dim3A_47, %scan3A_739 = %broadcast_in_dim3A_47, %scan3A_740 = %broadcast_in_dim3A_47, %scan3A_741 = %broadcast_in_dim3A_47, %scan3A_742 = %broadcast_in_dim3A_47, %scan3A_743 = %broadcast_in_dim3A_47) -> (vector<16xf32>, vector<16xf32>, vector<16xf32>, vector<16xf32>, vector<16xf32>, vector<16xf32>)  : i32 {
        %mul3A_744 = arith.constant 16 : i32
        %mul3A_745 = arith.muli %scan3A_737, %mul3A_744 : i32
        %get3A = arith.constant 1 : i32
        %get3A_746 = arith.index_cast %get3A : i32 to index
        %get3A_747 = arith.index_cast %scan3A_717 : i32 to index
        %get3A_748 = arith.index_cast %mul3A_745 : i32 to index
        %get3A_749 = tpu.vector_load %arg6[%get3A_746, %get3A_747, %get3A_748] {strides = array<i32>} : memref<2x32x1024xf32, #tpu.memory_space<vmem>>, vector<16xf32>,
        %mul3A_750 = arith.constant 16 : i32
        %mul3A_751 = arith.muli %scan3A_737, %mul3A_750 : i32
        %get3A_752 = arith.index_cast %mul3A_751 : i32 to index
        %get3A_753 = tpu.vector_load %arg5[%get3A_752] {strides = array<i32>} : memref<1024xf32, #tpu.memory_space<vmem>>, vector<16xf32>,
        %mul3A_754 = arith.mulf %get3A_749, %get3A_753 : vector<16xf32>
        %sub3A_755 = arith.subf %get3A_749, %mul3A_754 : vector<16xf32>
        %gt3A = arith.cmpf ogt, %mul3A_754, %scan3A_740 : vector<16xf32>
        %reduce_or3A = arith.constant 1.000000e+00 : f32
        %reduce_or3A_756 = arith.constant 0.000000e+00 : f32
        %reduce_or3A_757 = vector.broadcast %reduce_or3A : f32 to vector<16xf32>
        %reduce_or3A_758 = vector.broadcast %reduce_or3A_756 : f32 to vector<16xf32>
        %reduce_or3A_759 = arith.select %gt3A, %reduce_or3A_757, %reduce_or3A_758 : vector<16xi1>, vector<16xf32>
        %reduce_or3A_760 = arith.constant true
        %reduce_or3A_761 = vector.broadcast %reduce_or3A_760 : i1 to vector<16xi1>
        %reduce_or3A_762 = tpu.scan <max>, %reduce_or3A_759 masked %reduce_or3A_761 : vector<16xf32>, vector<16xi1> -> vector<16xf32>
        %reduce_or3A_763 = vector.extract %reduce_or3A_762[15] : f32 from vector<16xf32>
        %reduce_or3A_764 = arith.constant 0.000000e+00 : f32
        %reduce_or3A_765 = arith.cmpf ogt, %reduce_or3A_763, %reduce_or3A_764 : f32
        %convert_element_type3A = arith.extui %reduce_or3A_765 : i1 to i32
        %cond3A = arith.constant 0 : i32
        %cond3A_766 = arith.cmpi ne, %convert_element_type3A, %cond3A : i32
        %cond3A_767:3 = scf.if %cond3A_766 -> (vector<16xf32>, vector<16xf32>, vector<16xf32>) {
          %masked_sort3A = arith.constant dense<true> : vector<16xi1>
          %masked_sort3A_784, %masked_sort3A_785, %masked_sort3A_786 = tpu.sort %mul3A_754, %mul3A_754 masked %masked_sort3A {descending = true} : (vector<16xf32>, vector<16xf32>, vector<16xi1>) -> (vector<16xi1>, vector<16xf32>, vector<16xf32>)
          %rev3A = arith.constant 15 : i32
          %rev3A_787 = vector.broadcast %rev3A : i32 to vector<16xi32>
          %rev3A_788 = tpu.iota {dimensions = array<i32: 0>} : vector<16xi32>
          %rev3A_789 = arith.subi %rev3A_787, %rev3A_788 : vector<16xi32>
          %rev3A_790 = tpu.dynamic_gather %masked_sort3A_785[%rev3A_789] in [0] : vector<16xf32>, vector<16xi32> -> vector<16xf32>
          %max3A = arith.maximumf %scan3A_739, %rev3A_790 : vector<16xf32>
          %max3A_791 = arith.maximumf %scan3A_738, %max3A : vector<16xf32>
          %min3A = arith.minimumf %scan3A_738, %max3A : vector<16xf32>
          %masked_sort3A_792 = arith.constant dense<true> : vector<16xi1>
          %masked_sort3A_793, %masked_sort3A_794, %masked_sort3A_795 = tpu.sort %max3A_791, %max3A_791 masked %masked_sort3A_792 {descending = true} : (vector<16xf32>, vector<16xf32>, vector<16xi1>) -> (vector<16xi1>, vector<16xf32>, vector<16xf32>)
          %masked_sort3A_796 = arith.constant dense<true> : vector<16xi1>
          %masked_sort3A_797, %masked_sort3A_798, %masked_sort3A_799 = tpu.sort %min3A, %min3A masked %masked_sort3A_796 {descending = true} : (vector<16xf32>, vector<16xf32>, vector<16xi1>) -> (vector<16xi1>, vector<16xf32>, vector<16xf32>)
          %broadcast_in_dim3A_800 = arith.constant 15 : i32
          %broadcast_in_dim3A_801 = vector.broadcast %broadcast_in_dim3A_800 : i32 to vector<16x1xi32>
          %gather3A = vector.shape_cast %broadcast_in_dim3A_801 : vector<16x1xi32> to vector<16xi32>
          %gather3A_802 = tpu.dynamic_gather %masked_sort3A_798[%gather3A] in [0] : vector<16xf32>, vector<16xi32> -> vector<16xf32>
          scf.yield %masked_sort3A_794, %masked_sort3A_798, %gather3A_802 : vector<16xf32>, vector<16xf32>, vector<16xf32>
        } else {
          scf.yield %scan3A_738, %scan3A_739, %scan3A_740 : vector<16xf32>, vector<16xf32>, vector<16xf32>
        }
        %gt3A_768 = arith.cmpf ogt, %sub3A_755, %scan3A_743 : vector<16xf32>
        %reduce_or3A_769 = arith.constant 1.000000e+00 : f32
        %reduce_or3A_770 = arith.constant 0.000000e+00 : f32
        %reduce_or3A_771 = vector.broadcast %reduce_or3A_769 : f32 to vector<16xf32>
        %reduce_or3A_772 = vector.broadcast %reduce_or3A_770 : f32 to vector<16xf32>
        %reduce_or3A_773 = arith.select %gt3A_768, %reduce_or3A_771, %reduce_or3A_772 : vector<16xi1>, vector<16xf32>
        %reduce_or3A_774 = arith.constant true
        %reduce_or3A_775 = vector.broadcast %reduce_or3A_774 : i1 to vector<16xi1>
        %reduce_or3A_776 = tpu.scan <max>, %reduce_or3A_773 masked %reduce_or3A_775 : vector<16xf32>, vector<16xi1> -> vector<16xf32>
        %reduce_or3A_777 = vector.extract %reduce_or3A_776[15] : f32 from vector<16xf32>
        %reduce_or3A_778 = arith.constant 0.000000e+00 : f32
        %reduce_or3A_779 = arith.cmpf ogt, %reduce_or3A_777, %reduce_or3A_778 : f32
        %convert_element_type3A_780 = arith.extui %reduce_or3A_779 : i1 to i32
        %cond3A_781 = arith.constant 0 : i32
        %cond3A_782 = arith.cmpi ne, %convert_element_type3A_780, %cond3A_781 : i32
        %cond3A_783:3 = scf.if %cond3A_782 -> (vector<16xf32>, vector<16xf32>, vector<16xf32>) {
          %masked_sort3A = arith.constant dense<true> : vector<16xi1>
          %masked_sort3A_784, %masked_sort3A_785, %masked_sort3A_786 = tpu.sort %sub3A_755, %sub3A_755 masked %masked_sort3A {descending = true} : (vector<16xf32>, vector<16xf32>, vector<16xi1>) -> (vector<16xi1>, vector<16xf32>, vector<16xf32>)
          %rev3A = arith.constant 15 : i32
          %rev3A_787 = vector.broadcast %rev3A : i32 to vector<16xi32>
          %rev3A_788 = tpu.iota {dimensions = array<i32: 0>} : vector<16xi32>
          %rev3A_789 = arith.subi %rev3A_787, %rev3A_788 : vector<16xi32>
          %rev3A_790 = tpu.dynamic_gather %masked_sort3A_785[%rev3A_789] in [0] : vector<16xf32>, vector<16xi32> -> vector<16xf32>
          %max3A = arith.maximumf %scan3A_742, %rev3A_790 : vector<16xf32>
          %max3A_791 = arith.maximumf %scan3A_741, %max3A : vector<16xf32>
          %min3A = arith.minimumf %scan3A_741, %max3A : vector<16xf32>
          %masked_sort3A_792 = arith.constant dense<true> : vector<16xi1>
          %masked_sort3A_793, %masked_sort3A_794, %masked_sort3A_795 = tpu.sort %max3A_791, %max3A_791 masked %masked_sort3A_792 {descending = true} : (vector<16xf32>, vector<16xf32>, vector<16xi1>) -> (vector<16xi1>, vector<16xf32>, vector<16xf32>)
          %masked_sort3A_796 = arith.constant dense<true> : vector<16xi1>
          %masked_sort3A_797, %masked_sort3A_798, %masked_sort3A_799 = tpu.sort %min3A, %min3A masked %masked_sort3A_796 {descending = true} : (vector<16xf32>, vector<16xf32>, vector<16xi1>) -> (vector<16xi1>, vector<16xf32>, vector<16xf32>)
          %broadcast_in_dim3A_800 = arith.constant 15 : i32
          %broadcast_in_dim3A_801 = vector.broadcast %broadcast_in_dim3A_800 : i32 to vector<16x1xi32>
          %gather3A = vector.shape_cast %broadcast_in_dim3A_801 : vector<16x1xi32> to vector<16xi32>
          %gather3A_802 = tpu.dynamic_gather %masked_sort3A_798[%gather3A] in [0] : vector<16xf32>, vector<16xi32> -> vector<16xf32>
          scf.yield %masked_sort3A_794, %masked_sort3A_798, %gather3A_802 : vector<16xf32>, vector<16xf32>, vector<16xf32>
        } else {
          scf.yield %scan3A_741, %scan3A_742, %scan3A_743 : vector<16xf32>, vector<16xf32>, vector<16xf32>
        }
        scf.yield %cond3A_767#0, %cond3A_767#1, %cond3A_767#2, %cond3A_783#0, %cond3A_783#1, %cond3A_783#2 : vector<16xf32>, vector<16xf32>, vector<16xf32>, vector<16xf32>, vector<16xf32>, vector<16xf32>
      }
      %scan3A_724 = arith.constant 64 : i32
      %swap3A = arith.index_cast %scan3A_717 : i32 to index
      %swap3A_725 = arith.constant 0 : index
      %swap3A_726 = tpu.vector_load %arg7[%swap3A, %swap3A_725] {strides = array<i32>} : memref<32x64xf32, #tpu.memory_space<vmem>>, vector<16xf32>,
      tpu.vector_store %arg7[%swap3A, %swap3A_725], %scan3A_723#3 {strides = array<i32>} : memref<32x64xf32, #tpu.memory_space<vmem>>, vector<16xf32>,
      %swap3A_727 = arith.index_cast %scan3A_717 : i32 to index
      %swap3A_728 = arith.constant 16 : index
      %swap3A_729 = tpu.vector_load %arg7[%swap3A_727, %swap3A_728] {strides = array<i32>} : memref<32x64xf32, #tpu.memory_space<vmem>>, vector<16xf32>,
      tpu.vector_store %arg7[%swap3A_727, %swap3A_728], %scan3A_723#4 {strides = array<i32>} : memref<32x64xf32, #tpu.memory_space<vmem>>, vector<16xf32>,
      %swap3A_730 = arith.index_cast %scan3A_717 : i32 to index
      %swap3A_731 = arith.constant 32 : index
      %swap3A_732 = tpu.vector_load %arg7[%swap3A_730, %swap3A_731] {strides = array<i32>} : memref<32x64xf32, #tpu.memory_space<vmem>>, vector<16xf32>,
      tpu.vector_store %arg7[%swap3A_730, %swap3A_731], %scan3A_723#0 {strides = array<i32>} : memref<32x64xf32, #tpu.memory_space<vmem>>, vector<16xf32>,
      %swap3A_733 = arith.index_cast %scan3A_717 : i32 to index
      %swap3A_734 = arith.constant 48 : index
      %swap3A_735 = tpu.vector_load %arg7[%swap3A_733, %swap3A_734] {strides = array<i32>} : memref<32x64xf32, #tpu.memory_space<vmem>>, vector<16xf32>,
      tpu.vector_store %arg7[%swap3A_733, %swap3A_734], %scan3A_723#1 {strides = array<i32>} : memref<32x64xf32, #tpu.memory_space<vmem>>, vector<16xf32>,
      %scan3A_736 = arith.constant 0 : i32
      scf.yield %scan3A_736 : i32
    }
    %scan3A_387 = arith.constant 32 : i32
    %add3A_388 = arith.constant 224 : i32
    %add3A_389 = arith.addi %mul3A_32, %add3A_388 : i32
    "tpu.region"() ({
      %run_scoped3A = tpu.sem_alloc : memref<!tpu.dma_semaphore, #tpu.memory_space<semaphore_mem>>
      %dma_start3A_717 = arith.constant 0 : i32
      %dma_start3A_718 = tpu.memref_slice %arg4[%select_n3A, %add3A_389, %dma_start3A_717] : memref<16x1024x64xf32, #tpu.memory_space<hbm>> -> memref<1x32x64xf32, #tpu.memory_space<hbm>>
      %dma_start3A_719 = tpu.memref_squeeze %dma_start3A_718 : memref<1x32x64xf32, #tpu.memory_space<hbm>> -> memref<32x64xf32, #tpu.memory_space<hbm>>
      %dma_start3A_720 = arith.constant 0 : i32
      %dma_start3A_721 = tpu.memref_slice %arg4[%select_n3A, %add3A_389, %dma_start3A_720] : memref<16x1024x64xf32, #tpu.memory_space<hbm>> -> memref<1x32x64xf32, #tpu.memory_space<hbm>>
      %dma_start3A_722 = tpu.memref_squeeze %dma_start3A_721 : memref<1x32x64xf32, #tpu.memory_space<hbm>> -> memref<32x64xf32, #tpu.memory_space<hbm>>
      tpu.enqueue_dma source(%arg7 : memref<32x64xf32, #tpu.memory_space<vmem>>) target(%dma_start3A_722 : memref<32x64xf32, #tpu.memory_space<hbm>>) target_semaphore(%run_scoped3A : memref<!tpu.dma_semaphore, #tpu.memory_space<semaphore_mem>>)
      %dma_wait3A_723 = arith.constant 0 : i32
      %dma_wait3A_724 = tpu.memref_slice %arg4[%select_n3A, %add3A_389, %dma_wait3A_723] : memref<16x1024x64xf32, #tpu.memory_space<hbm>> -> memref<1x32x64xf32, #tpu.memory_space<hbm>>
      %dma_wait3A_725 = tpu.memref_squeeze %dma_wait3A_724 : memref<1x32x64xf32, #tpu.memory_space<hbm>> -> memref<32x64xf32, #tpu.memory_space<hbm>>
      %dma_wait3A_726 = arith.constant 0 : i32
      %dma_wait3A_727 = tpu.memref_slice %arg4[%select_n3A, %add3A_389, %dma_wait3A_726] : memref<16x1024x64xf32, #tpu.memory_space<hbm>> -> memref<1x32x64xf32, #tpu.memory_space<hbm>>
      %dma_wait3A_728 = tpu.memref_squeeze %dma_wait3A_727 : memref<1x32x64xf32, #tpu.memory_space<hbm>> -> memref<32x64xf32, #tpu.memory_space<hbm>>
      tpu.wait_dma2 semaphore(%run_scoped3A : memref<!tpu.dma_semaphore, #tpu.memory_space<semaphore_mem>>) src(%arg7 : memref<32x64xf32, #tpu.memory_space<vmem>>) dst(%dma_wait3A_728 : memref<32x64xf32, #tpu.memory_space<hbm>>)
      tpu.yield
    }) : () -> ()
    %add3A_390 = arith.constant 256 : i32
    %add3A_391 = arith.addi %mul3A_32, %add3A_390 : i32
    %dma_wait3A_392 = arith.constant 0 : i32
    %dma_wait3A_393 = arith.constant 0 : i32
    %dma_wait3A_394 = arith.constant 0 : i32
    %dma_wait3A_395 = tpu.memref_slice %arg6[%dma_wait3A_392, %dma_wait3A_393, %dma_wait3A_394] : memref<2x32x1024xf32, #tpu.memory_space<vmem>> -> memref<1x32x1024xf32, #tpu.memory_space<vmem>>
    %dma_wait3A_396 = tpu.memref_squeeze %dma_wait3A_395 : memref<1x32x1024xf32, #tpu.memory_space<vmem>> -> memref<32x1024xf32, #tpu.memory_space<vmem>>
    %dma_wait3A_397 = arith.constant 0 : i32
    %dma_wait3A_398 = tpu.memref_slice %arg2[%select_n3A, %add3A_391, %dma_wait3A_397] : memref<16x1024x1024xf32, #tpu.memory_space<hbm>> -> memref<1x32x1024xf32, #tpu.memory_space<hbm>>
    %dma_wait3A_399 = tpu.memref_squeeze %dma_wait3A_398 : memref<1x32x1024xf32, #tpu.memory_space<hbm>> -> memref<32x1024xf32, #tpu.memory_space<hbm>>
    %dma_wait3A_400 = arith.constant 0 : i32
    %dma_wait3A_401 = arith.constant 0 : i32
    %dma_wait3A_402 = tpu.memref_slice %arg6[%dma_wait3A_392, %dma_wait3A_400, %dma_wait3A_401] : memref<2x32x1024xf32, #tpu.memory_space<vmem>> -> memref<1x32x1024xf32, #tpu.memory_space<vmem>>
    %dma_wait3A_403 = tpu.memref_squeeze %dma_wait3A_402 : memref<1x32x1024xf32, #tpu.memory_space<vmem>> -> memref<32x1024xf32, #tpu.memory_space<vmem>>
    %dma_wait3A_404 = arith.constant 0 : i32
    %dma_wait3A_405 = tpu.memref_slice %arg2[%select_n3A, %add3A_391, %dma_wait3A_404] : memref<16x1024x1024xf32, #tpu.memory_space<hbm>> -> memref<1x32x1024xf32, #tpu.memory_space<hbm>>
    %dma_wait3A_406 = tpu.memref_squeeze %dma_wait3A_405 : memref<1x32x1024xf32, #tpu.memory_space<hbm>> -> memref<32x1024xf32, #tpu.memory_space<hbm>>
    tpu.wait_dma2 semaphore(%arg8 : memref<!tpu.dma_semaphore, #tpu.memory_space<semaphore_mem>>) src(%dma_wait3A_406 : memref<32x1024xf32, #tpu.memory_space<hbm>>) dst(%dma_wait3A_403 : memref<32x1024xf32, #tpu.memory_space<vmem>>)
    %add3A_407 = arith.constant 288 : i32
    %add3A_408 = arith.addi %mul3A_32, %add3A_407 : i32
    %dma_start3A_409 = arith.constant 1 : i32
    %dma_start3A_410 = arith.constant 0 : i32
    %dma_start3A_411 = arith.constant 0 : i32
    %dma_start3A_412 = tpu.memref_slice %arg6[%dma_start3A_409, %dma_start3A_410, %dma_start3A_411] : memref<2x32x1024xf32, #tpu.memory_space<vmem>> -> memref<1x32x1024xf32, #tpu.memory_space<vmem>>
    %dma_start3A_413 = tpu.memref_squeeze %dma_start3A_412 : memref<1x32x1024xf32, #tpu.memory_space<vmem>> -> memref<32x1024xf32, #tpu.memory_space<vmem>>
    %dma_start3A_414 = arith.constant 0 : i32
    %dma_start3A_415 = tpu.memref_slice %arg2[%select_n3A, %add3A_408, %dma_start3A_414] : memref<16x1024x1024xf32, #tpu.memory_space<hbm>> -> memref<1x32x1024xf32, #tpu.memory_space<hbm>>
    %dma_start3A_416 = tpu.memref_squeeze %dma_start3A_415 : memref<1x32x1024xf32, #tpu.memory_space<hbm>> -> memref<32x1024xf32, #tpu.memory_space<hbm>>
    %dma_start3A_417 = arith.constant 0 : i32
    %dma_start3A_418 = arith.constant 0 : i32
    %dma_start3A_419 = tpu.memref_slice %arg6[%dma_start3A_409, %dma_start3A_417, %dma_start3A_418] : memref<2x32x1024xf32, #tpu.memory_space<vmem>> -> memref<1x32x1024xf32, #tpu.memory_space<vmem>>
    %dma_start3A_420 = tpu.memref_squeeze %dma_start3A_419 : memref<1x32x1024xf32, #tpu.memory_space<vmem>> -> memref<32x1024xf32, #tpu.memory_space<vmem>>
    %dma_start3A_421 = arith.constant 0 : i32
    %dma_start3A_422 = tpu.memref_slice %arg2[%select_n3A, %add3A_408, %dma_start3A_421] : memref<16x1024x1024xf32, #tpu.memory_space<hbm>> -> memref<1x32x1024xf32, #tpu.memory_space<hbm>>
    %dma_start3A_423 = tpu.memref_squeeze %dma_start3A_422 : memref<1x32x1024xf32, #tpu.memory_space<hbm>> -> memref<32x1024xf32, #tpu.memory_space<hbm>>
    tpu.enqueue_dma source(%dma_start3A_423 : memref<32x1024xf32, #tpu.memory_space<hbm>>) target(%dma_start3A_420 : memref<32x1024xf32, #tpu.memory_space<vmem>>) target_semaphore(%arg9 : memref<!tpu.dma_semaphore, #tpu.memory_space<semaphore_mem>>)
    %scan3A_424 = arith.constant 0 : i32
    %scan3A_425 = arith.constant 0 : i32
    %scan3A_426 = arith.constant 32 : i32
    %scan3A_427 = arith.addi %scan3A_425, %scan3A_426 : i32
    %scan3A_428 = arith.constant 1 : i32
    %scan3A_429 = scf.for %scan3A_717 = %scan3A_425 to %scan3A_427 step %scan3A_428 iter_args(%scan3A_718 = %scan3A_424) -> (i32)  : i32 {
      %scan3A_719 = arith.constant 0 : i32
      %scan3A_720 = arith.constant 64 : i32
      %scan3A_721 = arith.addi %scan3A_719, %scan3A_720 : i32
      %scan3A_722 = arith.constant 1 : i32
      %scan3A_723:6 = scf.for %scan3A_737 = %scan3A_719 to %scan3A_721 step %scan3A_722 iter_args(%scan3A_738 = %broadcast_in_dim3A_47, %scan3A_739 = %broadcast_in_dim3A_47, %scan3A_740 = %broadcast_in_dim3A_47, %scan3A_741 = %broadcast_in_dim3A_47, %scan3A_742 = %broadcast_in_dim3A_47, %scan3A_743 = %broadcast_in_dim3A_47) -> (vector<16xf32>, vector<16xf32>, vector<16xf32>, vector<16xf32>, vector<16xf32>, vector<16xf32>)  : i32 {
        %mul3A_744 = arith.constant 16 : i32
        %mul3A_745 = arith.muli %scan3A_737, %mul3A_744 : i32
        %get3A = arith.constant 0 : i32
        %get3A_746 = arith.index_cast %get3A : i32 to index
        %get3A_747 = arith.index_cast %scan3A_717 : i32 to index
        %get3A_748 = arith.index_cast %mul3A_745 : i32 to index
        %get3A_749 = tpu.vector_load %arg6[%get3A_746, %get3A_747, %get3A_748] {strides = array<i32>} : memref<2x32x1024xf32, #tpu.memory_space<vmem>>, vector<16xf32>,
        %mul3A_750 = arith.constant 16 : i32
        %mul3A_751 = arith.muli %scan3A_737, %mul3A_750 : i32
        %get3A_752 = arith.index_cast %mul3A_751 : i32 to index
        %get3A_753 = tpu.vector_load %arg5[%get3A_752] {strides = array<i32>} : memref<1024xf32, #tpu.memory_space<vmem>>, vector<16xf32>,
        %mul3A_754 = arith.mulf %get3A_749, %get3A_753 : vector<16xf32>
        %sub3A_755 = arith.subf %get3A_749, %mul3A_754 : vector<16xf32>
        %gt3A = arith.cmpf ogt, %mul3A_754, %scan3A_740 : vector<16xf32>
        %reduce_or3A = arith.constant 1.000000e+00 : f32
        %reduce_or3A_756 = arith.constant 0.000000e+00 : f32
        %reduce_or3A_757 = vector.broadcast %reduce_or3A : f32 to vector<16xf32>
        %reduce_or3A_758 = vector.broadcast %reduce_or3A_756 : f32 to vector<16xf32>
        %reduce_or3A_759 = arith.select %gt3A, %reduce_or3A_757, %reduce_or3A_758 : vector<16xi1>, vector<16xf32>
        %reduce_or3A_760 = arith.constant true
        %reduce_or3A_761 = vector.broadcast %reduce_or3A_760 : i1 to vector<16xi1>
        %reduce_or3A_762 = tpu.scan <max>, %reduce_or3A_759 masked %reduce_or3A_761 : vector<16xf32>, vector<16xi1> -> vector<16xf32>
        %reduce_or3A_763 = vector.extract %reduce_or3A_762[15] : f32 from vector<16xf32>
        %reduce_or3A_764 = arith.constant 0.000000e+00 : f32
        %reduce_or3A_765 = arith.cmpf ogt, %reduce_or3A_763, %reduce_or3A_764 : f32
        %convert_element_type3A = arith.extui %reduce_or3A_765 : i1 to i32
        %cond3A = arith.constant 0 : i32
        %cond3A_766 = arith.cmpi ne, %convert_element_type3A, %cond3A : i32
        %cond3A_767:3 = scf.if %cond3A_766 -> (vector<16xf32>, vector<16xf32>, vector<16xf32>) {
          %masked_sort3A = arith.constant dense<true> : vector<16xi1>
          %masked_sort3A_784, %masked_sort3A_785, %masked_sort3A_786 = tpu.sort %mul3A_754, %mul3A_754 masked %masked_sort3A {descending = true} : (vector<16xf32>, vector<16xf32>, vector<16xi1>) -> (vector<16xi1>, vector<16xf32>, vector<16xf32>)
          %rev3A = arith.constant 15 : i32
          %rev3A_787 = vector.broadcast %rev3A : i32 to vector<16xi32>
          %rev3A_788 = tpu.iota {dimensions = array<i32: 0>} : vector<16xi32>
          %rev3A_789 = arith.subi %rev3A_787, %rev3A_788 : vector<16xi32>
          %rev3A_790 = tpu.dynamic_gather %masked_sort3A_785[%rev3A_789] in [0] : vector<16xf32>, vector<16xi32> -> vector<16xf32>
          %max3A = arith.maximumf %scan3A_739, %rev3A_790 : vector<16xf32>
          %max3A_791 = arith.maximumf %scan3A_738, %max3A : vector<16xf32>
          %min3A = arith.minimumf %scan3A_738, %max3A : vector<16xf32>
          %masked_sort3A_792 = arith.constant dense<true> : vector<16xi1>
          %masked_sort3A_793, %masked_sort3A_794, %masked_sort3A_795 = tpu.sort %max3A_791, %max3A_791 masked %masked_sort3A_792 {descending = true} : (vector<16xf32>, vector<16xf32>, vector<16xi1>) -> (vector<16xi1>, vector<16xf32>, vector<16xf32>)
          %masked_sort3A_796 = arith.constant dense<true> : vector<16xi1>
          %masked_sort3A_797, %masked_sort3A_798, %masked_sort3A_799 = tpu.sort %min3A, %min3A masked %masked_sort3A_796 {descending = true} : (vector<16xf32>, vector<16xf32>, vector<16xi1>) -> (vector<16xi1>, vector<16xf32>, vector<16xf32>)
          %broadcast_in_dim3A_800 = arith.constant 15 : i32
          %broadcast_in_dim3A_801 = vector.broadcast %broadcast_in_dim3A_800 : i32 to vector<16x1xi32>
          %gather3A = vector.shape_cast %broadcast_in_dim3A_801 : vector<16x1xi32> to vector<16xi32>
          %gather3A_802 = tpu.dynamic_gather %masked_sort3A_798[%gather3A] in [0] : vector<16xf32>, vector<16xi32> -> vector<16xf32>
          scf.yield %masked_sort3A_794, %masked_sort3A_798, %gather3A_802 : vector<16xf32>, vector<16xf32>, vector<16xf32>
        } else {
          scf.yield %scan3A_738, %scan3A_739, %scan3A_740 : vector<16xf32>, vector<16xf32>, vector<16xf32>
        }
        %gt3A_768 = arith.cmpf ogt, %sub3A_755, %scan3A_743 : vector<16xf32>
        %reduce_or3A_769 = arith.constant 1.000000e+00 : f32
        %reduce_or3A_770 = arith.constant 0.000000e+00 : f32
        %reduce_or3A_771 = vector.broadcast %reduce_or3A_769 : f32 to vector<16xf32>
        %reduce_or3A_772 = vector.broadcast %reduce_or3A_770 : f32 to vector<16xf32>
        %reduce_or3A_773 = arith.select %gt3A_768, %reduce_or3A_771, %reduce_or3A_772 : vector<16xi1>, vector<16xf32>
        %reduce_or3A_774 = arith.constant true
        %reduce_or3A_775 = vector.broadcast %reduce_or3A_774 : i1 to vector<16xi1>
        %reduce_or3A_776 = tpu.scan <max>, %reduce_or3A_773 masked %reduce_or3A_775 : vector<16xf32>, vector<16xi1> -> vector<16xf32>
        %reduce_or3A_777 = vector.extract %reduce_or3A_776[15] : f32 from vector<16xf32>
        %reduce_or3A_778 = arith.constant 0.000000e+00 : f32
        %reduce_or3A_779 = arith.cmpf ogt, %reduce_or3A_777, %reduce_or3A_778 : f32
        %convert_element_type3A_780 = arith.extui %reduce_or3A_779 : i1 to i32
        %cond3A_781 = arith.constant 0 : i32
        %cond3A_782 = arith.cmpi ne, %convert_element_type3A_780, %cond3A_781 : i32
        %cond3A_783:3 = scf.if %cond3A_782 -> (vector<16xf32>, vector<16xf32>, vector<16xf32>) {
          %masked_sort3A = arith.constant dense<true> : vector<16xi1>
          %masked_sort3A_784, %masked_sort3A_785, %masked_sort3A_786 = tpu.sort %sub3A_755, %sub3A_755 masked %masked_sort3A {descending = true} : (vector<16xf32>, vector<16xf32>, vector<16xi1>) -> (vector<16xi1>, vector<16xf32>, vector<16xf32>)
          %rev3A = arith.constant 15 : i32
          %rev3A_787 = vector.broadcast %rev3A : i32 to vector<16xi32>
          %rev3A_788 = tpu.iota {dimensions = array<i32: 0>} : vector<16xi32>
          %rev3A_789 = arith.subi %rev3A_787, %rev3A_788 : vector<16xi32>
          %rev3A_790 = tpu.dynamic_gather %masked_sort3A_785[%rev3A_789] in [0] : vector<16xf32>, vector<16xi32> -> vector<16xf32>
          %max3A = arith.maximumf %scan3A_742, %rev3A_790 : vector<16xf32>
          %max3A_791 = arith.maximumf %scan3A_741, %max3A : vector<16xf32>
          %min3A = arith.minimumf %scan3A_741, %max3A : vector<16xf32>
          %masked_sort3A_792 = arith.constant dense<true> : vector<16xi1>
          %masked_sort3A_793, %masked_sort3A_794, %masked_sort3A_795 = tpu.sort %max3A_791, %max3A_791 masked %masked_sort3A_792 {descending = true} : (vector<16xf32>, vector<16xf32>, vector<16xi1>) -> (vector<16xi1>, vector<16xf32>, vector<16xf32>)
          %masked_sort3A_796 = arith.constant dense<true> : vector<16xi1>
          %masked_sort3A_797, %masked_sort3A_798, %masked_sort3A_799 = tpu.sort %min3A, %min3A masked %masked_sort3A_796 {descending = true} : (vector<16xf32>, vector<16xf32>, vector<16xi1>) -> (vector<16xi1>, vector<16xf32>, vector<16xf32>)
          %broadcast_in_dim3A_800 = arith.constant 15 : i32
          %broadcast_in_dim3A_801 = vector.broadcast %broadcast_in_dim3A_800 : i32 to vector<16x1xi32>
          %gather3A = vector.shape_cast %broadcast_in_dim3A_801 : vector<16x1xi32> to vector<16xi32>
          %gather3A_802 = tpu.dynamic_gather %masked_sort3A_798[%gather3A] in [0] : vector<16xf32>, vector<16xi32> -> vector<16xf32>
          scf.yield %masked_sort3A_794, %masked_sort3A_798, %gather3A_802 : vector<16xf32>, vector<16xf32>, vector<16xf32>
        } else {
          scf.yield %scan3A_741, %scan3A_742, %scan3A_743 : vector<16xf32>, vector<16xf32>, vector<16xf32>
        }
        scf.yield %cond3A_767#0, %cond3A_767#1, %cond3A_767#2, %cond3A_783#0, %cond3A_783#1, %cond3A_783#2 : vector<16xf32>, vector<16xf32>, vector<16xf32>, vector<16xf32>, vector<16xf32>, vector<16xf32>
      }
      %scan3A_724 = arith.constant 64 : i32
      %swap3A = arith.index_cast %scan3A_717 : i32 to index
      %swap3A_725 = arith.constant 0 : index
      %swap3A_726 = tpu.vector_load %arg7[%swap3A, %swap3A_725] {strides = array<i32>} : memref<32x64xf32, #tpu.memory_space<vmem>>, vector<16xf32>,
      tpu.vector_store %arg7[%swap3A, %swap3A_725], %scan3A_723#3 {strides = array<i32>} : memref<32x64xf32, #tpu.memory_space<vmem>>, vector<16xf32>,
      %swap3A_727 = arith.index_cast %scan3A_717 : i32 to index
      %swap3A_728 = arith.constant 16 : index
      %swap3A_729 = tpu.vector_load %arg7[%swap3A_727, %swap3A_728] {strides = array<i32>} : memref<32x64xf32, #tpu.memory_space<vmem>>, vector<16xf32>,
      tpu.vector_store %arg7[%swap3A_727, %swap3A_728], %scan3A_723#4 {strides = array<i32>} : memref<32x64xf32, #tpu.memory_space<vmem>>, vector<16xf32>,
      %swap3A_730 = arith.index_cast %scan3A_717 : i32 to index
      %swap3A_731 = arith.constant 32 : index
      %swap3A_732 = tpu.vector_load %arg7[%swap3A_730, %swap3A_731] {strides = array<i32>} : memref<32x64xf32, #tpu.memory_space<vmem>>, vector<16xf32>,
      tpu.vector_store %arg7[%swap3A_730, %swap3A_731], %scan3A_723#0 {strides = array<i32>} : memref<32x64xf32, #tpu.memory_space<vmem>>, vector<16xf32>,
      %swap3A_733 = arith.index_cast %scan3A_717 : i32 to index
      %swap3A_734 = arith.constant 48 : index
      %swap3A_735 = tpu.vector_load %arg7[%swap3A_733, %swap3A_734] {strides = array<i32>} : memref<32x64xf32, #tpu.memory_space<vmem>>, vector<16xf32>,
      tpu.vector_store %arg7[%swap3A_733, %swap3A_734], %scan3A_723#1 {strides = array<i32>} : memref<32x64xf32, #tpu.memory_space<vmem>>, vector<16xf32>,
      %scan3A_736 = arith.constant 0 : i32
      scf.yield %scan3A_736 : i32
    }
    %scan3A_430 = arith.constant 32 : i32
    %add3A_431 = arith.constant 256 : i32
    %add3A_432 = arith.addi %mul3A_32, %add3A_431 : i32
    "tpu.region"() ({
      %run_scoped3A = tpu.sem_alloc : memref<!tpu.dma_semaphore, #tpu.memory_space<semaphore_mem>>
      %dma_start3A_717 = arith.constant 0 : i32
      %dma_start3A_718 = tpu.memref_slice %arg4[%select_n3A, %add3A_432, %dma_start3A_717] : memref<16x1024x64xf32, #tpu.memory_space<hbm>> -> memref<1x32x64xf32, #tpu.memory_space<hbm>>
      %dma_start3A_719 = tpu.memref_squeeze %dma_start3A_718 : memref<1x32x64xf32, #tpu.memory_space<hbm>> -> memref<32x64xf32, #tpu.memory_space<hbm>>
      %dma_start3A_720 = arith.constant 0 : i32
      %dma_start3A_721 = tpu.memref_slice %arg4[%select_n3A, %add3A_432, %dma_start3A_720] : memref<16x1024x64xf32, #tpu.memory_space<hbm>> -> memref<1x32x64xf32, #tpu.memory_space<hbm>>
      %dma_start3A_722 = tpu.memref_squeeze %dma_start3A_721 : memref<1x32x64xf32, #tpu.memory_space<hbm>> -> memref<32x64xf32, #tpu.memory_space<hbm>>
      tpu.enqueue_dma source(%arg7 : memref<32x64xf32, #tpu.memory_space<vmem>>) target(%dma_start3A_722 : memref<32x64xf32, #tpu.memory_space<hbm>>) target_semaphore(%run_scoped3A : memref<!tpu.dma_semaphore, #tpu.memory_space<semaphore_mem>>)
      %dma_wait3A_723 = arith.constant 0 : i32
      %dma_wait3A_724 = tpu.memref_slice %arg4[%select_n3A, %add3A_432, %dma_wait3A_723] : memref<16x1024x64xf32, #tpu.memory_space<hbm>> -> memref<1x32x64xf32, #tpu.memory_space<hbm>>
      %dma_wait3A_725 = tpu.memref_squeeze %dma_wait3A_724 : memref<1x32x64xf32, #tpu.memory_space<hbm>> -> memref<32x64xf32, #tpu.memory_space<hbm>>
      %dma_wait3A_726 = arith.constant 0 : i32
      %dma_wait3A_727 = tpu.memref_slice %arg4[%select_n3A, %add3A_432, %dma_wait3A_726] : memref<16x1024x64xf32, #tpu.memory_space<hbm>> -> memref<1x32x64xf32, #tpu.memory_space<hbm>>
      %dma_wait3A_728 = tpu.memref_squeeze %dma_wait3A_727 : memref<1x32x64xf32, #tpu.memory_space<hbm>> -> memref<32x64xf32, #tpu.memory_space<hbm>>
      tpu.wait_dma2 semaphore(%run_scoped3A : memref<!tpu.dma_semaphore, #tpu.memory_space<semaphore_mem>>) src(%arg7 : memref<32x64xf32, #tpu.memory_space<vmem>>) dst(%dma_wait3A_728 : memref<32x64xf32, #tpu.memory_space<hbm>>)
      tpu.yield
    }) : () -> ()
    %add3A_433 = arith.constant 288 : i32
    %add3A_434 = arith.addi %mul3A_32, %add3A_433 : i32
    %dma_wait3A_435 = arith.constant 1 : i32
    %dma_wait3A_436 = arith.constant 0 : i32
    %dma_wait3A_437 = arith.constant 0 : i32
    %dma_wait3A_438 = tpu.memref_slice %arg6[%dma_wait3A_435, %dma_wait3A_436, %dma_wait3A_437] : memref<2x32x1024xf32, #tpu.memory_space<vmem>> -> memref<1x32x1024xf32, #tpu.memory_space<vmem>>
    %dma_wait3A_439 = tpu.memref_squeeze %dma_wait3A_438 : memref<1x32x1024xf32, #tpu.memory_space<vmem>> -> memref<32x1024xf32, #tpu.memory_space<vmem>>
    %dma_wait3A_440 = arith.constant 0 : i32
    %dma_wait3A_441 = tpu.memref_slice %arg2[%select_n3A, %add3A_434, %dma_wait3A_440] : memref<16x1024x1024xf32, #tpu.memory_space<hbm>> -> memref<1x32x1024xf32, #tpu.memory_space<hbm>>
    %dma_wait3A_442 = tpu.memref_squeeze %dma_wait3A_441 : memref<1x32x1024xf32, #tpu.memory_space<hbm>> -> memref<32x1024xf32, #tpu.memory_space<hbm>>
    %dma_wait3A_443 = arith.constant 0 : i32
    %dma_wait3A_444 = arith.constant 0 : i32
    %dma_wait3A_445 = tpu.memref_slice %arg6[%dma_wait3A_435, %dma_wait3A_443, %dma_wait3A_444] : memref<2x32x1024xf32, #tpu.memory_space<vmem>> -> memref<1x32x1024xf32, #tpu.memory_space<vmem>>
    %dma_wait3A_446 = tpu.memref_squeeze %dma_wait3A_445 : memref<1x32x1024xf32, #tpu.memory_space<vmem>> -> memref<32x1024xf32, #tpu.memory_space<vmem>>
    %dma_wait3A_447 = arith.constant 0 : i32
    %dma_wait3A_448 = tpu.memref_slice %arg2[%select_n3A, %add3A_434, %dma_wait3A_447] : memref<16x1024x1024xf32, #tpu.memory_space<hbm>> -> memref<1x32x1024xf32, #tpu.memory_space<hbm>>
    %dma_wait3A_449 = tpu.memref_squeeze %dma_wait3A_448 : memref<1x32x1024xf32, #tpu.memory_space<hbm>> -> memref<32x1024xf32, #tpu.memory_space<hbm>>
    tpu.wait_dma2 semaphore(%arg9 : memref<!tpu.dma_semaphore, #tpu.memory_space<semaphore_mem>>) src(%dma_wait3A_449 : memref<32x1024xf32, #tpu.memory_space<hbm>>) dst(%dma_wait3A_446 : memref<32x1024xf32, #tpu.memory_space<vmem>>)
    %add3A_450 = arith.constant 320 : i32
    %add3A_451 = arith.addi %mul3A_32, %add3A_450 : i32
    %dma_start3A_452 = arith.constant 0 : i32
    %dma_start3A_453 = arith.constant 0 : i32
    %dma_start3A_454 = arith.constant 0 : i32
    %dma_start3A_455 = tpu.memref_slice %arg6[%dma_start3A_452, %dma_start3A_453, %dma_start3A_454] : memref<2x32x1024xf32, #tpu.memory_space<vmem>> -> memref<1x32x1024xf32, #tpu.memory_space<vmem>>
    %dma_start3A_456 = tpu.memref_squeeze %dma_start3A_455 : memref<1x32x1024xf32, #tpu.memory_space<vmem>> -> memref<32x1024xf32, #tpu.memory_space<vmem>>
    %dma_start3A_457 = arith.constant 0 : i32
    %dma_start3A_458 = tpu.memref_slice %arg2[%select_n3A, %add3A_451, %dma_start3A_457] : memref<16x1024x1024xf32, #tpu.memory_space<hbm>> -> memref<1x32x1024xf32, #tpu.memory_space<hbm>>
    %dma_start3A_459 = tpu.memref_squeeze %dma_start3A_458 : memref<1x32x1024xf32, #tpu.memory_space<hbm>> -> memref<32x1024xf32, #tpu.memory_space<hbm>>
    %dma_start3A_460 = arith.constant 0 : i32
    %dma_start3A_461 = arith.constant 0 : i32
    %dma_start3A_462 = tpu.memref_slice %arg6[%dma_start3A_452, %dma_start3A_460, %dma_start3A_461] : memref<2x32x1024xf32, #tpu.memory_space<vmem>> -> memref<1x32x1024xf32, #tpu.memory_space<vmem>>
    %dma_start3A_463 = tpu.memref_squeeze %dma_start3A_462 : memref<1x32x1024xf32, #tpu.memory_space<vmem>> -> memref<32x1024xf32, #tpu.memory_space<vmem>>
    %dma_start3A_464 = arith.constant 0 : i32
    %dma_start3A_465 = tpu.memref_slice %arg2[%select_n3A, %add3A_451, %dma_start3A_464] : memref<16x1024x1024xf32, #tpu.memory_space<hbm>> -> memref<1x32x1024xf32, #tpu.memory_space<hbm>>
    %dma_start3A_466 = tpu.memref_squeeze %dma_start3A_465 : memref<1x32x1024xf32, #tpu.memory_space<hbm>> -> memref<32x1024xf32, #tpu.memory_space<hbm>>
    tpu.enqueue_dma source(%dma_start3A_466 : memref<32x1024xf32, #tpu.memory_space<hbm>>) target(%dma_start3A_463 : memref<32x1024xf32, #tpu.memory_space<vmem>>) target_semaphore(%arg8 : memref<!tpu.dma_semaphore, #tpu.memory_space<semaphore_mem>>)
    %scan3A_467 = arith.constant 0 : i32
    %scan3A_468 = arith.constant 0 : i32
    %scan3A_469 = arith.constant 32 : i32
    %scan3A_470 = arith.addi %scan3A_468, %scan3A_469 : i32
    %scan3A_471 = arith.constant 1 : i32
    %scan3A_472 = scf.for %scan3A_717 = %scan3A_468 to %scan3A_470 step %scan3A_471 iter_args(%scan3A_718 = %scan3A_467) -> (i32)  : i32 {
      %scan3A_719 = arith.constant 0 : i32
      %scan3A_720 = arith.constant 64 : i32
      %scan3A_721 = arith.addi %scan3A_719, %scan3A_720 : i32
      %scan3A_722 = arith.constant 1 : i32
      %scan3A_723:6 = scf.for %scan3A_737 = %scan3A_719 to %scan3A_721 step %scan3A_722 iter_args(%scan3A_738 = %broadcast_in_dim3A_47, %scan3A_739 = %broadcast_in_dim3A_47, %scan3A_740 = %broadcast_in_dim3A_47, %scan3A_741 = %broadcast_in_dim3A_47, %scan3A_742 = %broadcast_in_dim3A_47, %scan3A_743 = %broadcast_in_dim3A_47) -> (vector<16xf32>, vector<16xf32>, vector<16xf32>, vector<16xf32>, vector<16xf32>, vector<16xf32>)  : i32 {
        %mul3A_744 = arith.constant 16 : i32
        %mul3A_745 = arith.muli %scan3A_737, %mul3A_744 : i32
        %get3A = arith.constant 1 : i32
        %get3A_746 = arith.index_cast %get3A : i32 to index
        %get3A_747 = arith.index_cast %scan3A_717 : i32 to index
        %get3A_748 = arith.index_cast %mul3A_745 : i32 to index
        %get3A_749 = tpu.vector_load %arg6[%get3A_746, %get3A_747, %get3A_748] {strides = array<i32>} : memref<2x32x1024xf32, #tpu.memory_space<vmem>>, vector<16xf32>,
        %mul3A_750 = arith.constant 16 : i32
        %mul3A_751 = arith.muli %scan3A_737, %mul3A_750 : i32
        %get3A_752 = arith.index_cast %mul3A_751 : i32 to index
        %get3A_753 = tpu.vector_load %arg5[%get3A_752] {strides = array<i32>} : memref<1024xf32, #tpu.memory_space<vmem>>, vector<16xf32>,
        %mul3A_754 = arith.mulf %get3A_749, %get3A_753 : vector<16xf32>
        %sub3A_755 = arith.subf %get3A_749, %mul3A_754 : vector<16xf32>
        %gt3A = arith.cmpf ogt, %mul3A_754, %scan3A_740 : vector<16xf32>
        %reduce_or3A = arith.constant 1.000000e+00 : f32
        %reduce_or3A_756 = arith.constant 0.000000e+00 : f32
        %reduce_or3A_757 = vector.broadcast %reduce_or3A : f32 to vector<16xf32>
        %reduce_or3A_758 = vector.broadcast %reduce_or3A_756 : f32 to vector<16xf32>
        %reduce_or3A_759 = arith.select %gt3A, %reduce_or3A_757, %reduce_or3A_758 : vector<16xi1>, vector<16xf32>
        %reduce_or3A_760 = arith.constant true
        %reduce_or3A_761 = vector.broadcast %reduce_or3A_760 : i1 to vector<16xi1>
        %reduce_or3A_762 = tpu.scan <max>, %reduce_or3A_759 masked %reduce_or3A_761 : vector<16xf32>, vector<16xi1> -> vector<16xf32>
        %reduce_or3A_763 = vector.extract %reduce_or3A_762[15] : f32 from vector<16xf32>
        %reduce_or3A_764 = arith.constant 0.000000e+00 : f32
        %reduce_or3A_765 = arith.cmpf ogt, %reduce_or3A_763, %reduce_or3A_764 : f32
        %convert_element_type3A = arith.extui %reduce_or3A_765 : i1 to i32
        %cond3A = arith.constant 0 : i32
        %cond3A_766 = arith.cmpi ne, %convert_element_type3A, %cond3A : i32
        %cond3A_767:3 = scf.if %cond3A_766 -> (vector<16xf32>, vector<16xf32>, vector<16xf32>) {
          %masked_sort3A = arith.constant dense<true> : vector<16xi1>
          %masked_sort3A_784, %masked_sort3A_785, %masked_sort3A_786 = tpu.sort %mul3A_754, %mul3A_754 masked %masked_sort3A {descending = true} : (vector<16xf32>, vector<16xf32>, vector<16xi1>) -> (vector<16xi1>, vector<16xf32>, vector<16xf32>)
          %rev3A = arith.constant 15 : i32
          %rev3A_787 = vector.broadcast %rev3A : i32 to vector<16xi32>
          %rev3A_788 = tpu.iota {dimensions = array<i32: 0>} : vector<16xi32>
          %rev3A_789 = arith.subi %rev3A_787, %rev3A_788 : vector<16xi32>
          %rev3A_790 = tpu.dynamic_gather %masked_sort3A_785[%rev3A_789] in [0] : vector<16xf32>, vector<16xi32> -> vector<16xf32>
          %max3A = arith.maximumf %scan3A_739, %rev3A_790 : vector<16xf32>
          %max3A_791 = arith.maximumf %scan3A_738, %max3A : vector<16xf32>
          %min3A = arith.minimumf %scan3A_738, %max3A : vector<16xf32>
          %masked_sort3A_792 = arith.constant dense<true> : vector<16xi1>
          %masked_sort3A_793, %masked_sort3A_794, %masked_sort3A_795 = tpu.sort %max3A_791, %max3A_791 masked %masked_sort3A_792 {descending = true} : (vector<16xf32>, vector<16xf32>, vector<16xi1>) -> (vector<16xi1>, vector<16xf32>, vector<16xf32>)
          %masked_sort3A_796 = arith.constant dense<true> : vector<16xi1>
          %masked_sort3A_797, %masked_sort3A_798, %masked_sort3A_799 = tpu.sort %min3A, %min3A masked %masked_sort3A_796 {descending = true} : (vector<16xf32>, vector<16xf32>, vector<16xi1>) -> (vector<16xi1>, vector<16xf32>, vector<16xf32>)
          %broadcast_in_dim3A_800 = arith.constant 15 : i32
          %broadcast_in_dim3A_801 = vector.broadcast %broadcast_in_dim3A_800 : i32 to vector<16x1xi32>
          %gather3A = vector.shape_cast %broadcast_in_dim3A_801 : vector<16x1xi32> to vector<16xi32>
          %gather3A_802 = tpu.dynamic_gather %masked_sort3A_798[%gather3A] in [0] : vector<16xf32>, vector<16xi32> -> vector<16xf32>
          scf.yield %masked_sort3A_794, %masked_sort3A_798, %gather3A_802 : vector<16xf32>, vector<16xf32>, vector<16xf32>
        } else {
          scf.yield %scan3A_738, %scan3A_739, %scan3A_740 : vector<16xf32>, vector<16xf32>, vector<16xf32>
        }
        %gt3A_768 = arith.cmpf ogt, %sub3A_755, %scan3A_743 : vector<16xf32>
        %reduce_or3A_769 = arith.constant 1.000000e+00 : f32
        %reduce_or3A_770 = arith.constant 0.000000e+00 : f32
        %reduce_or3A_771 = vector.broadcast %reduce_or3A_769 : f32 to vector<16xf32>
        %reduce_or3A_772 = vector.broadcast %reduce_or3A_770 : f32 to vector<16xf32>
        %reduce_or3A_773 = arith.select %gt3A_768, %reduce_or3A_771, %reduce_or3A_772 : vector<16xi1>, vector<16xf32>
        %reduce_or3A_774 = arith.constant true
        %reduce_or3A_775 = vector.broadcast %reduce_or3A_774 : i1 to vector<16xi1>
        %reduce_or3A_776 = tpu.scan <max>, %reduce_or3A_773 masked %reduce_or3A_775 : vector<16xf32>, vector<16xi1> -> vector<16xf32>
        %reduce_or3A_777 = vector.extract %reduce_or3A_776[15] : f32 from vector<16xf32>
        %reduce_or3A_778 = arith.constant 0.000000e+00 : f32
        %reduce_or3A_779 = arith.cmpf ogt, %reduce_or3A_777, %reduce_or3A_778 : f32
        %convert_element_type3A_780 = arith.extui %reduce_or3A_779 : i1 to i32
        %cond3A_781 = arith.constant 0 : i32
        %cond3A_782 = arith.cmpi ne, %convert_element_type3A_780, %cond3A_781 : i32
        %cond3A_783:3 = scf.if %cond3A_782 -> (vector<16xf32>, vector<16xf32>, vector<16xf32>) {
          %masked_sort3A = arith.constant dense<true> : vector<16xi1>
          %masked_sort3A_784, %masked_sort3A_785, %masked_sort3A_786 = tpu.sort %sub3A_755, %sub3A_755 masked %masked_sort3A {descending = true} : (vector<16xf32>, vector<16xf32>, vector<16xi1>) -> (vector<16xi1>, vector<16xf32>, vector<16xf32>)
          %rev3A = arith.constant 15 : i32
          %rev3A_787 = vector.broadcast %rev3A : i32 to vector<16xi32>
          %rev3A_788 = tpu.iota {dimensions = array<i32: 0>} : vector<16xi32>
          %rev3A_789 = arith.subi %rev3A_787, %rev3A_788 : vector<16xi32>
          %rev3A_790 = tpu.dynamic_gather %masked_sort3A_785[%rev3A_789] in [0] : vector<16xf32>, vector<16xi32> -> vector<16xf32>
          %max3A = arith.maximumf %scan3A_742, %rev3A_790 : vector<16xf32>
          %max3A_791 = arith.maximumf %scan3A_741, %max3A : vector<16xf32>
          %min3A = arith.minimumf %scan3A_741, %max3A : vector<16xf32>
          %masked_sort3A_792 = arith.constant dense<true> : vector<16xi1>
          %masked_sort3A_793, %masked_sort3A_794, %masked_sort3A_795 = tpu.sort %max3A_791, %max3A_791 masked %masked_sort3A_792 {descending = true} : (vector<16xf32>, vector<16xf32>, vector<16xi1>) -> (vector<16xi1>, vector<16xf32>, vector<16xf32>)
          %masked_sort3A_796 = arith.constant dense<true> : vector<16xi1>
          %masked_sort3A_797, %masked_sort3A_798, %masked_sort3A_799 = tpu.sort %min3A, %min3A masked %masked_sort3A_796 {descending = true} : (vector<16xf32>, vector<16xf32>, vector<16xi1>) -> (vector<16xi1>, vector<16xf32>, vector<16xf32>)
          %broadcast_in_dim3A_800 = arith.constant 15 : i32
          %broadcast_in_dim3A_801 = vector.broadcast %broadcast_in_dim3A_800 : i32 to vector<16x1xi32>
          %gather3A = vector.shape_cast %broadcast_in_dim3A_801 : vector<16x1xi32> to vector<16xi32>
          %gather3A_802 = tpu.dynamic_gather %masked_sort3A_798[%gather3A] in [0] : vector<16xf32>, vector<16xi32> -> vector<16xf32>
          scf.yield %masked_sort3A_794, %masked_sort3A_798, %gather3A_802 : vector<16xf32>, vector<16xf32>, vector<16xf32>
        } else {
          scf.yield %scan3A_741, %scan3A_742, %scan3A_743 : vector<16xf32>, vector<16xf32>, vector<16xf32>
        }
        scf.yield %cond3A_767#0, %cond3A_767#1, %cond3A_767#2, %cond3A_783#0, %cond3A_783#1, %cond3A_783#2 : vector<16xf32>, vector<16xf32>, vector<16xf32>, vector<16xf32>, vector<16xf32>, vector<16xf32>
      }
      %scan3A_724 = arith.constant 64 : i32
      %swap3A = arith.index_cast %scan3A_717 : i32 to index
      %swap3A_725 = arith.constant 0 : index
      %swap3A_726 = tpu.vector_load %arg7[%swap3A, %swap3A_725] {strides = array<i32>} : memref<32x64xf32, #tpu.memory_space<vmem>>, vector<16xf32>,
      tpu.vector_store %arg7[%swap3A, %swap3A_725], %scan3A_723#3 {strides = array<i32>} : memref<32x64xf32, #tpu.memory_space<vmem>>, vector<16xf32>,
      %swap3A_727 = arith.index_cast %scan3A_717 : i32 to index
      %swap3A_728 = arith.constant 16 : index
      %swap3A_729 = tpu.vector_load %arg7[%swap3A_727, %swap3A_728] {strides = array<i32>} : memref<32x64xf32, #tpu.memory_space<vmem>>, vector<16xf32>,
      tpu.vector_store %arg7[%swap3A_727, %swap3A_728], %scan3A_723#4 {strides = array<i32>} : memref<32x64xf32, #tpu.memory_space<vmem>>, vector<16xf32>,
      %swap3A_730 = arith.index_cast %scan3A_717 : i32 to index
      %swap3A_731 = arith.constant 32 : index
      %swap3A_732 = tpu.vector_load %arg7[%swap3A_730, %swap3A_731] {strides = array<i32>} : memref<32x64xf32, #tpu.memory_space<vmem>>, vector<16xf32>,
      tpu.vector_store %arg7[%swap3A_730, %swap3A_731], %scan3A_723#0 {strides = array<i32>} : memref<32x64xf32, #tpu.memory_space<vmem>>, vector<16xf32>,
      %swap3A_733 = arith.index_cast %scan3A_717 : i32 to index
      %swap3A_734 = arith.constant 48 : index
      %swap3A_735 = tpu.vector_load %arg7[%swap3A_733, %swap3A_734] {strides = array<i32>} : memref<32x64xf32, #tpu.memory_space<vmem>>, vector<16xf32>,
      tpu.vector_store %arg7[%swap3A_733, %swap3A_734], %scan3A_723#1 {strides = array<i32>} : memref<32x64xf32, #tpu.memory_space<vmem>>, vector<16xf32>,
      %scan3A_736 = arith.constant 0 : i32
      scf.yield %scan3A_736 : i32
    }
    %scan3A_473 = arith.constant 32 : i32
    %add3A_474 = arith.constant 288 : i32
    %add3A_475 = arith.addi %mul3A_32, %add3A_474 : i32
    "tpu.region"() ({
      %run_scoped3A = tpu.sem_alloc : memref<!tpu.dma_semaphore, #tpu.memory_space<semaphore_mem>>
      %dma_start3A_717 = arith.constant 0 : i32
      %dma_start3A_718 = tpu.memref_slice %arg4[%select_n3A, %add3A_475, %dma_start3A_717] : memref<16x1024x64xf32, #tpu.memory_space<hbm>> -> memref<1x32x64xf32, #tpu.memory_space<hbm>>
      %dma_start3A_719 = tpu.memref_squeeze %dma_start3A_718 : memref<1x32x64xf32, #tpu.memory_space<hbm>> -> memref<32x64xf32, #tpu.memory_space<hbm>>
      %dma_start3A_720 = arith.constant 0 : i32
      %dma_start3A_721 = tpu.memref_slice %arg4[%select_n3A, %add3A_475, %dma_start3A_720] : memref<16x1024x64xf32, #tpu.memory_space<hbm>> -> memref<1x32x64xf32, #tpu.memory_space<hbm>>
      %dma_start3A_722 = tpu.memref_squeeze %dma_start3A_721 : memref<1x32x64xf32, #tpu.memory_space<hbm>> -> memref<32x64xf32, #tpu.memory_space<hbm>>
      tpu.enqueue_dma source(%arg7 : memref<32x64xf32, #tpu.memory_space<vmem>>) target(%dma_start3A_722 : memref<32x64xf32, #tpu.memory_space<hbm>>) target_semaphore(%run_scoped3A : memref<!tpu.dma_semaphore, #tpu.memory_space<semaphore_mem>>)
      %dma_wait3A_723 = arith.constant 0 : i32
      %dma_wait3A_724 = tpu.memref_slice %arg4[%select_n3A, %add3A_475, %dma_wait3A_723] : memref<16x1024x64xf32, #tpu.memory_space<hbm>> -> memref<1x32x64xf32, #tpu.memory_space<hbm>>
      %dma_wait3A_725 = tpu.memref_squeeze %dma_wait3A_724 : memref<1x32x64xf32, #tpu.memory_space<hbm>> -> memref<32x64xf32, #tpu.memory_space<hbm>>
      %dma_wait3A_726 = arith.constant 0 : i32
      %dma_wait3A_727 = tpu.memref_slice %arg4[%select_n3A, %add3A_475, %dma_wait3A_726] : memref<16x1024x64xf32, #tpu.memory_space<hbm>> -> memref<1x32x64xf32, #tpu.memory_space<hbm>>
      %dma_wait3A_728 = tpu.memref_squeeze %dma_wait3A_727 : memref<1x32x64xf32, #tpu.memory_space<hbm>> -> memref<32x64xf32, #tpu.memory_space<hbm>>
      tpu.wait_dma2 semaphore(%run_scoped3A : memref<!tpu.dma_semaphore, #tpu.memory_space<semaphore_mem>>) src(%arg7 : memref<32x64xf32, #tpu.memory_space<vmem>>) dst(%dma_wait3A_728 : memref<32x64xf32, #tpu.memory_space<hbm>>)
      tpu.yield
    }) : () -> ()
    %add3A_476 = arith.constant 320 : i32
    %add3A_477 = arith.addi %mul3A_32, %add3A_476 : i32
    %dma_wait3A_478 = arith.constant 0 : i32
    %dma_wait3A_479 = arith.constant 0 : i32
    %dma_wait3A_480 = arith.constant 0 : i32
    %dma_wait3A_481 = tpu.memref_slice %arg6[%dma_wait3A_478, %dma_wait3A_479, %dma_wait3A_480] : memref<2x32x1024xf32, #tpu.memory_space<vmem>> -> memref<1x32x1024xf32, #tpu.memory_space<vmem>>
    %dma_wait3A_482 = tpu.memref_squeeze %dma_wait3A_481 : memref<1x32x1024xf32, #tpu.memory_space<vmem>> -> memref<32x1024xf32, #tpu.memory_space<vmem>>
    %dma_wait3A_483 = arith.constant 0 : i32
    %dma_wait3A_484 = tpu.memref_slice %arg2[%select_n3A, %add3A_477, %dma_wait3A_483] : memref<16x1024x1024xf32, #tpu.memory_space<hbm>> -> memref<1x32x1024xf32, #tpu.memory_space<hbm>>
    %dma_wait3A_485 = tpu.memref_squeeze %dma_wait3A_484 : memref<1x32x1024xf32, #tpu.memory_space<hbm>> -> memref<32x1024xf32, #tpu.memory_space<hbm>>
    %dma_wait3A_486 = arith.constant 0 : i32
    %dma_wait3A_487 = arith.constant 0 : i32
    %dma_wait3A_488 = tpu.memref_slice %arg6[%dma_wait3A_478, %dma_wait3A_486, %dma_wait3A_487] : memref<2x32x1024xf32, #tpu.memory_space<vmem>> -> memref<1x32x1024xf32, #tpu.memory_space<vmem>>
    %dma_wait3A_489 = tpu.memref_squeeze %dma_wait3A_488 : memref<1x32x1024xf32, #tpu.memory_space<vmem>> -> memref<32x1024xf32, #tpu.memory_space<vmem>>
    %dma_wait3A_490 = arith.constant 0 : i32
    %dma_wait3A_491 = tpu.memref_slice %arg2[%select_n3A, %add3A_477, %dma_wait3A_490] : memref<16x1024x1024xf32, #tpu.memory_space<hbm>> -> memref<1x32x1024xf32, #tpu.memory_space<hbm>>
    %dma_wait3A_492 = tpu.memref_squeeze %dma_wait3A_491 : memref<1x32x1024xf32, #tpu.memory_space<hbm>> -> memref<32x1024xf32, #tpu.memory_space<hbm>>
    tpu.wait_dma2 semaphore(%arg8 : memref<!tpu.dma_semaphore, #tpu.memory_space<semaphore_mem>>) src(%dma_wait3A_492 : memref<32x1024xf32, #tpu.memory_space<hbm>>) dst(%dma_wait3A_489 : memref<32x1024xf32, #tpu.memory_space<vmem>>)
    %add3A_493 = arith.constant 352 : i32
    %add3A_494 = arith.addi %mul3A_32, %add3A_493 : i32
    %dma_start3A_495 = arith.constant 1 : i32
    %dma_start3A_496 = arith.constant 0 : i32
    %dma_start3A_497 = arith.constant 0 : i32
    %dma_start3A_498 = tpu.memref_slice %arg6[%dma_start3A_495, %dma_start3A_496, %dma_start3A_497] : memref<2x32x1024xf32, #tpu.memory_space<vmem>> -> memref<1x32x1024xf32, #tpu.memory_space<vmem>>
    %dma_start3A_499 = tpu.memref_squeeze %dma_start3A_498 : memref<1x32x1024xf32, #tpu.memory_space<vmem>> -> memref<32x1024xf32, #tpu.memory_space<vmem>>
    %dma_start3A_500 = arith.constant 0 : i32
    %dma_start3A_501 = tpu.memref_slice %arg2[%select_n3A, %add3A_494, %dma_start3A_500] : memref<16x1024x1024xf32, #tpu.memory_space<hbm>> -> memref<1x32x1024xf32, #tpu.memory_space<hbm>>
    %dma_start3A_502 = tpu.memref_squeeze %dma_start3A_501 : memref<1x32x1024xf32, #tpu.memory_space<hbm>> -> memref<32x1024xf32, #tpu.memory_space<hbm>>
    %dma_start3A_503 = arith.constant 0 : i32
    %dma_start3A_504 = arith.constant 0 : i32
    %dma_start3A_505 = tpu.memref_slice %arg6[%dma_start3A_495, %dma_start3A_503, %dma_start3A_504] : memref<2x32x1024xf32, #tpu.memory_space<vmem>> -> memref<1x32x1024xf32, #tpu.memory_space<vmem>>
    %dma_start3A_506 = tpu.memref_squeeze %dma_start3A_505 : memref<1x32x1024xf32, #tpu.memory_space<vmem>> -> memref<32x1024xf32, #tpu.memory_space<vmem>>
    %dma_start3A_507 = arith.constant 0 : i32
    %dma_start3A_508 = tpu.memref_slice %arg2[%select_n3A, %add3A_494, %dma_start3A_507] : memref<16x1024x1024xf32, #tpu.memory_space<hbm>> -> memref<1x32x1024xf32, #tpu.memory_space<hbm>>
    %dma_start3A_509 = tpu.memref_squeeze %dma_start3A_508 : memref<1x32x1024xf32, #tpu.memory_space<hbm>> -> memref<32x1024xf32, #tpu.memory_space<hbm>>
    tpu.enqueue_dma source(%dma_start3A_509 : memref<32x1024xf32, #tpu.memory_space<hbm>>) target(%dma_start3A_506 : memref<32x1024xf32, #tpu.memory_space<vmem>>) target_semaphore(%arg9 : memref<!tpu.dma_semaphore, #tpu.memory_space<semaphore_mem>>)
    %scan3A_510 = arith.constant 0 : i32
    %scan3A_511 = arith.constant 0 : i32
    %scan3A_512 = arith.constant 32 : i32
    %scan3A_513 = arith.addi %scan3A_511, %scan3A_512 : i32
    %scan3A_514 = arith.constant 1 : i32
    %scan3A_515 = scf.for %scan3A_717 = %scan3A_511 to %scan3A_513 step %scan3A_514 iter_args(%scan3A_718 = %scan3A_510) -> (i32)  : i32 {
      %scan3A_719 = arith.constant 0 : i32
      %scan3A_720 = arith.constant 64 : i32
      %scan3A_721 = arith.addi %scan3A_719, %scan3A_720 : i32
      %scan3A_722 = arith.constant 1 : i32
      %scan3A_723:6 = scf.for %scan3A_737 = %scan3A_719 to %scan3A_721 step %scan3A_722 iter_args(%scan3A_738 = %broadcast_in_dim3A_47, %scan3A_739 = %broadcast_in_dim3A_47, %scan3A_740 = %broadcast_in_dim3A_47, %scan3A_741 = %broadcast_in_dim3A_47, %scan3A_742 = %broadcast_in_dim3A_47, %scan3A_743 = %broadcast_in_dim3A_47) -> (vector<16xf32>, vector<16xf32>, vector<16xf32>, vector<16xf32>, vector<16xf32>, vector<16xf32>)  : i32 {
        %mul3A_744 = arith.constant 16 : i32
        %mul3A_745 = arith.muli %scan3A_737, %mul3A_744 : i32
        %get3A = arith.constant 0 : i32
        %get3A_746 = arith.index_cast %get3A : i32 to index
        %get3A_747 = arith.index_cast %scan3A_717 : i32 to index
        %get3A_748 = arith.index_cast %mul3A_745 : i32 to index
        %get3A_749 = tpu.vector_load %arg6[%get3A_746, %get3A_747, %get3A_748] {strides = array<i32>} : memref<2x32x1024xf32, #tpu.memory_space<vmem>>, vector<16xf32>,
        %mul3A_750 = arith.constant 16 : i32
        %mul3A_751 = arith.muli %scan3A_737, %mul3A_750 : i32
        %get3A_752 = arith.index_cast %mul3A_751 : i32 to index
        %get3A_753 = tpu.vector_load %arg5[%get3A_752] {strides = array<i32>} : memref<1024xf32, #tpu.memory_space<vmem>>, vector<16xf32>,
        %mul3A_754 = arith.mulf %get3A_749, %get3A_753 : vector<16xf32>
        %sub3A_755 = arith.subf %get3A_749, %mul3A_754 : vector<16xf32>
        %gt3A = arith.cmpf ogt, %mul3A_754, %scan3A_740 : vector<16xf32>
        %reduce_or3A = arith.constant 1.000000e+00 : f32
        %reduce_or3A_756 = arith.constant 0.000000e+00 : f32
        %reduce_or3A_757 = vector.broadcast %reduce_or3A : f32 to vector<16xf32>
        %reduce_or3A_758 = vector.broadcast %reduce_or3A_756 : f32 to vector<16xf32>
        %reduce_or3A_759 = arith.select %gt3A, %reduce_or3A_757, %reduce_or3A_758 : vector<16xi1>, vector<16xf32>
        %reduce_or3A_760 = arith.constant true
        %reduce_or3A_761 = vector.broadcast %reduce_or3A_760 : i1 to vector<16xi1>
        %reduce_or3A_762 = tpu.scan <max>, %reduce_or3A_759 masked %reduce_or3A_761 : vector<16xf32>, vector<16xi1> -> vector<16xf32>
        %reduce_or3A_763 = vector.extract %reduce_or3A_762[15] : f32 from vector<16xf32>
        %reduce_or3A_764 = arith.constant 0.000000e+00 : f32
        %reduce_or3A_765 = arith.cmpf ogt, %reduce_or3A_763, %reduce_or3A_764 : f32
        %convert_element_type3A = arith.extui %reduce_or3A_765 : i1 to i32
        %cond3A = arith.constant 0 : i32
        %cond3A_766 = arith.cmpi ne, %convert_element_type3A, %cond3A : i32
        %cond3A_767:3 = scf.if %cond3A_766 -> (vector<16xf32>, vector<16xf32>, vector<16xf32>) {
          %masked_sort3A = arith.constant dense<true> : vector<16xi1>
          %masked_sort3A_784, %masked_sort3A_785, %masked_sort3A_786 = tpu.sort %mul3A_754, %mul3A_754 masked %masked_sort3A {descending = true} : (vector<16xf32>, vector<16xf32>, vector<16xi1>) -> (vector<16xi1>, vector<16xf32>, vector<16xf32>)
          %rev3A = arith.constant 15 : i32
          %rev3A_787 = vector.broadcast %rev3A : i32 to vector<16xi32>
          %rev3A_788 = tpu.iota {dimensions = array<i32: 0>} : vector<16xi32>
          %rev3A_789 = arith.subi %rev3A_787, %rev3A_788 : vector<16xi32>
          %rev3A_790 = tpu.dynamic_gather %masked_sort3A_785[%rev3A_789] in [0] : vector<16xf32>, vector<16xi32> -> vector<16xf32>
          %max3A = arith.maximumf %scan3A_739, %rev3A_790 : vector<16xf32>
          %max3A_791 = arith.maximumf %scan3A_738, %max3A : vector<16xf32>
          %min3A = arith.minimumf %scan3A_738, %max3A : vector<16xf32>
          %masked_sort3A_792 = arith.constant dense<true> : vector<16xi1>
          %masked_sort3A_793, %masked_sort3A_794, %masked_sort3A_795 = tpu.sort %max3A_791, %max3A_791 masked %masked_sort3A_792 {descending = true} : (vector<16xf32>, vector<16xf32>, vector<16xi1>) -> (vector<16xi1>, vector<16xf32>, vector<16xf32>)
          %masked_sort3A_796 = arith.constant dense<true> : vector<16xi1>
          %masked_sort3A_797, %masked_sort3A_798, %masked_sort3A_799 = tpu.sort %min3A, %min3A masked %masked_sort3A_796 {descending = true} : (vector<16xf32>, vector<16xf32>, vector<16xi1>) -> (vector<16xi1>, vector<16xf32>, vector<16xf32>)
          %broadcast_in_dim3A_800 = arith.constant 15 : i32
          %broadcast_in_dim3A_801 = vector.broadcast %broadcast_in_dim3A_800 : i32 to vector<16x1xi32>
          %gather3A = vector.shape_cast %broadcast_in_dim3A_801 : vector<16x1xi32> to vector<16xi32>
          %gather3A_802 = tpu.dynamic_gather %masked_sort3A_798[%gather3A] in [0] : vector<16xf32>, vector<16xi32> -> vector<16xf32>
          scf.yield %masked_sort3A_794, %masked_sort3A_798, %gather3A_802 : vector<16xf32>, vector<16xf32>, vector<16xf32>
        } else {
          scf.yield %scan3A_738, %scan3A_739, %scan3A_740 : vector<16xf32>, vector<16xf32>, vector<16xf32>
        }
        %gt3A_768 = arith.cmpf ogt, %sub3A_755, %scan3A_743 : vector<16xf32>
        %reduce_or3A_769 = arith.constant 1.000000e+00 : f32
        %reduce_or3A_770 = arith.constant 0.000000e+00 : f32
        %reduce_or3A_771 = vector.broadcast %reduce_or3A_769 : f32 to vector<16xf32>
        %reduce_or3A_772 = vector.broadcast %reduce_or3A_770 : f32 to vector<16xf32>
        %reduce_or3A_773 = arith.select %gt3A_768, %reduce_or3A_771, %reduce_or3A_772 : vector<16xi1>, vector<16xf32>
        %reduce_or3A_774 = arith.constant true
        %reduce_or3A_775 = vector.broadcast %reduce_or3A_774 : i1 to vector<16xi1>
        %reduce_or3A_776 = tpu.scan <max>, %reduce_or3A_773 masked %reduce_or3A_775 : vector<16xf32>, vector<16xi1> -> vector<16xf32>
        %reduce_or3A_777 = vector.extract %reduce_or3A_776[15] : f32 from vector<16xf32>
        %reduce_or3A_778 = arith.constant 0.000000e+00 : f32
        %reduce_or3A_779 = arith.cmpf ogt, %reduce_or3A_777, %reduce_or3A_778 : f32
        %convert_element_type3A_780 = arith.extui %reduce_or3A_779 : i1 to i32
        %cond3A_781 = arith.constant 0 : i32
        %cond3A_782 = arith.cmpi ne, %convert_element_type3A_780, %cond3A_781 : i32
        %cond3A_783:3 = scf.if %cond3A_782 -> (vector<16xf32>, vector<16xf32>, vector<16xf32>) {
          %masked_sort3A = arith.constant dense<true> : vector<16xi1>
          %masked_sort3A_784, %masked_sort3A_785, %masked_sort3A_786 = tpu.sort %sub3A_755, %sub3A_755 masked %masked_sort3A {descending = true} : (vector<16xf32>, vector<16xf32>, vector<16xi1>) -> (vector<16xi1>, vector<16xf32>, vector<16xf32>)
          %rev3A = arith.constant 15 : i32
          %rev3A_787 = vector.broadcast %rev3A : i32 to vector<16xi32>
          %rev3A_788 = tpu.iota {dimensions = array<i32: 0>} : vector<16xi32>
          %rev3A_789 = arith.subi %rev3A_787, %rev3A_788 : vector<16xi32>
          %rev3A_790 = tpu.dynamic_gather %masked_sort3A_785[%rev3A_789] in [0] : vector<16xf32>, vector<16xi32> -> vector<16xf32>
          %max3A = arith.maximumf %scan3A_742, %rev3A_790 : vector<16xf32>
          %max3A_791 = arith.maximumf %scan3A_741, %max3A : vector<16xf32>
          %min3A = arith.minimumf %scan3A_741, %max3A : vector<16xf32>
          %masked_sort3A_792 = arith.constant dense<true> : vector<16xi1>
          %masked_sort3A_793, %masked_sort3A_794, %masked_sort3A_795 = tpu.sort %max3A_791, %max3A_791 masked %masked_sort3A_792 {descending = true} : (vector<16xf32>, vector<16xf32>, vector<16xi1>) -> (vector<16xi1>, vector<16xf32>, vector<16xf32>)
          %masked_sort3A_796 = arith.constant dense<true> : vector<16xi1>
          %masked_sort3A_797, %masked_sort3A_798, %masked_sort3A_799 = tpu.sort %min3A, %min3A masked %masked_sort3A_796 {descending = true} : (vector<16xf32>, vector<16xf32>, vector<16xi1>) -> (vector<16xi1>, vector<16xf32>, vector<16xf32>)
          %broadcast_in_dim3A_800 = arith.constant 15 : i32
          %broadcast_in_dim3A_801 = vector.broadcast %broadcast_in_dim3A_800 : i32 to vector<16x1xi32>
          %gather3A = vector.shape_cast %broadcast_in_dim3A_801 : vector<16x1xi32> to vector<16xi32>
          %gather3A_802 = tpu.dynamic_gather %masked_sort3A_798[%gather3A] in [0] : vector<16xf32>, vector<16xi32> -> vector<16xf32>
          scf.yield %masked_sort3A_794, %masked_sort3A_798, %gather3A_802 : vector<16xf32>, vector<16xf32>, vector<16xf32>
        } else {
          scf.yield %scan3A_741, %scan3A_742, %scan3A_743 : vector<16xf32>, vector<16xf32>, vector<16xf32>
        }
        scf.yield %cond3A_767#0, %cond3A_767#1, %cond3A_767#2, %cond3A_783#0, %cond3A_783#1, %cond3A_783#2 : vector<16xf32>, vector<16xf32>, vector<16xf32>, vector<16xf32>, vector<16xf32>, vector<16xf32>
      }
      %scan3A_724 = arith.constant 64 : i32
      %swap3A = arith.index_cast %scan3A_717 : i32 to index
      %swap3A_725 = arith.constant 0 : index
      %swap3A_726 = tpu.vector_load %arg7[%swap3A, %swap3A_725] {strides = array<i32>} : memref<32x64xf32, #tpu.memory_space<vmem>>, vector<16xf32>,
      tpu.vector_store %arg7[%swap3A, %swap3A_725], %scan3A_723#3 {strides = array<i32>} : memref<32x64xf32, #tpu.memory_space<vmem>>, vector<16xf32>,
      %swap3A_727 = arith.index_cast %scan3A_717 : i32 to index
      %swap3A_728 = arith.constant 16 : index
      %swap3A_729 = tpu.vector_load %arg7[%swap3A_727, %swap3A_728] {strides = array<i32>} : memref<32x64xf32, #tpu.memory_space<vmem>>, vector<16xf32>,
      tpu.vector_store %arg7[%swap3A_727, %swap3A_728], %scan3A_723#4 {strides = array<i32>} : memref<32x64xf32, #tpu.memory_space<vmem>>, vector<16xf32>,
      %swap3A_730 = arith.index_cast %scan3A_717 : i32 to index
      %swap3A_731 = arith.constant 32 : index
      %swap3A_732 = tpu.vector_load %arg7[%swap3A_730, %swap3A_731] {strides = array<i32>} : memref<32x64xf32, #tpu.memory_space<vmem>>, vector<16xf32>,
      tpu.vector_store %arg7[%swap3A_730, %swap3A_731], %scan3A_723#0 {strides = array<i32>} : memref<32x64xf32, #tpu.memory_space<vmem>>, vector<16xf32>,
      %swap3A_733 = arith.index_cast %scan3A_717 : i32 to index
      %swap3A_734 = arith.constant 48 : index
      %swap3A_735 = tpu.vector_load %arg7[%swap3A_733, %swap3A_734] {strides = array<i32>} : memref<32x64xf32, #tpu.memory_space<vmem>>, vector<16xf32>,
      tpu.vector_store %arg7[%swap3A_733, %swap3A_734], %scan3A_723#1 {strides = array<i32>} : memref<32x64xf32, #tpu.memory_space<vmem>>, vector<16xf32>,
      %scan3A_736 = arith.constant 0 : i32
      scf.yield %scan3A_736 : i32
    }
    %scan3A_516 = arith.constant 32 : i32
    %add3A_517 = arith.constant 320 : i32
    %add3A_518 = arith.addi %mul3A_32, %add3A_517 : i32
    "tpu.region"() ({
      %run_scoped3A = tpu.sem_alloc : memref<!tpu.dma_semaphore, #tpu.memory_space<semaphore_mem>>
      %dma_start3A_717 = arith.constant 0 : i32
      %dma_start3A_718 = tpu.memref_slice %arg4[%select_n3A, %add3A_518, %dma_start3A_717] : memref<16x1024x64xf32, #tpu.memory_space<hbm>> -> memref<1x32x64xf32, #tpu.memory_space<hbm>>
      %dma_start3A_719 = tpu.memref_squeeze %dma_start3A_718 : memref<1x32x64xf32, #tpu.memory_space<hbm>> -> memref<32x64xf32, #tpu.memory_space<hbm>>
      %dma_start3A_720 = arith.constant 0 : i32
      %dma_start3A_721 = tpu.memref_slice %arg4[%select_n3A, %add3A_518, %dma_start3A_720] : memref<16x1024x64xf32, #tpu.memory_space<hbm>> -> memref<1x32x64xf32, #tpu.memory_space<hbm>>
      %dma_start3A_722 = tpu.memref_squeeze %dma_start3A_721 : memref<1x32x64xf32, #tpu.memory_space<hbm>> -> memref<32x64xf32, #tpu.memory_space<hbm>>
      tpu.enqueue_dma source(%arg7 : memref<32x64xf32, #tpu.memory_space<vmem>>) target(%dma_start3A_722 : memref<32x64xf32, #tpu.memory_space<hbm>>) target_semaphore(%run_scoped3A : memref<!tpu.dma_semaphore, #tpu.memory_space<semaphore_mem>>)
      %dma_wait3A_723 = arith.constant 0 : i32
      %dma_wait3A_724 = tpu.memref_slice %arg4[%select_n3A, %add3A_518, %dma_wait3A_723] : memref<16x1024x64xf32, #tpu.memory_space<hbm>> -> memref<1x32x64xf32, #tpu.memory_space<hbm>>
      %dma_wait3A_725 = tpu.memref_squeeze %dma_wait3A_724 : memref<1x32x64xf32, #tpu.memory_space<hbm>> -> memref<32x64xf32, #tpu.memory_space<hbm>>
      %dma_wait3A_726 = arith.constant 0 : i32
      %dma_wait3A_727 = tpu.memref_slice %arg4[%select_n3A, %add3A_518, %dma_wait3A_726] : memref<16x1024x64xf32, #tpu.memory_space<hbm>> -> memref<1x32x64xf32, #tpu.memory_space<hbm>>
      %dma_wait3A_728 = tpu.memref_squeeze %dma_wait3A_727 : memref<1x32x64xf32, #tpu.memory_space<hbm>> -> memref<32x64xf32, #tpu.memory_space<hbm>>
      tpu.wait_dma2 semaphore(%run_scoped3A : memref<!tpu.dma_semaphore, #tpu.memory_space<semaphore_mem>>) src(%arg7 : memref<32x64xf32, #tpu.memory_space<vmem>>) dst(%dma_wait3A_728 : memref<32x64xf32, #tpu.memory_space<hbm>>)
      tpu.yield
    }) : () -> ()
    %add3A_519 = arith.constant 352 : i32
    %add3A_520 = arith.addi %mul3A_32, %add3A_519 : i32
    %dma_wait3A_521 = arith.constant 1 : i32
    %dma_wait3A_522 = arith.constant 0 : i32
    %dma_wait3A_523 = arith.constant 0 : i32
    %dma_wait3A_524 = tpu.memref_slice %arg6[%dma_wait3A_521, %dma_wait3A_522, %dma_wait3A_523] : memref<2x32x1024xf32, #tpu.memory_space<vmem>> -> memref<1x32x1024xf32, #tpu.memory_space<vmem>>
    %dma_wait3A_525 = tpu.memref_squeeze %dma_wait3A_524 : memref<1x32x1024xf32, #tpu.memory_space<vmem>> -> memref<32x1024xf32, #tpu.memory_space<vmem>>
    %dma_wait3A_526 = arith.constant 0 : i32
    %dma_wait3A_527 = tpu.memref_slice %arg2[%select_n3A, %add3A_520, %dma_wait3A_526] : memref<16x1024x1024xf32, #tpu.memory_space<hbm>> -> memref<1x32x1024xf32, #tpu.memory_space<hbm>>
    %dma_wait3A_528 = tpu.memref_squeeze %dma_wait3A_527 : memref<1x32x1024xf32, #tpu.memory_space<hbm>> -> memref<32x1024xf32, #tpu.memory_space<hbm>>
    %dma_wait3A_529 = arith.constant 0 : i32
    %dma_wait3A_530 = arith.constant 0 : i32
    %dma_wait3A_531 = tpu.memref_slice %arg6[%dma_wait3A_521, %dma_wait3A_529, %dma_wait3A_530] : memref<2x32x1024xf32, #tpu.memory_space<vmem>> -> memref<1x32x1024xf32, #tpu.memory_space<vmem>>
    %dma_wait3A_532 = tpu.memref_squeeze %dma_wait3A_531 : memref<1x32x1024xf32, #tpu.memory_space<vmem>> -> memref<32x1024xf32, #tpu.memory_space<vmem>>
    %dma_wait3A_533 = arith.constant 0 : i32
    %dma_wait3A_534 = tpu.memref_slice %arg2[%select_n3A, %add3A_520, %dma_wait3A_533] : memref<16x1024x1024xf32, #tpu.memory_space<hbm>> -> memref<1x32x1024xf32, #tpu.memory_space<hbm>>
    %dma_wait3A_535 = tpu.memref_squeeze %dma_wait3A_534 : memref<1x32x1024xf32, #tpu.memory_space<hbm>> -> memref<32x1024xf32, #tpu.memory_space<hbm>>
    tpu.wait_dma2 semaphore(%arg9 : memref<!tpu.dma_semaphore, #tpu.memory_space<semaphore_mem>>) src(%dma_wait3A_535 : memref<32x1024xf32, #tpu.memory_space<hbm>>) dst(%dma_wait3A_532 : memref<32x1024xf32, #tpu.memory_space<vmem>>)
    %add3A_536 = arith.constant 384 : i32
    %add3A_537 = arith.addi %mul3A_32, %add3A_536 : i32
    %dma_start3A_538 = arith.constant 0 : i32
    %dma_start3A_539 = arith.constant 0 : i32
    %dma_start3A_540 = arith.constant 0 : i32
    %dma_start3A_541 = tpu.memref_slice %arg6[%dma_start3A_538, %dma_start3A_539, %dma_start3A_540] : memref<2x32x1024xf32, #tpu.memory_space<vmem>> -> memref<1x32x1024xf32, #tpu.memory_space<vmem>>
    %dma_start3A_542 = tpu.memref_squeeze %dma_start3A_541 : memref<1x32x1024xf32, #tpu.memory_space<vmem>> -> memref<32x1024xf32, #tpu.memory_space<vmem>>
    %dma_start3A_543 = arith.constant 0 : i32
    %dma_start3A_544 = tpu.memref_slice %arg2[%select_n3A, %add3A_537, %dma_start3A_543] : memref<16x1024x1024xf32, #tpu.memory_space<hbm>> -> memref<1x32x1024xf32, #tpu.memory_space<hbm>>
    %dma_start3A_545 = tpu.memref_squeeze %dma_start3A_544 : memref<1x32x1024xf32, #tpu.memory_space<hbm>> -> memref<32x1024xf32, #tpu.memory_space<hbm>>
    %dma_start3A_546 = arith.constant 0 : i32
    %dma_start3A_547 = arith.constant 0 : i32
    %dma_start3A_548 = tpu.memref_slice %arg6[%dma_start3A_538, %dma_start3A_546, %dma_start3A_547] : memref<2x32x1024xf32, #tpu.memory_space<vmem>> -> memref<1x32x1024xf32, #tpu.memory_space<vmem>>
    %dma_start3A_549 = tpu.memref_squeeze %dma_start3A_548 : memref<1x32x1024xf32, #tpu.memory_space<vmem>> -> memref<32x1024xf32, #tpu.memory_space<vmem>>
    %dma_start3A_550 = arith.constant 0 : i32
    %dma_start3A_551 = tpu.memref_slice %arg2[%select_n3A, %add3A_537, %dma_start3A_550] : memref<16x1024x1024xf32, #tpu.memory_space<hbm>> -> memref<1x32x1024xf32, #tpu.memory_space<hbm>>
    %dma_start3A_552 = tpu.memref_squeeze %dma_start3A_551 : memref<1x32x1024xf32, #tpu.memory_space<hbm>> -> memref<32x1024xf32, #tpu.memory_space<hbm>>
    tpu.enqueue_dma source(%dma_start3A_552 : memref<32x1024xf32, #tpu.memory_space<hbm>>) target(%dma_start3A_549 : memref<32x1024xf32, #tpu.memory_space<vmem>>) target_semaphore(%arg8 : memref<!tpu.dma_semaphore, #tpu.memory_space<semaphore_mem>>)
    %scan3A_553 = arith.constant 0 : i32
    %scan3A_554 = arith.constant 0 : i32
    %scan3A_555 = arith.constant 32 : i32
    %scan3A_556 = arith.addi %scan3A_554, %scan3A_555 : i32
    %scan3A_557 = arith.constant 1 : i32
    %scan3A_558 = scf.for %scan3A_717 = %scan3A_554 to %scan3A_556 step %scan3A_557 iter_args(%scan3A_718 = %scan3A_553) -> (i32)  : i32 {
      %scan3A_719 = arith.constant 0 : i32
      %scan3A_720 = arith.constant 64 : i32
      %scan3A_721 = arith.addi %scan3A_719, %scan3A_720 : i32
      %scan3A_722 = arith.constant 1 : i32
      %scan3A_723:6 = scf.for %scan3A_737 = %scan3A_719 to %scan3A_721 step %scan3A_722 iter_args(%scan3A_738 = %broadcast_in_dim3A_47, %scan3A_739 = %broadcast_in_dim3A_47, %scan3A_740 = %broadcast_in_dim3A_47, %scan3A_741 = %broadcast_in_dim3A_47, %scan3A_742 = %broadcast_in_dim3A_47, %scan3A_743 = %broadcast_in_dim3A_47) -> (vector<16xf32>, vector<16xf32>, vector<16xf32>, vector<16xf32>, vector<16xf32>, vector<16xf32>)  : i32 {
        %mul3A_744 = arith.constant 16 : i32
        %mul3A_745 = arith.muli %scan3A_737, %mul3A_744 : i32
        %get3A = arith.constant 1 : i32
        %get3A_746 = arith.index_cast %get3A : i32 to index
        %get3A_747 = arith.index_cast %scan3A_717 : i32 to index
        %get3A_748 = arith.index_cast %mul3A_745 : i32 to index
        %get3A_749 = tpu.vector_load %arg6[%get3A_746, %get3A_747, %get3A_748] {strides = array<i32>} : memref<2x32x1024xf32, #tpu.memory_space<vmem>>, vector<16xf32>,
        %mul3A_750 = arith.constant 16 : i32
        %mul3A_751 = arith.muli %scan3A_737, %mul3A_750 : i32
        %get3A_752 = arith.index_cast %mul3A_751 : i32 to index
        %get3A_753 = tpu.vector_load %arg5[%get3A_752] {strides = array<i32>} : memref<1024xf32, #tpu.memory_space<vmem>>, vector<16xf32>,
        %mul3A_754 = arith.mulf %get3A_749, %get3A_753 : vector<16xf32>
        %sub3A_755 = arith.subf %get3A_749, %mul3A_754 : vector<16xf32>
        %gt3A = arith.cmpf ogt, %mul3A_754, %scan3A_740 : vector<16xf32>
        %reduce_or3A = arith.constant 1.000000e+00 : f32
        %reduce_or3A_756 = arith.constant 0.000000e+00 : f32
        %reduce_or3A_757 = vector.broadcast %reduce_or3A : f32 to vector<16xf32>
        %reduce_or3A_758 = vector.broadcast %reduce_or3A_756 : f32 to vector<16xf32>
        %reduce_or3A_759 = arith.select %gt3A, %reduce_or3A_757, %reduce_or3A_758 : vector<16xi1>, vector<16xf32>
        %reduce_or3A_760 = arith.constant true
        %reduce_or3A_761 = vector.broadcast %reduce_or3A_760 : i1 to vector<16xi1>
        %reduce_or3A_762 = tpu.scan <max>, %reduce_or3A_759 masked %reduce_or3A_761 : vector<16xf32>, vector<16xi1> -> vector<16xf32>
        %reduce_or3A_763 = vector.extract %reduce_or3A_762[15] : f32 from vector<16xf32>
        %reduce_or3A_764 = arith.constant 0.000000e+00 : f32
        %reduce_or3A_765 = arith.cmpf ogt, %reduce_or3A_763, %reduce_or3A_764 : f32
        %convert_element_type3A = arith.extui %reduce_or3A_765 : i1 to i32
        %cond3A = arith.constant 0 : i32
        %cond3A_766 = arith.cmpi ne, %convert_element_type3A, %cond3A : i32
        %cond3A_767:3 = scf.if %cond3A_766 -> (vector<16xf32>, vector<16xf32>, vector<16xf32>) {
          %masked_sort3A = arith.constant dense<true> : vector<16xi1>
          %masked_sort3A_784, %masked_sort3A_785, %masked_sort3A_786 = tpu.sort %mul3A_754, %mul3A_754 masked %masked_sort3A {descending = true} : (vector<16xf32>, vector<16xf32>, vector<16xi1>) -> (vector<16xi1>, vector<16xf32>, vector<16xf32>)
          %rev3A = arith.constant 15 : i32
          %rev3A_787 = vector.broadcast %rev3A : i32 to vector<16xi32>
          %rev3A_788 = tpu.iota {dimensions = array<i32: 0>} : vector<16xi32>
          %rev3A_789 = arith.subi %rev3A_787, %rev3A_788 : vector<16xi32>
          %rev3A_790 = tpu.dynamic_gather %masked_sort3A_785[%rev3A_789] in [0] : vector<16xf32>, vector<16xi32> -> vector<16xf32>
          %max3A = arith.maximumf %scan3A_739, %rev3A_790 : vector<16xf32>
          %max3A_791 = arith.maximumf %scan3A_738, %max3A : vector<16xf32>
          %min3A = arith.minimumf %scan3A_738, %max3A : vector<16xf32>
          %masked_sort3A_792 = arith.constant dense<true> : vector<16xi1>
          %masked_sort3A_793, %masked_sort3A_794, %masked_sort3A_795 = tpu.sort %max3A_791, %max3A_791 masked %masked_sort3A_792 {descending = true} : (vector<16xf32>, vector<16xf32>, vector<16xi1>) -> (vector<16xi1>, vector<16xf32>, vector<16xf32>)
          %masked_sort3A_796 = arith.constant dense<true> : vector<16xi1>
          %masked_sort3A_797, %masked_sort3A_798, %masked_sort3A_799 = tpu.sort %min3A, %min3A masked %masked_sort3A_796 {descending = true} : (vector<16xf32>, vector<16xf32>, vector<16xi1>) -> (vector<16xi1>, vector<16xf32>, vector<16xf32>)
          %broadcast_in_dim3A_800 = arith.constant 15 : i32
          %broadcast_in_dim3A_801 = vector.broadcast %broadcast_in_dim3A_800 : i32 to vector<16x1xi32>
          %gather3A = vector.shape_cast %broadcast_in_dim3A_801 : vector<16x1xi32> to vector<16xi32>
          %gather3A_802 = tpu.dynamic_gather %masked_sort3A_798[%gather3A] in [0] : vector<16xf32>, vector<16xi32> -> vector<16xf32>
          scf.yield %masked_sort3A_794, %masked_sort3A_798, %gather3A_802 : vector<16xf32>, vector<16xf32>, vector<16xf32>
        } else {
          scf.yield %scan3A_738, %scan3A_739, %scan3A_740 : vector<16xf32>, vector<16xf32>, vector<16xf32>
        }
        %gt3A_768 = arith.cmpf ogt, %sub3A_755, %scan3A_743 : vector<16xf32>
        %reduce_or3A_769 = arith.constant 1.000000e+00 : f32
        %reduce_or3A_770 = arith.constant 0.000000e+00 : f32
        %reduce_or3A_771 = vector.broadcast %reduce_or3A_769 : f32 to vector<16xf32>
        %reduce_or3A_772 = vector.broadcast %reduce_or3A_770 : f32 to vector<16xf32>
        %reduce_or3A_773 = arith.select %gt3A_768, %reduce_or3A_771, %reduce_or3A_772 : vector<16xi1>, vector<16xf32>
        %reduce_or3A_774 = arith.constant true
        %reduce_or3A_775 = vector.broadcast %reduce_or3A_774 : i1 to vector<16xi1>
        %reduce_or3A_776 = tpu.scan <max>, %reduce_or3A_773 masked %reduce_or3A_775 : vector<16xf32>, vector<16xi1> -> vector<16xf32>
        %reduce_or3A_777 = vector.extract %reduce_or3A_776[15] : f32 from vector<16xf32>
        %reduce_or3A_778 = arith.constant 0.000000e+00 : f32
        %reduce_or3A_779 = arith.cmpf ogt, %reduce_or3A_777, %reduce_or3A_778 : f32
        %convert_element_type3A_780 = arith.extui %reduce_or3A_779 : i1 to i32
        %cond3A_781 = arith.constant 0 : i32
        %cond3A_782 = arith.cmpi ne, %convert_element_type3A_780, %cond3A_781 : i32
        %cond3A_783:3 = scf.if %cond3A_782 -> (vector<16xf32>, vector<16xf32>, vector<16xf32>) {
          %masked_sort3A = arith.constant dense<true> : vector<16xi1>
          %masked_sort3A_784, %masked_sort3A_785, %masked_sort3A_786 = tpu.sort %sub3A_755, %sub3A_755 masked %masked_sort3A {descending = true} : (vector<16xf32>, vector<16xf32>, vector<16xi1>) -> (vector<16xi1>, vector<16xf32>, vector<16xf32>)
          %rev3A = arith.constant 15 : i32
          %rev3A_787 = vector.broadcast %rev3A : i32 to vector<16xi32>
          %rev3A_788 = tpu.iota {dimensions = array<i32: 0>} : vector<16xi32>
          %rev3A_789 = arith.subi %rev3A_787, %rev3A_788 : vector<16xi32>
          %rev3A_790 = tpu.dynamic_gather %masked_sort3A_785[%rev3A_789] in [0] : vector<16xf32>, vector<16xi32> -> vector<16xf32>
          %max3A = arith.maximumf %scan3A_742, %rev3A_790 : vector<16xf32>
          %max3A_791 = arith.maximumf %scan3A_741, %max3A : vector<16xf32>
          %min3A = arith.minimumf %scan3A_741, %max3A : vector<16xf32>
          %masked_sort3A_792 = arith.constant dense<true> : vector<16xi1>
          %masked_sort3A_793, %masked_sort3A_794, %masked_sort3A_795 = tpu.sort %max3A_791, %max3A_791 masked %masked_sort3A_792 {descending = true} : (vector<16xf32>, vector<16xf32>, vector<16xi1>) -> (vector<16xi1>, vector<16xf32>, vector<16xf32>)
          %masked_sort3A_796 = arith.constant dense<true> : vector<16xi1>
          %masked_sort3A_797, %masked_sort3A_798, %masked_sort3A_799 = tpu.sort %min3A, %min3A masked %masked_sort3A_796 {descending = true} : (vector<16xf32>, vector<16xf32>, vector<16xi1>) -> (vector<16xi1>, vector<16xf32>, vector<16xf32>)
          %broadcast_in_dim3A_800 = arith.constant 15 : i32
          %broadcast_in_dim3A_801 = vector.broadcast %broadcast_in_dim3A_800 : i32 to vector<16x1xi32>
          %gather3A = vector.shape_cast %broadcast_in_dim3A_801 : vector<16x1xi32> to vector<16xi32>
          %gather3A_802 = tpu.dynamic_gather %masked_sort3A_798[%gather3A] in [0] : vector<16xf32>, vector<16xi32> -> vector<16xf32>
          scf.yield %masked_sort3A_794, %masked_sort3A_798, %gather3A_802 : vector<16xf32>, vector<16xf32>, vector<16xf32>
        } else {
          scf.yield %scan3A_741, %scan3A_742, %scan3A_743 : vector<16xf32>, vector<16xf32>, vector<16xf32>
        }
        scf.yield %cond3A_767#0, %cond3A_767#1, %cond3A_767#2, %cond3A_783#0, %cond3A_783#1, %cond3A_783#2 : vector<16xf32>, vector<16xf32>, vector<16xf32>, vector<16xf32>, vector<16xf32>, vector<16xf32>
      }
      %scan3A_724 = arith.constant 64 : i32
      %swap3A = arith.index_cast %scan3A_717 : i32 to index
      %swap3A_725 = arith.constant 0 : index
      %swap3A_726 = tpu.vector_load %arg7[%swap3A, %swap3A_725] {strides = array<i32>} : memref<32x64xf32, #tpu.memory_space<vmem>>, vector<16xf32>,
      tpu.vector_store %arg7[%swap3A, %swap3A_725], %scan3A_723#3 {strides = array<i32>} : memref<32x64xf32, #tpu.memory_space<vmem>>, vector<16xf32>,
      %swap3A_727 = arith.index_cast %scan3A_717 : i32 to index
      %swap3A_728 = arith.constant 16 : index
      %swap3A_729 = tpu.vector_load %arg7[%swap3A_727, %swap3A_728] {strides = array<i32>} : memref<32x64xf32, #tpu.memory_space<vmem>>, vector<16xf32>,
      tpu.vector_store %arg7[%swap3A_727, %swap3A_728], %scan3A_723#4 {strides = array<i32>} : memref<32x64xf32, #tpu.memory_space<vmem>>, vector<16xf32>,
      %swap3A_730 = arith.index_cast %scan3A_717 : i32 to index
      %swap3A_731 = arith.constant 32 : index
      %swap3A_732 = tpu.vector_load %arg7[%swap3A_730, %swap3A_731] {strides = array<i32>} : memref<32x64xf32, #tpu.memory_space<vmem>>, vector<16xf32>,
      tpu.vector_store %arg7[%swap3A_730, %swap3A_731], %scan3A_723#0 {strides = array<i32>} : memref<32x64xf32, #tpu.memory_space<vmem>>, vector<16xf32>,
      %swap3A_733 = arith.index_cast %scan3A_717 : i32 to index
      %swap3A_734 = arith.constant 48 : index
      %swap3A_735 = tpu.vector_load %arg7[%swap3A_733, %swap3A_734] {strides = array<i32>} : memref<32x64xf32, #tpu.memory_space<vmem>>, vector<16xf32>,
      tpu.vector_store %arg7[%swap3A_733, %swap3A_734], %scan3A_723#1 {strides = array<i32>} : memref<32x64xf32, #tpu.memory_space<vmem>>, vector<16xf32>,
      %scan3A_736 = arith.constant 0 : i32
      scf.yield %scan3A_736 : i32
    }
    %scan3A_559 = arith.constant 32 : i32
    %add3A_560 = arith.constant 352 : i32
    %add3A_561 = arith.addi %mul3A_32, %add3A_560 : i32
    "tpu.region"() ({
      %run_scoped3A = tpu.sem_alloc : memref<!tpu.dma_semaphore, #tpu.memory_space<semaphore_mem>>
      %dma_start3A_717 = arith.constant 0 : i32
      %dma_start3A_718 = tpu.memref_slice %arg4[%select_n3A, %add3A_561, %dma_start3A_717] : memref<16x1024x64xf32, #tpu.memory_space<hbm>> -> memref<1x32x64xf32, #tpu.memory_space<hbm>>
      %dma_start3A_719 = tpu.memref_squeeze %dma_start3A_718 : memref<1x32x64xf32, #tpu.memory_space<hbm>> -> memref<32x64xf32, #tpu.memory_space<hbm>>
      %dma_start3A_720 = arith.constant 0 : i32
      %dma_start3A_721 = tpu.memref_slice %arg4[%select_n3A, %add3A_561, %dma_start3A_720] : memref<16x1024x64xf32, #tpu.memory_space<hbm>> -> memref<1x32x64xf32, #tpu.memory_space<hbm>>
      %dma_start3A_722 = tpu.memref_squeeze %dma_start3A_721 : memref<1x32x64xf32, #tpu.memory_space<hbm>> -> memref<32x64xf32, #tpu.memory_space<hbm>>
      tpu.enqueue_dma source(%arg7 : memref<32x64xf32, #tpu.memory_space<vmem>>) target(%dma_start3A_722 : memref<32x64xf32, #tpu.memory_space<hbm>>) target_semaphore(%run_scoped3A : memref<!tpu.dma_semaphore, #tpu.memory_space<semaphore_mem>>)
      %dma_wait3A_723 = arith.constant 0 : i32
      %dma_wait3A_724 = tpu.memref_slice %arg4[%select_n3A, %add3A_561, %dma_wait3A_723] : memref<16x1024x64xf32, #tpu.memory_space<hbm>> -> memref<1x32x64xf32, #tpu.memory_space<hbm>>
      %dma_wait3A_725 = tpu.memref_squeeze %dma_wait3A_724 : memref<1x32x64xf32, #tpu.memory_space<hbm>> -> memref<32x64xf32, #tpu.memory_space<hbm>>
      %dma_wait3A_726 = arith.constant 0 : i32
      %dma_wait3A_727 = tpu.memref_slice %arg4[%select_n3A, %add3A_561, %dma_wait3A_726] : memref<16x1024x64xf32, #tpu.memory_space<hbm>> -> memref<1x32x64xf32, #tpu.memory_space<hbm>>
      %dma_wait3A_728 = tpu.memref_squeeze %dma_wait3A_727 : memref<1x32x64xf32, #tpu.memory_space<hbm>> -> memref<32x64xf32, #tpu.memory_space<hbm>>
      tpu.wait_dma2 semaphore(%run_scoped3A : memref<!tpu.dma_semaphore, #tpu.memory_space<semaphore_mem>>) src(%arg7 : memref<32x64xf32, #tpu.memory_space<vmem>>) dst(%dma_wait3A_728 : memref<32x64xf32, #tpu.memory_space<hbm>>)
      tpu.yield
    }) : () -> ()
    %add3A_562 = arith.constant 384 : i32
    %add3A_563 = arith.addi %mul3A_32, %add3A_562 : i32
    %dma_wait3A_564 = arith.constant 0 : i32
    %dma_wait3A_565 = arith.constant 0 : i32
    %dma_wait3A_566 = arith.constant 0 : i32
    %dma_wait3A_567 = tpu.memref_slice %arg6[%dma_wait3A_564, %dma_wait3A_565, %dma_wait3A_566] : memref<2x32x1024xf32, #tpu.memory_space<vmem>> -> memref<1x32x1024xf32, #tpu.memory_space<vmem>>
    %dma_wait3A_568 = tpu.memref_squeeze %dma_wait3A_567 : memref<1x32x1024xf32, #tpu.memory_space<vmem>> -> memref<32x1024xf32, #tpu.memory_space<vmem>>
    %dma_wait3A_569 = arith.constant 0 : i32
    %dma_wait3A_570 = tpu.memref_slice %arg2[%select_n3A, %add3A_563, %dma_wait3A_569] : memref<16x1024x1024xf32, #tpu.memory_space<hbm>> -> memref<1x32x1024xf32, #tpu.memory_space<hbm>>
    %dma_wait3A_571 = tpu.memref_squeeze %dma_wait3A_570 : memref<1x32x1024xf32, #tpu.memory_space<hbm>> -> memref<32x1024xf32, #tpu.memory_space<hbm>>
    %dma_wait3A_572 = arith.constant 0 : i32
    %dma_wait3A_573 = arith.constant 0 : i32
    %dma_wait3A_574 = tpu.memref_slice %arg6[%dma_wait3A_564, %dma_wait3A_572, %dma_wait3A_573] : memref<2x32x1024xf32, #tpu.memory_space<vmem>> -> memref<1x32x1024xf32, #tpu.memory_space<vmem>>
    %dma_wait3A_575 = tpu.memref_squeeze %dma_wait3A_574 : memref<1x32x1024xf32, #tpu.memory_space<vmem>> -> memref<32x1024xf32, #tpu.memory_space<vmem>>
    %dma_wait3A_576 = arith.constant 0 : i32
    %dma_wait3A_577 = tpu.memref_slice %arg2[%select_n3A, %add3A_563, %dma_wait3A_576] : memref<16x1024x1024xf32, #tpu.memory_space<hbm>> -> memref<1x32x1024xf32, #tpu.memory_space<hbm>>
    %dma_wait3A_578 = tpu.memref_squeeze %dma_wait3A_577 : memref<1x32x1024xf32, #tpu.memory_space<hbm>> -> memref<32x1024xf32, #tpu.memory_space<hbm>>
    tpu.wait_dma2 semaphore(%arg8 : memref<!tpu.dma_semaphore, #tpu.memory_space<semaphore_mem>>) src(%dma_wait3A_578 : memref<32x1024xf32, #tpu.memory_space<hbm>>) dst(%dma_wait3A_575 : memref<32x1024xf32, #tpu.memory_space<vmem>>)
    %add3A_579 = arith.constant 416 : i32
    %add3A_580 = arith.addi %mul3A_32, %add3A_579 : i32
    %dma_start3A_581 = arith.constant 1 : i32
    %dma_start3A_582 = arith.constant 0 : i32
    %dma_start3A_583 = arith.constant 0 : i32
    %dma_start3A_584 = tpu.memref_slice %arg6[%dma_start3A_581, %dma_start3A_582, %dma_start3A_583] : memref<2x32x1024xf32, #tpu.memory_space<vmem>> -> memref<1x32x1024xf32, #tpu.memory_space<vmem>>
    %dma_start3A_585 = tpu.memref_squeeze %dma_start3A_584 : memref<1x32x1024xf32, #tpu.memory_space<vmem>> -> memref<32x1024xf32, #tpu.memory_space<vmem>>
    %dma_start3A_586 = arith.constant 0 : i32
    %dma_start3A_587 = tpu.memref_slice %arg2[%select_n3A, %add3A_580, %dma_start3A_586] : memref<16x1024x1024xf32, #tpu.memory_space<hbm>> -> memref<1x32x1024xf32, #tpu.memory_space<hbm>>
    %dma_start3A_588 = tpu.memref_squeeze %dma_start3A_587 : memref<1x32x1024xf32, #tpu.memory_space<hbm>> -> memref<32x1024xf32, #tpu.memory_space<hbm>>
    %dma_start3A_589 = arith.constant 0 : i32
    %dma_start3A_590 = arith.constant 0 : i32
    %dma_start3A_591 = tpu.memref_slice %arg6[%dma_start3A_581, %dma_start3A_589, %dma_start3A_590] : memref<2x32x1024xf32, #tpu.memory_space<vmem>> -> memref<1x32x1024xf32, #tpu.memory_space<vmem>>
    %dma_start3A_592 = tpu.memref_squeeze %dma_start3A_591 : memref<1x32x1024xf32, #tpu.memory_space<vmem>> -> memref<32x1024xf32, #tpu.memory_space<vmem>>
    %dma_start3A_593 = arith.constant 0 : i32
    %dma_start3A_594 = tpu.memref_slice %arg2[%select_n3A, %add3A_580, %dma_start3A_593] : memref<16x1024x1024xf32, #tpu.memory_space<hbm>> -> memref<1x32x1024xf32, #tpu.memory_space<hbm>>
    %dma_start3A_595 = tpu.memref_squeeze %dma_start3A_594 : memref<1x32x1024xf32, #tpu.memory_space<hbm>> -> memref<32x1024xf32, #tpu.memory_space<hbm>>
    tpu.enqueue_dma source(%dma_start3A_595 : memref<32x1024xf32, #tpu.memory_space<hbm>>) target(%dma_start3A_592 : memref<32x1024xf32, #tpu.memory_space<vmem>>) target_semaphore(%arg9 : memref<!tpu.dma_semaphore, #tpu.memory_space<semaphore_mem>>)
    %scan3A_596 = arith.constant 0 : i32
    %scan3A_597 = arith.constant 0 : i32
    %scan3A_598 = arith.constant 32 : i32
    %scan3A_599 = arith.addi %scan3A_597, %scan3A_598 : i32
    %scan3A_600 = arith.constant 1 : i32
    %scan3A_601 = scf.for %scan3A_717 = %scan3A_597 to %scan3A_599 step %scan3A_600 iter_args(%scan3A_718 = %scan3A_596) -> (i32)  : i32 {
      %scan3A_719 = arith.constant 0 : i32
      %scan3A_720 = arith.constant 64 : i32
      %scan3A_721 = arith.addi %scan3A_719, %scan3A_720 : i32
      %scan3A_722 = arith.constant 1 : i32
      %scan3A_723:6 = scf.for %scan3A_737 = %scan3A_719 to %scan3A_721 step %scan3A_722 iter_args(%scan3A_738 = %broadcast_in_dim3A_47, %scan3A_739 = %broadcast_in_dim3A_47, %scan3A_740 = %broadcast_in_dim3A_47, %scan3A_741 = %broadcast_in_dim3A_47, %scan3A_742 = %broadcast_in_dim3A_47, %scan3A_743 = %broadcast_in_dim3A_47) -> (vector<16xf32>, vector<16xf32>, vector<16xf32>, vector<16xf32>, vector<16xf32>, vector<16xf32>)  : i32 {
        %mul3A_744 = arith.constant 16 : i32
        %mul3A_745 = arith.muli %scan3A_737, %mul3A_744 : i32
        %get3A = arith.constant 0 : i32
        %get3A_746 = arith.index_cast %get3A : i32 to index
        %get3A_747 = arith.index_cast %scan3A_717 : i32 to index
        %get3A_748 = arith.index_cast %mul3A_745 : i32 to index
        %get3A_749 = tpu.vector_load %arg6[%get3A_746, %get3A_747, %get3A_748] {strides = array<i32>} : memref<2x32x1024xf32, #tpu.memory_space<vmem>>, vector<16xf32>,
        %mul3A_750 = arith.constant 16 : i32
        %mul3A_751 = arith.muli %scan3A_737, %mul3A_750 : i32
        %get3A_752 = arith.index_cast %mul3A_751 : i32 to index
        %get3A_753 = tpu.vector_load %arg5[%get3A_752] {strides = array<i32>} : memref<1024xf32, #tpu.memory_space<vmem>>, vector<16xf32>,
        %mul3A_754 = arith.mulf %get3A_749, %get3A_753 : vector<16xf32>
        %sub3A_755 = arith.subf %get3A_749, %mul3A_754 : vector<16xf32>
        %gt3A = arith.cmpf ogt, %mul3A_754, %scan3A_740 : vector<16xf32>
        %reduce_or3A = arith.constant 1.000000e+00 : f32
        %reduce_or3A_756 = arith.constant 0.000000e+00 : f32
        %reduce_or3A_757 = vector.broadcast %reduce_or3A : f32 to vector<16xf32>
        %reduce_or3A_758 = vector.broadcast %reduce_or3A_756 : f32 to vector<16xf32>
        %reduce_or3A_759 = arith.select %gt3A, %reduce_or3A_757, %reduce_or3A_758 : vector<16xi1>, vector<16xf32>
        %reduce_or3A_760 = arith.constant true
        %reduce_or3A_761 = vector.broadcast %reduce_or3A_760 : i1 to vector<16xi1>
        %reduce_or3A_762 = tpu.scan <max>, %reduce_or3A_759 masked %reduce_or3A_761 : vector<16xf32>, vector<16xi1> -> vector<16xf32>
        %reduce_or3A_763 = vector.extract %reduce_or3A_762[15] : f32 from vector<16xf32>
        %reduce_or3A_764 = arith.constant 0.000000e+00 : f32
        %reduce_or3A_765 = arith.cmpf ogt, %reduce_or3A_763, %reduce_or3A_764 : f32
        %convert_element_type3A = arith.extui %reduce_or3A_765 : i1 to i32
        %cond3A = arith.constant 0 : i32
        %cond3A_766 = arith.cmpi ne, %convert_element_type3A, %cond3A : i32
        %cond3A_767:3 = scf.if %cond3A_766 -> (vector<16xf32>, vector<16xf32>, vector<16xf32>) {
          %masked_sort3A = arith.constant dense<true> : vector<16xi1>
          %masked_sort3A_784, %masked_sort3A_785, %masked_sort3A_786 = tpu.sort %mul3A_754, %mul3A_754 masked %masked_sort3A {descending = true} : (vector<16xf32>, vector<16xf32>, vector<16xi1>) -> (vector<16xi1>, vector<16xf32>, vector<16xf32>)
          %rev3A = arith.constant 15 : i32
          %rev3A_787 = vector.broadcast %rev3A : i32 to vector<16xi32>
          %rev3A_788 = tpu.iota {dimensions = array<i32: 0>} : vector<16xi32>
          %rev3A_789 = arith.subi %rev3A_787, %rev3A_788 : vector<16xi32>
          %rev3A_790 = tpu.dynamic_gather %masked_sort3A_785[%rev3A_789] in [0] : vector<16xf32>, vector<16xi32> -> vector<16xf32>
          %max3A = arith.maximumf %scan3A_739, %rev3A_790 : vector<16xf32>
          %max3A_791 = arith.maximumf %scan3A_738, %max3A : vector<16xf32>
          %min3A = arith.minimumf %scan3A_738, %max3A : vector<16xf32>
          %masked_sort3A_792 = arith.constant dense<true> : vector<16xi1>
          %masked_sort3A_793, %masked_sort3A_794, %masked_sort3A_795 = tpu.sort %max3A_791, %max3A_791 masked %masked_sort3A_792 {descending = true} : (vector<16xf32>, vector<16xf32>, vector<16xi1>) -> (vector<16xi1>, vector<16xf32>, vector<16xf32>)
          %masked_sort3A_796 = arith.constant dense<true> : vector<16xi1>
          %masked_sort3A_797, %masked_sort3A_798, %masked_sort3A_799 = tpu.sort %min3A, %min3A masked %masked_sort3A_796 {descending = true} : (vector<16xf32>, vector<16xf32>, vector<16xi1>) -> (vector<16xi1>, vector<16xf32>, vector<16xf32>)
          %broadcast_in_dim3A_800 = arith.constant 15 : i32
          %broadcast_in_dim3A_801 = vector.broadcast %broadcast_in_dim3A_800 : i32 to vector<16x1xi32>
          %gather3A = vector.shape_cast %broadcast_in_dim3A_801 : vector<16x1xi32> to vector<16xi32>
          %gather3A_802 = tpu.dynamic_gather %masked_sort3A_798[%gather3A] in [0] : vector<16xf32>, vector<16xi32> -> vector<16xf32>
          scf.yield %masked_sort3A_794, %masked_sort3A_798, %gather3A_802 : vector<16xf32>, vector<16xf32>, vector<16xf32>
        } else {
          scf.yield %scan3A_738, %scan3A_739, %scan3A_740 : vector<16xf32>, vector<16xf32>, vector<16xf32>
        }
        %gt3A_768 = arith.cmpf ogt, %sub3A_755, %scan3A_743 : vector<16xf32>
        %reduce_or3A_769 = arith.constant 1.000000e+00 : f32
        %reduce_or3A_770 = arith.constant 0.000000e+00 : f32
        %reduce_or3A_771 = vector.broadcast %reduce_or3A_769 : f32 to vector<16xf32>
        %reduce_or3A_772 = vector.broadcast %reduce_or3A_770 : f32 to vector<16xf32>
        %reduce_or3A_773 = arith.select %gt3A_768, %reduce_or3A_771, %reduce_or3A_772 : vector<16xi1>, vector<16xf32>
        %reduce_or3A_774 = arith.constant true
        %reduce_or3A_775 = vector.broadcast %reduce_or3A_774 : i1 to vector<16xi1>
        %reduce_or3A_776 = tpu.scan <max>, %reduce_or3A_773 masked %reduce_or3A_775 : vector<16xf32>, vector<16xi1> -> vector<16xf32>
        %reduce_or3A_777 = vector.extract %reduce_or3A_776[15] : f32 from vector<16xf32>
        %reduce_or3A_778 = arith.constant 0.000000e+00 : f32
        %reduce_or3A_779 = arith.cmpf ogt, %reduce_or3A_777, %reduce_or3A_778 : f32
        %convert_element_type3A_780 = arith.extui %reduce_or3A_779 : i1 to i32
        %cond3A_781 = arith.constant 0 : i32
        %cond3A_782 = arith.cmpi ne, %convert_element_type3A_780, %cond3A_781 : i32
        %cond3A_783:3 = scf.if %cond3A_782 -> (vector<16xf32>, vector<16xf32>, vector<16xf32>) {
          %masked_sort3A = arith.constant dense<true> : vector<16xi1>
          %masked_sort3A_784, %masked_sort3A_785, %masked_sort3A_786 = tpu.sort %sub3A_755, %sub3A_755 masked %masked_sort3A {descending = true} : (vector<16xf32>, vector<16xf32>, vector<16xi1>) -> (vector<16xi1>, vector<16xf32>, vector<16xf32>)
          %rev3A = arith.constant 15 : i32
          %rev3A_787 = vector.broadcast %rev3A : i32 to vector<16xi32>
          %rev3A_788 = tpu.iota {dimensions = array<i32: 0>} : vector<16xi32>
          %rev3A_789 = arith.subi %rev3A_787, %rev3A_788 : vector<16xi32>
          %rev3A_790 = tpu.dynamic_gather %masked_sort3A_785[%rev3A_789] in [0] : vector<16xf32>, vector<16xi32> -> vector<16xf32>
          %max3A = arith.maximumf %scan3A_742, %rev3A_790 : vector<16xf32>
          %max3A_791 = arith.maximumf %scan3A_741, %max3A : vector<16xf32>
          %min3A = arith.minimumf %scan3A_741, %max3A : vector<16xf32>
          %masked_sort3A_792 = arith.constant dense<true> : vector<16xi1>
          %masked_sort3A_793, %masked_sort3A_794, %masked_sort3A_795 = tpu.sort %max3A_791, %max3A_791 masked %masked_sort3A_792 {descending = true} : (vector<16xf32>, vector<16xf32>, vector<16xi1>) -> (vector<16xi1>, vector<16xf32>, vector<16xf32>)
          %masked_sort3A_796 = arith.constant dense<true> : vector<16xi1>
          %masked_sort3A_797, %masked_sort3A_798, %masked_sort3A_799 = tpu.sort %min3A, %min3A masked %masked_sort3A_796 {descending = true} : (vector<16xf32>, vector<16xf32>, vector<16xi1>) -> (vector<16xi1>, vector<16xf32>, vector<16xf32>)
          %broadcast_in_dim3A_800 = arith.constant 15 : i32
          %broadcast_in_dim3A_801 = vector.broadcast %broadcast_in_dim3A_800 : i32 to vector<16x1xi32>
          %gather3A = vector.shape_cast %broadcast_in_dim3A_801 : vector<16x1xi32> to vector<16xi32>
          %gather3A_802 = tpu.dynamic_gather %masked_sort3A_798[%gather3A] in [0] : vector<16xf32>, vector<16xi32> -> vector<16xf32>
          scf.yield %masked_sort3A_794, %masked_sort3A_798, %gather3A_802 : vector<16xf32>, vector<16xf32>, vector<16xf32>
        } else {
          scf.yield %scan3A_741, %scan3A_742, %scan3A_743 : vector<16xf32>, vector<16xf32>, vector<16xf32>
        }
        scf.yield %cond3A_767#0, %cond3A_767#1, %cond3A_767#2, %cond3A_783#0, %cond3A_783#1, %cond3A_783#2 : vector<16xf32>, vector<16xf32>, vector<16xf32>, vector<16xf32>, vector<16xf32>, vector<16xf32>
      }
      %scan3A_724 = arith.constant 64 : i32
      %swap3A = arith.index_cast %scan3A_717 : i32 to index
      %swap3A_725 = arith.constant 0 : index
      %swap3A_726 = tpu.vector_load %arg7[%swap3A, %swap3A_725] {strides = array<i32>} : memref<32x64xf32, #tpu.memory_space<vmem>>, vector<16xf32>,
      tpu.vector_store %arg7[%swap3A, %swap3A_725], %scan3A_723#3 {strides = array<i32>} : memref<32x64xf32, #tpu.memory_space<vmem>>, vector<16xf32>,
      %swap3A_727 = arith.index_cast %scan3A_717 : i32 to index
      %swap3A_728 = arith.constant 16 : index
      %swap3A_729 = tpu.vector_load %arg7[%swap3A_727, %swap3A_728] {strides = array<i32>} : memref<32x64xf32, #tpu.memory_space<vmem>>, vector<16xf32>,
      tpu.vector_store %arg7[%swap3A_727, %swap3A_728], %scan3A_723#4 {strides = array<i32>} : memref<32x64xf32, #tpu.memory_space<vmem>>, vector<16xf32>,
      %swap3A_730 = arith.index_cast %scan3A_717 : i32 to index
      %swap3A_731 = arith.constant 32 : index
      %swap3A_732 = tpu.vector_load %arg7[%swap3A_730, %swap3A_731] {strides = array<i32>} : memref<32x64xf32, #tpu.memory_space<vmem>>, vector<16xf32>,
      tpu.vector_store %arg7[%swap3A_730, %swap3A_731], %scan3A_723#0 {strides = array<i32>} : memref<32x64xf32, #tpu.memory_space<vmem>>, vector<16xf32>,
      %swap3A_733 = arith.index_cast %scan3A_717 : i32 to index
      %swap3A_734 = arith.constant 48 : index
      %swap3A_735 = tpu.vector_load %arg7[%swap3A_733, %swap3A_734] {strides = array<i32>} : memref<32x64xf32, #tpu.memory_space<vmem>>, vector<16xf32>,
      tpu.vector_store %arg7[%swap3A_733, %swap3A_734], %scan3A_723#1 {strides = array<i32>} : memref<32x64xf32, #tpu.memory_space<vmem>>, vector<16xf32>,
      %scan3A_736 = arith.constant 0 : i32
      scf.yield %scan3A_736 : i32
    }
    %scan3A_602 = arith.constant 32 : i32
    %add3A_603 = arith.constant 384 : i32
    %add3A_604 = arith.addi %mul3A_32, %add3A_603 : i32
    "tpu.region"() ({
      %run_scoped3A = tpu.sem_alloc : memref<!tpu.dma_semaphore, #tpu.memory_space<semaphore_mem>>
      %dma_start3A_717 = arith.constant 0 : i32
      %dma_start3A_718 = tpu.memref_slice %arg4[%select_n3A, %add3A_604, %dma_start3A_717] : memref<16x1024x64xf32, #tpu.memory_space<hbm>> -> memref<1x32x64xf32, #tpu.memory_space<hbm>>
      %dma_start3A_719 = tpu.memref_squeeze %dma_start3A_718 : memref<1x32x64xf32, #tpu.memory_space<hbm>> -> memref<32x64xf32, #tpu.memory_space<hbm>>
      %dma_start3A_720 = arith.constant 0 : i32
      %dma_start3A_721 = tpu.memref_slice %arg4[%select_n3A, %add3A_604, %dma_start3A_720] : memref<16x1024x64xf32, #tpu.memory_space<hbm>> -> memref<1x32x64xf32, #tpu.memory_space<hbm>>
      %dma_start3A_722 = tpu.memref_squeeze %dma_start3A_721 : memref<1x32x64xf32, #tpu.memory_space<hbm>> -> memref<32x64xf32, #tpu.memory_space<hbm>>
      tpu.enqueue_dma source(%arg7 : memref<32x64xf32, #tpu.memory_space<vmem>>) target(%dma_start3A_722 : memref<32x64xf32, #tpu.memory_space<hbm>>) target_semaphore(%run_scoped3A : memref<!tpu.dma_semaphore, #tpu.memory_space<semaphore_mem>>)
      %dma_wait3A_723 = arith.constant 0 : i32
      %dma_wait3A_724 = tpu.memref_slice %arg4[%select_n3A, %add3A_604, %dma_wait3A_723] : memref<16x1024x64xf32, #tpu.memory_space<hbm>> -> memref<1x32x64xf32, #tpu.memory_space<hbm>>
      %dma_wait3A_725 = tpu.memref_squeeze %dma_wait3A_724 : memref<1x32x64xf32, #tpu.memory_space<hbm>> -> memref<32x64xf32, #tpu.memory_space<hbm>>
      %dma_wait3A_726 = arith.constant 0 : i32
      %dma_wait3A_727 = tpu.memref_slice %arg4[%select_n3A, %add3A_604, %dma_wait3A_726] : memref<16x1024x64xf32, #tpu.memory_space<hbm>> -> memref<1x32x64xf32, #tpu.memory_space<hbm>>
      %dma_wait3A_728 = tpu.memref_squeeze %dma_wait3A_727 : memref<1x32x64xf32, #tpu.memory_space<hbm>> -> memref<32x64xf32, #tpu.memory_space<hbm>>
      tpu.wait_dma2 semaphore(%run_scoped3A : memref<!tpu.dma_semaphore, #tpu.memory_space<semaphore_mem>>) src(%arg7 : memref<32x64xf32, #tpu.memory_space<vmem>>) dst(%dma_wait3A_728 : memref<32x64xf32, #tpu.memory_space<hbm>>)
      tpu.yield
    }) : () -> ()
    %add3A_605 = arith.constant 416 : i32
    %add3A_606 = arith.addi %mul3A_32, %add3A_605 : i32
    %dma_wait3A_607 = arith.constant 1 : i32
    %dma_wait3A_608 = arith.constant 0 : i32
    %dma_wait3A_609 = arith.constant 0 : i32
    %dma_wait3A_610 = tpu.memref_slice %arg6[%dma_wait3A_607, %dma_wait3A_608, %dma_wait3A_609] : memref<2x32x1024xf32, #tpu.memory_space<vmem>> -> memref<1x32x1024xf32, #tpu.memory_space<vmem>>
    %dma_wait3A_611 = tpu.memref_squeeze %dma_wait3A_610 : memref<1x32x1024xf32, #tpu.memory_space<vmem>> -> memref<32x1024xf32, #tpu.memory_space<vmem>>
    %dma_wait3A_612 = arith.constant 0 : i32
    %dma_wait3A_613 = tpu.memref_slice %arg2[%select_n3A, %add3A_606, %dma_wait3A_612] : memref<16x1024x1024xf32, #tpu.memory_space<hbm>> -> memref<1x32x1024xf32, #tpu.memory_space<hbm>>
    %dma_wait3A_614 = tpu.memref_squeeze %dma_wait3A_613 : memref<1x32x1024xf32, #tpu.memory_space<hbm>> -> memref<32x1024xf32, #tpu.memory_space<hbm>>
    %dma_wait3A_615 = arith.constant 0 : i32
    %dma_wait3A_616 = arith.constant 0 : i32
    %dma_wait3A_617 = tpu.memref_slice %arg6[%dma_wait3A_607, %dma_wait3A_615, %dma_wait3A_616] : memref<2x32x1024xf32, #tpu.memory_space<vmem>> -> memref<1x32x1024xf32, #tpu.memory_space<vmem>>
    %dma_wait3A_618 = tpu.memref_squeeze %dma_wait3A_617 : memref<1x32x1024xf32, #tpu.memory_space<vmem>> -> memref<32x1024xf32, #tpu.memory_space<vmem>>
    %dma_wait3A_619 = arith.constant 0 : i32
    %dma_wait3A_620 = tpu.memref_slice %arg2[%select_n3A, %add3A_606, %dma_wait3A_619] : memref<16x1024x1024xf32, #tpu.memory_space<hbm>> -> memref<1x32x1024xf32, #tpu.memory_space<hbm>>
    %dma_wait3A_621 = tpu.memref_squeeze %dma_wait3A_620 : memref<1x32x1024xf32, #tpu.memory_space<hbm>> -> memref<32x1024xf32, #tpu.memory_space<hbm>>
    tpu.wait_dma2 semaphore(%arg9 : memref<!tpu.dma_semaphore, #tpu.memory_space<semaphore_mem>>) src(%dma_wait3A_621 : memref<32x1024xf32, #tpu.memory_space<hbm>>) dst(%dma_wait3A_618 : memref<32x1024xf32, #tpu.memory_space<vmem>>)
    %add3A_622 = arith.constant 448 : i32
    %add3A_623 = arith.addi %mul3A_32, %add3A_622 : i32
    %dma_start3A_624 = arith.constant 0 : i32
    %dma_start3A_625 = arith.constant 0 : i32
    %dma_start3A_626 = arith.constant 0 : i32
    %dma_start3A_627 = tpu.memref_slice %arg6[%dma_start3A_624, %dma_start3A_625, %dma_start3A_626] : memref<2x32x1024xf32, #tpu.memory_space<vmem>> -> memref<1x32x1024xf32, #tpu.memory_space<vmem>>
    %dma_start3A_628 = tpu.memref_squeeze %dma_start3A_627 : memref<1x32x1024xf32, #tpu.memory_space<vmem>> -> memref<32x1024xf32, #tpu.memory_space<vmem>>
    %dma_start3A_629 = arith.constant 0 : i32
    %dma_start3A_630 = tpu.memref_slice %arg2[%select_n3A, %add3A_623, %dma_start3A_629] : memref<16x1024x1024xf32, #tpu.memory_space<hbm>> -> memref<1x32x1024xf32, #tpu.memory_space<hbm>>
    %dma_start3A_631 = tpu.memref_squeeze %dma_start3A_630 : memref<1x32x1024xf32, #tpu.memory_space<hbm>> -> memref<32x1024xf32, #tpu.memory_space<hbm>>
    %dma_start3A_632 = arith.constant 0 : i32
    %dma_start3A_633 = arith.constant 0 : i32
    %dma_start3A_634 = tpu.memref_slice %arg6[%dma_start3A_624, %dma_start3A_632, %dma_start3A_633] : memref<2x32x1024xf32, #tpu.memory_space<vmem>> -> memref<1x32x1024xf32, #tpu.memory_space<vmem>>
    %dma_start3A_635 = tpu.memref_squeeze %dma_start3A_634 : memref<1x32x1024xf32, #tpu.memory_space<vmem>> -> memref<32x1024xf32, #tpu.memory_space<vmem>>
    %dma_start3A_636 = arith.constant 0 : i32
    %dma_start3A_637 = tpu.memref_slice %arg2[%select_n3A, %add3A_623, %dma_start3A_636] : memref<16x1024x1024xf32, #tpu.memory_space<hbm>> -> memref<1x32x1024xf32, #tpu.memory_space<hbm>>
    %dma_start3A_638 = tpu.memref_squeeze %dma_start3A_637 : memref<1x32x1024xf32, #tpu.memory_space<hbm>> -> memref<32x1024xf32, #tpu.memory_space<hbm>>
    tpu.enqueue_dma source(%dma_start3A_638 : memref<32x1024xf32, #tpu.memory_space<hbm>>) target(%dma_start3A_635 : memref<32x1024xf32, #tpu.memory_space<vmem>>) target_semaphore(%arg8 : memref<!tpu.dma_semaphore, #tpu.memory_space<semaphore_mem>>)
    %scan3A_639 = arith.constant 0 : i32
    %scan3A_640 = arith.constant 0 : i32
    %scan3A_641 = arith.constant 32 : i32
    %scan3A_642 = arith.addi %scan3A_640, %scan3A_641 : i32
    %scan3A_643 = arith.constant 1 : i32
    %scan3A_644 = scf.for %scan3A_717 = %scan3A_640 to %scan3A_642 step %scan3A_643 iter_args(%scan3A_718 = %scan3A_639) -> (i32)  : i32 {
      %scan3A_719 = arith.constant 0 : i32
      %scan3A_720 = arith.constant 64 : i32
      %scan3A_721 = arith.addi %scan3A_719, %scan3A_720 : i32
      %scan3A_722 = arith.constant 1 : i32
      %scan3A_723:6 = scf.for %scan3A_737 = %scan3A_719 to %scan3A_721 step %scan3A_722 iter_args(%scan3A_738 = %broadcast_in_dim3A_47, %scan3A_739 = %broadcast_in_dim3A_47, %scan3A_740 = %broadcast_in_dim3A_47, %scan3A_741 = %broadcast_in_dim3A_47, %scan3A_742 = %broadcast_in_dim3A_47, %scan3A_743 = %broadcast_in_dim3A_47) -> (vector<16xf32>, vector<16xf32>, vector<16xf32>, vector<16xf32>, vector<16xf32>, vector<16xf32>)  : i32 {
        %mul3A_744 = arith.constant 16 : i32
        %mul3A_745 = arith.muli %scan3A_737, %mul3A_744 : i32
        %get3A = arith.constant 1 : i32
        %get3A_746 = arith.index_cast %get3A : i32 to index
        %get3A_747 = arith.index_cast %scan3A_717 : i32 to index
        %get3A_748 = arith.index_cast %mul3A_745 : i32 to index
        %get3A_749 = tpu.vector_load %arg6[%get3A_746, %get3A_747, %get3A_748] {strides = array<i32>} : memref<2x32x1024xf32, #tpu.memory_space<vmem>>, vector<16xf32>,
        %mul3A_750 = arith.constant 16 : i32
        %mul3A_751 = arith.muli %scan3A_737, %mul3A_750 : i32
        %get3A_752 = arith.index_cast %mul3A_751 : i32 to index
        %get3A_753 = tpu.vector_load %arg5[%get3A_752] {strides = array<i32>} : memref<1024xf32, #tpu.memory_space<vmem>>, vector<16xf32>,
        %mul3A_754 = arith.mulf %get3A_749, %get3A_753 : vector<16xf32>
        %sub3A_755 = arith.subf %get3A_749, %mul3A_754 : vector<16xf32>
        %gt3A = arith.cmpf ogt, %mul3A_754, %scan3A_740 : vector<16xf32>
        %reduce_or3A = arith.constant 1.000000e+00 : f32
        %reduce_or3A_756 = arith.constant 0.000000e+00 : f32
        %reduce_or3A_757 = vector.broadcast %reduce_or3A : f32 to vector<16xf32>
        %reduce_or3A_758 = vector.broadcast %reduce_or3A_756 : f32 to vector<16xf32>
        %reduce_or3A_759 = arith.select %gt3A, %reduce_or3A_757, %reduce_or3A_758 : vector<16xi1>, vector<16xf32>
        %reduce_or3A_760 = arith.constant true
        %reduce_or3A_761 = vector.broadcast %reduce_or3A_760 : i1 to vector<16xi1>
        %reduce_or3A_762 = tpu.scan <max>, %reduce_or3A_759 masked %reduce_or3A_761 : vector<16xf32>, vector<16xi1> -> vector<16xf32>
        %reduce_or3A_763 = vector.extract %reduce_or3A_762[15] : f32 from vector<16xf32>
        %reduce_or3A_764 = arith.constant 0.000000e+00 : f32
        %reduce_or3A_765 = arith.cmpf ogt, %reduce_or3A_763, %reduce_or3A_764 : f32
        %convert_element_type3A = arith.extui %reduce_or3A_765 : i1 to i32
        %cond3A = arith.constant 0 : i32
        %cond3A_766 = arith.cmpi ne, %convert_element_type3A, %cond3A : i32
        %cond3A_767:3 = scf.if %cond3A_766 -> (vector<16xf32>, vector<16xf32>, vector<16xf32>) {
          %masked_sort3A = arith.constant dense<true> : vector<16xi1>
          %masked_sort3A_784, %masked_sort3A_785, %masked_sort3A_786 = tpu.sort %mul3A_754, %mul3A_754 masked %masked_sort3A {descending = true} : (vector<16xf32>, vector<16xf32>, vector<16xi1>) -> (vector<16xi1>, vector<16xf32>, vector<16xf32>)
          %rev3A = arith.constant 15 : i32
          %rev3A_787 = vector.broadcast %rev3A : i32 to vector<16xi32>
          %rev3A_788 = tpu.iota {dimensions = array<i32: 0>} : vector<16xi32>
          %rev3A_789 = arith.subi %rev3A_787, %rev3A_788 : vector<16xi32>
          %rev3A_790 = tpu.dynamic_gather %masked_sort3A_785[%rev3A_789] in [0] : vector<16xf32>, vector<16xi32> -> vector<16xf32>
          %max3A = arith.maximumf %scan3A_739, %rev3A_790 : vector<16xf32>
          %max3A_791 = arith.maximumf %scan3A_738, %max3A : vector<16xf32>
          %min3A = arith.minimumf %scan3A_738, %max3A : vector<16xf32>
          %masked_sort3A_792 = arith.constant dense<true> : vector<16xi1>
          %masked_sort3A_793, %masked_sort3A_794, %masked_sort3A_795 = tpu.sort %max3A_791, %max3A_791 masked %masked_sort3A_792 {descending = true} : (vector<16xf32>, vector<16xf32>, vector<16xi1>) -> (vector<16xi1>, vector<16xf32>, vector<16xf32>)
          %masked_sort3A_796 = arith.constant dense<true> : vector<16xi1>
          %masked_sort3A_797, %masked_sort3A_798, %masked_sort3A_799 = tpu.sort %min3A, %min3A masked %masked_sort3A_796 {descending = true} : (vector<16xf32>, vector<16xf32>, vector<16xi1>) -> (vector<16xi1>, vector<16xf32>, vector<16xf32>)
          %broadcast_in_dim3A_800 = arith.constant 15 : i32
          %broadcast_in_dim3A_801 = vector.broadcast %broadcast_in_dim3A_800 : i32 to vector<16x1xi32>
          %gather3A = vector.shape_cast %broadcast_in_dim3A_801 : vector<16x1xi32> to vector<16xi32>
          %gather3A_802 = tpu.dynamic_gather %masked_sort3A_798[%gather3A] in [0] : vector<16xf32>, vector<16xi32> -> vector<16xf32>
          scf.yield %masked_sort3A_794, %masked_sort3A_798, %gather3A_802 : vector<16xf32>, vector<16xf32>, vector<16xf32>
        } else {
          scf.yield %scan3A_738, %scan3A_739, %scan3A_740 : vector<16xf32>, vector<16xf32>, vector<16xf32>
        }
        %gt3A_768 = arith.cmpf ogt, %sub3A_755, %scan3A_743 : vector<16xf32>
        %reduce_or3A_769 = arith.constant 1.000000e+00 : f32
        %reduce_or3A_770 = arith.constant 0.000000e+00 : f32
        %reduce_or3A_771 = vector.broadcast %reduce_or3A_769 : f32 to vector<16xf32>
        %reduce_or3A_772 = vector.broadcast %reduce_or3A_770 : f32 to vector<16xf32>
        %reduce_or3A_773 = arith.select %gt3A_768, %reduce_or3A_771, %reduce_or3A_772 : vector<16xi1>, vector<16xf32>
        %reduce_or3A_774 = arith.constant true
        %reduce_or3A_775 = vector.broadcast %reduce_or3A_774 : i1 to vector<16xi1>
        %reduce_or3A_776 = tpu.scan <max>, %reduce_or3A_773 masked %reduce_or3A_775 : vector<16xf32>, vector<16xi1> -> vector<16xf32>
        %reduce_or3A_777 = vector.extract %reduce_or3A_776[15] : f32 from vector<16xf32>
        %reduce_or3A_778 = arith.constant 0.000000e+00 : f32
        %reduce_or3A_779 = arith.cmpf ogt, %reduce_or3A_777, %reduce_or3A_778 : f32
        %convert_element_type3A_780 = arith.extui %reduce_or3A_779 : i1 to i32
        %cond3A_781 = arith.constant 0 : i32
        %cond3A_782 = arith.cmpi ne, %convert_element_type3A_780, %cond3A_781 : i32
        %cond3A_783:3 = scf.if %cond3A_782 -> (vector<16xf32>, vector<16xf32>, vector<16xf32>) {
          %masked_sort3A = arith.constant dense<true> : vector<16xi1>
          %masked_sort3A_784, %masked_sort3A_785, %masked_sort3A_786 = tpu.sort %sub3A_755, %sub3A_755 masked %masked_sort3A {descending = true} : (vector<16xf32>, vector<16xf32>, vector<16xi1>) -> (vector<16xi1>, vector<16xf32>, vector<16xf32>)
          %rev3A = arith.constant 15 : i32
          %rev3A_787 = vector.broadcast %rev3A : i32 to vector<16xi32>
          %rev3A_788 = tpu.iota {dimensions = array<i32: 0>} : vector<16xi32>
          %rev3A_789 = arith.subi %rev3A_787, %rev3A_788 : vector<16xi32>
          %rev3A_790 = tpu.dynamic_gather %masked_sort3A_785[%rev3A_789] in [0] : vector<16xf32>, vector<16xi32> -> vector<16xf32>
          %max3A = arith.maximumf %scan3A_742, %rev3A_790 : vector<16xf32>
          %max3A_791 = arith.maximumf %scan3A_741, %max3A : vector<16xf32>
          %min3A = arith.minimumf %scan3A_741, %max3A : vector<16xf32>
          %masked_sort3A_792 = arith.constant dense<true> : vector<16xi1>
          %masked_sort3A_793, %masked_sort3A_794, %masked_sort3A_795 = tpu.sort %max3A_791, %max3A_791 masked %masked_sort3A_792 {descending = true} : (vector<16xf32>, vector<16xf32>, vector<16xi1>) -> (vector<16xi1>, vector<16xf32>, vector<16xf32>)
          %masked_sort3A_796 = arith.constant dense<true> : vector<16xi1>
          %masked_sort3A_797, %masked_sort3A_798, %masked_sort3A_799 = tpu.sort %min3A, %min3A masked %masked_sort3A_796 {descending = true} : (vector<16xf32>, vector<16xf32>, vector<16xi1>) -> (vector<16xi1>, vector<16xf32>, vector<16xf32>)
          %broadcast_in_dim3A_800 = arith.constant 15 : i32
          %broadcast_in_dim3A_801 = vector.broadcast %broadcast_in_dim3A_800 : i32 to vector<16x1xi32>
          %gather3A = vector.shape_cast %broadcast_in_dim3A_801 : vector<16x1xi32> to vector<16xi32>
          %gather3A_802 = tpu.dynamic_gather %masked_sort3A_798[%gather3A] in [0] : vector<16xf32>, vector<16xi32> -> vector<16xf32>
          scf.yield %masked_sort3A_794, %masked_sort3A_798, %gather3A_802 : vector<16xf32>, vector<16xf32>, vector<16xf32>
        } else {
          scf.yield %scan3A_741, %scan3A_742, %scan3A_743 : vector<16xf32>, vector<16xf32>, vector<16xf32>
        }
        scf.yield %cond3A_767#0, %cond3A_767#1, %cond3A_767#2, %cond3A_783#0, %cond3A_783#1, %cond3A_783#2 : vector<16xf32>, vector<16xf32>, vector<16xf32>, vector<16xf32>, vector<16xf32>, vector<16xf32>
      }
      %scan3A_724 = arith.constant 64 : i32
      %swap3A = arith.index_cast %scan3A_717 : i32 to index
      %swap3A_725 = arith.constant 0 : index
      %swap3A_726 = tpu.vector_load %arg7[%swap3A, %swap3A_725] {strides = array<i32>} : memref<32x64xf32, #tpu.memory_space<vmem>>, vector<16xf32>,
      tpu.vector_store %arg7[%swap3A, %swap3A_725], %scan3A_723#3 {strides = array<i32>} : memref<32x64xf32, #tpu.memory_space<vmem>>, vector<16xf32>,
      %swap3A_727 = arith.index_cast %scan3A_717 : i32 to index
      %swap3A_728 = arith.constant 16 : index
      %swap3A_729 = tpu.vector_load %arg7[%swap3A_727, %swap3A_728] {strides = array<i32>} : memref<32x64xf32, #tpu.memory_space<vmem>>, vector<16xf32>,
      tpu.vector_store %arg7[%swap3A_727, %swap3A_728], %scan3A_723#4 {strides = array<i32>} : memref<32x64xf32, #tpu.memory_space<vmem>>, vector<16xf32>,
      %swap3A_730 = arith.index_cast %scan3A_717 : i32 to index
      %swap3A_731 = arith.constant 32 : index
      %swap3A_732 = tpu.vector_load %arg7[%swap3A_730, %swap3A_731] {strides = array<i32>} : memref<32x64xf32, #tpu.memory_space<vmem>>, vector<16xf32>,
      tpu.vector_store %arg7[%swap3A_730, %swap3A_731], %scan3A_723#0 {strides = array<i32>} : memref<32x64xf32, #tpu.memory_space<vmem>>, vector<16xf32>,
      %swap3A_733 = arith.index_cast %scan3A_717 : i32 to index
      %swap3A_734 = arith.constant 48 : index
      %swap3A_735 = tpu.vector_load %arg7[%swap3A_733, %swap3A_734] {strides = array<i32>} : memref<32x64xf32, #tpu.memory_space<vmem>>, vector<16xf32>,
      tpu.vector_store %arg7[%swap3A_733, %swap3A_734], %scan3A_723#1 {strides = array<i32>} : memref<32x64xf32, #tpu.memory_space<vmem>>, vector<16xf32>,
      %scan3A_736 = arith.constant 0 : i32
      scf.yield %scan3A_736 : i32
    }
    %scan3A_645 = arith.constant 32 : i32
    %add3A_646 = arith.constant 416 : i32
    %add3A_647 = arith.addi %mul3A_32, %add3A_646 : i32
    "tpu.region"() ({
      %run_scoped3A = tpu.sem_alloc : memref<!tpu.dma_semaphore, #tpu.memory_space<semaphore_mem>>
      %dma_start3A_717 = arith.constant 0 : i32
      %dma_start3A_718 = tpu.memref_slice %arg4[%select_n3A, %add3A_647, %dma_start3A_717] : memref<16x1024x64xf32, #tpu.memory_space<hbm>> -> memref<1x32x64xf32, #tpu.memory_space<hbm>>
      %dma_start3A_719 = tpu.memref_squeeze %dma_start3A_718 : memref<1x32x64xf32, #tpu.memory_space<hbm>> -> memref<32x64xf32, #tpu.memory_space<hbm>>
      %dma_start3A_720 = arith.constant 0 : i32
      %dma_start3A_721 = tpu.memref_slice %arg4[%select_n3A, %add3A_647, %dma_start3A_720] : memref<16x1024x64xf32, #tpu.memory_space<hbm>> -> memref<1x32x64xf32, #tpu.memory_space<hbm>>
      %dma_start3A_722 = tpu.memref_squeeze %dma_start3A_721 : memref<1x32x64xf32, #tpu.memory_space<hbm>> -> memref<32x64xf32, #tpu.memory_space<hbm>>
      tpu.enqueue_dma source(%arg7 : memref<32x64xf32, #tpu.memory_space<vmem>>) target(%dma_start3A_722 : memref<32x64xf32, #tpu.memory_space<hbm>>) target_semaphore(%run_scoped3A : memref<!tpu.dma_semaphore, #tpu.memory_space<semaphore_mem>>)
      %dma_wait3A_723 = arith.constant 0 : i32
      %dma_wait3A_724 = tpu.memref_slice %arg4[%select_n3A, %add3A_647, %dma_wait3A_723] : memref<16x1024x64xf32, #tpu.memory_space<hbm>> -> memref<1x32x64xf32, #tpu.memory_space<hbm>>
      %dma_wait3A_725 = tpu.memref_squeeze %dma_wait3A_724 : memref<1x32x64xf32, #tpu.memory_space<hbm>> -> memref<32x64xf32, #tpu.memory_space<hbm>>
      %dma_wait3A_726 = arith.constant 0 : i32
      %dma_wait3A_727 = tpu.memref_slice %arg4[%select_n3A, %add3A_647, %dma_wait3A_726] : memref<16x1024x64xf32, #tpu.memory_space<hbm>> -> memref<1x32x64xf32, #tpu.memory_space<hbm>>
      %dma_wait3A_728 = tpu.memref_squeeze %dma_wait3A_727 : memref<1x32x64xf32, #tpu.memory_space<hbm>> -> memref<32x64xf32, #tpu.memory_space<hbm>>
      tpu.wait_dma2 semaphore(%run_scoped3A : memref<!tpu.dma_semaphore, #tpu.memory_space<semaphore_mem>>) src(%arg7 : memref<32x64xf32, #tpu.memory_space<vmem>>) dst(%dma_wait3A_728 : memref<32x64xf32, #tpu.memory_space<hbm>>)
      tpu.yield
    }) : () -> ()
    %add3A_648 = arith.constant 448 : i32
    %add3A_649 = arith.addi %mul3A_32, %add3A_648 : i32
    %dma_wait3A_650 = arith.constant 0 : i32
    %dma_wait3A_651 = arith.constant 0 : i32
    %dma_wait3A_652 = arith.constant 0 : i32
    %dma_wait3A_653 = tpu.memref_slice %arg6[%dma_wait3A_650, %dma_wait3A_651, %dma_wait3A_652] : memref<2x32x1024xf32, #tpu.memory_space<vmem>> -> memref<1x32x1024xf32, #tpu.memory_space<vmem>>
    %dma_wait3A_654 = tpu.memref_squeeze %dma_wait3A_653 : memref<1x32x1024xf32, #tpu.memory_space<vmem>> -> memref<32x1024xf32, #tpu.memory_space<vmem>>
    %dma_wait3A_655 = arith.constant 0 : i32
    %dma_wait3A_656 = tpu.memref_slice %arg2[%select_n3A, %add3A_649, %dma_wait3A_655] : memref<16x1024x1024xf32, #tpu.memory_space<hbm>> -> memref<1x32x1024xf32, #tpu.memory_space<hbm>>
    %dma_wait3A_657 = tpu.memref_squeeze %dma_wait3A_656 : memref<1x32x1024xf32, #tpu.memory_space<hbm>> -> memref<32x1024xf32, #tpu.memory_space<hbm>>
    %dma_wait3A_658 = arith.constant 0 : i32
    %dma_wait3A_659 = arith.constant 0 : i32
    %dma_wait3A_660 = tpu.memref_slice %arg6[%dma_wait3A_650, %dma_wait3A_658, %dma_wait3A_659] : memref<2x32x1024xf32, #tpu.memory_space<vmem>> -> memref<1x32x1024xf32, #tpu.memory_space<vmem>>
    %dma_wait3A_661 = tpu.memref_squeeze %dma_wait3A_660 : memref<1x32x1024xf32, #tpu.memory_space<vmem>> -> memref<32x1024xf32, #tpu.memory_space<vmem>>
    %dma_wait3A_662 = arith.constant 0 : i32
    %dma_wait3A_663 = tpu.memref_slice %arg2[%select_n3A, %add3A_649, %dma_wait3A_662] : memref<16x1024x1024xf32, #tpu.memory_space<hbm>> -> memref<1x32x1024xf32, #tpu.memory_space<hbm>>
    %dma_wait3A_664 = tpu.memref_squeeze %dma_wait3A_663 : memref<1x32x1024xf32, #tpu.memory_space<hbm>> -> memref<32x1024xf32, #tpu.memory_space<hbm>>
    tpu.wait_dma2 semaphore(%arg8 : memref<!tpu.dma_semaphore, #tpu.memory_space<semaphore_mem>>) src(%dma_wait3A_664 : memref<32x1024xf32, #tpu.memory_space<hbm>>) dst(%dma_wait3A_661 : memref<32x1024xf32, #tpu.memory_space<vmem>>)
    %add3A_665 = arith.constant 480 : i32
    %add3A_666 = arith.addi %mul3A_32, %add3A_665 : i32
    %dma_start3A_667 = arith.constant 1 : i32
    %dma_start3A_668 = arith.constant 0 : i32
    %dma_start3A_669 = arith.constant 0 : i32
    %dma_start3A_670 = tpu.memref_slice %arg6[%dma_start3A_667, %dma_start3A_668, %dma_start3A_669] : memref<2x32x1024xf32, #tpu.memory_space<vmem>> -> memref<1x32x1024xf32, #tpu.memory_space<vmem>>
    %dma_start3A_671 = tpu.memref_squeeze %dma_start3A_670 : memref<1x32x1024xf32, #tpu.memory_space<vmem>> -> memref<32x1024xf32, #tpu.memory_space<vmem>>
    %dma_start3A_672 = arith.constant 0 : i32
    %dma_start3A_673 = tpu.memref_slice %arg2[%select_n3A, %add3A_666, %dma_start3A_672] : memref<16x1024x1024xf32, #tpu.memory_space<hbm>> -> memref<1x32x1024xf32, #tpu.memory_space<hbm>>
    %dma_start3A_674 = tpu.memref_squeeze %dma_start3A_673 : memref<1x32x1024xf32, #tpu.memory_space<hbm>> -> memref<32x1024xf32, #tpu.memory_space<hbm>>
    %dma_start3A_675 = arith.constant 0 : i32
    %dma_start3A_676 = arith.constant 0 : i32
    %dma_start3A_677 = tpu.memref_slice %arg6[%dma_start3A_667, %dma_start3A_675, %dma_start3A_676] : memref<2x32x1024xf32, #tpu.memory_space<vmem>> -> memref<1x32x1024xf32, #tpu.memory_space<vmem>>
    %dma_start3A_678 = tpu.memref_squeeze %dma_start3A_677 : memref<1x32x1024xf32, #tpu.memory_space<vmem>> -> memref<32x1024xf32, #tpu.memory_space<vmem>>
    %dma_start3A_679 = arith.constant 0 : i32
    %dma_start3A_680 = tpu.memref_slice %arg2[%select_n3A, %add3A_666, %dma_start3A_679] : memref<16x1024x1024xf32, #tpu.memory_space<hbm>> -> memref<1x32x1024xf32, #tpu.memory_space<hbm>>
    %dma_start3A_681 = tpu.memref_squeeze %dma_start3A_680 : memref<1x32x1024xf32, #tpu.memory_space<hbm>> -> memref<32x1024xf32, #tpu.memory_space<hbm>>
    tpu.enqueue_dma source(%dma_start3A_681 : memref<32x1024xf32, #tpu.memory_space<hbm>>) target(%dma_start3A_678 : memref<32x1024xf32, #tpu.memory_space<vmem>>) target_semaphore(%arg9 : memref<!tpu.dma_semaphore, #tpu.memory_space<semaphore_mem>>)
    %scan3A_682 = arith.constant 0 : i32
    %scan3A_683 = arith.constant 0 : i32
    %scan3A_684 = arith.constant 32 : i32
    %scan3A_685 = arith.addi %scan3A_683, %scan3A_684 : i32
    %scan3A_686 = arith.constant 1 : i32
    %scan3A_687 = scf.for %scan3A_717 = %scan3A_683 to %scan3A_685 step %scan3A_686 iter_args(%scan3A_718 = %scan3A_682) -> (i32)  : i32 {
      %scan3A_719 = arith.constant 0 : i32
      %scan3A_720 = arith.constant 64 : i32
      %scan3A_721 = arith.addi %scan3A_719, %scan3A_720 : i32
      %scan3A_722 = arith.constant 1 : i32
      %scan3A_723:6 = scf.for %scan3A_737 = %scan3A_719 to %scan3A_721 step %scan3A_722 iter_args(%scan3A_738 = %broadcast_in_dim3A_47, %scan3A_739 = %broadcast_in_dim3A_47, %scan3A_740 = %broadcast_in_dim3A_47, %scan3A_741 = %broadcast_in_dim3A_47, %scan3A_742 = %broadcast_in_dim3A_47, %scan3A_743 = %broadcast_in_dim3A_47) -> (vector<16xf32>, vector<16xf32>, vector<16xf32>, vector<16xf32>, vector<16xf32>, vector<16xf32>)  : i32 {
        %mul3A_744 = arith.constant 16 : i32
        %mul3A_745 = arith.muli %scan3A_737, %mul3A_744 : i32
        %get3A = arith.constant 0 : i32
        %get3A_746 = arith.index_cast %get3A : i32 to index
        %get3A_747 = arith.index_cast %scan3A_717 : i32 to index
        %get3A_748 = arith.index_cast %mul3A_745 : i32 to index
        %get3A_749 = tpu.vector_load %arg6[%get3A_746, %get3A_747, %get3A_748] {strides = array<i32>} : memref<2x32x1024xf32, #tpu.memory_space<vmem>>, vector<16xf32>,
        %mul3A_750 = arith.constant 16 : i32
        %mul3A_751 = arith.muli %scan3A_737, %mul3A_750 : i32
        %get3A_752 = arith.index_cast %mul3A_751 : i32 to index
        %get3A_753 = tpu.vector_load %arg5[%get3A_752] {strides = array<i32>} : memref<1024xf32, #tpu.memory_space<vmem>>, vector<16xf32>,
        %mul3A_754 = arith.mulf %get3A_749, %get3A_753 : vector<16xf32>
        %sub3A_755 = arith.subf %get3A_749, %mul3A_754 : vector<16xf32>
        %gt3A = arith.cmpf ogt, %mul3A_754, %scan3A_740 : vector<16xf32>
        %reduce_or3A = arith.constant 1.000000e+00 : f32
        %reduce_or3A_756 = arith.constant 0.000000e+00 : f32
        %reduce_or3A_757 = vector.broadcast %reduce_or3A : f32 to vector<16xf32>
        %reduce_or3A_758 = vector.broadcast %reduce_or3A_756 : f32 to vector<16xf32>
        %reduce_or3A_759 = arith.select %gt3A, %reduce_or3A_757, %reduce_or3A_758 : vector<16xi1>, vector<16xf32>
        %reduce_or3A_760 = arith.constant true
        %reduce_or3A_761 = vector.broadcast %reduce_or3A_760 : i1 to vector<16xi1>
        %reduce_or3A_762 = tpu.scan <max>, %reduce_or3A_759 masked %reduce_or3A_761 : vector<16xf32>, vector<16xi1> -> vector<16xf32>
        %reduce_or3A_763 = vector.extract %reduce_or3A_762[15] : f32 from vector<16xf32>
        %reduce_or3A_764 = arith.constant 0.000000e+00 : f32
        %reduce_or3A_765 = arith.cmpf ogt, %reduce_or3A_763, %reduce_or3A_764 : f32
        %convert_element_type3A = arith.extui %reduce_or3A_765 : i1 to i32
        %cond3A = arith.constant 0 : i32
        %cond3A_766 = arith.cmpi ne, %convert_element_type3A, %cond3A : i32
        %cond3A_767:3 = scf.if %cond3A_766 -> (vector<16xf32>, vector<16xf32>, vector<16xf32>) {
          %masked_sort3A = arith.constant dense<true> : vector<16xi1>
          %masked_sort3A_784, %masked_sort3A_785, %masked_sort3A_786 = tpu.sort %mul3A_754, %mul3A_754 masked %masked_sort3A {descending = true} : (vector<16xf32>, vector<16xf32>, vector<16xi1>) -> (vector<16xi1>, vector<16xf32>, vector<16xf32>)
          %rev3A = arith.constant 15 : i32
          %rev3A_787 = vector.broadcast %rev3A : i32 to vector<16xi32>
          %rev3A_788 = tpu.iota {dimensions = array<i32: 0>} : vector<16xi32>
          %rev3A_789 = arith.subi %rev3A_787, %rev3A_788 : vector<16xi32>
          %rev3A_790 = tpu.dynamic_gather %masked_sort3A_785[%rev3A_789] in [0] : vector<16xf32>, vector<16xi32> -> vector<16xf32>
          %max3A = arith.maximumf %scan3A_739, %rev3A_790 : vector<16xf32>
          %max3A_791 = arith.maximumf %scan3A_738, %max3A : vector<16xf32>
          %min3A = arith.minimumf %scan3A_738, %max3A : vector<16xf32>
          %masked_sort3A_792 = arith.constant dense<true> : vector<16xi1>
          %masked_sort3A_793, %masked_sort3A_794, %masked_sort3A_795 = tpu.sort %max3A_791, %max3A_791 masked %masked_sort3A_792 {descending = true} : (vector<16xf32>, vector<16xf32>, vector<16xi1>) -> (vector<16xi1>, vector<16xf32>, vector<16xf32>)
          %masked_sort3A_796 = arith.constant dense<true> : vector<16xi1>
          %masked_sort3A_797, %masked_sort3A_798, %masked_sort3A_799 = tpu.sort %min3A, %min3A masked %masked_sort3A_796 {descending = true} : (vector<16xf32>, vector<16xf32>, vector<16xi1>) -> (vector<16xi1>, vector<16xf32>, vector<16xf32>)
          %broadcast_in_dim3A_800 = arith.constant 15 : i32
          %broadcast_in_dim3A_801 = vector.broadcast %broadcast_in_dim3A_800 : i32 to vector<16x1xi32>
          %gather3A = vector.shape_cast %broadcast_in_dim3A_801 : vector<16x1xi32> to vector<16xi32>
          %gather3A_802 = tpu.dynamic_gather %masked_sort3A_798[%gather3A] in [0] : vector<16xf32>, vector<16xi32> -> vector<16xf32>
          scf.yield %masked_sort3A_794, %masked_sort3A_798, %gather3A_802 : vector<16xf32>, vector<16xf32>, vector<16xf32>
        } else {
          scf.yield %scan3A_738, %scan3A_739, %scan3A_740 : vector<16xf32>, vector<16xf32>, vector<16xf32>
        }
        %gt3A_768 = arith.cmpf ogt, %sub3A_755, %scan3A_743 : vector<16xf32>
        %reduce_or3A_769 = arith.constant 1.000000e+00 : f32
        %reduce_or3A_770 = arith.constant 0.000000e+00 : f32
        %reduce_or3A_771 = vector.broadcast %reduce_or3A_769 : f32 to vector<16xf32>
        %reduce_or3A_772 = vector.broadcast %reduce_or3A_770 : f32 to vector<16xf32>
        %reduce_or3A_773 = arith.select %gt3A_768, %reduce_or3A_771, %reduce_or3A_772 : vector<16xi1>, vector<16xf32>
        %reduce_or3A_774 = arith.constant true
        %reduce_or3A_775 = vector.broadcast %reduce_or3A_774 : i1 to vector<16xi1>
        %reduce_or3A_776 = tpu.scan <max>, %reduce_or3A_773 masked %reduce_or3A_775 : vector<16xf32>, vector<16xi1> -> vector<16xf32>
        %reduce_or3A_777 = vector.extract %reduce_or3A_776[15] : f32 from vector<16xf32>
        %reduce_or3A_778 = arith.constant 0.000000e+00 : f32
        %reduce_or3A_779 = arith.cmpf ogt, %reduce_or3A_777, %reduce_or3A_778 : f32
        %convert_element_type3A_780 = arith.extui %reduce_or3A_779 : i1 to i32
        %cond3A_781 = arith.constant 0 : i32
        %cond3A_782 = arith.cmpi ne, %convert_element_type3A_780, %cond3A_781 : i32
        %cond3A_783:3 = scf.if %cond3A_782 -> (vector<16xf32>, vector<16xf32>, vector<16xf32>) {
          %masked_sort3A = arith.constant dense<true> : vector<16xi1>
          %masked_sort3A_784, %masked_sort3A_785, %masked_sort3A_786 = tpu.sort %sub3A_755, %sub3A_755 masked %masked_sort3A {descending = true} : (vector<16xf32>, vector<16xf32>, vector<16xi1>) -> (vector<16xi1>, vector<16xf32>, vector<16xf32>)
          %rev3A = arith.constant 15 : i32
          %rev3A_787 = vector.broadcast %rev3A : i32 to vector<16xi32>
          %rev3A_788 = tpu.iota {dimensions = array<i32: 0>} : vector<16xi32>
          %rev3A_789 = arith.subi %rev3A_787, %rev3A_788 : vector<16xi32>
          %rev3A_790 = tpu.dynamic_gather %masked_sort3A_785[%rev3A_789] in [0] : vector<16xf32>, vector<16xi32> -> vector<16xf32>
          %max3A = arith.maximumf %scan3A_742, %rev3A_790 : vector<16xf32>
          %max3A_791 = arith.maximumf %scan3A_741, %max3A : vector<16xf32>
          %min3A = arith.minimumf %scan3A_741, %max3A : vector<16xf32>
          %masked_sort3A_792 = arith.constant dense<true> : vector<16xi1>
          %masked_sort3A_793, %masked_sort3A_794, %masked_sort3A_795 = tpu.sort %max3A_791, %max3A_791 masked %masked_sort3A_792 {descending = true} : (vector<16xf32>, vector<16xf32>, vector<16xi1>) -> (vector<16xi1>, vector<16xf32>, vector<16xf32>)
          %masked_sort3A_796 = arith.constant dense<true> : vector<16xi1>
          %masked_sort3A_797, %masked_sort3A_798, %masked_sort3A_799 = tpu.sort %min3A, %min3A masked %masked_sort3A_796 {descending = true} : (vector<16xf32>, vector<16xf32>, vector<16xi1>) -> (vector<16xi1>, vector<16xf32>, vector<16xf32>)
          %broadcast_in_dim3A_800 = arith.constant 15 : i32
          %broadcast_in_dim3A_801 = vector.broadcast %broadcast_in_dim3A_800 : i32 to vector<16x1xi32>
          %gather3A = vector.shape_cast %broadcast_in_dim3A_801 : vector<16x1xi32> to vector<16xi32>
          %gather3A_802 = tpu.dynamic_gather %masked_sort3A_798[%gather3A] in [0] : vector<16xf32>, vector<16xi32> -> vector<16xf32>
          scf.yield %masked_sort3A_794, %masked_sort3A_798, %gather3A_802 : vector<16xf32>, vector<16xf32>, vector<16xf32>
        } else {
          scf.yield %scan3A_741, %scan3A_742, %scan3A_743 : vector<16xf32>, vector<16xf32>, vector<16xf32>
        }
        scf.yield %cond3A_767#0, %cond3A_767#1, %cond3A_767#2, %cond3A_783#0, %cond3A_783#1, %cond3A_783#2 : vector<16xf32>, vector<16xf32>, vector<16xf32>, vector<16xf32>, vector<16xf32>, vector<16xf32>
      }
      %scan3A_724 = arith.constant 64 : i32
      %swap3A = arith.index_cast %scan3A_717 : i32 to index
      %swap3A_725 = arith.constant 0 : index
      %swap3A_726 = tpu.vector_load %arg7[%swap3A, %swap3A_725] {strides = array<i32>} : memref<32x64xf32, #tpu.memory_space<vmem>>, vector<16xf32>,
      tpu.vector_store %arg7[%swap3A, %swap3A_725], %scan3A_723#3 {strides = array<i32>} : memref<32x64xf32, #tpu.memory_space<vmem>>, vector<16xf32>,
      %swap3A_727 = arith.index_cast %scan3A_717 : i32 to index
      %swap3A_728 = arith.constant 16 : index
      %swap3A_729 = tpu.vector_load %arg7[%swap3A_727, %swap3A_728] {strides = array<i32>} : memref<32x64xf32, #tpu.memory_space<vmem>>, vector<16xf32>,
      tpu.vector_store %arg7[%swap3A_727, %swap3A_728], %scan3A_723#4 {strides = array<i32>} : memref<32x64xf32, #tpu.memory_space<vmem>>, vector<16xf32>,
      %swap3A_730 = arith.index_cast %scan3A_717 : i32 to index
      %swap3A_731 = arith.constant 32 : index
      %swap3A_732 = tpu.vector_load %arg7[%swap3A_730, %swap3A_731] {strides = array<i32>} : memref<32x64xf32, #tpu.memory_space<vmem>>, vector<16xf32>,
      tpu.vector_store %arg7[%swap3A_730, %swap3A_731], %scan3A_723#0 {strides = array<i32>} : memref<32x64xf32, #tpu.memory_space<vmem>>, vector<16xf32>,
      %swap3A_733 = arith.index_cast %scan3A_717 : i32 to index
      %swap3A_734 = arith.constant 48 : index
      %swap3A_735 = tpu.vector_load %arg7[%swap3A_733, %swap3A_734] {strides = array<i32>} : memref<32x64xf32, #tpu.memory_space<vmem>>, vector<16xf32>,
      tpu.vector_store %arg7[%swap3A_733, %swap3A_734], %scan3A_723#1 {strides = array<i32>} : memref<32x64xf32, #tpu.memory_space<vmem>>, vector<16xf32>,
      %scan3A_736 = arith.constant 0 : i32
      scf.yield %scan3A_736 : i32
    }
    %scan3A_688 = arith.constant 32 : i32
    %add3A_689 = arith.constant 448 : i32
    %add3A_690 = arith.addi %mul3A_32, %add3A_689 : i32
    "tpu.region"() ({
      %run_scoped3A = tpu.sem_alloc : memref<!tpu.dma_semaphore, #tpu.memory_space<semaphore_mem>>
      %dma_start3A_717 = arith.constant 0 : i32
      %dma_start3A_718 = tpu.memref_slice %arg4[%select_n3A, %add3A_690, %dma_start3A_717] : memref<16x1024x64xf32, #tpu.memory_space<hbm>> -> memref<1x32x64xf32, #tpu.memory_space<hbm>>
      %dma_start3A_719 = tpu.memref_squeeze %dma_start3A_718 : memref<1x32x64xf32, #tpu.memory_space<hbm>> -> memref<32x64xf32, #tpu.memory_space<hbm>>
      %dma_start3A_720 = arith.constant 0 : i32
      %dma_start3A_721 = tpu.memref_slice %arg4[%select_n3A, %add3A_690, %dma_start3A_720] : memref<16x1024x64xf32, #tpu.memory_space<hbm>> -> memref<1x32x64xf32, #tpu.memory_space<hbm>>
      %dma_start3A_722 = tpu.memref_squeeze %dma_start3A_721 : memref<1x32x64xf32, #tpu.memory_space<hbm>> -> memref<32x64xf32, #tpu.memory_space<hbm>>
      tpu.enqueue_dma source(%arg7 : memref<32x64xf32, #tpu.memory_space<vmem>>) target(%dma_start3A_722 : memref<32x64xf32, #tpu.memory_space<hbm>>) target_semaphore(%run_scoped3A : memref<!tpu.dma_semaphore, #tpu.memory_space<semaphore_mem>>)
      %dma_wait3A_723 = arith.constant 0 : i32
      %dma_wait3A_724 = tpu.memref_slice %arg4[%select_n3A, %add3A_690, %dma_wait3A_723] : memref<16x1024x64xf32, #tpu.memory_space<hbm>> -> memref<1x32x64xf32, #tpu.memory_space<hbm>>
      %dma_wait3A_725 = tpu.memref_squeeze %dma_wait3A_724 : memref<1x32x64xf32, #tpu.memory_space<hbm>> -> memref<32x64xf32, #tpu.memory_space<hbm>>
      %dma_wait3A_726 = arith.constant 0 : i32
      %dma_wait3A_727 = tpu.memref_slice %arg4[%select_n3A, %add3A_690, %dma_wait3A_726] : memref<16x1024x64xf32, #tpu.memory_space<hbm>> -> memref<1x32x64xf32, #tpu.memory_space<hbm>>
      %dma_wait3A_728 = tpu.memref_squeeze %dma_wait3A_727 : memref<1x32x64xf32, #tpu.memory_space<hbm>> -> memref<32x64xf32, #tpu.memory_space<hbm>>
      tpu.wait_dma2 semaphore(%run_scoped3A : memref<!tpu.dma_semaphore, #tpu.memory_space<semaphore_mem>>) src(%arg7 : memref<32x64xf32, #tpu.memory_space<vmem>>) dst(%dma_wait3A_728 : memref<32x64xf32, #tpu.memory_space<hbm>>)
      tpu.yield
    }) : () -> ()
    %add3A_691 = arith.constant 480 : i32
    %add3A_692 = arith.addi %mul3A_32, %add3A_691 : i32
    %dma_wait3A_693 = arith.constant 1 : i32
    %dma_wait3A_694 = arith.constant 0 : i32
    %dma_wait3A_695 = arith.constant 0 : i32
    %dma_wait3A_696 = tpu.memref_slice %arg6[%dma_wait3A_693, %dma_wait3A_694, %dma_wait3A_695] : memref<2x32x1024xf32, #tpu.memory_space<vmem>> -> memref<1x32x1024xf32, #tpu.memory_space<vmem>>
    %dma_wait3A_697 = tpu.memref_squeeze %dma_wait3A_696 : memref<1x32x1024xf32, #tpu.memory_space<vmem>> -> memref<32x1024xf32, #tpu.memory_space<vmem>>
    %dma_wait3A_698 = arith.constant 0 : i32
    %dma_wait3A_699 = tpu.memref_slice %arg2[%select_n3A, %add3A_692, %dma_wait3A_698] : memref<16x1024x1024xf32, #tpu.memory_space<hbm>> -> memref<1x32x1024xf32, #tpu.memory_space<hbm>>
    %dma_wait3A_700 = tpu.memref_squeeze %dma_wait3A_699 : memref<1x32x1024xf32, #tpu.memory_space<hbm>> -> memref<32x1024xf32, #tpu.memory_space<hbm>>
    %dma_wait3A_701 = arith.constant 0 : i32
    %dma_wait3A_702 = arith.constant 0 : i32
    %dma_wait3A_703 = tpu.memref_slice %arg6[%dma_wait3A_693, %dma_wait3A_701, %dma_wait3A_702] : memref<2x32x1024xf32, #tpu.memory_space<vmem>> -> memref<1x32x1024xf32, #tpu.memory_space<vmem>>
    %dma_wait3A_704 = tpu.memref_squeeze %dma_wait3A_703 : memref<1x32x1024xf32, #tpu.memory_space<vmem>> -> memref<32x1024xf32, #tpu.memory_space<vmem>>
    %dma_wait3A_705 = arith.constant 0 : i32
    %dma_wait3A_706 = tpu.memref_slice %arg2[%select_n3A, %add3A_692, %dma_wait3A_705] : memref<16x1024x1024xf32, #tpu.memory_space<hbm>> -> memref<1x32x1024xf32, #tpu.memory_space<hbm>>
    %dma_wait3A_707 = tpu.memref_squeeze %dma_wait3A_706 : memref<1x32x1024xf32, #tpu.memory_space<hbm>> -> memref<32x1024xf32, #tpu.memory_space<hbm>>
    tpu.wait_dma2 semaphore(%arg9 : memref<!tpu.dma_semaphore, #tpu.memory_space<semaphore_mem>>) src(%dma_wait3A_707 : memref<32x1024xf32, #tpu.memory_space<hbm>>) dst(%dma_wait3A_704 : memref<32x1024xf32, #tpu.memory_space<vmem>>)
    %scan3A_708 = arith.constant 0 : i32
    %scan3A_709 = arith.constant 0 : i32
    %scan3A_710 = arith.constant 32 : i32
    %scan3A_711 = arith.addi %scan3A_709, %scan3A_710 : i32
    %scan3A_712 = arith.constant 1 : i32
    %scan3A_713 = scf.for %scan3A_717 = %scan3A_709 to %scan3A_711 step %scan3A_712 iter_args(%scan3A_718 = %scan3A_708) -> (i32)  : i32 {
      %scan3A_719 = arith.constant 0 : i32
      %scan3A_720 = arith.constant 64 : i32
      %scan3A_721 = arith.addi %scan3A_719, %scan3A_720 : i32
      %scan3A_722 = arith.constant 1 : i32
      %scan3A_723:6 = scf.for %scan3A_737 = %scan3A_719 to %scan3A_721 step %scan3A_722 iter_args(%scan3A_738 = %broadcast_in_dim3A_47, %scan3A_739 = %broadcast_in_dim3A_47, %scan3A_740 = %broadcast_in_dim3A_47, %scan3A_741 = %broadcast_in_dim3A_47, %scan3A_742 = %broadcast_in_dim3A_47, %scan3A_743 = %broadcast_in_dim3A_47) -> (vector<16xf32>, vector<16xf32>, vector<16xf32>, vector<16xf32>, vector<16xf32>, vector<16xf32>)  : i32 {
        %mul3A_744 = arith.constant 16 : i32
        %mul3A_745 = arith.muli %scan3A_737, %mul3A_744 : i32
        %get3A = arith.constant 1 : i32
        %get3A_746 = arith.index_cast %get3A : i32 to index
        %get3A_747 = arith.index_cast %scan3A_717 : i32 to index
        %get3A_748 = arith.index_cast %mul3A_745 : i32 to index
        %get3A_749 = tpu.vector_load %arg6[%get3A_746, %get3A_747, %get3A_748] {strides = array<i32>} : memref<2x32x1024xf32, #tpu.memory_space<vmem>>, vector<16xf32>,
        %mul3A_750 = arith.constant 16 : i32
        %mul3A_751 = arith.muli %scan3A_737, %mul3A_750 : i32
        %get3A_752 = arith.index_cast %mul3A_751 : i32 to index
        %get3A_753 = tpu.vector_load %arg5[%get3A_752] {strides = array<i32>} : memref<1024xf32, #tpu.memory_space<vmem>>, vector<16xf32>,
        %mul3A_754 = arith.mulf %get3A_749, %get3A_753 : vector<16xf32>
        %sub3A_755 = arith.subf %get3A_749, %mul3A_754 : vector<16xf32>
        %gt3A = arith.cmpf ogt, %mul3A_754, %scan3A_740 : vector<16xf32>
        %reduce_or3A = arith.constant 1.000000e+00 : f32
        %reduce_or3A_756 = arith.constant 0.000000e+00 : f32
        %reduce_or3A_757 = vector.broadcast %reduce_or3A : f32 to vector<16xf32>
        %reduce_or3A_758 = vector.broadcast %reduce_or3A_756 : f32 to vector<16xf32>
        %reduce_or3A_759 = arith.select %gt3A, %reduce_or3A_757, %reduce_or3A_758 : vector<16xi1>, vector<16xf32>
        %reduce_or3A_760 = arith.constant true
        %reduce_or3A_761 = vector.broadcast %reduce_or3A_760 : i1 to vector<16xi1>
        %reduce_or3A_762 = tpu.scan <max>, %reduce_or3A_759 masked %reduce_or3A_761 : vector<16xf32>, vector<16xi1> -> vector<16xf32>
        %reduce_or3A_763 = vector.extract %reduce_or3A_762[15] : f32 from vector<16xf32>
        %reduce_or3A_764 = arith.constant 0.000000e+00 : f32
        %reduce_or3A_765 = arith.cmpf ogt, %reduce_or3A_763, %reduce_or3A_764 : f32
        %convert_element_type3A = arith.extui %reduce_or3A_765 : i1 to i32
        %cond3A = arith.constant 0 : i32
        %cond3A_766 = arith.cmpi ne, %convert_element_type3A, %cond3A : i32
        %cond3A_767:3 = scf.if %cond3A_766 -> (vector<16xf32>, vector<16xf32>, vector<16xf32>) {
          %masked_sort3A = arith.constant dense<true> : vector<16xi1>
          %masked_sort3A_784, %masked_sort3A_785, %masked_sort3A_786 = tpu.sort %mul3A_754, %mul3A_754 masked %masked_sort3A {descending = true} : (vector<16xf32>, vector<16xf32>, vector<16xi1>) -> (vector<16xi1>, vector<16xf32>, vector<16xf32>)
          %rev3A = arith.constant 15 : i32
          %rev3A_787 = vector.broadcast %rev3A : i32 to vector<16xi32>
          %rev3A_788 = tpu.iota {dimensions = array<i32: 0>} : vector<16xi32>
          %rev3A_789 = arith.subi %rev3A_787, %rev3A_788 : vector<16xi32>
          %rev3A_790 = tpu.dynamic_gather %masked_sort3A_785[%rev3A_789] in [0] : vector<16xf32>, vector<16xi32> -> vector<16xf32>
          %max3A = arith.maximumf %scan3A_739, %rev3A_790 : vector<16xf32>
          %max3A_791 = arith.maximumf %scan3A_738, %max3A : vector<16xf32>
          %min3A = arith.minimumf %scan3A_738, %max3A : vector<16xf32>
          %masked_sort3A_792 = arith.constant dense<true> : vector<16xi1>
          %masked_sort3A_793, %masked_sort3A_794, %masked_sort3A_795 = tpu.sort %max3A_791, %max3A_791 masked %masked_sort3A_792 {descending = true} : (vector<16xf32>, vector<16xf32>, vector<16xi1>) -> (vector<16xi1>, vector<16xf32>, vector<16xf32>)
          %masked_sort3A_796 = arith.constant dense<true> : vector<16xi1>
          %masked_sort3A_797, %masked_sort3A_798, %masked_sort3A_799 = tpu.sort %min3A, %min3A masked %masked_sort3A_796 {descending = true} : (vector<16xf32>, vector<16xf32>, vector<16xi1>) -> (vector<16xi1>, vector<16xf32>, vector<16xf32>)
          %broadcast_in_dim3A_800 = arith.constant 15 : i32
          %broadcast_in_dim3A_801 = vector.broadcast %broadcast_in_dim3A_800 : i32 to vector<16x1xi32>
          %gather3A = vector.shape_cast %broadcast_in_dim3A_801 : vector<16x1xi32> to vector<16xi32>
          %gather3A_802 = tpu.dynamic_gather %masked_sort3A_798[%gather3A] in [0] : vector<16xf32>, vector<16xi32> -> vector<16xf32>
          scf.yield %masked_sort3A_794, %masked_sort3A_798, %gather3A_802 : vector<16xf32>, vector<16xf32>, vector<16xf32>
        } else {
          scf.yield %scan3A_738, %scan3A_739, %scan3A_740 : vector<16xf32>, vector<16xf32>, vector<16xf32>
        }
        %gt3A_768 = arith.cmpf ogt, %sub3A_755, %scan3A_743 : vector<16xf32>
        %reduce_or3A_769 = arith.constant 1.000000e+00 : f32
        %reduce_or3A_770 = arith.constant 0.000000e+00 : f32
        %reduce_or3A_771 = vector.broadcast %reduce_or3A_769 : f32 to vector<16xf32>
        %reduce_or3A_772 = vector.broadcast %reduce_or3A_770 : f32 to vector<16xf32>
        %reduce_or3A_773 = arith.select %gt3A_768, %reduce_or3A_771, %reduce_or3A_772 : vector<16xi1>, vector<16xf32>
        %reduce_or3A_774 = arith.constant true
        %reduce_or3A_775 = vector.broadcast %reduce_or3A_774 : i1 to vector<16xi1>
        %reduce_or3A_776 = tpu.scan <max>, %reduce_or3A_773 masked %reduce_or3A_775 : vector<16xf32>, vector<16xi1> -> vector<16xf32>
        %reduce_or3A_777 = vector.extract %reduce_or3A_776[15] : f32 from vector<16xf32>
        %reduce_or3A_778 = arith.constant 0.000000e+00 : f32
        %reduce_or3A_779 = arith.cmpf ogt, %reduce_or3A_777, %reduce_or3A_778 : f32
        %convert_element_type3A_780 = arith.extui %reduce_or3A_779 : i1 to i32
        %cond3A_781 = arith.constant 0 : i32
        %cond3A_782 = arith.cmpi ne, %convert_element_type3A_780, %cond3A_781 : i32
        %cond3A_783:3 = scf.if %cond3A_782 -> (vector<16xf32>, vector<16xf32>, vector<16xf32>) {
          %masked_sort3A = arith.constant dense<true> : vector<16xi1>
          %masked_sort3A_784, %masked_sort3A_785, %masked_sort3A_786 = tpu.sort %sub3A_755, %sub3A_755 masked %masked_sort3A {descending = true} : (vector<16xf32>, vector<16xf32>, vector<16xi1>) -> (vector<16xi1>, vector<16xf32>, vector<16xf32>)
          %rev3A = arith.constant 15 : i32
          %rev3A_787 = vector.broadcast %rev3A : i32 to vector<16xi32>
          %rev3A_788 = tpu.iota {dimensions = array<i32: 0>} : vector<16xi32>
          %rev3A_789 = arith.subi %rev3A_787, %rev3A_788 : vector<16xi32>
          %rev3A_790 = tpu.dynamic_gather %masked_sort3A_785[%rev3A_789] in [0] : vector<16xf32>, vector<16xi32> -> vector<16xf32>
          %max3A = arith.maximumf %scan3A_742, %rev3A_790 : vector<16xf32>
          %max3A_791 = arith.maximumf %scan3A_741, %max3A : vector<16xf32>
          %min3A = arith.minimumf %scan3A_741, %max3A : vector<16xf32>
          %masked_sort3A_792 = arith.constant dense<true> : vector<16xi1>
          %masked_sort3A_793, %masked_sort3A_794, %masked_sort3A_795 = tpu.sort %max3A_791, %max3A_791 masked %masked_sort3A_792 {descending = true} : (vector<16xf32>, vector<16xf32>, vector<16xi1>) -> (vector<16xi1>, vector<16xf32>, vector<16xf32>)
          %masked_sort3A_796 = arith.constant dense<true> : vector<16xi1>
          %masked_sort3A_797, %masked_sort3A_798, %masked_sort3A_799 = tpu.sort %min3A, %min3A masked %masked_sort3A_796 {descending = true} : (vector<16xf32>, vector<16xf32>, vector<16xi1>) -> (vector<16xi1>, vector<16xf32>, vector<16xf32>)
          %broadcast_in_dim3A_800 = arith.constant 15 : i32
          %broadcast_in_dim3A_801 = vector.broadcast %broadcast_in_dim3A_800 : i32 to vector<16x1xi32>
          %gather3A = vector.shape_cast %broadcast_in_dim3A_801 : vector<16x1xi32> to vector<16xi32>
          %gather3A_802 = tpu.dynamic_gather %masked_sort3A_798[%gather3A] in [0] : vector<16xf32>, vector<16xi32> -> vector<16xf32>
          scf.yield %masked_sort3A_794, %masked_sort3A_798, %gather3A_802 : vector<16xf32>, vector<16xf32>, vector<16xf32>
        } else {
          scf.yield %scan3A_741, %scan3A_742, %scan3A_743 : vector<16xf32>, vector<16xf32>, vector<16xf32>
        }
        scf.yield %cond3A_767#0, %cond3A_767#1, %cond3A_767#2, %cond3A_783#0, %cond3A_783#1, %cond3A_783#2 : vector<16xf32>, vector<16xf32>, vector<16xf32>, vector<16xf32>, vector<16xf32>, vector<16xf32>
      }
      %scan3A_724 = arith.constant 64 : i32
      %swap3A = arith.index_cast %scan3A_717 : i32 to index
      %swap3A_725 = arith.constant 0 : index
      %swap3A_726 = tpu.vector_load %arg7[%swap3A, %swap3A_725] {strides = array<i32>} : memref<32x64xf32, #tpu.memory_space<vmem>>, vector<16xf32>,
      tpu.vector_store %arg7[%swap3A, %swap3A_725], %scan3A_723#3 {strides = array<i32>} : memref<32x64xf32, #tpu.memory_space<vmem>>, vector<16xf32>,
      %swap3A_727 = arith.index_cast %scan3A_717 : i32 to index
      %swap3A_728 = arith.constant 16 : index
      %swap3A_729 = tpu.vector_load %arg7[%swap3A_727, %swap3A_728] {strides = array<i32>} : memref<32x64xf32, #tpu.memory_space<vmem>>, vector<16xf32>,
      tpu.vector_store %arg7[%swap3A_727, %swap3A_728], %scan3A_723#4 {strides = array<i32>} : memref<32x64xf32, #tpu.memory_space<vmem>>, vector<16xf32>,
      %swap3A_730 = arith.index_cast %scan3A_717 : i32 to index
      %swap3A_731 = arith.constant 32 : index
      %swap3A_732 = tpu.vector_load %arg7[%swap3A_730, %swap3A_731] {strides = array<i32>} : memref<32x64xf32, #tpu.memory_space<vmem>>, vector<16xf32>,
      tpu.vector_store %arg7[%swap3A_730, %swap3A_731], %scan3A_723#0 {strides = array<i32>} : memref<32x64xf32, #tpu.memory_space<vmem>>, vector<16xf32>,
      %swap3A_733 = arith.index_cast %scan3A_717 : i32 to index
      %swap3A_734 = arith.constant 48 : index
      %swap3A_735 = tpu.vector_load %arg7[%swap3A_733, %swap3A_734] {strides = array<i32>} : memref<32x64xf32, #tpu.memory_space<vmem>>, vector<16xf32>,
      tpu.vector_store %arg7[%swap3A_733, %swap3A_734], %scan3A_723#1 {strides = array<i32>} : memref<32x64xf32, #tpu.memory_space<vmem>>, vector<16xf32>,
      %scan3A_736 = arith.constant 0 : i32
      scf.yield %scan3A_736 : i32
    }
    %scan3A_714 = arith.constant 32 : i32
    %add3A_715 = arith.constant 480 : i32
    %add3A_716 = arith.addi %mul3A_32, %add3A_715 : i32
    "tpu.region"() ({
      %run_scoped3A = tpu.sem_alloc : memref<!tpu.dma_semaphore, #tpu.memory_space<semaphore_mem>>
      %dma_start3A_717 = arith.constant 0 : i32
      %dma_start3A_718 = tpu.memref_slice %arg4[%select_n3A, %add3A_716, %dma_start3A_717] : memref<16x1024x64xf32, #tpu.memory_space<hbm>> -> memref<1x32x64xf32, #tpu.memory_space<hbm>>
      %dma_start3A_719 = tpu.memref_squeeze %dma_start3A_718 : memref<1x32x64xf32, #tpu.memory_space<hbm>> -> memref<32x64xf32, #tpu.memory_space<hbm>>
      %dma_start3A_720 = arith.constant 0 : i32
      %dma_start3A_721 = tpu.memref_slice %arg4[%select_n3A, %add3A_716, %dma_start3A_720] : memref<16x1024x64xf32, #tpu.memory_space<hbm>> -> memref<1x32x64xf32, #tpu.memory_space<hbm>>
      %dma_start3A_722 = tpu.memref_squeeze %dma_start3A_721 : memref<1x32x64xf32, #tpu.memory_space<hbm>> -> memref<32x64xf32, #tpu.memory_space<hbm>>
      tpu.enqueue_dma source(%arg7 : memref<32x64xf32, #tpu.memory_space<vmem>>) target(%dma_start3A_722 : memref<32x64xf32, #tpu.memory_space<hbm>>) target_semaphore(%run_scoped3A : memref<!tpu.dma_semaphore, #tpu.memory_space<semaphore_mem>>)
      %dma_wait3A_723 = arith.constant 0 : i32
      %dma_wait3A_724 = tpu.memref_slice %arg4[%select_n3A, %add3A_716, %dma_wait3A_723] : memref<16x1024x64xf32, #tpu.memory_space<hbm>> -> memref<1x32x64xf32, #tpu.memory_space<hbm>>
      %dma_wait3A_725 = tpu.memref_squeeze %dma_wait3A_724 : memref<1x32x64xf32, #tpu.memory_space<hbm>> -> memref<32x64xf32, #tpu.memory_space<hbm>>
      %dma_wait3A_726 = arith.constant 0 : i32
      %dma_wait3A_727 = tpu.memref_slice %arg4[%select_n3A, %add3A_716, %dma_wait3A_726] : memref<16x1024x64xf32, #tpu.memory_space<hbm>> -> memref<1x32x64xf32, #tpu.memory_space<hbm>>
      %dma_wait3A_728 = tpu.memref_squeeze %dma_wait3A_727 : memref<1x32x64xf32, #tpu.memory_space<hbm>> -> memref<32x64xf32, #tpu.memory_space<hbm>>
      tpu.wait_dma2 semaphore(%run_scoped3A : memref<!tpu.dma_semaphore, #tpu.memory_space<semaphore_mem>>) src(%arg7 : memref<32x64xf32, #tpu.memory_space<vmem>>) dst(%dma_wait3A_728 : memref<32x64xf32, #tpu.memory_space<hbm>>)
      tpu.yield
    }) : () -> ()
    return
  }
}

module attributes {stable_mosaic.version = 14 : i64} {
  func.func @body(%arg0: i32, %arg1: memref<1x512x512xf32, #tpu.memory_space<vmem>>, %arg2: memref<512x32xf32, #tpu.memory_space<vmem>>, %arg3: memref<1x32x32xf32, #tpu.memory_space<vmem>>) attributes {dimension_semantics = [#tpu.dimension_semantics<arbitrary>], iteration_bounds = array<i64: 16>, scalar_prefetch = 0 : i64, scratch_operands = 0 : i64, tpu.core_type = #tpu.core_type<tc>, window_params = [{transform_indices = @transform_0, window_bounds = array<i64: 1, 512, 512>}, {pipeline_mode = #tpu.pipeline_mode<synchronous>, transform_indices = @transform_1, window_bounds = array<i64: 512, 32>}, {transform_indices = @transform_2, window_bounds = array<i64: 1, 32, 32>}]} {
    %get3A = arith.constant 0 : index
    %get3A_0 = arith.constant 0 : index
    %get3A_1 = arith.constant 0 : index
    %get3A_2 = vector.load %arg1[%get3A, %get3A_0, %get3A_1] : memref<1x512x512xf32, #tpu.memory_space<vmem>>, vector<1x512x512xf32>
    %get3A_3 = vector.shape_cast %get3A_2 : vector<1x512x512xf32> to vector<512x512xf32>
    %get3A_4 = arith.constant 0 : index
    %get3A_5 = arith.constant 0 : index
    %get3A_6 = vector.load %arg2[%get3A_4, %get3A_5] : memref<512x32xf32, #tpu.memory_space<vmem>>, vector<512x32xf32>
    %dot_general3A = arith.constant dense<0.000000e+00> : vector<32x512xf32>
    %dot_general3A_7 = tpu.matmul %get3A_6, %get3A_3, %dot_general3A {dimension_numbers = #tpu.dot_dimension_numbers<[0], [0], [1], [1], [0, 1, 1, 1], [], []>, precision = #tpu.contract_precision<fp32>, transpose_lhs_hint = false} : vector<512x32xf32>, vector<512x512xf32>, vector<32x512xf32> -> vector<32x512xf32>
    %dot_general3A_8 = arith.constant dense<0.000000e+00> : vector<32x32xf32>
    %dot_general3A_9 = tpu.matmul %dot_general3A_7, %get3A_6, %dot_general3A_8 {dimension_numbers = #tpu.dot_dimension_numbers<[1], [0], [0], [1], [0, 0, 1, 1], [], []>, precision = #tpu.contract_precision<fp32>, transpose_lhs_hint = false} : vector<32x512xf32>, vector<512x32xf32>, vector<32x32xf32> -> vector<32x32xf32>
    %gt3A = arith.constant 5.000000e-01 : f32
    %gt3A_10 = vector.broadcast %gt3A : f32 to vector<32x32xf32>
    %gt3A_11 = arith.cmpf ogt, %dot_general3A_9, %gt3A_10 : vector<32x32xf32>
    %convert_element_type3A = arith.extui %gt3A_11 : vector<32x32xi1> to vector<32x32xi32>
    %convert_element_type3A_12 = arith.sitofp %convert_element_type3A : vector<32x32xi32> to vector<32x32xf32>
    %swap3A = arith.constant 0 : index
    %swap3A_13 = arith.constant 0 : index
    %swap3A_14 = arith.constant 0 : index
    %swap3A_15 = vector.load %arg3[%swap3A, %swap3A_13, %swap3A_14] : memref<1x32x32xf32, #tpu.memory_space<vmem>>, vector<1x32x32xf32>
    %swap3A_16 = vector.shape_cast %swap3A_15 : vector<1x32x32xf32> to vector<32x32xf32>
    %swap3A_17 = vector.shape_cast %convert_element_type3A_12 : vector<32x32xf32> to vector<1x32x32xf32>
    tpu.vector_store %arg3[%swap3A, %swap3A_13, %swap3A_14], %swap3A_17 {strides = array<i32>} : memref<1x32x32xf32, #tpu.memory_space<vmem>>, vector<1x32x32xf32>,
    return
  }
  func.func @transform_0(%arg0: i32) -> (i32, i32, i32) {
    %c0_i32 = arith.constant 0 : i32
    %c0_i32_0 = arith.constant 0 : i32
    %c0_i32_1 = arith.constant 0 : i32
    return %arg0, %c0_i32, %c0_i32_0 : i32, i32, i32
  }
  func.func @transform_1(%arg0: i32) -> (i32, i32) {
    %c0_i32 = arith.constant 0 : i32
    %c0_i32_0 = arith.constant 0 : i32
    %c0_i32_1 = arith.constant 0 : i32
    return %c0_i32, %c0_i32_0 : i32, i32
  }
  func.func @transform_2(%arg0: i32) -> (i32, i32, i32) {
    %c0_i32 = arith.constant 0 : i32
    %c0_i32_0 = arith.constant 0 : i32
    %c0_i32_1 = arith.constant 0 : i32
    return %arg0, %c0_i32, %c0_i32_0 : i32, i32, i32
  }
}

</mosaic_0001>

<sc_bundles>
// kernel: kernel.4.cloned.1.call-start
scs
__scs_entry_jumppad:
0x0: {  	(pc) =	sbr.rel $0x88, $3  }
0x1: {  	(tag) =	ssettag $0x0;
	lr =	simm.s32 $0x1  }
0x2: {  	[smem:$0x3F9F] =	sst lr;
	_ =	strace $0xD0000000  }
0x3: {  	_ = 	snop  }
0x4: {  	_ = 	snop  }
0x5: {  	_ = 	snop  }
0x6: {  	_ = 	snop  }
0x7: {  	_ = 	snop  }
__scs_overlays_trampoline_lowered:
0x8: {  	[smem:$0x3FAE] =	sst s0  }
0x9: {  	[smem:$0x3FAF] =	sst s1  }
0xa: {  	[smem:$0x3FB0] =	sst s2  }
0xb: {  	[smem:$0x3FB1] =	sst s3  }
0xc: {  	[smem:$0x3FB2] =	sst s4  }
0xd: {  	[smem:$0x3FB3] =	sst s5  }
0xe: {  	[smem:$0x3FB4] =	sst s6  }
0xf: {  	[smem:$0x3FB5] =	sst s7  }
0x10: {  	[smem:$0x3FB6] =	sst s8  }
0x11: {  	[smem:$0x3FB7] =	sst s9;
	s0 =	simm.s32 @!p0 $0x0  }
0x12: {  	s1 =	sld [smem:$0x3F9D];
	s0 =	simm.s32 @p0 $0x1  }
0x13: {  	[smem:$0x3FB8] =	sst s0;
	s0 =	simm.s32 @!p1 $0x0  }
0x14: {  	s2 =	sld [smem:$0x3F9C];
	s0 =	simm.s32 @p1 $0x1  }
0x15: {  	[smem:$0x3FB9] =	sst s0;
	s0 =	simm.s32 @!p2 $0x0  }
0x16: {  	s3 =	sld [smem:$0x3FDB];
	s0 =	simm.s32 @p2 $0x1  }
0x17: {  	s4 =	simm.s32 $0x1BF5;
	[smem:$0x3FBB] =	sst s0  }
0x18: {  	s0 =	sld [smem:$0x3F9E];
	_ =	swait.ge [sflag:s4], $0x0  }
0x19: {  	s7 =	sld [smem:$0x3F9F]  }
0x1a: {  	s8 =	sadd.s32 $0xFFFFE003, lr  }
0x1b: {  	s9 =	sadd.s32 $0xFFFFFEF7, lr;
	s5 =	simm.s32 $0xFFFFFFFF;
	p2 =	slt.u32 s8, $0xFFFFF086  }
0x1c: {  	p1 =	slt.u32 s9, $0xF7A;
	s5 =	simm.s32 @!p2 $0x0  }
0x1d: {  	s5 =	simm.s32 @p1 $0x1;
	p0 =	seq.s32 s7, s2  }
0x1e: {  	s7 =	smul.u32 @!p0 $0xF7A, s2;
	p2 =	seq.s32 @!p0 s5, $0x0  }
0x1f: {  	s9 =	smul.u32 $0xF7A, s1;
	s8 =	simm.s32 @!p0 $0x1BF5;
	p2 =	por !p2, p0  }
0x20: {  	[sflag:s8] =	ssyncset.s32 @!p0 $0xFFFFF086;
	s6 =	sadd.s32 @!p0 s3, s7;
	s7 =	simm.s32 @!p0 $0x108  }
0x21: {  	s3 =	sadd.s32 s3, s9;
	s6 =	sadd.s32 @!p0 $0x88, s6;
	s7 =	simm.s32 @p2 $0x1082  }
0x22: {  	[simem:s7], [sflag:s8] =	dma.local @!p0 [hbm:s6], $0xF7A  }
0x23: {  	s9 =	sor.u32 $0xD0000000, s2;
	s6 =	simm.s32 $0x108;
	_ =	swait.ge @!p0 [sflag:s8], $0x0  }
0x24: {  	s3 =	sadd.s32 $0x88, s3;
	s6 =	simm.s32 @!p1 $0x1082;
	[sflag:s4] =	ssyncset.s32 $0xFFFFF086  }
0x25: {  	[simem:s6], [sflag:s4] =	dma.local [hbm:s3], $0xF7A  }
0x26: {  	[smem:$0x3F9F] =	sst s1;
	(tag) =	ssettag s2;
	_ =	strace s9  }
0x27: {  	s1 =	sld [smem:$0x3FAF]  }
0x28: {  	s2 =	sld [smem:$0x3FB0]  }
0x29: {  	s4 =	sld [smem:$0x3FB2]  }
0x2a: {  	p0 =	seq.s32 s5, $0x0;
	s5 =	sld [smem:$0x3FB3]  }
0x2b: {  	s6 =	sld [smem:$0x3FB4]  }
0x2c: {  	s7 =	sld [smem:$0x3FB5]  }
0x2d: {  	s3 =	simm.s32 $0x108;
	s8 =	sld [smem:$0x3FB6]  }
0x2e: {  	s3 =	simm.s32 @!p0 $0x1082;
	s9 =	sld [smem:$0x3FB7]  }
0x2f: {  	lr =	sadd.s32 s0, s3;
	s0 =	sld [smem:$0x3FAE]  }
0x30: {  	s3 =	sld [smem:$0x3FB1]  }
0x31: {  	[smem:$0x3FBA] =	sst s10  }
0x32: {  	s10 =	sld [smem:$0x3FB8];
	_ =	sdelay $0x3  }
0x33: {  	p0 =	seq.s32 s10, $0x1;
	s10 =	sld [smem:$0x3FBA];
	_ =	sdelay $0x3  }
0x34: {  	[smem:$0x3FBA] =	sst s10  }
0x35: {  	s10 =	sld [smem:$0x3FB9];
	_ =	sdelay $0x3  }
0x36: {  	p1 =	seq.s32 s10, $0x1;
	s10 =	sld [smem:$0x3FBA];
	_ =	sdelay $0x3  }
0x37: {  	[smem:$0x3FBA] =	sst s10  }
0x38: {  	s10 =	sld [smem:$0x3FBB]  }
0x39: {  	_ = 	snop;
	(pc) =	sbr.ind lr, $3  }
0x3a: {  	_ = 	snop  }
0x3b: {  	_ = 	snop  }
0x3c: {  	p2 =	seq.s32 s10, $0x1;
	s10 =	sld [smem:$0x3FBA]  }
0x3d: {  	_ =	shalt  }
0x3e: {  	_ =	shalt  }
0x3f: {  	_ =	shalt  }
0x40: {  	_ =	shalt  }
0x41: {  	_ =	shalt  }
0x42: {  	_ =	shalt  }
0x43: {  	_ =	shalt  }
0x44: {  	_ =	shalt  }
0x45: {  	_ =	shalt  }
0x46: {  	_ =	shalt  }
0x47: {  	_ =	shalt  }
0x48: {  	_ =	shalt  }
0x49: {  	_ =	shalt  }
0x4a: {  	_ =	shalt  }
0x4b: {  	_ =	shalt  }
0x4c: {  	_ =	shalt  }
0x4d: {  	_ =	shalt  }
0x4e: {  	_ =	shalt  }
0x4f: {  	_ =	shalt  }
0x50: {  	_ =	shalt  }
0x51: {  	_ =	shalt  }
0x52: {  	_ =	shalt  }
0x53: {  	_ =	shalt  }
0x54: {  	_ =	shalt  }
0x55: {  	_ =	shalt  }
0x56: {  	_ =	shalt  }
0x57: {  	_ =	shalt  }
0x58: {  	_ =	shalt  }
0x59: {  	_ =	shalt  }
0x5a: {  	_ =	shalt  }
0x5b: {  	_ =	shalt  }
0x5c: {  	_ =	shalt  }
0x5d: {  	_ =	shalt  }
0x5e: {  	_ =	shalt  }
0x5f: {  	_ =	shalt  }
0x60: {  	_ =	shalt  }
0x61: {  	_ =	shalt  }
0x62: {  	_ =	shalt  }
0x63: {  	_ =	shalt  }
0x64: {  	_ =	shalt  }
0x65: {  	_ =	shalt  }
0x66: {  	_ =	shalt  }
0x67: {  	_ =	shalt  }
0x68: {  	_ =	shalt  }
0x69: {  	_ =	shalt  }
0x6a: {  	_ =	shalt  }
0x6b: {  	_ =	shalt  }
0x6c: {  	_ =	shalt  }
0x6d: {  	_ =	shalt  }
0x6e: {  	_ =	shalt  }
0x6f: {  	_ =	shalt  }
0x70: {  	_ =	shalt  }
0x71: {  	_ =	shalt  }
0x72: {  	_ =	shalt  }
0x73: {  	_ =	shalt  }
0x74: {  	_ =	shalt  }
0x75: {  	_ =	shalt  }
0x76: {  	_ =	shalt  }
0x77: {  	_ =	shalt  }
0x78: {  	_ =	shalt  }
0x79: {  	_ =	shalt  }
0x7a: {  	_ =	shalt  }
0x7b: {  	_ =	shalt  }
0x7c: {  	_ =	shalt  }
0x7d: {  	_ =	shalt  }
0x7e: {  	_ =	shalt  }
0x7f: {  	_ =	shalt  }
0x80: {  	_ =	shalt  }
0x81: {  	_ =	shalt  }
0x82: {  	_ =	shalt  }
0x83: {  	_ =	shalt  }
0x84: {  	_ =	shalt  }
0x85: {  	_ =	shalt  }
0x86: {  	_ =	shalt  }
0x87: {  	_ =	shalt  }
.Lfunc_end0:
.L_simem_size_0:
called_computation_lowered:
.L_overlay_start_0:
0x88: {  	s2 =	sld [smem:$0x3FD9]  }
0x89: {  	s3 =	sld [smem:$0x3FFE];
	_ =	sdelay $0x1  }
0x8a: {  	s1 =	srdreg.scid  }
0x8b: {  	s0 =	sand.u32 $0x1, s1  }
0x8c: {  	s17 =	sshll.u32 s0, $0xA;
	s2 =	sadd.s32 s3, s2  }
0x8d: {  	s2 =	sadd.s32 s2, s17  }
0x8e: {  	[smem:$0x3FC6] =	sst s2  }
0x8f: {  	_ = 	snop  }
0x90: {  	s2 =	sld [smem:$0x3FD0];
	(tm) =	ssettm $0x1  }
0x91: {  	s18 =	sld [smem:$0x3FFB];
	_ =	sdelay $0x3  }
0x92: {  	_ =	strace s18  }
0x93: {  	s3 =	sld [smem:$0x3FFC];
	_ =	sdelay $0x3  }
0x94: {  	_ =	strace s3  }
0x95: {  	s3 =	sld [smem:$0x3FFD];
	_ =	sdelay $0x3  }
0x96: {  	_ =	strace s3  }
0x97: {  	_ =	strace $0x8FFFFFFF  }
0x98: {  	s19 =	sld [smem:$0x3FDB];
	_ =	sdelay $0x1  }
0x99: {  	s4 =	simm.s32 $_scs_section_size  }
0x9a: {  	s5 =	simm.s32 $_size__tile_overlayer_lowered;
	s6 =	simm.s32 $_tile_overlayer_lowered  }
0x9b: {  	s22 =	simm.s32 $0x1BFF;
	s21 =	sshll.u32 s6, $0x1;
	s3 =	sadd.s32 s4, s19  }
0x9c: {  	s7 =	simm.s32 $0x0;
	s20 =	sshll.u32 s5, $0x1;
	s5 =	sadd.s32 s21, s3  }
0x9d: {  	[timem:s7], [sflag:s22] =	dma.local [hbm:s5], s20  }
0x9e: {  	_ =	swait.ge [sflag:s22], s20  }
0x9f: {  	s4 =	ssub.s32 $0x0, s20;
	[sflag:s22] =	ssyncset.done $0x0  }
0xa0: {  	[sflag:s22] =	ssyncadd.s32 s4;
	_ =	sdelay $0x1  }
0xa1: {  	s23 =	simm.s32 $0x1B8B  }
0xa2: {  	_ =	swait.ge [sflag:s23], $0x1  }
0xa3: {  	[sflag:s23] =	ssyncset.done $0x0  }
0xa4: {  	s25 =	simm.s32 $0x1B8E;
	s24 =	sld [smem:$0x3FFE];
	[sflag:s23] =	ssyncadd.s32 $0xFFFFFFFF  }
0xa5: {  	s26 =	simm.s32 $execute0_lowered;
	[smem:$0x3FD2] =	sst s25  }
0xa6: {  	s5 =	sshll.u32 s26, $0x1;
	_ =	strace $0x80000046;
	[dreg:$0x1] =	wrdreg $0xFFFFFFFF  }
0xa7: {  	s28 =	simm.s32 $_size_execute0_lowered;
	s3 =	sadd.s32 s3, s5;
	[dreg:$0x0] =	wrdreg $0x0  }
0xa8: {  	s5 =	sshll.u32 s28, $0x1;
	[dreg:$0x2] =	wrdreg s3  }
0xa9: {  	[dreg:$0x3] =	wrdreg s5  }
0xaa: {  	[dreg:$0x4] =	wrdreg $0xC0  }
0xab: {  	_ =	task [dreg:s7], $0x5FFFF  }
0xac: {  	[dreg:$0x1] =	wrdreg $0xFFFFFFFF  }
0xad: {  	[dreg:$0x0] =	wrdreg $0x60  }
0xae: {  	[dreg:$0x2] =	wrdreg s24  }
0xaf: {  	[dreg:$0x3] =	wrdreg s2  }
0xb0: {  	[dreg:$0x4] =	wrdreg $0x9  }
0xb1: {  	_ =	task.clear_ibuf [dreg:s7], $0x5FFFF;
	_ =	strace $0x90000046  }
0xb2: {  	s29 =	simm.s32 $0x9;
	_ =	strace $0x80000048  }
0xb3: {  	_ =	swait.ge [sflag:s29], $0x1  }
0xb4: {  	[sflag:s29] =	ssyncadd.s32 $0xFFFFFFFF  }
0xb5: {  	_ =	strace $0x90000048  }
0xb6: {  	_ =	sfence  }
0xb7: {  	s30 =	sld [smem:$0x0];
	_ =	sdelay $0x2  }
0xb8: {  	s31 =	sshll.u32 s1, $0xD;
	s1 =	sshrl.u32 s1, $0x2  }
0xb9: {  	s3 =	sand.u32 $0x4000, s31;
	s1 =	sadd.s32 s1, s30  }
0xba: {  	s0 =	sor.u32 s3, s0;
	s1 =	sshll.u32 s1, $0x11  }
0xbb: {  	s0 =	sor.u32 s1, s0  }
0xbc: {  	s0 =	sadd.s32 $0x8F2B, s0  }
0xbd: {  	[sflag:s0] =	ssyncadd.remote.s32 $0x1  }
0xbe: {  	_ =	sfence.sel $0xFFFF  }
0xbf: {  	[dreg:$0x0] =	wrdreg $0xFFFFFFFF;
	(pc) =	sbr.abs _section_cstart, $3  }
0xc0: {  	[dreg:$0x1] =	wrdreg $0xFFFFFFFF  }
0xc1: {  	_ =	task.clear_ibuf [dreg:s7], $0x2FFFF;
	_ =	strace $0x9FFFFFFF  }
0xc2: {  	(tm) =	ssettm $0x7FFFFFFF  }
0xc3: {  	_ =	shalt  }
tec
execute0_lowered:
.L_overlay_start_1:
0x0: {  	(tag) =	ssettag $0x1  }
0x1: {  	s0 =	srdreg.scid  }
0x2: {  	s5 =	stileid.u32;
	s3 =	rddreg [dreg:$0x0];
	s1 =	sand.u32 $0x1, s0  }
0x3: {  	s2 =	sand.u32 $0x1, s5;
	s6 =	sshll.u32 s5, $0x9;
	s0 =	sshll.u32 s1, $0x4  }
0x4: {  	p1 =	seq.s32 s2, $0x1;
	s2 =	simm.s32 $0x1;
	s1 =	ssub.s32 $0x2, s1  }
0x5: {  	s18 =	sand.u32 $0x200, s6;
	s0 =	sor.u32 s5, s0;
	s7 =	sshrl.u32 s1, $0x1  }
0x6: {  	s8 =	sshll.u32 s18, $0xA;
	s16 =	sshrl.u32 s18, $0x3;
	s18 =	sshll.u32 s18, $0x7  }
0x7: {  	p0 =	seq.s32 s0, $0x0;
	s0 =	sshrl.u32 s0, $0x1;
	s1 =	ssub.s32 s1, s7  }
0x8: {  	s20 =	sor.u32 $0x4, s16;
	s11 =	sor.u32 $0x8, s16;
	s24 =	sor.u32 $0xC, s16  }
0x9: {  	s7 =	sor.u32 $0x10, s16;
	s21 =	sor.u32 $0x14, s16;
	p0 =	por !p0, !p1  }
0xa: {  	[dreg:$0x19] =	wrdreg s1;
	s10 =	sshll.u32 s20, $0xD;
	p0 =	por !p0, !p0  }
0xb: {  	[dreg:$0x1a] =	wrdreg s11;
	s6 =	sshll.u32 s11, $0xD;
	s2 =	simm.s32 @!p0 $0x0  }
0xc: {  	s14 =	sshll.u32 s24, $0xD;
	s20 =	sshll.u32 s20, $0xA;
	s12 =	ssub.s32 s0, s2  }
0xd: {  	s0 =	sshll.u32 s12, $0xA;
	s2 =	sshll.u32 s12, $0x7;
	s19 =	sshll.u32 s12, $0x14  }
0xe: {  	s12 =	sshll.u32 s12, $0x11;
	s4 =	sand.u32 $0xFFFFE000, s0;
	s2 =	sand.u32 $0x380, s2  }
0xf: {  	s0 =	sadd.s32 $0x1000, s3;
	s9 =	sor.u32 s8, s19;
	s13 =	sor.u32 s10, s19  }
0x10: {  	s15 =	sor.u32 s14, s19;
	s8 =	sshll.u32 s7, $0xD;
	s10 =	sor.u32 $0x1C, s16  }
0x11: {  	s14 =	sor.u32 $0x28, s16;
	s7 =	sshll.u32 s7, $0xA;
	s2 =	sor.u32 s2, s4  }
0x12: {  	s1 =	sshrl.u32 s9, $0x3;
	s22 =	sshrl.u32 s13, $0x3;
	[dreg:$0x1c] =	wrdreg s15  }
0x13: {  	s9 =	sshll.u32 s21, $0xD;
	s25 =	sor.u32 s8, s19;
	s8 =	sor.u32 $0x20, s16  }
0x14: {  	s11 =	sshll.u32 s10, $0xD;
	s15 =	sshll.u32 s14, $0xD;
	s2 =	sshrl.u32 s2, $0x3  }
0x15: {  	[dreg:$0x1b] =	wrdreg s1;
	s1 =	sor.u32 s6, s19;
	s6 =	sor.u32 $0x18, s16  }
0x16: {  	s26 =	sor.u32 s9, s19;
	s13 =	sshll.u32 s8, $0xD;
	s9 =	sor.u32 $0x24, s16  }
0x17: {  	s29 =	sor.u32 s11, s19;
	s11 =	sor.u32 $0x2C, s16;
	s22 =	sadd.s32 s0, s22  }
0x18: {  	s8 =	sshll.u32 s8, $0xA;
	s2 =	sadd.s32 s2, s3;
	[dreg:$0x1d] =	wrdreg s1  }
0x19: {  	s17 =	sshll.u32 s6, $0xD;
	s30 =	sor.u32 s13, s19;
	s23 =	sshll.u32 s9, $0xD  }
0x1a: {  	s13 =	sor.u32 $0x30, s16;
	s3 =	sor.u32 s15, s19;
	s15 =	sor.u32 $0x38, s16  }
0x1b: {  	[dreg:$0x4] =	wrdreg s22;
	s6 =	sshll.u32 s6, $0xA;
	s9 =	sshll.u32 s9, $0xA  }
0x1c: {  	s8 =	sor.u32 s8, s12;
	[dreg:$0x18] =	wrdreg s2;
	s28 =	sor.u32 s17, s19  }
0x1d: {  	s31 =	sor.u32 s23, s19;
	s17 =	sshll.u32 s11, $0xD;
	s1 =	sshll.u32 s13, $0xD  }
0x1e: {  	s23 =	sshll.u32 s15, $0xD;
	s3 =	sshrl.u32 s3, $0x3;
	s6 =	sor.u32 s6, s12  }
0x1f: {  	s9 =	sor.u32 s9, s12;
	s11 =	sshll.u32 s11, $0xA;
	s13 =	sshll.u32 s13, $0xA  }
0x20: {  	s15 =	sshll.u32 s15, $0xA;
	s8 =	sshrl.u32 s8, $0x3;
	s4 =	sor.u32 s17, s19  }
0x21: {  	s5 =	sor.u32 s1, s19;
	s17 =	sor.u32 $0x34, s16;
	s16 =	sor.u32 $0x3C, s16  }
0x22: {  	s3 =	sadd.s32 s0, s3;
	s11 =	sor.u32 s11, s12;
	s2 =	sshll.u32 s17, $0xD  }
0x23: {  	s4 =	sshrl.u32 s4, $0x3;
	[dreg:$0xd] =	wrdreg s3;
	s5 =	sshrl.u32 s5, $0x3  }
0x24: {  	s1 =	sor.u32 s2, s19;
	s2 =	sor.u32 s23, s19;
	s23 =	sshll.u32 s16, $0xD  }
0x25: {  	s4 =	sadd.s32 s0, s4;
	s19 =	sor.u32 s23, s19;
	s23 =	rddreg [dreg:$0x1b]  }
0x26: {  	s13 =	sor.u32 s13, s12;
	s3 =	sadd.s32 s0, s5;
	[dreg:$0xe] =	wrdreg s4  }
0x27: {  	s15 =	sor.u32 s15, s12;
	s6 =	sshrl.u32 s6, $0x3;
	[dreg:$0xf] =	wrdreg s3  }
0x28: {  	s9 =	sshrl.u32 s9, $0x3;
	s4 =	rddreg [dreg:$0x1a];
	s23 =	sadd.s32 s0, s23  }
0x29: {  	s11 =	sshrl.u32 s11, $0x3;
	s1 =	sshrl.u32 s1, $0x3;
	[dreg:$0x3] =	wrdreg s23  }
0x2a: {  	s13 =	sshrl.u32 s13, $0x3;
	s1 =	sadd.s32 s0, s1;
	s23 =	rddreg [dreg:$0x1d]  }
0x2b: {  	s5 =	sshll.u32 s24, $0xA;
	[dreg:$0x10] =	wrdreg s1;
	s22 =	sshrl.u32 s23, $0x3  }
0x2c: {  	s16 =	sshll.u32 s16, $0xA;
	s23 =	rddreg [dreg:$0x1c];
	s22 =	sadd.s32 s0, s22  }
0x2d: {  	s2 =	sshrl.u32 s2, $0x3;
	[dreg:$0x5] =	wrdreg s22;
	s22 =	sshrl.u32 s23, $0x3  }
0x2e: {  	s23 =	sshrl.u32 s25, $0x3;
	s25 =	sshrl.u32 s26, $0x3;
	s22 =	sadd.s32 s0, s22  }
0x2f: {  	s3 =	sor.u32 s5, s12;
	s26 =	sadd.s32 s0, s25;
	[dreg:$0x6] =	wrdreg s22  }
0x30: {  	s22 =	sadd.s32 s0, s23;
	[dreg:$0x8] =	wrdreg s26;
	s23 =	sshrl.u32 s28, $0x3  }
0x31: {  	s25 =	sshrl.u32 s29, $0x3;
	[dreg:$0x7] =	wrdreg s22;
	s22 =	sadd.s32 s0, s23  }
0x32: {  	s26 =	sshrl.u32 s30, $0x3;
	[dreg:$0x9] =	wrdreg s22;
	s22 =	sadd.s32 s0, s25  }
0x33: {  	s23 =	sshrl.u32 s19, $0x3;
	s25 =	sadd.s32 s0, s26;
	[dreg:$0xa] =	wrdreg s22  }
0x34: {  	s19 =	sshll.u32 s10, $0xA;
	s26 =	sshrl.u32 s31, $0x3;
	[dreg:$0xb] =	wrdreg s25  }
0x35: {  	s22 =	sadd.s32 s0, s26;
	s25 =	sor.u32 s18, s12;
	s26 =	sor.u32 s20, s12  }
0x36: {  	s18 =	sshll.u32 s21, $0xA;
	s20 =	sshll.u32 s14, $0xA;
	s21 =	sshll.u32 s17, $0xA  }
0x37: {  	s17 =	simm.s32 $0x0;
	[dreg:$0xc] =	wrdreg s22;
	s22 =	sadd.s32 s0, s2  }
0x38: {  	s0 =	sadd.s32 s0, s23;
	s2 =	sshll.u32 s4, $0xA;
	s4 =	sor.u32 s7, s12  }
0x39: {  	s5 =	sor.u32 s18, s12;
	s7 =	sor.u32 s19, s12;
	[smem:$0x7FF] =	sst s17  }
0x3a: {  	s10 =	sor.u32 s20, s12;
	s14 =	sor.u32 s21, s12;
	[dreg:$0x11] =	wrdreg s22  }
0x3b: {  	s1 =	sshrl.u32 s26, $0x3;
	s19 =	sshrl.u32 s15, $0x3;
	[dreg:$0x12] =	wrdreg s0  }
0x3c: {  	s2 =	sor.u32 s2, s12;
	s12 =	sor.u32 s16, s12;
	s0 =	sshrl.u32 s25, $0x3  }
0x3d: {  	s22 =	rddreg [dreg:$0x1];
	s5 =	sshrl.u32 s5, $0x3;
	s7 =	sshrl.u32 s7, $0x3  }
0x3e: {  	s10 =	sshrl.u32 s10, $0x3;
	s18 =	sshrl.u32 s14, $0x3;
	s0 =	sadd.s32 s22, s0  }
0x3f: {  	s26 =	sadd.s32 s22, s1;
	s1 =	sshrl.u32 s2, $0x3;
	s2 =	sshrl.u32 s3, $0x3  }
0x40: {  	s3 =	sshrl.u32 s4, $0x3;
	s23 =	sadd.s32 s22, s5;
	s24 =	sadd.s32 s22, s6  }
0x41: {  	s25 =	sadd.s32 s22, s7;
	s28 =	sadd.s32 s22, s9;
	s29 =	sadd.s32 s22, s10  }
0x42: {  	s30 =	sadd.s32 s22, s11;
	s31 =	sadd.s32 s22, s13;
	[dreg:$0x13] =	wrdreg s0  }
0x43: {  	s20 =	sshrl.u32 s12, $0x3;
	[dreg:$0x14] =	wrdreg s26;
	s0 =	sadd.s32 s22, s1  }
0x44: {  	s5 =	simm.s32 $0x1;
	s4 =	sadd.s32 s22, s3;
	[dreg:$0x15] =	wrdreg s0  }
0x45: {  	s6 =	simm.s32 $0x400;
	s0 =	sadd.s32 s22, s2;
	[dreg:$0x17] =	wrdreg s4  }
0x46: {  	s7 =	simm.s32 $0x3;
	s9 =	simm.s32 $0x10400;
	[dreg:$0x16] =	wrdreg s0  }
0x47: {  	s10 =	simm.s32 $0x2;
	s11 =	simm.s32 $0x0;
	_ =	strace $0x80000047  }
0x48: {  	s26 =	sadd.s32 s22, s8;
	s1 =	sadd.s32 s22, s19;
	s21 =	rddreg [dreg:$0x18]  }
0x49: {  	s2 =	sadd.s32 s22, s20;
	s0 =	sadd.s32 s22, s18;
	s22 =	rddreg [dreg:$0x19]  }
0x4a: {  	v0 =	vimm.f32 $0.0e+00;
	s8 =	simm.s32 $0x8400;
	s3 =	sadd.s32 $0x800, s21;
	s4 =	smax.u32 s22, $0x1  }
.LBB2_1:
0x4b: {  	s12 =	simm.s32 $0x80  }
0x4c: {  	[tilespmem:s17], [sflag:$0x3] =	stream.strided.gather [hbm4b:s3+s12], $0x400, s6, s12, $0x38;
	[tilespmem:$0x11400] =	vst v63  }
0x4d: {  	_ =	swait.ge [sflag:s7], $0x400  }
0x4e: {  	[sflag:s7] =	ssyncset.done $0x0  }
0x4f: {  	s21 =	rddreg [dreg:$0x3];
	[sflag:s7] =	ssyncadd.s32 $0xFFFFFC00  }
0x50: {  	[tilespmem:s6], [sflag:$0x1] =	stream.linear.gather [hbm4b:s21+s17], $0x8000, $0x38;
	[tilespmem:$0x11400] =	vst v63  }
0x51: {  	_ =	swait.ge [sflag:s5], $0x8000  }
0x52: {  	[sflag:s5] =	ssyncset.done $0x0  }
0x53: {  	s12 =	simm.s32 $0x0;
	s22 =	rddreg [dreg:$0x4];
	[sflag:s5] =	ssyncadd.s32 $0xFFFF8000  }
0x54: {  	[tilespmem:s8], [sflag:$0x2] =	stream.linear.gather [hbm4b:s22+s17], $0x8000, $0x38;
	[tilespmem:$0x11400] =	vst v63  }
.LBB2_2:
0x55: {  	s14 =	sand.u32 $0x18, s12  }
0x56: {  	s13 =	sshll.u32 s12, $0x7;
	s15 =	sadd.s32 $0x0, s14  }
0x57: {  	s16 =	sand.u32 $0x380, s13;
	s18 =	sshll.u32 s15, $0xA  }
0x58: {  	s22 =	simm.s32 $0x0;
	s15 =	sor.u32 $0x400, s16;
	s18 =	sand.u32 $0x3FFFFC00, s18  }
0x59: {  	s19 =	sand.u32 $0x70, s22;
	s18 =	sadd.s32 s18, s15  }
0x5a: {  	v1 =	vld [tilespmem:s22+$0x0];
	s18 =	sadd.s32 s19, s18  }
0x5b: {  	v2 =	vld [tilespmem:s18+$0x0];
	_ =	sdelay $0x4  }
0x5c: {  	v3 =	vmul.f32 v1, v2  }
0x5d: {  	v1 =	vimm.f32 $-3.000000010e+38  }
0x5e: {  	v2 =	vsub.f32 v2, v3;
	vm0 =	vgt.f32 v3, v1  }
0x5f: {  	v4 =	vsel vm0, $0x3F800000, v0  }
0x60: {  	vm0 =	vgt.f32 v2, v1;
	(xrf0) =	vmax.scan.msk.f32 $0xffff, v4  }
0x61: {  	v4 =	vsel vm0, $0x3F800000, v0  }
0x62: {  	(xrf0) =	vmax.scan.msk.f32 $0xffff, v4;
	_ =	sdelay $0x3  }
0x63: {  	v4, _, _ =	vpop (xrf0)  }
0x64: {  	(v2sf) =	vpush v4, $0xF  }
0x65: {  	v4, _, _ =	vpop (xrf0)  }
0x66: {  	(v2sf) =	vpush v4, $0xF;
	_ =	sdelay $0xc  }
0x67: {  	s18 =	spop (v2sf)  }
0x68: {  	p1 =	sgt.f32 s18, $0.0e+00  }
0x69: {  	s19 =	spop (v2sf)  }
0x6a: {  	p0 =	sgt.f32 s19, $0.0e+00;
	(xrf1) =	vsort.dscd.msk.f32 @p1 $0xffff, v3, v3;
	_ =	sdelay $0x1  }
0x6b: {  	(xrf1) =	vsort.dscd.msk.f32 @p0 $0xffff, v2, v2;
	_ =	sdelay $0x8  }
0x6c: {  	v2 =	vlaneseq.u32 @p1  }
0x6d: {  	v2 =	vmul.u32 @p1 $0xFFFFFFFF, v2  }
0x6e: {  	v3 =	vlaneseq.u32 @p0  }
0x6f: {  	v3 =	vmul.u32 @p0 $0xFFFFFFFF, v3;
	v2 =	vadd.s32 @p1 $0xF, v2;
	v4, _, _ =	vpop @p1 (xrf1)  }
0x70: {  	v2 =	vperm.xlane @p1 v4, v2  }
0x71: {  	v3 =	vadd.s32 @p0 $0xF, v3;
	v4, _, _ =	vpop @p0 (xrf1)  }
0x72: {  	v2 =	vmax.f32 @p1 v1, v2;
	v3 =	vperm.xlane @p0 v4, v3  }
0x73: {  	v4 =	vmin.f32 @p1 v1, v2  }
0x74: {  	v2 =	vmax.f32 @p1 v1, v2;
	v3 =	vmax.f32 @p0 v1, v3;
	(xrf1) =	vsort.dscd.msk.f32 @p1 $0xffff, v4, v4  }
0x75: {  	v4 =	vmin.f32 @p0 v1, v3;
	(xrf1) =	vsort.dscd.msk.f32 @p1 $0xffff, v2, v2  }
0x76: {  	v2 =	vmax.f32 @p0 v1, v3;
	(xrf1) =	vsort.dscd.msk.f32 @p0 $0xffff, v4, v4  }
0x77: {  	(xrf1) =	vsort.dscd.msk.f32 @p0 $0xffff, v2, v2;
	_ =	sdelay $0x1  }
0x78: {  	s20 =	sadd.s32 $0x0, s14  }
0x79: {  	s16 =	sshll.u32 s20, $0xA  }
0x7a: {  	s21 =	sand.u32 $0x3FFFFC00, s16;
	s16 =	simm.s32 $0x10  }
0x7b: {  	s22 =	sand.u32 $0x70, s16;
	s18 =	sadd.s32 s21, s15  }
0x7c: {  	s18 =	sadd.s32 s22, s18  }
0x7d: {  	v5 =	vld [tilespmem:s18+$0x0]  }
0x7e: {  	v3 =	vld [tilespmem:s16+$0x0];
	_ =	sdelay $0x2  }
0x7f: {  	v2 =	vimm.s32 @p1 $0xF;
	v4, _, _ =	vpop @p1 (xrf1)  }
0x80: {  	v6 =	vperm.xlane @p1 v4, v2;
	v2 =	vpsel p1, v4, v1;
	v4, _, _ =	vpop @p1 (xrf1)  }
0x81: {  	v7 =	vmul.f32 v3, v5;
	v3 =	vpsel p1, v4, v1;
	v4 =	vimm.s32 @p0 $0xF;
	v8, _, _ =	vpop @p0 (xrf1)  }
0x82: {  	v6 =	vpsel p1, v6, v1;
	v9 =	vperm.xlane @p0 v8, v4;
	v4 =	vpsel p0, v8, v1;
	v10, _, _ =	vpop @p0 (xrf1)  }
0x83: {  	s18 =	simm.s32 $0x2;
	s19 =	simm.s32 $0x10;
	v8 =	vsub.f32 v5, v7;
	vm0 =	vgt.f32 v7, v6;
	v5 =	vpsel p0, v10, v1  }
.LBB2_3:
0x84: {  	v10 =	vsel vm0, $0x3F800000, v0;
	v1 =	vpsel p0, v9, v1;
	s20 =	smov.u32 s18;
	s18 =	sadd.s32 $0x1, s18  }
0x85: {  	p1 =	sne.s32 s18, $0x40;
	vm0 =	vgt.f32 v8, v1;
	(xrf0) =	vmax.scan.msk.f32 $0xffff, v10  }
0x86: {  	v9 =	vsel vm0, $0x3F800000, v0  }
0x87: {  	(xrf0) =	vmax.scan.msk.f32 $0xffff, v9;
	_ =	sdelay $0x3  }
0x88: {  	v9, _, _ =	vpop (xrf0)  }
0x89: {  	(v2sf) =	vpush v9, $0xF  }
0x8a: {  	v9, _, _ =	vpop (xrf0)  }
0x8b: {  	(v2sf) =	vpush v9, $0xF;
	_ =	sdelay $0xc  }
0x8c: {  	s21 =	spop (v2sf)  }
0x8d: {  	p2 =	sgt.f32 s21, $0.0e+00  }
0x8e: {  	s21 =	spop (v2sf)  }
0x8f: {  	v9 =	vlaneseq.u32 @p2;
	p0 =	sgt.f32 s21, $0.0e+00;
	(xrf1) =	vsort.dscd.msk.f32 @p2 $0xffff, v7, v7  }
0x90: {  	v7 =	vmul.u32 @p2 $0xFFFFFFFF, v9  }
0x91: {  	v9 =	vlaneseq.u32 @p0;
	(xrf1) =	vsort.dscd.msk.f32 @p0 $0xffff, v8, v8  }
0x92: {  	v7 =	vadd.s32 @p2 $0xF, v7;
	v8 =	vmul.u32 @p0 $0xFFFFFFFF, v9;
	_ =	sdelay $0x1  }
0x93: {  	v8 =	vadd.s32 @p0 $0xF, v8;
	_ =	sdelay $0x8  }
0x94: {  	v9, _, _ =	vpop @p2 (xrf1)  }
0x95: {  	v7 =	vperm.xlane @p2 v9, v7  }
0x96: {  	v9, _, _ =	vpop @p0 (xrf1)  }
0x97: {  	v7 =	vmax.f32 @p2 v2, v7;
	v8 =	vperm.xlane @p0 v9, v8  }
0x98: {  	v9 =	vmax.f32 @p2 v3, v7;
	v7 =	vmin.f32 @p2 v3, v7  }
0x99: {  	v8 =	vmax.f32 @p0 v4, v8;
	(xrf1) =	vsort.dscd.msk.f32 @p2 $0xffff, v7, v7  }
0x9a: {  	v7 =	vmax.f32 @p0 v5, v8;
	v8 =	vmin.f32 @p0 v5, v8;
	(xrf1) =	vsort.dscd.msk.f32 @p2 $0xffff, v9, v9  }
0x9b: {  	(xrf1) =	vsort.dscd.msk.f32 @p0 $0xffff, v8, v8  }
0x9c: {  	(xrf1) =	vsort.dscd.msk.f32 @p0 $0xffff, v7, v7;
	_ =	sdelay $0x1  }
0x9d: {  	s20 =	sshrl.u32 s20, $0x3  }
0x9e: {  	s20 =	sadd.s32 s14, s20  }
0x9f: {  	s20 =	sshll.u32 s20, $0xA  }
0xa0: {  	s16 =	sadd.s32 $0x10, s16;
	s20 =	sand.u32 $0x3FFFFC00, s20  }
0xa1: {  	s19 =	sadd.s32 $0x10, s19;
	s20 =	sadd.s32 s20, s15;
	s21 =	sand.u32 $0x70, s16  }
0xa2: {  	s20 =	sadd.s32 s21, s20;
	v7 =	vld [tilespmem:s19+$0x0]  }
0xa3: {  	v8 =	vld [tilespmem:s20+$0x0];
	_ =	sdelay $0x2  }
.Ltmp0:
0xa4: {  	v9 =	vimm.s32 @p2 $0xF;
	v10, _, _ =	vpop @p2 (xrf1);
	(pc) =	sbr.rel @p1 .LBB2_3-.Ltmp0, $4  }
0xa5: {  	v9 =	vperm.xlane @p2 v10, v9;
	v2 =	vpsel p2, v10, v2;
	v10, _, _ =	vpop @p2 (xrf1)  }
0xa6: {  	v12 =	vimm.s32 @p0 $0xF;
	v7 =	vmul.f32 v7, v8;
	v3 =	vpsel p2, v10, v3;
	v11, _, _ =	vpop @p0 (xrf1)  }
0xa7: {  	v6 =	vpsel p2, v9, v6;
	v9 =	vperm.xlane @p0 v11, v12;
	v4 =	vpsel p0, v11, v4;
	v10, _, _ =	vpop @p0 (xrf1)  }
0xa8: {  	v8 =	vsub.f32 v8, v7;
	vm0 =	vgt.f32 v7, v6;
	v5 =	vpsel p0, v10, v5  }
0xa9: {  	v6 =	vsel vm0, $0x3F800000, v0  }
0xaa: {  	v1 =	vpsel p0, v9, v1;
	(xrf0) =	vmax.scan.msk.f32 $0xffff, v6  }
0xab: {  	vm15 =	vgt.f32 v8, v1  }
0xac: {  	v1 =	vsel vm15, $0x3F800000, v0  }
0xad: {  	(xrf0) =	vmax.scan.msk.f32 $0xffff, v1;
	_ =	sdelay $0x2  }
0xae: {  	v1, _, _ =	vpop (xrf0)  }
0xaf: {  	(v2sf) =	vpush v1, $0xF;
	_ =	sdelay $0x1  }
0xb0: {  	v1, _, _ =	vpop (xrf0)  }
0xb1: {  	(v2sf) =	vpush v1, $0xF;
	_ =	sdelay $0xb  }
0xb2: {  	s14 =	spop (v2sf)  }
0xb3: {  	p0 =	sgt.f32 s14, $0.0e+00;
	_ =	sdelay $0x1  }
0xb4: {  	s22 =	spop (v2sf);
	(xrf1) =	vsort.dscd.msk.f32 @p0 $0xffff, v7, v7  }
0xb5: {  	p1 =	sgt.f32 s22, $0.0e+00;
	_ =	sdelay $0x1  }
0xb6: {  	(xrf1) =	vsort.dscd.msk.f32 @p1 $0xffff, v8, v8;
	_ =	sdelay $0x7  }
0xb7: {  	v1 =	vlaneseq.u32 @p0  }
0xb8: {  	v1 =	vmul.u32 @p0 $0xFFFFFFFF, v1;
	_ =	sdelay $0x1  }
0xb9: {  	v6 =	vlaneseq.u32 @p1;
	v1 =	vadd.s32 @p0 $0xF, v1;
	v7, _, _ =	vpop @p0 (xrf1)  }
0xba: {  	v6 =	vmul.u32 @p1 $0xFFFFFFFF, v6;
	v1 =	vperm.xlane @p0 v7, v1;
	_ =	sdelay $0x1  }
0xbb: {  	v6 =	vadd.s32 @p1 $0xF, v6;
	v7, _, _ =	vpop @p1 (xrf1);
	v1 =	vmax.f32 @p0 v2, v1  }
0xbc: {  	v6 =	vperm.xlane @p1 v7, v6;
	v7 =	vmin.f32 @p0 v3, v1  }
0xbd: {  	v1 =	vmax.f32 @p0 v3, v1;
	(xrf1) =	vsort.dscd.msk.f32 @p0 $0xffff, v7, v7  }
0xbe: {  	(xrf1) =	vsort.dscd.msk.f32 @p0 $0xffff, v1, v1  }
0xbf: {  	v6 =	vmax.f32 @p1 v4, v6  }
0xc0: {  	v7 =	vmin.f32 @p1 v5, v6  }
0xc1: {  	v1 =	vmax.f32 @p1 v5, v6;
	(xrf1) =	vsort.dscd.msk.f32 @p1 $0xffff, v7, v7  }
0xc2: {  	(xrf1) =	vsort.dscd.msk.f32 @p1 $0xffff, v1, v1;
	_ =	sdelay $0x8  }
0xc3: {  	v1, _, _ =	vpop @p0 (xrf1)  }
0xc4: {  	s12 =	sadd.s32 $0x1, s12;
	v6, _, _ =	vpop @p0 (xrf1)  }
0xc5: {  	v1 =	vpsel p0, v1, v2;
	v3 =	vpsel p0, v6, v3;
	p0 =	sne.s32 s12, $0x20  }
.Ltmp1:
0xc6: {  	s13 =	sand.u32 $0x3FFFFF80, s13;
	(pc) =	sbr.rel @p0 .LBB2_2-.Ltmp1, $4  }
0xc7: {  	v7, _, _ =	vpop @p1 (xrf1);
	[tilespmem:s13+$0x10430] =	vst v1  }
0xc8: {  	v8, _, _ =	vpop @p1 (xrf1);
	v63 =	vpsel p1, v7, v4;
	[tilespmem:s13+$0x10420] =	vst v3  }
0xc9: {  	v62 =	vpsel p1, v8, v5;
	[tilespmem:s13+$0x10410] =	vst v63  }
0xca: {  	[tilespmem:s13+$0x10400] =	vst v62  }
0xcb: {  	s12 =	simm.s32 $0x0;
	s13 =	rddreg [dreg:$0x13]  }
0xcc: {  	[hbm4b:s13+s12] =	stream.linear.scatter [tilespmem:s9], [sflag:$0x3], $0x1000, $0x38;
	[tilespmem:$0x11400] =	vst v63  }
0xcd: {  	_ =	swait.ge [sflag:s7], $0x1000  }
0xce: {  	[sflag:s7] =	ssyncset.done $0x0  }
0xcf: {  	[sflag:s7] =	ssyncadd.s32 $0xFFFFF000  }
0xd0: {  	_ =	swait.ge [sflag:s10], $0x8000  }
0xd1: {  	[sflag:s10] =	ssyncset.done $0x0  }
0xd2: {  	s13 =	simm.s32 $0x0;
	s22 =	rddreg [dreg:$0x5];
	[sflag:s10] =	ssyncadd.s32 $0xFFFF8000  }
0xd3: {  	[tilespmem:s6], [sflag:$0x1] =	stream.linear.gather [hbm4b:s22+s12], $0x8000, $0x38;
	[tilespmem:$0x11400] =	vst v63  }
.LBB2_6:
0xd4: {  	s15 =	sshll.u32 s13, $0xA;
	s14 =	sshll.u32 s13, $0x7  }
0xd5: {  	s15 =	sand.u32 $0x6000, s15;
	s16 =	sand.u32 $0x380, s14  }
0xd6: {  	s20 =	sand.u32 $0x7000, s12;
	s15 =	sor.u32 s16, s15  }
0xd7: {  	s16 =	sshrl.u32 s20, $0x2;
	s15 =	sor.u32 $0x8400, s15  }
0xd8: {  	s18 =	sand.u32 $0x70, s12;
	s16 =	sadd.s32 s16, s15  }
0xd9: {  	v1 =	vld [tilespmem:s12+$0x0];
	s16 =	sadd.s32 s18, s16  }
0xda: {  	v2 =	vld [tilespmem:s16+$0x0];
	_ =	sdelay $0x4  }
0xdb: {  	v3 =	vmul.f32 v1, v2  }
0xdc: {  	v1 =	vimm.f32 $-3.000000010e+38  }
0xdd: {  	v2 =	vsub.f32 v2, v3;
	vm0 =	vgt.f32 v3, v1  }
0xde: {  	v4 =	vsel vm0, $0x3F800000, v0  }
0xdf: {  	vm0 =	vgt.f32 v2, v1;
	(xrf0) =	vmax.scan.msk.f32 $0xffff, v4  }
0xe0: {  	v4 =	vsel vm0, $0x3F800000, v0  }
0xe1: {  	(xrf0) =	vmax.scan.msk.f32 $0xffff, v4;
	_ =	sdelay $0x3  }
0xe2: {  	v4, _, _ =	vpop (xrf0)  }
0xe3: {  	(v2sf) =	vpush v4, $0xF  }
0xe4: {  	v4, _, _ =	vpop (xrf0)  }
0xe5: {  	(v2sf) =	vpush v4, $0xF;
	_ =	sdelay $0xc  }
0xe6: {  	s21 =	spop (v2sf)  }
0xe7: {  	p1 =	sgt.f32 s21, $0.0e+00  }
0xe8: {  	s22 =	spop (v2sf)  }
0xe9: {  	p0 =	sgt.f32 s22, $0.0e+00;
	(xrf1) =	vsort.dscd.msk.f32 @p1 $0xffff, v3, v3;
	_ =	sdelay $0x1  }
0xea: {  	(xrf1) =	vsort.dscd.msk.f32 @p0 $0xffff, v2, v2;
	_ =	sdelay $0x8  }
0xeb: {  	v2 =	vlaneseq.u32 @p1  }
0xec: {  	v2 =	vmul.u32 @p1 $0xFFFFFFFF, v2  }
0xed: {  	v3 =	vlaneseq.u32 @p0  }
0xee: {  	v3 =	vmul.u32 @p0 $0xFFFFFFFF, v3;
	v2 =	vadd.s32 @p1 $0xF, v2;
	v4, _, _ =	vpop @p1 (xrf1)  }
0xef: {  	v2 =	vperm.xlane @p1 v4, v2  }
0xf0: {  	v3 =	vadd.s32 @p0 $0xF, v3;
	v4, _, _ =	vpop @p0 (xrf1)  }
0xf1: {  	v2 =	vmax.f32 @p1 v1, v2;
	v3 =	vperm.xlane @p0 v4, v3  }
0xf2: {  	v4 =	vmin.f32 @p1 v1, v2  }
0xf3: {  	v2 =	vmax.f32 @p1 v1, v2;
	v3 =	vmax.f32 @p0 v1, v3;
	(xrf1) =	vsort.dscd.msk.f32 @p1 $0xffff, v4, v4  }
0xf4: {  	v4 =	vmin.f32 @p0 v1, v3;
	(xrf1) =	vsort.dscd.msk.f32 @p1 $0xffff, v2, v2  }
0xf5: {  	v2 =	vmax.f32 @p0 v1, v3;
	(xrf1) =	vsort.dscd.msk.f32 @p0 $0xffff, v4, v4  }
0xf6: {  	(xrf1) =	vsort.dscd.msk.f32 @p0 $0xffff, v2, v2;
	_ =	sdelay $0x1  }
0xf7: {  	s16 =	simm.s32 $0x200  }
0xf8: {  	s19 =	sand.u32 $0x7000, s16  }
0xf9: {  	s18 =	simm.s32 $0x10;
	s19 =	sshrl.u32 s19, $0x2  }
0xfa: {  	s20 =	sand.u32 $0x70, s18;
	s19 =	sadd.s32 s19, s15  }
0xfb: {  	s19 =	sadd.s32 s20, s19  }
0xfc: {  	v5 =	vld [tilespmem:s19+$0x0]  }
0xfd: {  	v3 =	vld [tilespmem:s18+$0x0];
	_ =	sdelay $0x2  }
0xfe: {  	v2 =	vimm.s32 @p1 $0xF;
	v4, _, _ =	vpop @p1 (xrf1)  }
0xff: {  	v6 =	vperm.xlane @p1 v4, v2;
	v2 =	vpsel p1, v4, v1;
	v4, _, _ =	vpop @p1 (xrf1)  }
0x100: {  	v7 =	vmul.f32 v3, v5;
	v3 =	vpsel p1, v4, v1;
	v4 =	vimm.s32 @p0 $0xF;
	v8, _, _ =	vpop @p0 (xrf1)  }
0x101: {  	v6 =	vpsel p1, v6, v1;
	v9 =	vperm.xlane @p0 v8, v4;
	v4 =	vpsel p0, v8, v1;
	v10, _, _ =	vpop @p0 (xrf1)  }
0x102: {  	s19 =	simm.s32 $0x20;
	v8 =	vsub.f32 v5, v7;
	vm0 =	vgt.f32 v7, v6;
	v5 =	vpsel p0, v10, v1  }
.LBB2_7:
0x103: {  	v10 =	vsel vm0, $0x3F800000, v0;
	v1 =	vpsel p0, v9, v1;
	s20 =	smov.u32 s19;
	s19 =	sadd.s32 $0x10, s19  }
0x104: {  	p1 =	sne.s32 s19, $0x400;
	vm0 =	vgt.f32 v8, v1;
	(xrf0) =	vmax.scan.msk.f32 $0xffff, v10  }
0x105: {  	v9 =	vsel vm0, $0x3F800000, v0  }
0x106: {  	(xrf0) =	vmax.scan.msk.f32 $0xffff, v9;
	_ =	sdelay $0x3  }
0x107: {  	v9, _, _ =	vpop (xrf0)  }
0x108: {  	(v2sf) =	vpush v9, $0xF  }
0x109: {  	v9, _, _ =	vpop (xrf0)  }
0x10a: {  	(v2sf) =	vpush v9, $0xF;
	_ =	sdelay $0xc  }
0x10b: {  	s21 =	spop (v2sf)  }
0x10c: {  	p2 =	sgt.f32 s21, $0.0e+00  }
0x10d: {  	s21 =	spop (v2sf)  }
0x10e: {  	v9 =	vlaneseq.u32 @p2;
	p0 =	sgt.f32 s21, $0.0e+00;
	(xrf1) =	vsort.dscd.msk.f32 @p2 $0xffff, v7, v7  }
0x10f: {  	v7 =	vmul.u32 @p2 $0xFFFFFFFF, v9  }
0x110: {  	v9 =	vlaneseq.u32 @p0;
	(xrf1) =	vsort.dscd.msk.f32 @p0 $0xffff, v8, v8  }
0x111: {  	v7 =	vadd.s32 @p2 $0xF, v7;
	v8 =	vmul.u32 @p0 $0xFFFFFFFF, v9;
	_ =	sdelay $0x1  }
0x112: {  	v8 =	vadd.s32 @p0 $0xF, v8;
	_ =	sdelay $0x8  }
0x113: {  	v9, _, _ =	vpop @p2 (xrf1)  }
0x114: {  	v7 =	vperm.xlane @p2 v9, v7  }
0x115: {  	v9, _, _ =	vpop @p0 (xrf1)  }
0x116: {  	v7 =	vmax.f32 @p2 v2, v7;
	v8 =	vperm.xlane @p0 v9, v8  }
0x117: {  	v9 =	vmax.f32 @p2 v3, v7;
	v7 =	vmin.f32 @p2 v3, v7  }
0x118: {  	v8 =	vmax.f32 @p0 v4, v8;
	(xrf1) =	vsort.dscd.msk.f32 @p2 $0xffff, v7, v7  }
0x119: {  	v7 =	vmax.f32 @p0 v5, v8;
	v8 =	vmin.f32 @p0 v5, v8;
	(xrf1) =	vsort.dscd.msk.f32 @p2 $0xffff, v9, v9  }
0x11a: {  	(xrf1) =	vsort.dscd.msk.f32 @p0 $0xffff, v8, v8  }
0x11b: {  	(xrf1) =	vsort.dscd.msk.f32 @p0 $0xffff, v7, v7;
	_ =	sdelay $0x2  }
0x11c: {  	s16 =	sadd.s32 $0x200, s16  }
0x11d: {  	s21 =	sand.u32 $0x7000, s16  }
0x11e: {  	s21 =	sshrl.u32 s21, $0x2  }
0x11f: {  	s18 =	sadd.s32 $0x10, s18;
	s20 =	sand.u32 $0x70, s20;
	s21 =	sadd.s32 s21, s15  }
0x120: {  	s20 =	sadd.s32 s20, s21;
	v7 =	vld [tilespmem:s18+$0x0]  }
0x121: {  	v8 =	vld [tilespmem:s20+$0x0];
	_ =	sdelay $0x2  }
.Ltmp2:
0x122: {  	v9 =	vimm.s32 @p2 $0xF;
	v10, _, _ =	vpop @p2 (xrf1);
	(pc) =	sbr.rel @p1 .LBB2_7-.Ltmp2, $4  }
0x123: {  	v9 =	vperm.xlane @p2 v10, v9;
	v2 =	vpsel p2, v10, v2;
	v10, _, _ =	vpop @p2 (xrf1)  }
0x124: {  	v12 =	vimm.s32 @p0 $0xF;
	v7 =	vmul.f32 v7, v8;
	v3 =	vpsel p2, v10, v3;
	v11, _, _ =	vpop @p0 (xrf1)  }
0x125: {  	v6 =	vpsel p2, v9, v6;
	v9 =	vperm.xlane @p0 v11, v12;
	v4 =	vpsel p0, v11, v4;
	v10, _, _ =	vpop @p0 (xrf1)  }
0x126: {  	v8 =	vsub.f32 v8, v7;
	vm0 =	vgt.f32 v7, v6;
	v5 =	vpsel p0, v10, v5  }
0x127: {  	v6 =	vsel vm0, $0x3F800000, v0  }
0x128: {  	v1 =	vpsel p0, v9, v1;
	(xrf0) =	vmax.scan.msk.f32 $0xffff, v6  }
0x129: {  	vm15 =	vgt.f32 v8, v1  }
0x12a: {  	v1 =	vsel vm15, $0x3F800000, v0  }
0x12b: {  	(xrf0) =	vmax.scan.msk.f32 $0xffff, v1;
	_ =	sdelay $0x2  }
0x12c: {  	v1, _, _ =	vpop (xrf0)  }
0x12d: {  	(v2sf) =	vpush v1, $0xF;
	_ =	sdelay $0x1  }
0x12e: {  	v1, _, _ =	vpop (xrf0)  }
0x12f: {  	(v2sf) =	vpush v1, $0xF;
	_ =	sdelay $0xb  }
0x130: {  	s15 =	spop (v2sf)  }
0x131: {  	p0 =	sgt.f32 s15, $0.0e+00;
	_ =	sdelay $0x1  }
0x132: {  	s22 =	spop (v2sf);
	(xrf1) =	vsort.dscd.msk.f32 @p0 $0xffff, v7, v7  }
0x133: {  	p1 =	sgt.f32 s22, $0.0e+00;
	_ =	sdelay $0x1  }
0x134: {  	(xrf1) =	vsort.dscd.msk.f32 @p1 $0xffff, v8, v8;
	_ =	sdelay $0x7  }
0x135: {  	v1 =	vlaneseq.u32 @p0  }
0x136: {  	v1 =	vmul.u32 @p0 $0xFFFFFFFF, v1;
	_ =	sdelay $0x1  }
0x137: {  	v6 =	vlaneseq.u32 @p1;
	v1 =	vadd.s32 @p0 $0xF, v1;
	v7, _, _ =	vpop @p0 (xrf1)  }
0x138: {  	v6 =	vmul.u32 @p1 $0xFFFFFFFF, v6;
	v1 =	vperm.xlane @p0 v7, v1;
	_ =	sdelay $0x1  }
0x139: {  	v6 =	vadd.s32 @p1 $0xF, v6;
	v7, _, _ =	vpop @p1 (xrf1);
	v1 =	vmax.f32 @p0 v2, v1  }
0x13a: {  	v6 =	vperm.xlane @p1 v7, v6;
	v7 =	vmin.f32 @p0 v3, v1  }
0x13b: {  	v1 =	vmax.f32 @p0 v3, v1;
	(xrf1) =	vsort.dscd.msk.f32 @p0 $0xffff, v7, v7  }
0x13c: {  	(xrf1) =	vsort.dscd.msk.f32 @p0 $0xffff, v1, v1  }
0x13d: {  	v6 =	vmax.f32 @p1 v4, v6  }
0x13e: {  	v7 =	vmin.f32 @p1 v5, v6  }
0x13f: {  	v1 =	vmax.f32 @p1 v5, v6;
	(xrf1) =	vsort.dscd.msk.f32 @p1 $0xffff, v7, v7  }
0x140: {  	(xrf1) =	vsort.dscd.msk.f32 @p1 $0xffff, v1, v1;
	_ =	sdelay $0x8  }
0x141: {  	v1, _, _ =	vpop @p0 (xrf1)  }
0x142: {  	s13 =	sadd.s32 $0x1, s13;
	v6, _, _ =	vpop @p0 (xrf1)  }
0x143: {  	v1 =	vpsel p0, v1, v2;
	v3 =	vpsel p0, v6, v3;
	p0 =	sne.s32 s13, $0x20  }
.Ltmp3:
0x144: {  	s14 =	sand.u32 $0x3FFFFF80, s14;
	(pc) =	sbr.rel @p0 .LBB2_6-.Ltmp3, $4  }
0x145: {  	v7, _, _ =	vpop @p1 (xrf1);
	[tilespmem:s14+$0x10430] =	vst v1  }
0x146: {  	v8, _, _ =	vpop @p1 (xrf1);
	v63 =	vpsel p1, v7, v4;
	[tilespmem:s14+$0x10420] =	vst v3  }
0x147: {  	v62 =	vpsel p1, v8, v5;
	[tilespmem:s14+$0x10410] =	vst v63  }
0x148: {  	[tilespmem:s14+$0x10400] =	vst v62  }
0x149: {  	s12 =	simm.s32 $0x0;
	s13 =	rddreg [dreg:$0x14]  }
0x14a: {  	[hbm4b:s13+s12] =	stream.linear.scatter [tilespmem:s9], [sflag:$0x3], $0x1000, $0x38;
	[tilespmem:$0x11400] =	vst v63  }
0x14b: {  	_ =	swait.ge [sflag:s7], $0x1000  }
0x14c: {  	[sflag:s7] =	ssyncset.done $0x0  }
0x14d: {  	[sflag:s7] =	ssyncadd.s32 $0xFFFFF000  }
0x14e: {  	_ =	swait.ge [sflag:s5], $0x8000  }
0x14f: {  	[sflag:s5] =	ssyncset.done $0x0  }
0x150: {  	s13 =	simm.s32 $0x0;
	s22 =	rddreg [dreg:$0x6];
	[sflag:s5] =	ssyncadd.s32 $0xFFFF8000  }
0x151: {  	[tilespmem:s8], [sflag:$0x2] =	stream.linear.gather [hbm4b:s22+s12], $0x8000, $0x38;
	[tilespmem:$0x11400] =	vst v63  }
.LBB2_10:
0x152: {  	s15 =	sand.u32 $0x18, s13  }
0x153: {  	s14 =	sshll.u32 s13, $0x7;
	s16 =	sadd.s32 $0x0, s15  }
0x154: {  	s18 =	sand.u32 $0x380, s14;
	s19 =	sshll.u32 s16, $0xA  }
0x155: {  	s16 =	sor.u32 $0x400, s18;
	s21 =	sand.u32 $0x3FFFFC00, s19  }
0x156: {  	s22 =	sand.u32 $0x70, s12;
	s18 =	sadd.s32 s21, s16  }
0x157: {  	v1 =	vld [tilespmem:s12+$0x0];
	s18 =	sadd.s32 s22, s18  }
0x158: {  	v2 =	vld [tilespmem:s18+$0x0];
	_ =	sdelay $0x4  }
0x159: {  	v3 =	vmul.f32 v1, v2  }
0x15a: {  	v1 =	vimm.f32 $-3.000000010e+38  }
0x15b: {  	v2 =	vsub.f32 v2, v3;
	vm0 =	vgt.f32 v3, v1  }
0x15c: {  	v4 =	vsel vm0, $0x3F800000, v0  }
0x15d: {  	vm0 =	vgt.f32 v2, v1;
	(xrf0) =	vmax.scan.msk.f32 $0xffff, v4  }
0x15e: {  	v4 =	vsel vm0, $0x3F800000, v0  }
0x15f: {  	(xrf0) =	vmax.scan.msk.f32 $0xffff, v4;
	_ =	sdelay $0x3  }
0x160: {  	v4, _, _ =	vpop (xrf0)  }
0x161: {  	(v2sf) =	vpush v4, $0xF  }
0x162: {  	v4, _, _ =	vpop (xrf0)  }
0x163: {  	(v2sf) =	vpush v4, $0xF;
	_ =	sdelay $0xc  }
0x164: {  	s19 =	spop (v2sf)  }
0x165: {  	p1 =	sgt.f32 s19, $0.0e+00  }
0x166: {  	s20 =	spop (v2sf)  }
0x167: {  	p0 =	sgt.f32 s20, $0.0e+00;
	(xrf1) =	vsort.dscd.msk.f32 @p1 $0xffff, v3, v3;
	_ =	sdelay $0x1  }
0x168: {  	(xrf1) =	vsort.dscd.msk.f32 @p0 $0xffff, v2, v2;
	_ =	sdelay $0x8  }
0x169: {  	v2 =	vlaneseq.u32 @p1  }
0x16a: {  	v2 =	vmul.u32 @p1 $0xFFFFFFFF, v2  }
0x16b: {  	v3 =	vlaneseq.u32 @p0  }
0x16c: {  	v3 =	vmul.u32 @p0 $0xFFFFFFFF, v3;
	v2 =	vadd.s32 @p1 $0xF, v2;
	v4, _, _ =	vpop @p1 (xrf1)  }
0x16d: {  	v2 =	vperm.xlane @p1 v4, v2  }
0x16e: {  	v3 =	vadd.s32 @p0 $0xF, v3;
	v4, _, _ =	vpop @p0 (xrf1)  }
0x16f: {  	v2 =	vmax.f32 @p1 v1, v2;
	v3 =	vperm.xlane @p0 v4, v3  }
0x170: {  	v4 =	vmin.f32 @p1 v1, v2  }
0x171: {  	v2 =	vmax.f32 @p1 v1, v2;
	v3 =	vmax.f32 @p0 v1, v3;
	(xrf1) =	vsort.dscd.msk.f32 @p1 $0xffff, v4, v4  }
0x172: {  	v4 =	vmin.f32 @p0 v1, v3;
	(xrf1) =	vsort.dscd.msk.f32 @p1 $0xffff, v2, v2  }
0x173: {  	v2 =	vmax.f32 @p0 v1, v3;
	(xrf1) =	vsort.dscd.msk.f32 @p0 $0xffff, v4, v4  }
0x174: {  	(xrf1) =	vsort.dscd.msk.f32 @p0 $0xffff, v2, v2;
	_ =	sdelay $0x1  }
0x175: {  	s21 =	sadd.s32 $0x0, s15  }
0x176: {  	s18 =	sshll.u32 s21, $0xA  }
0x177: {  	s22 =	sand.u32 $0x3FFFFC00, s18;
	s18 =	simm.s32 $0x10  }
0x178: {  	s19 =	sadd.s32 s22, s16;
	s20 =	sand.u32 $0x70, s18  }
0x179: {  	s19 =	sadd.s32 s20, s19  }
0x17a: {  	v5 =	vld [tilespmem:s19+$0x0]  }
0x17b: {  	v3 =	vld [tilespmem:s18+$0x0];
	_ =	sdelay $0x2  }
0x17c: {  	v2 =	vimm.s32 @p1 $0xF;
	v4, _, _ =	vpop @p1 (xrf1)  }
0x17d: {  	v6 =	vperm.xlane @p1 v4, v2;
	v2 =	vpsel p1, v4, v1;
	v4, _, _ =	vpop @p1 (xrf1)  }
0x17e: {  	v7 =	vmul.f32 v3, v5;
	v3 =	vpsel p1, v4, v1;
	v4 =	vimm.s32 @p0 $0xF;
	v8, _, _ =	vpop @p0 (xrf1)  }
0x17f: {  	v6 =	vpsel p1, v6, v1;
	v9 =	vperm.xlane @p0 v8, v4;
	v4 =	vpsel p0, v8, v1;
	v10, _, _ =	vpop @p0 (xrf1)  }
0x180: {  	s20 =	simm.s32 $0x10;
	s19 =	simm.s32 $0x2;
	v8 =	vsub.f32 v5, v7;
	vm0 =	vgt.f32 v7, v6;
	v5 =	vpsel p0, v10, v1  }
.LBB2_11:
0x181: {  	v10 =	vsel vm0, $0x3F800000, v0;
	v1 =	vpsel p0, v9, v1;
	s21 =	smov.u32 s19;
	s19 =	sadd.s32 $0x1, s19  }
0x182: {  	p1 =	sne.s32 s19, $0x40;
	vm0 =	vgt.f32 v8, v1;
	(xrf0) =	vmax.scan.msk.f32 $0xffff, v10  }
0x183: {  	v9 =	vsel vm0, $0x3F800000, v0  }
0x184: {  	(xrf0) =	vmax.scan.msk.f32 $0xffff, v9;
	_ =	sdelay $0x3  }
0x185: {  	v9, _, _ =	vpop (xrf0)  }
0x186: {  	(v2sf) =	vpush v9, $0xF  }
0x187: {  	v9, _, _ =	vpop (xrf0)  }
0x188: {  	(v2sf) =	vpush v9, $0xF;
	_ =	sdelay $0xc  }
0x189: {  	s22 =	spop (v2sf)  }
0x18a: {  	p2 =	sgt.f32 s22, $0.0e+00  }
0x18b: {  	s22 =	spop (v2sf)  }
0x18c: {  	v9 =	vlaneseq.u32 @p2;
	p0 =	sgt.f32 s22, $0.0e+00;
	(xrf1) =	vsort.dscd.msk.f32 @p2 $0xffff, v7, v7  }
0x18d: {  	v7 =	vmul.u32 @p2 $0xFFFFFFFF, v9  }
0x18e: {  	v9 =	vlaneseq.u32 @p0;
	(xrf1) =	vsort.dscd.msk.f32 @p0 $0xffff, v8, v8  }
0x18f: {  	v7 =	vadd.s32 @p2 $0xF, v7;
	v8 =	vmul.u32 @p0 $0xFFFFFFFF, v9;
	_ =	sdelay $0x1  }
0x190: {  	v8 =	vadd.s32 @p0 $0xF, v8;
	_ =	sdelay $0x8  }
0x191: {  	v9, _, _ =	vpop @p2 (xrf1)  }
0x192: {  	v7 =	vperm.xlane @p2 v9, v7  }
0x193: {  	v9, _, _ =	vpop @p0 (xrf1)  }
0x194: {  	v7 =	vmax.f32 @p2 v2, v7;
	v8 =	vperm.xlane @p0 v9, v8  }
0x195: {  	v9 =	vmax.f32 @p2 v3, v7;
	v7 =	vmin.f32 @p2 v3, v7  }
0x196: {  	v8 =	vmax.f32 @p0 v4, v8;
	(xrf1) =	vsort.dscd.msk.f32 @p2 $0xffff, v7, v7  }
0x197: {  	v7 =	vmax.f32 @p0 v5, v8;
	v8 =	vmin.f32 @p0 v5, v8;
	(xrf1) =	vsort.dscd.msk.f32 @p2 $0xffff, v9, v9  }
0x198: {  	(xrf1) =	vsort.dscd.msk.f32 @p0 $0xffff, v8, v8  }
0x199: {  	(xrf1) =	vsort.dscd.msk.f32 @p0 $0xffff, v7, v7;
	_ =	sdelay $0x1  }
0x19a: {  	s21 =	sshrl.u32 s21, $0x3  }
0x19b: {  	s21 =	sadd.s32 s15, s21  }
0x19c: {  	s21 =	sshll.u32 s21, $0xA  }
0x19d: {  	s18 =	sadd.s32 $0x10, s18;
	s21 =	sand.u32 $0x3FFFFC00, s21  }
0x19e: {  	s20 =	sadd.s32 $0x10, s20;
	s21 =	sadd.s32 s21, s16;
	s22 =	sand.u32 $0x70, s18  }
0x19f: {  	s21 =	sadd.s32 s22, s21;
	v7 =	vld [tilespmem:s20+$0x0]  }
0x1a0: {  	v8 =	vld [tilespmem:s21+$0x0];
	_ =	sdelay $0x2  }
.Ltmp4:
0x1a1: {  	v9 =	vimm.s32 @p2 $0xF;
	v10, _, _ =	vpop @p2 (xrf1);
	(pc) =	sbr.rel @p1 .LBB2_11-.Ltmp4, $4  }
0x1a2: {  	v9 =	vperm.xlane @p2 v10, v9;
	v2 =	vpsel p2, v10, v2;
	v10, _, _ =	vpop @p2 (xrf1)  }
0x1a3: {  	v12 =	vimm.s32 @p0 $0xF;
	v7 =	vmul.f32 v7, v8;
	v3 =	vpsel p2, v10, v3;
	v11, _, _ =	vpop @p0 (xrf1)  }
0x1a4: {  	v6 =	vpsel p2, v9, v6;
	v9 =	vperm.xlane @p0 v11, v12;
	v4 =	vpsel p0, v11, v4;
	v10, _, _ =	vpop @p0 (xrf1)  }
0x1a5: {  	v8 =	vsub.f32 v8, v7;
	vm0 =	vgt.f32 v7, v6;
	v5 =	vpsel p0, v10, v5  }
0x1a6: {  	v6 =	vsel vm0, $0x3F800000, v0  }
0x1a7: {  	v1 =	vpsel p0, v9, v1;
	(xrf0) =	vmax.scan.msk.f32 $0xffff, v6  }
0x1a8: {  	vm15 =	vgt.f32 v8, v1  }
0x1a9: {  	v1 =	vsel vm15, $0x3F800000, v0  }
0x1aa: {  	(xrf0) =	vmax.scan.msk.f32 $0xffff, v1;
	_ =	sdelay $0x2  }
0x1ab: {  	v1, _, _ =	vpop (xrf0)  }
0x1ac: {  	(v2sf) =	vpush v1, $0xF;
	_ =	sdelay $0x1  }
0x1ad: {  	v1, _, _ =	vpop (xrf0)  }
0x1ae: {  	(v2sf) =	vpush v1, $0xF;
	_ =	sdelay $0xb  }
0x1af: {  	s15 =	spop (v2sf)  }
0x1b0: {  	p0 =	sgt.f32 s15, $0.0e+00;
	_ =	sdelay $0x1  }
0x1b1: {  	s22 =	spop (v2sf);
	(xrf1) =	vsort.dscd.msk.f32 @p0 $0xffff, v7, v7  }
0x1b2: {  	p1 =	sgt.f32 s22, $0.0e+00;
	_ =	sdelay $0x1  }
0x1b3: {  	(xrf1) =	vsort.dscd.msk.f32 @p1 $0xffff, v8, v8;
	_ =	sdelay $0x7  }
0x1b4: {  	v1 =	vlaneseq.u32 @p0  }
0x1b5: {  	v1 =	vmul.u32 @p0 $0xFFFFFFFF, v1;
	_ =	sdelay $0x1  }
0x1b6: {  	v6 =	vlaneseq.u32 @p1;
	v1 =	vadd.s32 @p0 $0xF, v1;
	v7, _, _ =	vpop @p0 (xrf1)  }
0x1b7: {  	v6 =	vmul.u32 @p1 $0xFFFFFFFF, v6;
	v1 =	vperm.xlane @p0 v7, v1;
	_ =	sdelay $0x1  }
0x1b8: {  	v6 =	vadd.s32 @p1 $0xF, v6;
	v7, _, _ =	vpop @p1 (xrf1);
	v1 =	vmax.f32 @p0 v2, v1  }
0x1b9: {  	v6 =	vperm.xlane @p1 v7, v6;
	v7 =	vmin.f32 @p0 v3, v1  }
0x1ba: {  	v1 =	vmax.f32 @p0 v3, v1;
	(xrf1) =	vsort.dscd.msk.f32 @p0 $0xffff, v7, v7  }
0x1bb: {  	(xrf1) =	vsort.dscd.msk.f32 @p0 $0xffff, v1, v1  }
0x1bc: {  	v6 =	vmax.f32 @p1 v4, v6  }
0x1bd: {  	v7 =	vmin.f32 @p1 v5, v6  }
0x1be: {  	v1 =	vmax.f32 @p1 v5, v6;
	(xrf1) =	vsort.dscd.msk.f32 @p1 $0xffff, v7, v7  }
0x1bf: {  	(xrf1) =	vsort.dscd.msk.f32 @p1 $0xffff, v1, v1;
	_ =	sdelay $0x8  }
0x1c0: {  	v1, _, _ =	vpop @p0 (xrf1)  }
0x1c1: {  	s13 =	sadd.s32 $0x1, s13;
	v6, _, _ =	vpop @p0 (xrf1)  }
0x1c2: {  	v1 =	vpsel p0, v1, v2;
	v3 =	vpsel p0, v6, v3;
	p0 =	sne.s32 s13, $0x20  }
.Ltmp5:
0x1c3: {  	s14 =	sand.u32 $0x3FFFFF80, s14;
	(pc) =	sbr.rel @p0 .LBB2_10-.Ltmp5, $4  }
0x1c4: {  	v7, _, _ =	vpop @p1 (xrf1);
	[tilespmem:s14+$0x10430] =	vst v1  }
0x1c5: {  	v8, _, _ =	vpop @p1 (xrf1);
	v63 =	vpsel p1, v7, v4;
	[tilespmem:s14+$0x10420] =	vst v3  }
0x1c6: {  	v62 =	vpsel p1, v8, v5;
	[tilespmem:s14+$0x10410] =	vst v63  }
0x1c7: {  	[tilespmem:s14+$0x10400] =	vst v62  }
0x1c8: {  	s12 =	simm.s32 $0x0;
	s13 =	rddreg [dreg:$0x15]  }
0x1c9: {  	[hbm4b:s13+s12] =	stream.linear.scatter [tilespmem:s9], [sflag:$0x3], $0x1000, $0x38;
	[tilespmem:$0x11400] =	vst v63  }
0x1ca: {  	_ =	swait.ge [sflag:s7], $0x1000  }
0x1cb: {  	[sflag:s7] =	ssyncset.done $0x0  }
0x1cc: {  	[sflag:s7] =	ssyncadd.s32 $0xFFFFF000  }
0x1cd: {  	_ =	swait.ge [sflag:s10], $0x8000  }
0x1ce: {  	[sflag:s10] =	ssyncset.done $0x0  }
0x1cf: {  	s13 =	simm.s32 $0x0;
	s22 =	rddreg [dreg:$0x7];
	[sflag:s10] =	ssyncadd.s32 $0xFFFF8000  }
0x1d0: {  	[tilespmem:s6], [sflag:$0x1] =	stream.linear.gather [hbm4b:s22+s12], $0x8000, $0x38;
	[tilespmem:$0x11400] =	vst v63  }
.LBB2_14:
0x1d1: {  	s15 =	sshll.u32 s13, $0xA;
	s14 =	sshll.u32 s13, $0x7  }
0x1d2: {  	s15 =	sand.u32 $0x6000, s15;
	s16 =	sand.u32 $0x380, s14  }
0x1d3: {  	s20 =	sand.u32 $0x7000, s12;
	s15 =	sor.u32 s16, s15  }
0x1d4: {  	s16 =	sshrl.u32 s20, $0x2;
	s15 =	sor.u32 $0x8400, s15  }
0x1d5: {  	s18 =	sand.u32 $0x70, s12;
	s16 =	sadd.s32 s16, s15  }
0x1d6: {  	v1 =	vld [tilespmem:s12+$0x0];
	s16 =	sadd.s32 s18, s16  }
0x1d7: {  	v2 =	vld [tilespmem:s16+$0x0];
	_ =	sdelay $0x4  }
0x1d8: {  	v3 =	vmul.f32 v1, v2  }
0x1d9: {  	v1 =	vimm.f32 $-3.000000010e+38  }
0x1da: {  	v2 =	vsub.f32 v2, v3;
	vm0 =	vgt.f32 v3, v1  }
0x1db: {  	v4 =	vsel vm0, $0x3F800000, v0  }
0x1dc: {  	vm0 =	vgt.f32 v2, v1;
	(xrf0) =	vmax.scan.msk.f32 $0xffff, v4  }
0x1dd: {  	v4 =	vsel vm0, $0x3F800000, v0  }
0x1de: {  	(xrf0) =	vmax.scan.msk.f32 $0xffff, v4;
	_ =	sdelay $0x3  }
0x1df: {  	v4, _, _ =	vpop (xrf0)  }
0x1e0: {  	(v2sf) =	vpush v4, $0xF  }
0x1e1: {  	v4, _, _ =	vpop (xrf0)  }
0x1e2: {  	(v2sf) =	vpush v4, $0xF;
	_ =	sdelay $0xc  }
0x1e3: {  	s21 =	spop (v2sf)  }
0x1e4: {  	p1 =	sgt.f32 s21, $0.0e+00  }
0x1e5: {  	s22 =	spop (v2sf)  }
0x1e6: {  	p0 =	sgt.f32 s22, $0.0e+00;
	(xrf1) =	vsort.dscd.msk.f32 @p1 $0xffff, v3, v3;
	_ =	sdelay $0x1  }
0x1e7: {  	(xrf1) =	vsort.dscd.msk.f32 @p0 $0xffff, v2, v2;
	_ =	sdelay $0x8  }
0x1e8: {  	v2 =	vlaneseq.u32 @p1  }
0x1e9: {  	v2 =	vmul.u32 @p1 $0xFFFFFFFF, v2  }
0x1ea: {  	v3 =	vlaneseq.u32 @p0  }
0x1eb: {  	v3 =	vmul.u32 @p0 $0xFFFFFFFF, v3;
	v2 =	vadd.s32 @p1 $0xF, v2;
	v4, _, _ =	vpop @p1 (xrf1)  }
0x1ec: {  	v2 =	vperm.xlane @p1 v4, v2  }
0x1ed: {  	v3 =	vadd.s32 @p0 $0xF, v3;
	v4, _, _ =	vpop @p0 (xrf1)  }
0x1ee: {  	v2 =	vmax.f32 @p1 v1, v2;
	v3 =	vperm.xlane @p0 v4, v3  }
0x1ef: {  	v4 =	vmin.f32 @p1 v1, v2  }
0x1f0: {  	v2 =	vmax.f32 @p1 v1, v2;
	v3 =	vmax.f32 @p0 v1, v3;
	(xrf1) =	vsort.dscd.msk.f32 @p1 $0xffff, v4, v4  }
0x1f1: {  	v4 =	vmin.f32 @p0 v1, v3;
	(xrf1) =	vsort.dscd.msk.f32 @p1 $0xffff, v2, v2  }
0x1f2: {  	v2 =	vmax.f32 @p0 v1, v3;
	(xrf1) =	vsort.dscd.msk.f32 @p0 $0xffff, v4, v4  }
0x1f3: {  	(xrf1) =	vsort.dscd.msk.f32 @p0 $0xffff, v2, v2;
	_ =	sdelay $0x1  }
0x1f4: {  	s16 =	simm.s32 $0x200  }
0x1f5: {  	s19 =	sand.u32 $0x7000, s16  }
0x1f6: {  	s18 =	simm.s32 $0x10;
	s19 =	sshrl.u32 s19, $0x2  }
0x1f7: {  	s20 =	sand.u32 $0x70, s18;
	s19 =	sadd.s32 s19, s15  }
0x1f8: {  	s19 =	sadd.s32 s20, s19  }
0x1f9: {  	v5 =	vld [tilespmem:s19+$0x0]  }
0x1fa: {  	v3 =	vld [tilespmem:s18+$0x0];
	_ =	sdelay $0x2  }
0x1fb: {  	v2 =	vimm.s32 @p1 $0xF;
	v4, _, _ =	vpop @p1 (xrf1)  }
0x1fc: {  	v6 =	vperm.xlane @p1 v4, v2;
	v2 =	vpsel p1, v4, v1;
	v4, _, _ =	vpop @p1 (xrf1)  }
0x1fd: {  	v7 =	vmul.f32 v3, v5;
	v3 =	vpsel p1, v4, v1;
	v4 =	vimm.s32 @p0 $0xF;
	v8, _, _ =	vpop @p0 (xrf1)  }
0x1fe: {  	v6 =	vpsel p1, v6, v1;
	v9 =	vperm.xlane @p0 v8, v4;
	v4 =	vpsel p0, v8, v1;
	v10, _, _ =	vpop @p0 (xrf1)  }
0x1ff: {  	s19 =	simm.s32 $0x20;
	v8 =	vsub.f32 v5, v7;
	vm0 =	vgt.f32 v7, v6;
	v5 =	vpsel p0, v10, v1  }
.LBB2_15:
0x200: {  	v10 =	vsel vm0, $0x3F800000, v0;
	v1 =	vpsel p0, v9, v1;
	s20 =	smov.u32 s19;
	s19 =	sadd.s32 $0x10, s19  }
0x201: {  	p1 =	sne.s32 s19, $0x400;
	vm0 =	vgt.f32 v8, v1;
	(xrf0) =	vmax.scan.msk.f32 $0xffff, v10  }
0x202: {  	v9 =	vsel vm0, $0x3F800000, v0  }
0x203: {  	(xrf0) =	vmax.scan.msk.f32 $0xffff, v9;
	_ =	sdelay $0x3  }
0x204: {  	v9, _, _ =	vpop (xrf0)  }
0x205: {  	(v2sf) =	vpush v9, $0xF  }
0x206: {  	v9, _, _ =	vpop (xrf0)  }
0x207: {  	(v2sf) =	vpush v9, $0xF;
	_ =	sdelay $0xc  }
0x208: {  	s21 =	spop (v2sf)  }
0x209: {  	p2 =	sgt.f32 s21, $0.0e+00  }
0x20a: {  	s21 =	spop (v2sf)  }
0x20b: {  	v9 =	vlaneseq.u32 @p2;
	p0 =	sgt.f32 s21, $0.0e+00;
	(xrf1) =	vsort.dscd.msk.f32 @p2 $0xffff, v7, v7  }
0x20c: {  	v7 =	vmul.u32 @p2 $0xFFFFFFFF, v9  }
0x20d: {  	v9 =	vlaneseq.u32 @p0;
	(xrf1) =	vsort.dscd.msk.f32 @p0 $0xffff, v8, v8  }
0x20e: {  	v7 =	vadd.s32 @p2 $0xF, v7;
	v8 =	vmul.u32 @p0 $0xFFFFFFFF, v9;
	_ =	sdelay $0x1  }
0x20f: {  	v8 =	vadd.s32 @p0 $0xF, v8;
	_ =	sdelay $0x8  }
0x210: {  	v9, _, _ =	vpop @p2 (xrf1)  }
0x211: {  	v7 =	vperm.xlane @p2 v9, v7  }
0x212: {  	v9, _, _ =	vpop @p0 (xrf1)  }
0x213: {  	v7 =	vmax.f32 @p2 v2, v7;
	v8 =	vperm.xlane @p0 v9, v8  }
0x214: {  	v9 =	vmax.f32 @p2 v3, v7;
	v7 =	vmin.f32 @p2 v3, v7  }
0x215: {  	v8 =	vmax.f32 @p0 v4, v8;
	(xrf1) =	vsort.dscd.msk.f32 @p2 $0xffff, v7, v7  }
0x216: {  	v7 =	vmax.f32 @p0 v5, v8;
	v8 =	vmin.f32 @p0 v5, v8;
	(xrf1) =	vsort.dscd.msk.f32 @p2 $0xffff, v9, v9  }
0x217: {  	(xrf1) =	vsort.dscd.msk.f32 @p0 $0xffff, v8, v8  }
0x218: {  	(xrf1) =	vsort.dscd.msk.f32 @p0 $0xffff, v7, v7;
	_ =	sdelay $0x2  }
0x219: {  	s16 =	sadd.s32 $0x200, s16  }
0x21a: {  	s21 =	sand.u32 $0x7000, s16  }
0x21b: {  	s21 =	sshrl.u32 s21, $0x2  }
0x21c: {  	s18 =	sadd.s32 $0x10, s18;
	s20 =	sand.u32 $0x70, s20;
	s21 =	sadd.s32 s21, s15  }
0x21d: {  	s20 =	sadd.s32 s20, s21;
	v7 =	vld [tilespmem:s18+$0x0]  }
0x21e: {  	v8 =	vld [tilespmem:s20+$0x0];
	_ =	sdelay $0x2  }
.Ltmp6:
0x21f: {  	v9 =	vimm.s32 @p2 $0xF;
	v10, _, _ =	vpop @p2 (xrf1);
	(pc) =	sbr.rel @p1 .LBB2_15-.Ltmp6, $4  }
0x220: {  	v9 =	vperm.xlane @p2 v10, v9;
	v2 =	vpsel p2, v10, v2;
	v10, _, _ =	vpop @p2 (xrf1)  }
0x221: {  	v12 =	vimm.s32 @p0 $0xF;
	v7 =	vmul.f32 v7, v8;
	v3 =	vpsel p2, v10, v3;
	v11, _, _ =	vpop @p0 (xrf1)  }
0x222: {  	v6 =	vpsel p2, v9, v6;
	v9 =	vperm.xlane @p0 v11, v12;
	v4 =	vpsel p0, v11, v4;
	v10, _, _ =	vpop @p0 (xrf1)  }
0x223: {  	v8 =	vsub.f32 v8, v7;
	vm0 =	vgt.f32 v7, v6;
	v5 =	vpsel p0, v10, v5  }
0x224: {  	v6 =	vsel vm0, $0x3F800000, v0  }
0x225: {  	v1 =	vpsel p0, v9, v1;
	(xrf0) =	vmax.scan.msk.f32 $0xffff, v6  }
0x226: {  	vm15 =	vgt.f32 v8, v1  }
0x227: {  	v1 =	vsel vm15, $0x3F800000, v0  }
0x228: {  	(xrf0) =	vmax.scan.msk.f32 $0xffff, v1;
	_ =	sdelay $0x2  }
0x229: {  	v1, _, _ =	vpop (xrf0)  }
0x22a: {  	(v2sf) =	vpush v1, $0xF;
	_ =	sdelay $0x1  }
0x22b: {  	v1, _, _ =	vpop (xrf0)  }
0x22c: {  	(v2sf) =	vpush v1, $0xF;
	_ =	sdelay $0xb  }
0x22d: {  	s15 =	spop (v2sf)  }
0x22e: {  	p0 =	sgt.f32 s15, $0.0e+00;
	_ =	sdelay $0x1  }
0x22f: {  	s22 =	spop (v2sf);
	(xrf1) =	vsort.dscd.msk.f32 @p0 $0xffff, v7, v7  }
0x230: {  	p1 =	sgt.f32 s22, $0.0e+00;
	_ =	sdelay $0x1  }
0x231: {  	(xrf1) =	vsort.dscd.msk.f32 @p1 $0xffff, v8, v8;
	_ =	sdelay $0x7  }
0x232: {  	v1 =	vlaneseq.u32 @p0  }
0x233: {  	v1 =	vmul.u32 @p0 $0xFFFFFFFF, v1;
	_ =	sdelay $0x1  }
0x234: {  	v6 =	vlaneseq.u32 @p1;
	v1 =	vadd.s32 @p0 $0xF, v1;
	v7, _, _ =	vpop @p0 (xrf1)  }
0x235: {  	v6 =	vmul.u32 @p1 $0xFFFFFFFF, v6;
	v1 =	vperm.xlane @p0 v7, v1;
	_ =	sdelay $0x1  }
0x236: {  	v6 =	vadd.s32 @p1 $0xF, v6;
	v7, _, _ =	vpop @p1 (xrf1);
	v1 =	vmax.f32 @p0 v2, v1  }
0x237: {  	v6 =	vperm.xlane @p1 v7, v6;
	v7 =	vmin.f32 @p0 v3, v1  }
0x238: {  	v1 =	vmax.f32 @p0 v3, v1;
	(xrf1) =	vsort.dscd.msk.f32 @p0 $0xffff, v7, v7  }
0x239: {  	(xrf1) =	vsort.dscd.msk.f32 @p0 $0xffff, v1, v1  }
0x23a: {  	v6 =	vmax.f32 @p1 v4, v6  }
0x23b: {  	v7 =	vmin.f32 @p1 v5, v6  }
0x23c: {  	v1 =	vmax.f32 @p1 v5, v6;
	(xrf1) =	vsort.dscd.msk.f32 @p1 $0xffff, v7, v7  }
0x23d: {  	(xrf1) =	vsort.dscd.msk.f32 @p1 $0xffff, v1, v1;
	_ =	sdelay $0x8  }
0x23e: {  	v1, _, _ =	vpop @p0 (xrf1)  }
0x23f: {  	s13 =	sadd.s32 $0x1, s13;
	v6, _, _ =	vpop @p0 (xrf1)  }
0x240: {  	v1 =	vpsel p0, v1, v2;
	v3 =	vpsel p0, v6, v3;
	p0 =	sne.s32 s13, $0x20  }
.Ltmp7:
0x241: {  	s14 =	sand.u32 $0x3FFFFF80, s14;
	(pc) =	sbr.rel @p0 .LBB2_14-.Ltmp7, $4  }
0x242: {  	v7, _, _ =	vpop @p1 (xrf1);
	[tilespmem:s14+$0x10430] =	vst v1  }
0x243: {  	v8, _, _ =	vpop @p1 (xrf1);
	v63 =	vpsel p1, v7, v4;
	[tilespmem:s14+$0x10420] =	vst v3  }
0x244: {  	v62 =	vpsel p1, v8, v5;
	[tilespmem:s14+$0x10410] =	vst v63  }
0x245: {  	[tilespmem:s14+$0x10400] =	vst v62  }
0x246: {  	s12 =	simm.s32 $0x0;
	s13 =	rddreg [dreg:$0x16]  }
0x247: {  	[hbm4b:s13+s12] =	stream.linear.scatter [tilespmem:s9], [sflag:$0x3], $0x1000, $0x38;
	[tilespmem:$0x11400] =	vst v63  }
0x248: {  	_ =	swait.ge [sflag:s7], $0x1000  }
0x249: {  	[sflag:s7] =	ssyncset.done $0x0  }
0x24a: {  	[sflag:s7] =	ssyncadd.s32 $0xFFFFF000  }
0x24b: {  	_ =	swait.ge [sflag:s5], $0x8000  }
0x24c: {  	[sflag:s5] =	ssyncset.done $0x0  }
0x24d: {  	s13 =	simm.s32 $0x0;
	s22 =	rddreg [dreg:$0x8];
	[sflag:s5] =	ssyncadd.s32 $0xFFFF8000  }
0x24e: {  	[tilespmem:s8], [sflag:$0x2] =	stream.linear.gather [hbm4b:s22+s12], $0x8000, $0x38;
	[tilespmem:$0x11400] =	vst v63  }
.LBB2_18:
0x24f: {  	s15 =	sand.u32 $0x18, s13  }
0x250: {  	s14 =	sshll.u32 s13, $0x7;
	s16 =	sadd.s32 $0x0, s15  }
0x251: {  	s18 =	sand.u32 $0x380, s14;
	s19 =	sshll.u32 s16, $0xA  }
0x252: {  	s16 =	sor.u32 $0x400, s18;
	s21 =	sand.u32 $0x3FFFFC00, s19  }
0x253: {  	s22 =	sand.u32 $0x70, s12;
	s18 =	sadd.s32 s21, s16  }
0x254: {  	v1 =	vld [tilespmem:s12+$0x0];
	s18 =	sadd.s32 s22, s18  }
0x255: {  	v2 =	vld [tilespmem:s18+$0x0];
	_ =	sdelay $0x4  }
0x256: {  	v3 =	vmul.f32 v1, v2  }
0x257: {  	v1 =	vimm.f32 $-3.000000010e+38  }
0x258: {  	v2 =	vsub.f32 v2, v3;
	vm0 =	vgt.f32 v3, v1  }
0x259: {  	v4 =	vsel vm0, $0x3F800000, v0  }
0x25a: {  	vm0 =	vgt.f32 v2, v1;
	(xrf0) =	vmax.scan.msk.f32 $0xffff, v4  }
0x25b: {  	v4 =	vsel vm0, $0x3F800000, v0  }
0x25c: {  	(xrf0) =	vmax.scan.msk.f32 $0xffff, v4;
	_ =	sdelay $0x3  }
0x25d: {  	v4, _, _ =	vpop (xrf0)  }
0x25e: {  	(v2sf) =	vpush v4, $0xF  }
0x25f: {  	v4, _, _ =	vpop (xrf0)  }
0x260: {  	(v2sf) =	vpush v4, $0xF;
	_ =	sdelay $0xc  }
0x261: {  	s19 =	spop (v2sf)  }
0x262: {  	p1 =	sgt.f32 s19, $0.0e+00  }
0x263: {  	s20 =	spop (v2sf)  }
0x264: {  	p0 =	sgt.f32 s20, $0.0e+00;
	(xrf1) =	vsort.dscd.msk.f32 @p1 $0xffff, v3, v3;
	_ =	sdelay $0x1  }
0x265: {  	(xrf1) =	vsort.dscd.msk.f32 @p0 $0xffff, v2, v2;
	_ =	sdelay $0x8  }
0x266: {  	v2 =	vlaneseq.u32 @p1  }
0x267: {  	v2 =	vmul.u32 @p1 $0xFFFFFFFF, v2  }
0x268: {  	v3 =	vlaneseq.u32 @p0  }
0x269: {  	v3 =	vmul.u32 @p0 $0xFFFFFFFF, v3;
	v2 =	vadd.s32 @p1 $0xF, v2;
	v4, _, _ =	vpop @p1 (xrf1)  }
0x26a: {  	v2 =	vperm.xlane @p1 v4, v2  }
0x26b: {  	v3 =	vadd.s32 @p0 $0xF, v3;
	v4, _, _ =	vpop @p0 (xrf1)  }
0x26c: {  	v2 =	vmax.f32 @p1 v1, v2;
	v3 =	vperm.xlane @p0 v4, v3  }
0x26d: {  	v4 =	vmin.f32 @p1 v1, v2  }
0x26e: {  	v2 =	vmax.f32 @p1 v1, v2;
	v3 =	vmax.f32 @p0 v1, v3;
	(xrf1) =	vsort.dscd.msk.f32 @p1 $0xffff, v4, v4  }
0x26f: {  	v4 =	vmin.f32 @p0 v1, v3;
	(xrf1) =	vsort.dscd.msk.f32 @p1 $0xffff, v2, v2  }
0x270: {  	v2 =	vmax.f32 @p0 v1, v3;
	(xrf1) =	vsort.dscd.msk.f32 @p0 $0xffff, v4, v4  }
0x271: {  	(xrf1) =	vsort.dscd.msk.f32 @p0 $0xffff, v2, v2;
	_ =	sdelay $0x1  }
0x272: {  	s21 =	sadd.s32 $0x0, s15  }
0x273: {  	s18 =	sshll.u32 s21, $0xA  }
0x274: {  	s22 =	sand.u32 $0x3FFFFC00, s18;
	s18 =	simm.s32 $0x10  }
0x275: {  	s19 =	sadd.s32 s22, s16;
	s20 =	sand.u32 $0x70, s18  }
0x276: {  	s19 =	sadd.s32 s20, s19  }
0x277: {  	v5 =	vld [tilespmem:s19+$0x0]  }
0x278: {  	v3 =	vld [tilespmem:s18+$0x0];
	_ =	sdelay $0x2  }
0x279: {  	v2 =	vimm.s32 @p1 $0xF;
	v4, _, _ =	vpop @p1 (xrf1)  }
0x27a: {  	v6 =	vperm.xlane @p1 v4, v2;
	v2 =	vpsel p1, v4, v1;
	v4, _, _ =	vpop @p1 (xrf1)  }
0x27b: {  	v7 =	vmul.f32 v3, v5;
	v3 =	vpsel p1, v4, v1;
	v4 =	vimm.s32 @p0 $0xF;
	v8, _, _ =	vpop @p0 (xrf1)  }
0x27c: {  	v6 =	vpsel p1, v6, v1;
	v9 =	vperm.xlane @p0 v8, v4;
	v4 =	vpsel p0, v8, v1;
	v10, _, _ =	vpop @p0 (xrf1)  }
0x27d: {  	s20 =	simm.s32 $0x10;
	s19 =	simm.s32 $0x2;
	v8 =	vsub.f32 v5, v7;
	vm0 =	vgt.f32 v7, v6;
	v5 =	vpsel p0, v10, v1  }
.LBB2_19:
0x27e: {  	v10 =	vsel vm0, $0x3F800000, v0;
	v1 =	vpsel p0, v9, v1;
	s21 =	smov.u32 s19;
	s19 =	sadd.s32 $0x1, s19  }
0x27f: {  	p1 =	sne.s32 s19, $0x40;
	vm0 =	vgt.f32 v8, v1;
	(xrf0) =	vmax.scan.msk.f32 $0xffff, v10  }
0x280: {  	v9 =	vsel vm0, $0x3F800000, v0  }
0x281: {  	(xrf0) =	vmax.scan.msk.f32 $0xffff, v9;
	_ =	sdelay $0x3  }
0x282: {  	v9, _, _ =	vpop (xrf0)  }
0x283: {  	(v2sf) =	vpush v9, $0xF  }
0x284: {  	v9, _, _ =	vpop (xrf0)  }
0x285: {  	(v2sf) =	vpush v9, $0xF;
	_ =	sdelay $0xc  }
0x286: {  	s22 =	spop (v2sf)  }
0x287: {  	p2 =	sgt.f32 s22, $0.0e+00  }
0x288: {  	s22 =	spop (v2sf)  }
0x289: {  	v9 =	vlaneseq.u32 @p2;
	p0 =	sgt.f32 s22, $0.0e+00;
	(xrf1) =	vsort.dscd.msk.f32 @p2 $0xffff, v7, v7  }
0x28a: {  	v7 =	vmul.u32 @p2 $0xFFFFFFFF, v9  }
0x28b: {  	v9 =	vlaneseq.u32 @p0;
	(xrf1) =	vsort.dscd.msk.f32 @p0 $0xffff, v8, v8  }
0x28c: {  	v7 =	vadd.s32 @p2 $0xF, v7;
	v8 =	vmul.u32 @p0 $0xFFFFFFFF, v9;
	_ =	sdelay $0x1  }
0x28d: {  	v8 =	vadd.s32 @p0 $0xF, v8;
	_ =	sdelay $0x8  }
0x28e: {  	v9, _, _ =	vpop @p2 (xrf1)  }
0x28f: {  	v7 =	vperm.xlane @p2 v9, v7  }
0x290: {  	v9, _, _ =	vpop @p0 (xrf1)  }
0x291: {  	v7 =	vmax.f32 @p2 v2, v7;
	v8 =	vperm.xlane @p0 v9, v8  }
0x292: {  	v9 =	vmax.f32 @p2 v3, v7;
	v7 =	vmin.f32 @p2 v3, v7  }
0x293: {  	v8 =	vmax.f32 @p0 v4, v8;
	(xrf1) =	vsort.dscd.msk.f32 @p2 $0xffff, v7, v7  }
0x294: {  	v7 =	vmax.f32 @p0 v5, v8;
	v8 =	vmin.f32 @p0 v5, v8;
	(xrf1) =	vsort.dscd.msk.f32 @p2 $0xffff, v9, v9  }
0x295: {  	(xrf1) =	vsort.dscd.msk.f32 @p0 $0xffff, v8, v8  }
0x296: {  	(xrf1) =	vsort.dscd.msk.f32 @p0 $0xffff, v7, v7;
	_ =	sdelay $0x1  }
0x297: {  	s21 =	sshrl.u32 s21, $0x3  }
0x298: {  	s21 =	sadd.s32 s15, s21  }
0x299: {  	s21 =	sshll.u32 s21, $0xA  }
0x29a: {  	s18 =	sadd.s32 $0x10, s18;
	s21 =	sand.u32 $0x3FFFFC00, s21  }
0x29b: {  	s20 =	sadd.s32 $0x10, s20;
	s21 =	sadd.s32 s21, s16;
	s22 =	sand.u32 $0x70, s18  }
0x29c: {  	s21 =	sadd.s32 s22, s21;
	v7 =	vld [tilespmem:s20+$0x0]  }
0x29d: {  	v8 =	vld [tilespmem:s21+$0x0];
	_ =	sdelay $0x2  }
.Ltmp8:
0x29e: {  	v9 =	vimm.s32 @p2 $0xF;
	v10, _, _ =	vpop @p2 (xrf1);
	(pc) =	sbr.rel @p1 .LBB2_19-.Ltmp8, $4  }
0x29f: {  	v9 =	vperm.xlane @p2 v10, v9;
	v2 =	vpsel p2, v10, v2;
	v10, _, _ =	vpop @p2 (xrf1)  }
0x2a0: {  	v12 =	vimm.s32 @p0 $0xF;
	v7 =	vmul.f32 v7, v8;
	v3 =	vpsel p2, v10, v3;
	v11, _, _ =	vpop @p0 (xrf1)  }
0x2a1: {  	v6 =	vpsel p2, v9, v6;
	v9 =	vperm.xlane @p0 v11, v12;
	v4 =	vpsel p0, v11, v4;
	v10, _, _ =	vpop @p0 (xrf1)  }
0x2a2: {  	v8 =	vsub.f32 v8, v7;
	vm0 =	vgt.f32 v7, v6;
	v5 =	vpsel p0, v10, v5  }
0x2a3: {  	v6 =	vsel vm0, $0x3F800000, v0  }
0x2a4: {  	v1 =	vpsel p0, v9, v1;
	(xrf0) =	vmax.scan.msk.f32 $0xffff, v6  }
0x2a5: {  	vm15 =	vgt.f32 v8, v1  }
0x2a6: {  	v1 =	vsel vm15, $0x3F800000, v0  }
0x2a7: {  	(xrf0) =	vmax.scan.msk.f32 $0xffff, v1;
	_ =	sdelay $0x2  }
0x2a8: {  	v1, _, _ =	vpop (xrf0)  }
0x2a9: {  	(v2sf) =	vpush v1, $0xF;
	_ =	sdelay $0x1  }
0x2aa: {  	v1, _, _ =	vpop (xrf0)  }
0x2ab: {  	(v2sf) =	vpush v1, $0xF;
	_ =	sdelay $0xb  }
0x2ac: {  	s15 =	spop (v2sf)  }
0x2ad: {  	p0 =	sgt.f32 s15, $0.0e+00;
	_ =	sdelay $0x1  }
0x2ae: {  	s22 =	spop (v2sf);
	(xrf1) =	vsort.dscd.msk.f32 @p0 $0xffff, v7, v7  }
0x2af: {  	p1 =	sgt.f32 s22, $0.0e+00;
	_ =	sdelay $0x1  }
0x2b0: {  	(xrf1) =	vsort.dscd.msk.f32 @p1 $0xffff, v8, v8;
	_ =	sdelay $0x7  }
0x2b1: {  	v1 =	vlaneseq.u32 @p0  }
0x2b2: {  	v1 =	vmul.u32 @p0 $0xFFFFFFFF, v1;
	_ =	sdelay $0x1  }
0x2b3: {  	v6 =	vlaneseq.u32 @p1;
	v1 =	vadd.s32 @p0 $0xF, v1;
	v7, _, _ =	vpop @p0 (xrf1)  }
0x2b4: {  	v6 =	vmul.u32 @p1 $0xFFFFFFFF, v6;
	v1 =	vperm.xlane @p0 v7, v1;
	_ =	sdelay $0x1  }
0x2b5: {  	v6 =	vadd.s32 @p1 $0xF, v6;
	v7, _, _ =	vpop @p1 (xrf1);
	v1 =	vmax.f32 @p0 v2, v1  }
0x2b6: {  	v6 =	vperm.xlane @p1 v7, v6;
	v7 =	vmin.f32 @p0 v3, v1  }
0x2b7: {  	v1 =	vmax.f32 @p0 v3, v1;
	(xrf1) =	vsort.dscd.msk.f32 @p0 $0xffff, v7, v7  }
0x2b8: {  	(xrf1) =	vsort.dscd.msk.f32 @p0 $0xffff, v1, v1  }
0x2b9: {  	v6 =	vmax.f32 @p1 v4, v6  }
0x2ba: {  	v7 =	vmin.f32 @p1 v5, v6  }
0x2bb: {  	v1 =	vmax.f32 @p1 v5, v6;
	(xrf1) =	vsort.dscd.msk.f32 @p1 $0xffff, v7, v7  }
0x2bc: {  	(xrf1) =	vsort.dscd.msk.f32 @p1 $0xffff, v1, v1;
	_ =	sdelay $0x8  }
0x2bd: {  	v1, _, _ =	vpop @p0 (xrf1)  }
0x2be: {  	s13 =	sadd.s32 $0x1, s13;
	v6, _, _ =	vpop @p0 (xrf1)  }
0x2bf: {  	v1 =	vpsel p0, v1, v2;
	v3 =	vpsel p0, v6, v3;
	p0 =	sne.s32 s13, $0x20  }
.Ltmp9:
0x2c0: {  	s14 =	sand.u32 $0x3FFFFF80, s14;
	(pc) =	sbr.rel @p0 .LBB2_18-.Ltmp9, $4  }
0x2c1: {  	v7, _, _ =	vpop @p1 (xrf1);
	[tilespmem:s14+$0x10430] =	vst v1  }
0x2c2: {  	v8, _, _ =	vpop @p1 (xrf1);
	v63 =	vpsel p1, v7, v4;
	[tilespmem:s14+$0x10420] =	vst v3  }
0x2c3: {  	v62 =	vpsel p1, v8, v5;
	[tilespmem:s14+$0x10410] =	vst v63  }
0x2c4: {  	[tilespmem:s14+$0x10400] =	vst v62  }
0x2c5: {  	s12 =	simm.s32 $0x0;
	s13 =	rddreg [dreg:$0x17]  }
0x2c6: {  	[hbm4b:s13+s12] =	stream.linear.scatter [tilespmem:s9], [sflag:$0x3], $0x1000, $0x38;
	[tilespmem:$0x11400] =	vst v63  }
0x2c7: {  	_ =	swait.ge [sflag:s7], $0x1000  }
0x2c8: {  	[sflag:s7] =	ssyncset.done $0x0  }
0x2c9: {  	[sflag:s7] =	ssyncadd.s32 $0xFFFFF000  }
0x2ca: {  	_ =	swait.ge [sflag:s10], $0x8000  }
0x2cb: {  	[sflag:s10] =	ssyncset.done $0x0  }
0x2cc: {  	s13 =	simm.s32 $0x0;
	s22 =	rddreg [dreg:$0x9];
	[sflag:s10] =	ssyncadd.s32 $0xFFFF8000  }
0x2cd: {  	[tilespmem:s6], [sflag:$0x1] =	stream.linear.gather [hbm4b:s22+s12], $0x8000, $0x38;
	[tilespmem:$0x11400] =	vst v63  }
.LBB2_22:
0x2ce: {  	s15 =	sshll.u32 s13, $0xA;
	s14 =	sshll.u32 s13, $0x7  }
0x2cf: {  	s15 =	sand.u32 $0x6000, s15;
	s16 =	sand.u32 $0x380, s14  }
0x2d0: {  	s20 =	sand.u32 $0x7000, s12;
	s15 =	sor.u32 s16, s15  }
0x2d1: {  	s16 =	sshrl.u32 s20, $0x2;
	s15 =	sor.u32 $0x8400, s15  }
0x2d2: {  	s18 =	sand.u32 $0x70, s12;
	s16 =	sadd.s32 s16, s15  }
0x2d3: {  	v1 =	vld [tilespmem:s12+$0x0];
	s16 =	sadd.s32 s18, s16  }
0x2d4: {  	v2 =	vld [tilespmem:s16+$0x0];
	_ =	sdelay $0x4  }
0x2d5: {  	v3 =	vmul.f32 v1, v2  }
0x2d6: {  	v1 =	vimm.f32 $-3.000000010e+38  }
0x2d7: {  	v2 =	vsub.f32 v2, v3;
	vm0 =	vgt.f32 v3, v1  }
0x2d8: {  	v4 =	vsel vm0, $0x3F800000, v0  }
0x2d9: {  	vm0 =	vgt.f32 v2, v1;
	(xrf0) =	vmax.scan.msk.f32 $0xffff, v4  }
0x2da: {  	v4 =	vsel vm0, $0x3F800000, v0  }
0x2db: {  	(xrf0) =	vmax.scan.msk.f32 $0xffff, v4;
	_ =	sdelay $0x3  }
0x2dc: {  	v4, _, _ =	vpop (xrf0)  }
0x2dd: {  	(v2sf) =	vpush v4, $0xF  }
0x2de: {  	v4, _, _ =	vpop (xrf0)  }
0x2df: {  	(v2sf) =	vpush v4, $0xF;
	_ =	sdelay $0xc  }
0x2e0: {  	s21 =	spop (v2sf)  }
0x2e1: {  	p1 =	sgt.f32 s21, $0.0e+00  }
0x2e2: {  	s22 =	spop (v2sf)  }
0x2e3: {  	p0 =	sgt.f32 s22, $0.0e+00;
	(xrf1) =	vsort.dscd.msk.f32 @p1 $0xffff, v3, v3;
	_ =	sdelay $0x1  }
0x2e4: {  	(xrf1) =	vsort.dscd.msk.f32 @p0 $0xffff, v2, v2;
	_ =	sdelay $0x8  }
0x2e5: {  	v2 =	vlaneseq.u32 @p1  }
0x2e6: {  	v2 =	vmul.u32 @p1 $0xFFFFFFFF, v2  }
0x2e7: {  	v3 =	vlaneseq.u32 @p0  }
0x2e8: {  	v3 =	vmul.u32 @p0 $0xFFFFFFFF, v3;
	v2 =	vadd.s32 @p1 $0xF, v2;
	v4, _, _ =	vpop @p1 (xrf1)  }
0x2e9: {  	v2 =	vperm.xlane @p1 v4, v2  }
0x2ea: {  	v3 =	vadd.s32 @p0 $0xF, v3;
	v4, _, _ =	vpop @p0 (xrf1)  }
0x2eb: {  	v2 =	vmax.f32 @p1 v1, v2;
	v3 =	vperm.xlane @p0 v4, v3  }
0x2ec: {  	v4 =	vmin.f32 @p1 v1, v2  }
0x2ed: {  	v2 =	vmax.f32 @p1 v1, v2;
	v3 =	vmax.f32 @p0 v1, v3;
	(xrf1) =	vsort.dscd.msk.f32 @p1 $0xffff, v4, v4  }
0x2ee: {  	v4 =	vmin.f32 @p0 v1, v3;
	(xrf1) =	vsort.dscd.msk.f32 @p1 $0xffff, v2, v2  }
0x2ef: {  	v2 =	vmax.f32 @p0 v1, v3;
	(xrf1) =	vsort.dscd.msk.f32 @p0 $0xffff, v4, v4  }
0x2f0: {  	(xrf1) =	vsort.dscd.msk.f32 @p0 $0xffff, v2, v2;
	_ =	sdelay $0x1  }
0x2f1: {  	s16 =	simm.s32 $0x200  }
0x2f2: {  	s19 =	sand.u32 $0x7000, s16  }
0x2f3: {  	s18 =	simm.s32 $0x10;
	s19 =	sshrl.u32 s19, $0x2  }
0x2f4: {  	s20 =	sand.u32 $0x70, s18;
	s19 =	sadd.s32 s19, s15  }
0x2f5: {  	s19 =	sadd.s32 s20, s19  }
0x2f6: {  	v5 =	vld [tilespmem:s19+$0x0]  }
0x2f7: {  	v3 =	vld [tilespmem:s18+$0x0];
	_ =	sdelay $0x2  }
0x2f8: {  	v2 =	vimm.s32 @p1 $0xF;
	v4, _, _ =	vpop @p1 (xrf1)  }
0x2f9: {  	v6 =	vperm.xlane @p1 v4, v2;
	v2 =	vpsel p1, v4, v1;
	v4, _, _ =	vpop @p1 (xrf1)  }
0x2fa: {  	v7 =	vmul.f32 v3, v5;
	v3 =	vpsel p1, v4, v1;
	v4 =	vimm.s32 @p0 $0xF;
	v8, _, _ =	vpop @p0 (xrf1)  }
0x2fb: {  	v6 =	vpsel p1, v6, v1;
	v9 =	vperm.xlane @p0 v8, v4;
	v4 =	vpsel p0, v8, v1;
	v10, _, _ =	vpop @p0 (xrf1)  }
0x2fc: {  	s19 =	simm.s32 $0x20;
	v8 =	vsub.f32 v5, v7;
	vm0 =	vgt.f32 v7, v6;
	v5 =	vpsel p0, v10, v1  }
.LBB2_23:
0x2fd: {  	v10 =	vsel vm0, $0x3F800000, v0;
	v1 =	vpsel p0, v9, v1;
	s20 =	smov.u32 s19;
	s19 =	sadd.s32 $0x10, s19  }
0x2fe: {  	p1 =	sne.s32 s19, $0x400;
	vm0 =	vgt.f32 v8, v1;
	(xrf0) =	vmax.scan.msk.f32 $0xffff, v10  }
0x2ff: {  	v9 =	vsel vm0, $0x3F800000, v0  }
0x300: {  	(xrf0) =	vmax.scan.msk.f32 $0xffff, v9;
	_ =	sdelay $0x3  }
0x301: {  	v9, _, _ =	vpop (xrf0)  }
0x302: {  	(v2sf) =	vpush v9, $0xF  }
0x303: {  	v9, _, _ =	vpop (xrf0)  }
0x304: {  	(v2sf) =	vpush v9, $0xF;
	_ =	sdelay $0xc  }
0x305: {  	s21 =	spop (v2sf)  }
0x306: {  	p2 =	sgt.f32 s21, $0.0e+00  }
0x307: {  	s21 =	spop (v2sf)  }
0x308: {  	v9 =	vlaneseq.u32 @p2;
	p0 =	sgt.f32 s21, $0.0e+00;
	(xrf1) =	vsort.dscd.msk.f32 @p2 $0xffff, v7, v7  }
0x309: {  	v7 =	vmul.u32 @p2 $0xFFFFFFFF, v9  }
0x30a: {  	v9 =	vlaneseq.u32 @p0;
	(xrf1) =	vsort.dscd.msk.f32 @p0 $0xffff, v8, v8  }
0x30b: {  	v7 =	vadd.s32 @p2 $0xF, v7;
	v8 =	vmul.u32 @p0 $0xFFFFFFFF, v9;
	_ =	sdelay $0x1  }
0x30c: {  	v8 =	vadd.s32 @p0 $0xF, v8;
	_ =	sdelay $0x8  }
0x30d: {  	v9, _, _ =	vpop @p2 (xrf1)  }
0x30e: {  	v7 =	vperm.xlane @p2 v9, v7  }
0x30f: {  	v9, _, _ =	vpop @p0 (xrf1)  }
0x310: {  	v7 =	vmax.f32 @p2 v2, v7;
	v8 =	vperm.xlane @p0 v9, v8  }
0x311: {  	v9 =	vmax.f32 @p2 v3, v7;
	v7 =	vmin.f32 @p2 v3, v7  }
0x312: {  	v8 =	vmax.f32 @p0 v4, v8;
	(xrf1) =	vsort.dscd.msk.f32 @p2 $0xffff, v7, v7  }
0x313: {  	v7 =	vmax.f32 @p0 v5, v8;
	v8 =	vmin.f32 @p0 v5, v8;
	(xrf1) =	vsort.dscd.msk.f32 @p2 $0xffff, v9, v9  }
0x314: {  	(xrf1) =	vsort.dscd.msk.f32 @p0 $0xffff, v8, v8  }
0x315: {  	(xrf1) =	vsort.dscd.msk.f32 @p0 $0xffff, v7, v7;
	_ =	sdelay $0x2  }
0x316: {  	s16 =	sadd.s32 $0x200, s16  }
0x317: {  	s21 =	sand.u32 $0x7000, s16  }
0x318: {  	s21 =	sshrl.u32 s21, $0x2  }
0x319: {  	s18 =	sadd.s32 $0x10, s18;
	s20 =	sand.u32 $0x70, s20;
	s21 =	sadd.s32 s21, s15  }
0x31a: {  	s20 =	sadd.s32 s20, s21;
	v7 =	vld [tilespmem:s18+$0x0]  }
0x31b: {  	v8 =	vld [tilespmem:s20+$0x0];
	_ =	sdelay $0x2  }
.Ltmp10:
0x31c: {  	v9 =	vimm.s32 @p2 $0xF;
	v10, _, _ =	vpop @p2 (xrf1);
	(pc) =	sbr.rel @p1 .LBB2_23-.Ltmp10, $4  }
0x31d: {  	v9 =	vperm.xlane @p2 v10, v9;
	v2 =	vpsel p2, v10, v2;
	v10, _, _ =	vpop @p2 (xrf1)  }
0x31e: {  	v12 =	vimm.s32 @p0 $0xF;
	v7 =	vmul.f32 v7, v8;
	v3 =	vpsel p2, v10, v3;
	v11, _, _ =	vpop @p0 (xrf1)  }
0x31f: {  	v6 =	vpsel p2, v9, v6;
	v9 =	vperm.xlane @p0 v11, v12;
	v4 =	vpsel p0, v11, v4;
	v10, _, _ =	vpop @p0 (xrf1)  }
0x320: {  	v8 =	vsub.f32 v8, v7;
	vm0 =	vgt.f32 v7, v6;
	v5 =	vpsel p0, v10, v5  }
0x321: {  	v6 =	vsel vm0, $0x3F800000, v0  }
0x322: {  	v1 =	vpsel p0, v9, v1;
	(xrf0) =	vmax.scan.msk.f32 $0xffff, v6  }
0x323: {  	vm15 =	vgt.f32 v8, v1  }
0x324: {  	v1 =	vsel vm15, $0x3F800000, v0  }
0x325: {  	(xrf0) =	vmax.scan.msk.f32 $0xffff, v1;
	_ =	sdelay $0x2  }
0x326: {  	v1, _, _ =	vpop (xrf0)  }
0x327: {  	(v2sf) =	vpush v1, $0xF;
	_ =	sdelay $0x1  }
0x328: {  	v1, _, _ =	vpop (xrf0)  }
0x329: {  	(v2sf) =	vpush v1, $0xF;
	_ =	sdelay $0xb  }
0x32a: {  	s15 =	spop (v2sf)  }
0x32b: {  	p0 =	sgt.f32 s15, $0.0e+00;
	_ =	sdelay $0x1  }
0x32c: {  	s22 =	spop (v2sf);
	(xrf1) =	vsort.dscd.msk.f32 @p0 $0xffff, v7, v7  }
0x32d: {  	p1 =	sgt.f32 s22, $0.0e+00;
	_ =	sdelay $0x1  }
0x32e: {  	(xrf1) =	vsort.dscd.msk.f32 @p1 $0xffff, v8, v8;
	_ =	sdelay $0x7  }
0x32f: {  	v1 =	vlaneseq.u32 @p0  }
0x330: {  	v1 =	vmul.u32 @p0 $0xFFFFFFFF, v1;
	_ =	sdelay $0x1  }
0x331: {  	v6 =	vlaneseq.u32 @p1;
	v1 =	vadd.s32 @p0 $0xF, v1;
	v7, _, _ =	vpop @p0 (xrf1)  }
0x332: {  	v6 =	vmul.u32 @p1 $0xFFFFFFFF, v6;
	v1 =	vperm.xlane @p0 v7, v1;
	_ =	sdelay $0x1  }
0x333: {  	v6 =	vadd.s32 @p1 $0xF, v6;
	v7, _, _ =	vpop @p1 (xrf1);
	v1 =	vmax.f32 @p0 v2, v1  }
0x334: {  	v6 =	vperm.xlane @p1 v7, v6;
	v7 =	vmin.f32 @p0 v3, v1  }
0x335: {  	v1 =	vmax.f32 @p0 v3, v1;
	(xrf1) =	vsort.dscd.msk.f32 @p0 $0xffff, v7, v7  }
0x336: {  	(xrf1) =	vsort.dscd.msk.f32 @p0 $0xffff, v1, v1  }
0x337: {  	v6 =	vmax.f32 @p1 v4, v6  }
0x338: {  	v7 =	vmin.f32 @p1 v5, v6  }
0x339: {  	v1 =	vmax.f32 @p1 v5, v6;
	(xrf1) =	vsort.dscd.msk.f32 @p1 $0xffff, v7, v7  }
0x33a: {  	(xrf1) =	vsort.dscd.msk.f32 @p1 $0xffff, v1, v1;
	_ =	sdelay $0x8  }
0x33b: {  	v1, _, _ =	vpop @p0 (xrf1)  }
0x33c: {  	s13 =	sadd.s32 $0x1, s13;
	v6, _, _ =	vpop @p0 (xrf1)  }
0x33d: {  	v1 =	vpsel p0, v1, v2;
	v3 =	vpsel p0, v6, v3;
	p0 =	sne.s32 s13, $0x20  }
.Ltmp11:
0x33e: {  	s14 =	sand.u32 $0x3FFFFF80, s14;
	(pc) =	sbr.rel @p0 .LBB2_22-.Ltmp11, $4  }
0x33f: {  	v7, _, _ =	vpop @p1 (xrf1);
	[tilespmem:s14+$0x10430] =	vst v1  }
0x340: {  	v8, _, _ =	vpop @p1 (xrf1);
	v63 =	vpsel p1, v7, v4;
	[tilespmem:s14+$0x10420] =	vst v3  }
0x341: {  	v62 =	vpsel p1, v8, v5;
	[tilespmem:s14+$0x10410] =	vst v63  }
0x342: {  	[tilespmem:s14+$0x10400] =	vst v62  }
0x343: {  	s12 =	simm.s32 $0x0  }
0x344: {  	[hbm4b:s23+s12] =	stream.linear.scatter [tilespmem:s9], [sflag:$0x3], $0x1000, $0x38;
	[tilespmem:$0x11400] =	vst v63  }
0x345: {  	_ =	swait.ge [sflag:s7], $0x1000  }
0x346: {  	[sflag:s7] =	ssyncset.done $0x0  }
0x347: {  	[sflag:s7] =	ssyncadd.s32 $0xFFFFF000  }
0x348: {  	_ =	swait.ge [sflag:s5], $0x8000  }
0x349: {  	[sflag:s5] =	ssyncset.done $0x0  }
0x34a: {  	s13 =	rddreg [dreg:$0xa];
	[sflag:s5] =	ssyncadd.s32 $0xFFFF8000  }
0x34b: {  	[tilespmem:s8], [sflag:$0x2] =	stream.linear.gather [hbm4b:s13+s12], $0x8000, $0x38;
	[tilespmem:$0x11400] =	vst v63  }
0x34c: {  	s13 =	simm.s32 $0x0  }
.LBB2_26:
0x34d: {  	s15 =	sand.u32 $0x18, s13  }
0x34e: {  	s14 =	sshll.u32 s13, $0x7;
	s16 =	sadd.s32 $0x0, s15  }
0x34f: {  	s18 =	sand.u32 $0x380, s14;
	s19 =	sshll.u32 s16, $0xA  }
0x350: {  	s16 =	sor.u32 $0x400, s18;
	s21 =	sand.u32 $0x3FFFFC00, s19  }
0x351: {  	s22 =	sand.u32 $0x70, s12;
	s18 =	sadd.s32 s21, s16  }
0x352: {  	v1 =	vld [tilespmem:s12+$0x0];
	s18 =	sadd.s32 s22, s18  }
0x353: {  	v2 =	vld [tilespmem:s18+$0x0];
	_ =	sdelay $0x4  }
0x354: {  	v3 =	vmul.f32 v1, v2  }
0x355: {  	v1 =	vimm.f32 $-3.000000010e+38  }
0x356: {  	v2 =	vsub.f32 v2, v3;
	vm0 =	vgt.f32 v3, v1  }
0x357: {  	v4 =	vsel vm0, $0x3F800000, v0  }
0x358: {  	vm0 =	vgt.f32 v2, v1;
	(xrf0) =	vmax.scan.msk.f32 $0xffff, v4  }
0x359: {  	v4 =	vsel vm0, $0x3F800000, v0  }
0x35a: {  	(xrf0) =	vmax.scan.msk.f32 $0xffff, v4;
	_ =	sdelay $0x3  }
0x35b: {  	v4, _, _ =	vpop (xrf0)  }
0x35c: {  	(v2sf) =	vpush v4, $0xF  }
0x35d: {  	v4, _, _ =	vpop (xrf0)  }
0x35e: {  	(v2sf) =	vpush v4, $0xF;
	_ =	sdelay $0xc  }
0x35f: {  	s19 =	spop (v2sf)  }
0x360: {  	p1 =	sgt.f32 s19, $0.0e+00  }
0x361: {  	s20 =	spop (v2sf)  }
0x362: {  	p0 =	sgt.f32 s20, $0.0e+00;
	(xrf1) =	vsort.dscd.msk.f32 @p1 $0xffff, v3, v3;
	_ =	sdelay $0x1  }
0x363: {  	(xrf1) =	vsort.dscd.msk.f32 @p0 $0xffff, v2, v2;
	_ =	sdelay $0x8  }
0x364: {  	v2 =	vlaneseq.u32 @p1  }
0x365: {  	v2 =	vmul.u32 @p1 $0xFFFFFFFF, v2  }
0x366: {  	v3 =	vlaneseq.u32 @p0  }
0x367: {  	v3 =	vmul.u32 @p0 $0xFFFFFFFF, v3;
	v2 =	vadd.s32 @p1 $0xF, v2;
	v4, _, _ =	vpop @p1 (xrf1)  }
0x368: {  	v2 =	vperm.xlane @p1 v4, v2  }
0x369: {  	v3 =	vadd.s32 @p0 $0xF, v3;
	v4, _, _ =	vpop @p0 (xrf1)  }
0x36a: {  	v2 =	vmax.f32 @p1 v1, v2;
	v3 =	vperm.xlane @p0 v4, v3  }
0x36b: {  	v4 =	vmin.f32 @p1 v1, v2  }
0x36c: {  	v2 =	vmax.f32 @p1 v1, v2;
	v3 =	vmax.f32 @p0 v1, v3;
	(xrf1) =	vsort.dscd.msk.f32 @p1 $0xffff, v4, v4  }
0x36d: {  	v4 =	vmin.f32 @p0 v1, v3;
	(xrf1) =	vsort.dscd.msk.f32 @p1 $0xffff, v2, v2  }
0x36e: {  	v2 =	vmax.f32 @p0 v1, v3;
	(xrf1) =	vsort.dscd.msk.f32 @p0 $0xffff, v4, v4  }
0x36f: {  	(xrf1) =	vsort.dscd.msk.f32 @p0 $0xffff, v2, v2;
	_ =	sdelay $0x1  }
0x370: {  	s21 =	sadd.s32 $0x0, s15  }
0x371: {  	s18 =	sshll.u32 s21, $0xA  }
0x372: {  	s22 =	sand.u32 $0x3FFFFC00, s18;
	s18 =	simm.s32 $0x10  }
0x373: {  	s19 =	sadd.s32 s22, s16;
	s20 =	sand.u32 $0x70, s18  }
0x374: {  	s19 =	sadd.s32 s20, s19  }
0x375: {  	v5 =	vld [tilespmem:s19+$0x0]  }
0x376: {  	v3 =	vld [tilespmem:s18+$0x0];
	_ =	sdelay $0x2  }
0x377: {  	v2 =	vimm.s32 @p1 $0xF;
	v4, _, _ =	vpop @p1 (xrf1)  }
0x378: {  	v6 =	vperm.xlane @p1 v4, v2;
	v2 =	vpsel p1, v4, v1;
	v4, _, _ =	vpop @p1 (xrf1)  }
0x379: {  	v7 =	vmul.f32 v3, v5;
	v3 =	vpsel p1, v4, v1;
	v4 =	vimm.s32 @p0 $0xF;
	v8, _, _ =	vpop @p0 (xrf1)  }
0x37a: {  	v6 =	vpsel p1, v6, v1;
	v9 =	vperm.xlane @p0 v8, v4;
	v4 =	vpsel p0, v8, v1;
	v10, _, _ =	vpop @p0 (xrf1)  }
0x37b: {  	s20 =	simm.s32 $0x10;
	s19 =	simm.s32 $0x2;
	v8 =	vsub.f32 v5, v7;
	vm0 =	vgt.f32 v7, v6;
	v5 =	vpsel p0, v10, v1  }
.LBB2_27:
0x37c: {  	v10 =	vsel vm0, $0x3F800000, v0;
	v1 =	vpsel p0, v9, v1;
	s21 =	smov.u32 s19;
	s19 =	sadd.s32 $0x1, s19  }
0x37d: {  	p1 =	sne.s32 s19, $0x40;
	vm0 =	vgt.f32 v8, v1;
	(xrf0) =	vmax.scan.msk.f32 $0xffff, v10  }
0x37e: {  	v9 =	vsel vm0, $0x3F800000, v0  }
0x37f: {  	(xrf0) =	vmax.scan.msk.f32 $0xffff, v9;
	_ =	sdelay $0x3  }
0x380: {  	v9, _, _ =	vpop (xrf0)  }
0x381: {  	(v2sf) =	vpush v9, $0xF  }
0x382: {  	v9, _, _ =	vpop (xrf0)  }
0x383: {  	(v2sf) =	vpush v9, $0xF;
	_ =	sdelay $0xc  }
0x384: {  	s22 =	spop (v2sf)  }
0x385: {  	p2 =	sgt.f32 s22, $0.0e+00  }
0x386: {  	s22 =	spop (v2sf)  }
0x387: {  	v9 =	vlaneseq.u32 @p2;
	p0 =	sgt.f32 s22, $0.0e+00;
	(xrf1) =	vsort.dscd.msk.f32 @p2 $0xffff, v7, v7  }
0x388: {  	v7 =	vmul.u32 @p2 $0xFFFFFFFF, v9  }
0x389: {  	v9 =	vlaneseq.u32 @p0;
	(xrf1) =	vsort.dscd.msk.f32 @p0 $0xffff, v8, v8  }
0x38a: {  	v7 =	vadd.s32 @p2 $0xF, v7;
	v8 =	vmul.u32 @p0 $0xFFFFFFFF, v9;
	_ =	sdelay $0x1  }
0x38b: {  	v8 =	vadd.s32 @p0 $0xF, v8;
	_ =	sdelay $0x8  }
0x38c: {  	v9, _, _ =	vpop @p2 (xrf1)  }
0x38d: {  	v7 =	vperm.xlane @p2 v9, v7  }
0x38e: {  	v9, _, _ =	vpop @p0 (xrf1)  }
0x38f: {  	v7 =	vmax.f32 @p2 v2, v7;
	v8 =	vperm.xlane @p0 v9, v8  }
0x390: {  	v9 =	vmax.f32 @p2 v3, v7;
	v7 =	vmin.f32 @p2 v3, v7  }
0x391: {  	v8 =	vmax.f32 @p0 v4, v8;
	(xrf1) =	vsort.dscd.msk.f32 @p2 $0xffff, v7, v7  }
0x392: {  	v7 =	vmax.f32 @p0 v5, v8;
	v8 =	vmin.f32 @p0 v5, v8;
	(xrf1) =	vsort.dscd.msk.f32 @p2 $0xffff, v9, v9  }
0x393: {  	(xrf1) =	vsort.dscd.msk.f32 @p0 $0xffff, v8, v8  }
0x394: {  	(xrf1) =	vsort.dscd.msk.f32 @p0 $0xffff, v7, v7;
	_ =	sdelay $0x1  }
0x395: {  	s21 =	sshrl.u32 s21, $0x3  }
0x396: {  	s21 =	sadd.s32 s15, s21  }
0x397: {  	s21 =	sshll.u32 s21, $0xA  }
0x398: {  	s18 =	sadd.s32 $0x10, s18;
	s21 =	sand.u32 $0x3FFFFC00, s21  }
0x399: {  	s20 =	sadd.s32 $0x10, s20;
	s21 =	sadd.s32 s21, s16;
	s22 =	sand.u32 $0x70, s18  }
0x39a: {  	s21 =	sadd.s32 s22, s21;
	v7 =	vld [tilespmem:s20+$0x0]  }
0x39b: {  	v8 =	vld [tilespmem:s21+$0x0];
	_ =	sdelay $0x2  }
.Ltmp12:
0x39c: {  	v9 =	vimm.s32 @p2 $0xF;
	v10, _, _ =	vpop @p2 (xrf1);
	(pc) =	sbr.rel @p1 .LBB2_27-.Ltmp12, $4  }
0x39d: {  	v9 =	vperm.xlane @p2 v10, v9;
	v2 =	vpsel p2, v10, v2;
	v10, _, _ =	vpop @p2 (xrf1)  }
0x39e: {  	v12 =	vimm.s32 @p0 $0xF;
	v7 =	vmul.f32 v7, v8;
	v3 =	vpsel p2, v10, v3;
	v11, _, _ =	vpop @p0 (xrf1)  }
0x39f: {  	v6 =	vpsel p2, v9, v6;
	v9 =	vperm.xlane @p0 v11, v12;
	v4 =	vpsel p0, v11, v4;
	v10, _, _ =	vpop @p0 (xrf1)  }
0x3a0: {  	v8 =	vsub.f32 v8, v7;
	vm0 =	vgt.f32 v7, v6;
	v5 =	vpsel p0, v10, v5  }
0x3a1: {  	v6 =	vsel vm0, $0x3F800000, v0  }
0x3a2: {  	v1 =	vpsel p0, v9, v1;
	(xrf0) =	vmax.scan.msk.f32 $0xffff, v6  }
0x3a3: {  	vm15 =	vgt.f32 v8, v1  }
0x3a4: {  	v1 =	vsel vm15, $0x3F800000, v0  }
0x3a5: {  	(xrf0) =	vmax.scan.msk.f32 $0xffff, v1;
	_ =	sdelay $0x2  }
0x3a6: {  	v1, _, _ =	vpop (xrf0)  }
0x3a7: {  	(v2sf) =	vpush v1, $0xF;
	_ =	sdelay $0x1  }
0x3a8: {  	v1, _, _ =	vpop (xrf0)  }
0x3a9: {  	(v2sf) =	vpush v1, $0xF;
	_ =	sdelay $0xb  }
0x3aa: {  	s15 =	spop (v2sf)  }
0x3ab: {  	p0 =	sgt.f32 s15, $0.0e+00;
	_ =	sdelay $0x1  }
0x3ac: {  	s22 =	spop (v2sf);
	(xrf1) =	vsort.dscd.msk.f32 @p0 $0xffff, v7, v7  }
0x3ad: {  	p1 =	sgt.f32 s22, $0.0e+00;
	_ =	sdelay $0x1  }
0x3ae: {  	(xrf1) =	vsort.dscd.msk.f32 @p1 $0xffff, v8, v8;
	_ =	sdelay $0x7  }
0x3af: {  	v1 =	vlaneseq.u32 @p0  }
0x3b0: {  	v1 =	vmul.u32 @p0 $0xFFFFFFFF, v1;
	_ =	sdelay $0x1  }
0x3b1: {  	v6 =	vlaneseq.u32 @p1;
	v1 =	vadd.s32 @p0 $0xF, v1;
	v7, _, _ =	vpop @p0 (xrf1)  }
0x3b2: {  	v6 =	vmul.u32 @p1 $0xFFFFFFFF, v6;
	v1 =	vperm.xlane @p0 v7, v1;
	_ =	sdelay $0x1  }
0x3b3: {  	v6 =	vadd.s32 @p1 $0xF, v6;
	v7, _, _ =	vpop @p1 (xrf1);
	v1 =	vmax.f32 @p0 v2, v1  }
0x3b4: {  	v6 =	vperm.xlane @p1 v7, v6;
	v7 =	vmin.f32 @p0 v3, v1  }
0x3b5: {  	v1 =	vmax.f32 @p0 v3, v1;
	(xrf1) =	vsort.dscd.msk.f32 @p0 $0xffff, v7, v7  }
0x3b6: {  	(xrf1) =	vsort.dscd.msk.f32 @p0 $0xffff, v1, v1  }
0x3b7: {  	v6 =	vmax.f32 @p1 v4, v6  }
0x3b8: {  	v7 =	vmin.f32 @p1 v5, v6  }
0x3b9: {  	v1 =	vmax.f32 @p1 v5, v6;
	(xrf1) =	vsort.dscd.msk.f32 @p1 $0xffff, v7, v7  }
0x3ba: {  	(xrf1) =	vsort.dscd.msk.f32 @p1 $0xffff, v1, v1;
	_ =	sdelay $0x8  }
0x3bb: {  	v1, _, _ =	vpop @p0 (xrf1)  }
0x3bc: {  	s13 =	sadd.s32 $0x1, s13;
	v6, _, _ =	vpop @p0 (xrf1)  }
0x3bd: {  	v1 =	vpsel p0, v1, v2;
	v3 =	vpsel p0, v6, v3;
	p0 =	sne.s32 s13, $0x20  }
.Ltmp13:
0x3be: {  	s14 =	sand.u32 $0x3FFFFF80, s14;
	(pc) =	sbr.rel @p0 .LBB2_26-.Ltmp13, $4  }
0x3bf: {  	v7, _, _ =	vpop @p1 (xrf1);
	[tilespmem:s14+$0x10430] =	vst v1  }
0x3c0: {  	v8, _, _ =	vpop @p1 (xrf1);
	v63 =	vpsel p1, v7, v4;
	[tilespmem:s14+$0x10420] =	vst v3  }
0x3c1: {  	v62 =	vpsel p1, v8, v5;
	[tilespmem:s14+$0x10410] =	vst v63  }
0x3c2: {  	[tilespmem:s14+$0x10400] =	vst v62  }
0x3c3: {  	s12 =	simm.s32 $0x0  }
0x3c4: {  	[hbm4b:s24+s12] =	stream.linear.scatter [tilespmem:s9], [sflag:$0x3], $0x1000, $0x38;
	[tilespmem:$0x11400] =	vst v63  }
0x3c5: {  	_ =	swait.ge [sflag:s7], $0x1000  }
0x3c6: {  	[sflag:s7] =	ssyncset.done $0x0  }
0x3c7: {  	[sflag:s7] =	ssyncadd.s32 $0xFFFFF000  }
0x3c8: {  	_ =	swait.ge [sflag:s10], $0x8000  }
0x3c9: {  	[sflag:s10] =	ssyncset.done $0x0  }
0x3ca: {  	s13 =	rddreg [dreg:$0xb];
	[sflag:s10] =	ssyncadd.s32 $0xFFFF8000  }
0x3cb: {  	[tilespmem:s6], [sflag:$0x1] =	stream.linear.gather [hbm4b:s13+s12], $0x8000, $0x38;
	[tilespmem:$0x11400] =	vst v63  }
0x3cc: {  	s13 =	simm.s32 $0x0  }
.LBB2_30:
0x3cd: {  	s15 =	sshll.u32 s13, $0xA;
	s14 =	sshll.u32 s13, $0x7  }
0x3ce: {  	s15 =	sand.u32 $0x6000, s15;
	s16 =	sand.u32 $0x380, s14  }
0x3cf: {  	s20 =	sand.u32 $0x7000, s12;
	s15 =	sor.u32 s16, s15  }
0x3d0: {  	s16 =	sshrl.u32 s20, $0x2;
	s15 =	sor.u32 $0x8400, s15  }
0x3d1: {  	s18 =	sand.u32 $0x70, s12;
	s16 =	sadd.s32 s16, s15  }
0x3d2: {  	v1 =	vld [tilespmem:s12+$0x0];
	s16 =	sadd.s32 s18, s16  }
0x3d3: {  	v2 =	vld [tilespmem:s16+$0x0];
	_ =	sdelay $0x4  }
0x3d4: {  	v3 =	vmul.f32 v1, v2  }
0x3d5: {  	v1 =	vimm.f32 $-3.000000010e+38  }
0x3d6: {  	v2 =	vsub.f32 v2, v3;
	vm0 =	vgt.f32 v3, v1  }
0x3d7: {  	v4 =	vsel vm0, $0x3F800000, v0  }
0x3d8: {  	vm0 =	vgt.f32 v2, v1;
	(xrf0) =	vmax.scan.msk.f32 $0xffff, v4  }
0x3d9: {  	v4 =	vsel vm0, $0x3F800000, v0  }
0x3da: {  	(xrf0) =	vmax.scan.msk.f32 $0xffff, v4;
	_ =	sdelay $0x3  }
0x3db: {  	v4, _, _ =	vpop (xrf0)  }
0x3dc: {  	(v2sf) =	vpush v4, $0xF  }
0x3dd: {  	v4, _, _ =	vpop (xrf0)  }
0x3de: {  	(v2sf) =	vpush v4, $0xF;
	_ =	sdelay $0xc  }
0x3df: {  	s21 =	spop (v2sf)  }
0x3e0: {  	p1 =	sgt.f32 s21, $0.0e+00  }
0x3e1: {  	s22 =	spop (v2sf)  }
0x3e2: {  	p0 =	sgt.f32 s22, $0.0e+00;
	(xrf1) =	vsort.dscd.msk.f32 @p1 $0xffff, v3, v3;
	_ =	sdelay $0x1  }
0x3e3: {  	(xrf1) =	vsort.dscd.msk.f32 @p0 $0xffff, v2, v2;
	_ =	sdelay $0x8  }
0x3e4: {  	v2 =	vlaneseq.u32 @p1  }
0x3e5: {  	v2 =	vmul.u32 @p1 $0xFFFFFFFF, v2  }
0x3e6: {  	v3 =	vlaneseq.u32 @p0  }
0x3e7: {  	v3 =	vmul.u32 @p0 $0xFFFFFFFF, v3;
	v2 =	vadd.s32 @p1 $0xF, v2;
	v4, _, _ =	vpop @p1 (xrf1)  }
0x3e8: {  	v2 =	vperm.xlane @p1 v4, v2  }
0x3e9: {  	v3 =	vadd.s32 @p0 $0xF, v3;
	v4, _, _ =	vpop @p0 (xrf1)  }
0x3ea: {  	v2 =	vmax.f32 @p1 v1, v2;
	v3 =	vperm.xlane @p0 v4, v3  }
0x3eb: {  	v4 =	vmin.f32 @p1 v1, v2  }
0x3ec: {  	v2 =	vmax.f32 @p1 v1, v2;
	v3 =	vmax.f32 @p0 v1, v3;
	(xrf1) =	vsort.dscd.msk.f32 @p1 $0xffff, v4, v4  }
0x3ed: {  	v4 =	vmin.f32 @p0 v1, v3;
	(xrf1) =	vsort.dscd.msk.f32 @p1 $0xffff, v2, v2  }
0x3ee: {  	v2 =	vmax.f32 @p0 v1, v3;
	(xrf1) =	vsort.dscd.msk.f32 @p0 $0xffff, v4, v4  }
0x3ef: {  	(xrf1) =	vsort.dscd.msk.f32 @p0 $0xffff, v2, v2;
	_ =	sdelay $0x1  }
0x3f0: {  	s16 =	simm.s32 $0x200  }
0x3f1: {  	s19 =	sand.u32 $0x7000, s16  }
0x3f2: {  	s18 =	simm.s32 $0x10;
	s19 =	sshrl.u32 s19, $0x2  }
0x3f3: {  	s20 =	sand.u32 $0x70, s18;
	s19 =	sadd.s32 s19, s15  }
0x3f4: {  	s19 =	sadd.s32 s20, s19  }
0x3f5: {  	v5 =	vld [tilespmem:s19+$0x0]  }
0x3f6: {  	v3 =	vld [tilespmem:s18+$0x0];
	_ =	sdelay $0x2  }
0x3f7: {  	v2 =	vimm.s32 @p1 $0xF;
	v4, _, _ =	vpop @p1 (xrf1)  }
0x3f8: {  	v6 =	vperm.xlane @p1 v4, v2;
	v2 =	vpsel p1, v4, v1;
	v4, _, _ =	vpop @p1 (xrf1)  }
0x3f9: {  	v7 =	vmul.f32 v3, v5;
	v3 =	vpsel p1, v4, v1;
	v4 =	vimm.s32 @p0 $0xF;
	v8, _, _ =	vpop @p0 (xrf1)  }
0x3fa: {  	v6 =	vpsel p1, v6, v1;
	v9 =	vperm.xlane @p0 v8, v4;
	v4 =	vpsel p0, v8, v1;
	v10, _, _ =	vpop @p0 (xrf1)  }
0x3fb: {  	s19 =	simm.s32 $0x20;
	v8 =	vsub.f32 v5, v7;
	vm0 =	vgt.f32 v7, v6;
	v5 =	vpsel p0, v10, v1  }
.LBB2_31:
0x3fc: {  	v10 =	vsel vm0, $0x3F800000, v0;
	v1 =	vpsel p0, v9, v1;
	s20 =	smov.u32 s19;
	s19 =	sadd.s32 $0x10, s19  }
0x3fd: {  	p1 =	sne.s32 s19, $0x400;
	vm0 =	vgt.f32 v8, v1;
	(xrf0) =	vmax.scan.msk.f32 $0xffff, v10  }
0x3fe: {  	v9 =	vsel vm0, $0x3F800000, v0  }
0x3ff: {  	(xrf0) =	vmax.scan.msk.f32 $0xffff, v9;
	_ =	sdelay $0x3  }
0x400: {  	v9, _, _ =	vpop (xrf0)  }
0x401: {  	(v2sf) =	vpush v9, $0xF  }
0x402: {  	v9, _, _ =	vpop (xrf0)  }
0x403: {  	(v2sf) =	vpush v9, $0xF;
	_ =	sdelay $0xc  }
0x404: {  	s21 =	spop (v2sf)  }
0x405: {  	p2 =	sgt.f32 s21, $0.0e+00  }
0x406: {  	s21 =	spop (v2sf)  }
0x407: {  	v9 =	vlaneseq.u32 @p2;
	p0 =	sgt.f32 s21, $0.0e+00;
	(xrf1) =	vsort.dscd.msk.f32 @p2 $0xffff, v7, v7  }
0x408: {  	v7 =	vmul.u32 @p2 $0xFFFFFFFF, v9  }
0x409: {  	v9 =	vlaneseq.u32 @p0;
	(xrf1) =	vsort.dscd.msk.f32 @p0 $0xffff, v8, v8  }
0x40a: {  	v7 =	vadd.s32 @p2 $0xF, v7;
	v8 =	vmul.u32 @p0 $0xFFFFFFFF, v9;
	_ =	sdelay $0x1  }
0x40b: {  	v8 =	vadd.s32 @p0 $0xF, v8;
	_ =	sdelay $0x8  }
0x40c: {  	v9, _, _ =	vpop @p2 (xrf1)  }
0x40d: {  	v7 =	vperm.xlane @p2 v9, v7  }
0x40e: {  	v9, _, _ =	vpop @p0 (xrf1)  }
0x40f: {  	v7 =	vmax.f32 @p2 v2, v7;
	v8 =	vperm.xlane @p0 v9, v8  }
0x410: {  	v9 =	vmax.f32 @p2 v3, v7;
	v7 =	vmin.f32 @p2 v3, v7  }
0x411: {  	v8 =	vmax.f32 @p0 v4, v8;
	(xrf1) =	vsort.dscd.msk.f32 @p2 $0xffff, v7, v7  }
0x412: {  	v7 =	vmax.f32 @p0 v5, v8;
	v8 =	vmin.f32 @p0 v5, v8;
	(xrf1) =	vsort.dscd.msk.f32 @p2 $0xffff, v9, v9  }
0x413: {  	(xrf1) =	vsort.dscd.msk.f32 @p0 $0xffff, v8, v8  }
0x414: {  	(xrf1) =	vsort.dscd.msk.f32 @p0 $0xffff, v7, v7;
	_ =	sdelay $0x2  }
0x415: {  	s16 =	sadd.s32 $0x200, s16  }
0x416: {  	s21 =	sand.u32 $0x7000, s16  }
0x417: {  	s21 =	sshrl.u32 s21, $0x2  }
0x418: {  	s18 =	sadd.s32 $0x10, s18;
	s20 =	sand.u32 $0x70, s20;
	s21 =	sadd.s32 s21, s15  }
0x419: {  	s20 =	sadd.s32 s20, s21;
	v7 =	vld [tilespmem:s18+$0x0]  }
0x41a: {  	v8 =	vld [tilespmem:s20+$0x0];
	_ =	sdelay $0x2  }
.Ltmp14:
0x41b: {  	v9 =	vimm.s32 @p2 $0xF;
	v10, _, _ =	vpop @p2 (xrf1);
	(pc) =	sbr.rel @p1 .LBB2_31-.Ltmp14, $4  }
0x41c: {  	v9 =	vperm.xlane @p2 v10, v9;
	v2 =	vpsel p2, v10, v2;
	v10, _, _ =	vpop @p2 (xrf1)  }
0x41d: {  	v12 =	vimm.s32 @p0 $0xF;
	v7 =	vmul.f32 v7, v8;
	v3 =	vpsel p2, v10, v3;
	v11, _, _ =	vpop @p0 (xrf1)  }
0x41e: {  	v6 =	vpsel p2, v9, v6;
	v9 =	vperm.xlane @p0 v11, v12;
	v4 =	vpsel p0, v11, v4;
	v10, _, _ =	vpop @p0 (xrf1)  }
0x41f: {  	v8 =	vsub.f32 v8, v7;
	vm0 =	vgt.f32 v7, v6;
	v5 =	vpsel p0, v10, v5  }
0x420: {  	v6 =	vsel vm0, $0x3F800000, v0  }
0x421: {  	v1 =	vpsel p0, v9, v1;
	(xrf0) =	vmax.scan.msk.f32 $0xffff, v6  }
0x422: {  	vm15 =	vgt.f32 v8, v1  }
0x423: {  	v1 =	vsel vm15, $0x3F800000, v0  }
0x424: {  	(xrf0) =	vmax.scan.msk.f32 $0xffff, v1;
	_ =	sdelay $0x2  }
0x425: {  	v1, _, _ =	vpop (xrf0)  }
0x426: {  	(v2sf) =	vpush v1, $0xF;
	_ =	sdelay $0x1  }
0x427: {  	v1, _, _ =	vpop (xrf0)  }
0x428: {  	(v2sf) =	vpush v1, $0xF;
	_ =	sdelay $0xb  }
0x429: {  	s15 =	spop (v2sf)  }
0x42a: {  	p0 =	sgt.f32 s15, $0.0e+00;
	_ =	sdelay $0x1  }
0x42b: {  	s22 =	spop (v2sf);
	(xrf1) =	vsort.dscd.msk.f32 @p0 $0xffff, v7, v7  }
0x42c: {  	p1 =	sgt.f32 s22, $0.0e+00;
	_ =	sdelay $0x1  }
0x42d: {  	(xrf1) =	vsort.dscd.msk.f32 @p1 $0xffff, v8, v8;
	_ =	sdelay $0x7  }
0x42e: {  	v1 =	vlaneseq.u32 @p0  }
0x42f: {  	v1 =	vmul.u32 @p0 $0xFFFFFFFF, v1;
	_ =	sdelay $0x1  }
0x430: {  	v6 =	vlaneseq.u32 @p1;
	v1 =	vadd.s32 @p0 $0xF, v1;
	v7, _, _ =	vpop @p0 (xrf1)  }
0x431: {  	v6 =	vmul.u32 @p1 $0xFFFFFFFF, v6;
	v1 =	vperm.xlane @p0 v7, v1;
	_ =	sdelay $0x1  }
0x432: {  	v6 =	vadd.s32 @p1 $0xF, v6;
	v7, _, _ =	vpop @p1 (xrf1);
	v1 =	vmax.f32 @p0 v2, v1  }
0x433: {  	v6 =	vperm.xlane @p1 v7, v6;
	v7 =	vmin.f32 @p0 v3, v1  }
0x434: {  	v1 =	vmax.f32 @p0 v3, v1;
	(xrf1) =	vsort.dscd.msk.f32 @p0 $0xffff, v7, v7  }
0x435: {  	(xrf1) =	vsort.dscd.msk.f32 @p0 $0xffff, v1, v1  }
0x436: {  	v6 =	vmax.f32 @p1 v4, v6  }
0x437: {  	v7 =	vmin.f32 @p1 v5, v6  }
0x438: {  	v1 =	vmax.f32 @p1 v5, v6;
	(xrf1) =	vsort.dscd.msk.f32 @p1 $0xffff, v7, v7  }
0x439: {  	(xrf1) =	vsort.dscd.msk.f32 @p1 $0xffff, v1, v1;
	_ =	sdelay $0x8  }
0x43a: {  	v1, _, _ =	vpop @p0 (xrf1)  }
0x43b: {  	s13 =	sadd.s32 $0x1, s13;
	v6, _, _ =	vpop @p0 (xrf1)  }
0x43c: {  	v1 =	vpsel p0, v1, v2;
	v3 =	vpsel p0, v6, v3;
	p0 =	sne.s32 s13, $0x20  }
.Ltmp15:
0x43d: {  	s14 =	sand.u32 $0x3FFFFF80, s14;
	(pc) =	sbr.rel @p0 .LBB2_30-.Ltmp15, $4  }
0x43e: {  	v7, _, _ =	vpop @p1 (xrf1);
	[tilespmem:s14+$0x10430] =	vst v1  }
0x43f: {  	v8, _, _ =	vpop @p1 (xrf1);
	v63 =	vpsel p1, v7, v4;
	[tilespmem:s14+$0x10420] =	vst v3  }
0x440: {  	v62 =	vpsel p1, v8, v5;
	[tilespmem:s14+$0x10410] =	vst v63  }
0x441: {  	[tilespmem:s14+$0x10400] =	vst v62  }
0x442: {  	s12 =	simm.s32 $0x0  }
0x443: {  	[hbm4b:s25+s12] =	stream.linear.scatter [tilespmem:s9], [sflag:$0x3], $0x1000, $0x38;
	[tilespmem:$0x11400] =	vst v63  }
0x444: {  	_ =	swait.ge [sflag:s7], $0x1000  }
0x445: {  	[sflag:s7] =	ssyncset.done $0x0  }
0x446: {  	[sflag:s7] =	ssyncadd.s32 $0xFFFFF000  }
0x447: {  	_ =	swait.ge [sflag:s5], $0x8000  }
0x448: {  	[sflag:s5] =	ssyncset.done $0x0  }
0x449: {  	s13 =	rddreg [dreg:$0xc];
	[sflag:s5] =	ssyncadd.s32 $0xFFFF8000  }
0x44a: {  	[tilespmem:s8], [sflag:$0x2] =	stream.linear.gather [hbm4b:s13+s12], $0x8000, $0x38;
	[tilespmem:$0x11400] =	vst v63  }
0x44b: {  	s13 =	simm.s32 $0x0  }
.LBB2_34:
0x44c: {  	s15 =	sand.u32 $0x18, s13  }
0x44d: {  	s14 =	sshll.u32 s13, $0x7;
	s16 =	sadd.s32 $0x0, s15  }
0x44e: {  	s18 =	sand.u32 $0x380, s14;
	s19 =	sshll.u32 s16, $0xA  }
0x44f: {  	s16 =	sor.u32 $0x400, s18;
	s21 =	sand.u32 $0x3FFFFC00, s19  }
0x450: {  	s22 =	sand.u32 $0x70, s12;
	s18 =	sadd.s32 s21, s16  }
0x451: {  	v1 =	vld [tilespmem:s12+$0x0];
	s18 =	sadd.s32 s22, s18  }
0x452: {  	v2 =	vld [tilespmem:s18+$0x0];
	_ =	sdelay $0x4  }
0x453: {  	v3 =	vmul.f32 v1, v2  }
0x454: {  	v1 =	vimm.f32 $-3.000000010e+38  }
0x455: {  	v2 =	vsub.f32 v2, v3;
	vm0 =	vgt.f32 v3, v1  }
0x456: {  	v4 =	vsel vm0, $0x3F800000, v0  }
0x457: {  	vm0 =	vgt.f32 v2, v1;
	(xrf0) =	vmax.scan.msk.f32 $0xffff, v4  }
0x458: {  	v4 =	vsel vm0, $0x3F800000, v0  }
0x459: {  	(xrf0) =	vmax.scan.msk.f32 $0xffff, v4;
	_ =	sdelay $0x3  }
0x45a: {  	v4, _, _ =	vpop (xrf0)  }
0x45b: {  	(v2sf) =	vpush v4, $0xF  }
0x45c: {  	v4, _, _ =	vpop (xrf0)  }
0x45d: {  	(v2sf) =	vpush v4, $0xF;
	_ =	sdelay $0xc  }
0x45e: {  	s19 =	spop (v2sf)  }
0x45f: {  	p1 =	sgt.f32 s19, $0.0e+00  }
0x460: {  	s20 =	spop (v2sf)  }
0x461: {  	p0 =	sgt.f32 s20, $0.0e+00;
	(xrf1) =	vsort.dscd.msk.f32 @p1 $0xffff, v3, v3;
	_ =	sdelay $0x1  }
0x462: {  	(xrf1) =	vsort.dscd.msk.f32 @p0 $0xffff, v2, v2;
	_ =	sdelay $0x8  }
0x463: {  	v2 =	vlaneseq.u32 @p1  }
0x464: {  	v2 =	vmul.u32 @p1 $0xFFFFFFFF, v2  }
0x465: {  	v3 =	vlaneseq.u32 @p0  }
0x466: {  	v3 =	vmul.u32 @p0 $0xFFFFFFFF, v3;
	v2 =	vadd.s32 @p1 $0xF, v2;
	v4, _, _ =	vpop @p1 (xrf1)  }
0x467: {  	v2 =	vperm.xlane @p1 v4, v2  }
0x468: {  	v3 =	vadd.s32 @p0 $0xF, v3;
	v4, _, _ =	vpop @p0 (xrf1)  }
0x469: {  	v2 =	vmax.f32 @p1 v1, v2;
	v3 =	vperm.xlane @p0 v4, v3  }
0x46a: {  	v4 =	vmin.f32 @p1 v1, v2  }
0x46b: {  	v2 =	vmax.f32 @p1 v1, v2;
	v3 =	vmax.f32 @p0 v1, v3;
	(xrf1) =	vsort.dscd.msk.f32 @p1 $0xffff, v4, v4  }
0x46c: {  	v4 =	vmin.f32 @p0 v1, v3;
	(xrf1) =	vsort.dscd.msk.f32 @p1 $0xffff, v2, v2  }
0x46d: {  	v2 =	vmax.f32 @p0 v1, v3;
	(xrf1) =	vsort.dscd.msk.f32 @p0 $0xffff, v4, v4  }
0x46e: {  	(xrf1) =	vsort.dscd.msk.f32 @p0 $0xffff, v2, v2;
	_ =	sdelay $0x1  }
0x46f: {  	s21 =	sadd.s32 $0x0, s15  }
0x470: {  	s18 =	sshll.u32 s21, $0xA  }
0x471: {  	s22 =	sand.u32 $0x3FFFFC00, s18;
	s18 =	simm.s32 $0x10  }
0x472: {  	s19 =	sadd.s32 s22, s16;
	s20 =	sand.u32 $0x70, s18  }
0x473: {  	s19 =	sadd.s32 s20, s19  }
0x474: {  	v5 =	vld [tilespmem:s19+$0x0]  }
0x475: {  	v3 =	vld [tilespmem:s18+$0x0];
	_ =	sdelay $0x2  }
0x476: {  	v2 =	vimm.s32 @p1 $0xF;
	v4, _, _ =	vpop @p1 (xrf1)  }
0x477: {  	v6 =	vperm.xlane @p1 v4, v2;
	v2 =	vpsel p1, v4, v1;
	v4, _, _ =	vpop @p1 (xrf1)  }
0x478: {  	v7 =	vmul.f32 v3, v5;
	v3 =	vpsel p1, v4, v1;
	v4 =	vimm.s32 @p0 $0xF;
	v8, _, _ =	vpop @p0 (xrf1)  }
0x479: {  	v6 =	vpsel p1, v6, v1;
	v9 =	vperm.xlane @p0 v8, v4;
	v4 =	vpsel p0, v8, v1;
	v10, _, _ =	vpop @p0 (xrf1)  }
0x47a: {  	s20 =	simm.s32 $0x10;
	s19 =	simm.s32 $0x2;
	v8 =	vsub.f32 v5, v7;
	vm0 =	vgt.f32 v7, v6;
	v5 =	vpsel p0, v10, v1  }
.LBB2_35:
0x47b: {  	v10 =	vsel vm0, $0x3F800000, v0;
	v1 =	vpsel p0, v9, v1;
	s21 =	smov.u32 s19;
	s19 =	sadd.s32 $0x1, s19  }
0x47c: {  	p1 =	sne.s32 s19, $0x40;
	vm0 =	vgt.f32 v8, v1;
	(xrf0) =	vmax.scan.msk.f32 $0xffff, v10  }
0x47d: {  	v9 =	vsel vm0, $0x3F800000, v0  }
0x47e: {  	(xrf0) =	vmax.scan.msk.f32 $0xffff, v9;
	_ =	sdelay $0x3  }
0x47f: {  	v9, _, _ =	vpop (xrf0)  }
0x480: {  	(v2sf) =	vpush v9, $0xF  }
0x481: {  	v9, _, _ =	vpop (xrf0)  }
0x482: {  	(v2sf) =	vpush v9, $0xF;
	_ =	sdelay $0xc  }
0x483: {  	s22 =	spop (v2sf)  }
0x484: {  	p2 =	sgt.f32 s22, $0.0e+00  }
0x485: {  	s22 =	spop (v2sf)  }
0x486: {  	v9 =	vlaneseq.u32 @p2;
	p0 =	sgt.f32 s22, $0.0e+00;
	(xrf1) =	vsort.dscd.msk.f32 @p2 $0xffff, v7, v7  }
0x487: {  	v7 =	vmul.u32 @p2 $0xFFFFFFFF, v9  }
0x488: {  	v9 =	vlaneseq.u32 @p0;
	(xrf1) =	vsort.dscd.msk.f32 @p0 $0xffff, v8, v8  }
0x489: {  	v7 =	vadd.s32 @p2 $0xF, v7;
	v8 =	vmul.u32 @p0 $0xFFFFFFFF, v9;
	_ =	sdelay $0x1  }
0x48a: {  	v8 =	vadd.s32 @p0 $0xF, v8;
	_ =	sdelay $0x8  }
0x48b: {  	v9, _, _ =	vpop @p2 (xrf1)  }
0x48c: {  	v7 =	vperm.xlane @p2 v9, v7  }
0x48d: {  	v9, _, _ =	vpop @p0 (xrf1)  }
0x48e: {  	v7 =	vmax.f32 @p2 v2, v7;
	v8 =	vperm.xlane @p0 v9, v8  }
0x48f: {  	v9 =	vmax.f32 @p2 v3, v7;
	v7 =	vmin.f32 @p2 v3, v7  }
0x490: {  	v8 =	vmax.f32 @p0 v4, v8;
	(xrf1) =	vsort.dscd.msk.f32 @p2 $0xffff, v7, v7  }
0x491: {  	v7 =	vmax.f32 @p0 v5, v8;
	v8 =	vmin.f32 @p0 v5, v8;
	(xrf1) =	vsort.dscd.msk.f32 @p2 $0xffff, v9, v9  }
0x492: {  	(xrf1) =	vsort.dscd.msk.f32 @p0 $0xffff, v8, v8  }
0x493: {  	(xrf1) =	vsort.dscd.msk.f32 @p0 $0xffff, v7, v7;
	_ =	sdelay $0x1  }
0x494: {  	s21 =	sshrl.u32 s21, $0x3  }
0x495: {  	s21 =	sadd.s32 s15, s21  }
0x496: {  	s21 =	sshll.u32 s21, $0xA  }
0x497: {  	s18 =	sadd.s32 $0x10, s18;
	s21 =	sand.u32 $0x3FFFFC00, s21  }
0x498: {  	s20 =	sadd.s32 $0x10, s20;
	s21 =	sadd.s32 s21, s16;
	s22 =	sand.u32 $0x70, s18  }
0x499: {  	s21 =	sadd.s32 s22, s21;
	v7 =	vld [tilespmem:s20+$0x0]  }
0x49a: {  	v8 =	vld [tilespmem:s21+$0x0];
	_ =	sdelay $0x2  }
.Ltmp16:
0x49b: {  	v9 =	vimm.s32 @p2 $0xF;
	v10, _, _ =	vpop @p2 (xrf1);
	(pc) =	sbr.rel @p1 .LBB2_35-.Ltmp16, $4  }
0x49c: {  	v9 =	vperm.xlane @p2 v10, v9;
	v2 =	vpsel p2, v10, v2;
	v10, _, _ =	vpop @p2 (xrf1)  }
0x49d: {  	v12 =	vimm.s32 @p0 $0xF;
	v7 =	vmul.f32 v7, v8;
	v3 =	vpsel p2, v10, v3;
	v11, _, _ =	vpop @p0 (xrf1)  }
0x49e: {  	v6 =	vpsel p2, v9, v6;
	v9 =	vperm.xlane @p0 v11, v12;
	v4 =	vpsel p0, v11, v4;
	v10, _, _ =	vpop @p0 (xrf1)  }
0x49f: {  	v8 =	vsub.f32 v8, v7;
	vm0 =	vgt.f32 v7, v6;
	v5 =	vpsel p0, v10, v5  }
0x4a0: {  	v6 =	vsel vm0, $0x3F800000, v0  }
0x4a1: {  	v1 =	vpsel p0, v9, v1;
	(xrf0) =	vmax.scan.msk.f32 $0xffff, v6  }
0x4a2: {  	vm15 =	vgt.f32 v8, v1  }
0x4a3: {  	v1 =	vsel vm15, $0x3F800000, v0  }
0x4a4: {  	(xrf0) =	vmax.scan.msk.f32 $0xffff, v1;
	_ =	sdelay $0x2  }
0x4a5: {  	v1, _, _ =	vpop (xrf0)  }
0x4a6: {  	(v2sf) =	vpush v1, $0xF;
	_ =	sdelay $0x1  }
0x4a7: {  	v1, _, _ =	vpop (xrf0)  }
0x4a8: {  	(v2sf) =	vpush v1, $0xF;
	_ =	sdelay $0xb  }
0x4a9: {  	s15 =	spop (v2sf)  }
0x4aa: {  	p0 =	sgt.f32 s15, $0.0e+00;
	_ =	sdelay $0x1  }
0x4ab: {  	s22 =	spop (v2sf);
	(xrf1) =	vsort.dscd.msk.f32 @p0 $0xffff, v7, v7  }
0x4ac: {  	p1 =	sgt.f32 s22, $0.0e+00;
	_ =	sdelay $0x1  }
0x4ad: {  	(xrf1) =	vsort.dscd.msk.f32 @p1 $0xffff, v8, v8;
	_ =	sdelay $0x7  }
0x4ae: {  	v1 =	vlaneseq.u32 @p0  }
0x4af: {  	v1 =	vmul.u32 @p0 $0xFFFFFFFF, v1;
	_ =	sdelay $0x1  }
0x4b0: {  	v6 =	vlaneseq.u32 @p1;
	v1 =	vadd.s32 @p0 $0xF, v1;
	v7, _, _ =	vpop @p0 (xrf1)  }
0x4b1: {  	v6 =	vmul.u32 @p1 $0xFFFFFFFF, v6;
	v1 =	vperm.xlane @p0 v7, v1;
	_ =	sdelay $0x1  }
0x4b2: {  	v6 =	vadd.s32 @p1 $0xF, v6;
	v7, _, _ =	vpop @p1 (xrf1);
	v1 =	vmax.f32 @p0 v2, v1  }
0x4b3: {  	v6 =	vperm.xlane @p1 v7, v6;
	v7 =	vmin.f32 @p0 v3, v1  }
0x4b4: {  	v1 =	vmax.f32 @p0 v3, v1;
	(xrf1) =	vsort.dscd.msk.f32 @p0 $0xffff, v7, v7  }
0x4b5: {  	(xrf1) =	vsort.dscd.msk.f32 @p0 $0xffff, v1, v1  }
0x4b6: {  	v6 =	vmax.f32 @p1 v4, v6  }
0x4b7: {  	v7 =	vmin.f32 @p1 v5, v6  }
0x4b8: {  	v1 =	vmax.f32 @p1 v5, v6;
	(xrf1) =	vsort.dscd.msk.f32 @p1 $0xffff, v7, v7  }
0x4b9: {  	(xrf1) =	vsort.dscd.msk.f32 @p1 $0xffff, v1, v1;
	_ =	sdelay $0x8  }
0x4ba: {  	v1, _, _ =	vpop @p0 (xrf1)  }
0x4bb: {  	s13 =	sadd.s32 $0x1, s13;
	v6, _, _ =	vpop @p0 (xrf1)  }
0x4bc: {  	v1 =	vpsel p0, v1, v2;
	v3 =	vpsel p0, v6, v3;
	p0 =	sne.s32 s13, $0x20  }
.Ltmp17:
0x4bd: {  	s14 =	sand.u32 $0x3FFFFF80, s14;
	(pc) =	sbr.rel @p0 .LBB2_34-.Ltmp17, $4  }
0x4be: {  	v7, _, _ =	vpop @p1 (xrf1);
	[tilespmem:s14+$0x10430] =	vst v1  }
0x4bf: {  	v8, _, _ =	vpop @p1 (xrf1);
	v63 =	vpsel p1, v7, v4;
	[tilespmem:s14+$0x10420] =	vst v3  }
0x4c0: {  	v62 =	vpsel p1, v8, v5;
	[tilespmem:s14+$0x10410] =	vst v63  }
0x4c1: {  	[tilespmem:s14+$0x10400] =	vst v62  }
0x4c2: {  	s12 =	simm.s32 $0x0  }
0x4c3: {  	[hbm4b:s26+s12] =	stream.linear.scatter [tilespmem:s9], [sflag:$0x3], $0x1000, $0x38;
	[tilespmem:$0x11400] =	vst v63  }
0x4c4: {  	_ =	swait.ge [sflag:s7], $0x1000  }
0x4c5: {  	[sflag:s7] =	ssyncset.done $0x0  }
0x4c6: {  	[sflag:s7] =	ssyncadd.s32 $0xFFFFF000  }
0x4c7: {  	_ =	swait.ge [sflag:s10], $0x8000  }
0x4c8: {  	[sflag:s10] =	ssyncset.done $0x0  }
0x4c9: {  	s13 =	rddreg [dreg:$0xd];
	[sflag:s10] =	ssyncadd.s32 $0xFFFF8000  }
0x4ca: {  	[tilespmem:s6], [sflag:$0x1] =	stream.linear.gather [hbm4b:s13+s12], $0x8000, $0x38;
	[tilespmem:$0x11400] =	vst v63  }
0x4cb: {  	s13 =	simm.s32 $0x0  }
.LBB2_38:
0x4cc: {  	s15 =	sshll.u32 s13, $0xA;
	s14 =	sshll.u32 s13, $0x7  }
0x4cd: {  	s15 =	sand.u32 $0x6000, s15;
	s16 =	sand.u32 $0x380, s14  }
0x4ce: {  	s20 =	sand.u32 $0x7000, s12;
	s15 =	sor.u32 s16, s15  }
0x4cf: {  	s16 =	sshrl.u32 s20, $0x2;
	s15 =	sor.u32 $0x8400, s15  }
0x4d0: {  	s18 =	sand.u32 $0x70, s12;
	s16 =	sadd.s32 s16, s15  }
0x4d1: {  	v1 =	vld [tilespmem:s12+$0x0];
	s16 =	sadd.s32 s18, s16  }
0x4d2: {  	v2 =	vld [tilespmem:s16+$0x0];
	_ =	sdelay $0x4  }
0x4d3: {  	v3 =	vmul.f32 v1, v2  }
0x4d4: {  	v1 =	vimm.f32 $-3.000000010e+38  }
0x4d5: {  	v2 =	vsub.f32 v2, v3;
	vm0 =	vgt.f32 v3, v1  }
0x4d6: {  	v4 =	vsel vm0, $0x3F800000, v0  }
0x4d7: {  	vm0 =	vgt.f32 v2, v1;
	(xrf0) =	vmax.scan.msk.f32 $0xffff, v4  }
0x4d8: {  	v4 =	vsel vm0, $0x3F800000, v0  }
0x4d9: {  	(xrf0) =	vmax.scan.msk.f32 $0xffff, v4;
	_ =	sdelay $0x3  }
0x4da: {  	v4, _, _ =	vpop (xrf0)  }
0x4db: {  	(v2sf) =	vpush v4, $0xF  }
0x4dc: {  	v4, _, _ =	vpop (xrf0)  }
0x4dd: {  	(v2sf) =	vpush v4, $0xF;
	_ =	sdelay $0xc  }
0x4de: {  	s21 =	spop (v2sf)  }
0x4df: {  	p1 =	sgt.f32 s21, $0.0e+00  }
0x4e0: {  	s22 =	spop (v2sf)  }
0x4e1: {  	p0 =	sgt.f32 s22, $0.0e+00;
	(xrf1) =	vsort.dscd.msk.f32 @p1 $0xffff, v3, v3;
	_ =	sdelay $0x1  }
0x4e2: {  	(xrf1) =	vsort.dscd.msk.f32 @p0 $0xffff, v2, v2;
	_ =	sdelay $0x8  }
0x4e3: {  	v2 =	vlaneseq.u32 @p1  }
0x4e4: {  	v2 =	vmul.u32 @p1 $0xFFFFFFFF, v2  }
0x4e5: {  	v3 =	vlaneseq.u32 @p0  }
0x4e6: {  	v3 =	vmul.u32 @p0 $0xFFFFFFFF, v3;
	v2 =	vadd.s32 @p1 $0xF, v2;
	v4, _, _ =	vpop @p1 (xrf1)  }
0x4e7: {  	v2 =	vperm.xlane @p1 v4, v2  }
0x4e8: {  	v3 =	vadd.s32 @p0 $0xF, v3;
	v4, _, _ =	vpop @p0 (xrf1)  }
0x4e9: {  	v2 =	vmax.f32 @p1 v1, v2;
	v3 =	vperm.xlane @p0 v4, v3  }
0x4ea: {  	v4 =	vmin.f32 @p1 v1, v2  }
0x4eb: {  	v2 =	vmax.f32 @p1 v1, v2;
	v3 =	vmax.f32 @p0 v1, v3;
	(xrf1) =	vsort.dscd.msk.f32 @p1 $0xffff, v4, v4  }
0x4ec: {  	v4 =	vmin.f32 @p0 v1, v3;
	(xrf1) =	vsort.dscd.msk.f32 @p1 $0xffff, v2, v2  }
0x4ed: {  	v2 =	vmax.f32 @p0 v1, v3;
	(xrf1) =	vsort.dscd.msk.f32 @p0 $0xffff, v4, v4  }
0x4ee: {  	(xrf1) =	vsort.dscd.msk.f32 @p0 $0xffff, v2, v2;
	_ =	sdelay $0x1  }
0x4ef: {  	s16 =	simm.s32 $0x200  }
0x4f0: {  	s19 =	sand.u32 $0x7000, s16  }
0x4f1: {  	s18 =	simm.s32 $0x10;
	s19 =	sshrl.u32 s19, $0x2  }
0x4f2: {  	s20 =	sand.u32 $0x70, s18;
	s19 =	sadd.s32 s19, s15  }
0x4f3: {  	s19 =	sadd.s32 s20, s19  }
0x4f4: {  	v5 =	vld [tilespmem:s19+$0x0]  }
0x4f5: {  	v3 =	vld [tilespmem:s18+$0x0];
	_ =	sdelay $0x2  }
0x4f6: {  	v2 =	vimm.s32 @p1 $0xF;
	v4, _, _ =	vpop @p1 (xrf1)  }
0x4f7: {  	v6 =	vperm.xlane @p1 v4, v2;
	v2 =	vpsel p1, v4, v1;
	v4, _, _ =	vpop @p1 (xrf1)  }
0x4f8: {  	v7 =	vmul.f32 v3, v5;
	v3 =	vpsel p1, v4, v1;
	v4 =	vimm.s32 @p0 $0xF;
	v8, _, _ =	vpop @p0 (xrf1)  }
0x4f9: {  	v6 =	vpsel p1, v6, v1;
	v9 =	vperm.xlane @p0 v8, v4;
	v4 =	vpsel p0, v8, v1;
	v10, _, _ =	vpop @p0 (xrf1)  }
0x4fa: {  	s19 =	simm.s32 $0x20;
	v8 =	vsub.f32 v5, v7;
	vm0 =	vgt.f32 v7, v6;
	v5 =	vpsel p0, v10, v1  }
.LBB2_39:
0x4fb: {  	v10 =	vsel vm0, $0x3F800000, v0;
	v1 =	vpsel p0, v9, v1;
	s20 =	smov.u32 s19;
	s19 =	sadd.s32 $0x10, s19  }
0x4fc: {  	p1 =	sne.s32 s19, $0x400;
	vm0 =	vgt.f32 v8, v1;
	(xrf0) =	vmax.scan.msk.f32 $0xffff, v10  }
0x4fd: {  	v9 =	vsel vm0, $0x3F800000, v0  }
0x4fe: {  	(xrf0) =	vmax.scan.msk.f32 $0xffff, v9;
	_ =	sdelay $0x3  }
0x4ff: {  	v9, _, _ =	vpop (xrf0)  }
0x500: {  	(v2sf) =	vpush v9, $0xF  }
0x501: {  	v9, _, _ =	vpop (xrf0)  }
0x502: {  	(v2sf) =	vpush v9, $0xF;
	_ =	sdelay $0xc  }
0x503: {  	s21 =	spop (v2sf)  }
0x504: {  	p2 =	sgt.f32 s21, $0.0e+00  }
0x505: {  	s21 =	spop (v2sf)  }
0x506: {  	v9 =	vlaneseq.u32 @p2;
	p0 =	sgt.f32 s21, $0.0e+00;
	(xrf1) =	vsort.dscd.msk.f32 @p2 $0xffff, v7, v7  }
0x507: {  	v7 =	vmul.u32 @p2 $0xFFFFFFFF, v9  }
0x508: {  	v9 =	vlaneseq.u32 @p0;
	(xrf1) =	vsort.dscd.msk.f32 @p0 $0xffff, v8, v8  }
0x509: {  	v7 =	vadd.s32 @p2 $0xF, v7;
	v8 =	vmul.u32 @p0 $0xFFFFFFFF, v9;
	_ =	sdelay $0x1  }
0x50a: {  	v8 =	vadd.s32 @p0 $0xF, v8;
	_ =	sdelay $0x8  }
0x50b: {  	v9, _, _ =	vpop @p2 (xrf1)  }
0x50c: {  	v7 =	vperm.xlane @p2 v9, v7  }
0x50d: {  	v9, _, _ =	vpop @p0 (xrf1)  }
0x50e: {  	v7 =	vmax.f32 @p2 v2, v7;
	v8 =	vperm.xlane @p0 v9, v8  }
0x50f: {  	v9 =	vmax.f32 @p2 v3, v7;
	v7 =	vmin.f32 @p2 v3, v7  }
0x510: {  	v8 =	vmax.f32 @p0 v4, v8;
	(xrf1) =	vsort.dscd.msk.f32 @p2 $0xffff, v7, v7  }
0x511: {  	v7 =	vmax.f32 @p0 v5, v8;
	v8 =	vmin.f32 @p0 v5, v8;
	(xrf1) =	vsort.dscd.msk.f32 @p2 $0xffff, v9, v9  }
0x512: {  	(xrf1) =	vsort.dscd.msk.f32 @p0 $0xffff, v8, v8  }
0x513: {  	(xrf1) =	vsort.dscd.msk.f32 @p0 $0xffff, v7, v7;
	_ =	sdelay $0x2  }
0x514: {  	s16 =	sadd.s32 $0x200, s16  }
0x515: {  	s21 =	sand.u32 $0x7000, s16  }
0x516: {  	s21 =	sshrl.u32 s21, $0x2  }
0x517: {  	s18 =	sadd.s32 $0x10, s18;
	s20 =	sand.u32 $0x70, s20;
	s21 =	sadd.s32 s21, s15  }
0x518: {  	s20 =	sadd.s32 s20, s21;
	v7 =	vld [tilespmem:s18+$0x0]  }
0x519: {  	v8 =	vld [tilespmem:s20+$0x0];
	_ =	sdelay $0x2  }
.Ltmp18:
0x51a: {  	v9 =	vimm.s32 @p2 $0xF;
	v10, _, _ =	vpop @p2 (xrf1);
	(pc) =	sbr.rel @p1 .LBB2_39-.Ltmp18, $4  }
0x51b: {  	v9 =	vperm.xlane @p2 v10, v9;
	v2 =	vpsel p2, v10, v2;
	v10, _, _ =	vpop @p2 (xrf1)  }
0x51c: {  	v12 =	vimm.s32 @p0 $0xF;
	v7 =	vmul.f32 v7, v8;
	v3 =	vpsel p2, v10, v3;
	v11, _, _ =	vpop @p0 (xrf1)  }
0x51d: {  	v6 =	vpsel p2, v9, v6;
	v9 =	vperm.xlane @p0 v11, v12;
	v4 =	vpsel p0, v11, v4;
	v10, _, _ =	vpop @p0 (xrf1)  }
0x51e: {  	v8 =	vsub.f32 v8, v7;
	vm0 =	vgt.f32 v7, v6;
	v5 =	vpsel p0, v10, v5  }
0x51f: {  	v6 =	vsel vm0, $0x3F800000, v0  }
0x520: {  	v1 =	vpsel p0, v9, v1;
	(xrf0) =	vmax.scan.msk.f32 $0xffff, v6  }
0x521: {  	vm15 =	vgt.f32 v8, v1  }
0x522: {  	v1 =	vsel vm15, $0x3F800000, v0  }
0x523: {  	(xrf0) =	vmax.scan.msk.f32 $0xffff, v1;
	_ =	sdelay $0x2  }
0x524: {  	v1, _, _ =	vpop (xrf0)  }
0x525: {  	(v2sf) =	vpush v1, $0xF;
	_ =	sdelay $0x1  }
0x526: {  	v1, _, _ =	vpop (xrf0)  }
0x527: {  	(v2sf) =	vpush v1, $0xF;
	_ =	sdelay $0xb  }
0x528: {  	s15 =	spop (v2sf)  }
0x529: {  	p0 =	sgt.f32 s15, $0.0e+00;
	_ =	sdelay $0x1  }
0x52a: {  	s22 =	spop (v2sf);
	(xrf1) =	vsort.dscd.msk.f32 @p0 $0xffff, v7, v7  }
0x52b: {  	p1 =	sgt.f32 s22, $0.0e+00;
	_ =	sdelay $0x1  }
0x52c: {  	(xrf1) =	vsort.dscd.msk.f32 @p1 $0xffff, v8, v8;
	_ =	sdelay $0x7  }
0x52d: {  	v1 =	vlaneseq.u32 @p0  }
0x52e: {  	v1 =	vmul.u32 @p0 $0xFFFFFFFF, v1;
	_ =	sdelay $0x1  }
0x52f: {  	v6 =	vlaneseq.u32 @p1;
	v1 =	vadd.s32 @p0 $0xF, v1;
	v7, _, _ =	vpop @p0 (xrf1)  }
0x530: {  	v6 =	vmul.u32 @p1 $0xFFFFFFFF, v6;
	v1 =	vperm.xlane @p0 v7, v1;
	_ =	sdelay $0x1  }
0x531: {  	v6 =	vadd.s32 @p1 $0xF, v6;
	v7, _, _ =	vpop @p1 (xrf1);
	v1 =	vmax.f32 @p0 v2, v1  }
0x532: {  	v6 =	vperm.xlane @p1 v7, v6;
	v7 =	vmin.f32 @p0 v3, v1  }
0x533: {  	v1 =	vmax.f32 @p0 v3, v1;
	(xrf1) =	vsort.dscd.msk.f32 @p0 $0xffff, v7, v7  }
0x534: {  	(xrf1) =	vsort.dscd.msk.f32 @p0 $0xffff, v1, v1  }
0x535: {  	v6 =	vmax.f32 @p1 v4, v6  }
0x536: {  	v7 =	vmin.f32 @p1 v5, v6  }
0x537: {  	v1 =	vmax.f32 @p1 v5, v6;
	(xrf1) =	vsort.dscd.msk.f32 @p1 $0xffff, v7, v7  }
0x538: {  	(xrf1) =	vsort.dscd.msk.f32 @p1 $0xffff, v1, v1;
	_ =	sdelay $0x8  }
0x539: {  	v1, _, _ =	vpop @p0 (xrf1)  }
0x53a: {  	s13 =	sadd.s32 $0x1, s13;
	v6, _, _ =	vpop @p0 (xrf1)  }
0x53b: {  	v1 =	vpsel p0, v1, v2;
	v3 =	vpsel p0, v6, v3;
	p0 =	sne.s32 s13, $0x20  }
.Ltmp19:
0x53c: {  	s14 =	sand.u32 $0x3FFFFF80, s14;
	(pc) =	sbr.rel @p0 .LBB2_38-.Ltmp19, $4  }
0x53d: {  	v7, _, _ =	vpop @p1 (xrf1);
	[tilespmem:s14+$0x10430] =	vst v1  }
0x53e: {  	v8, _, _ =	vpop @p1 (xrf1);
	v63 =	vpsel p1, v7, v4;
	[tilespmem:s14+$0x10420] =	vst v3  }
0x53f: {  	v62 =	vpsel p1, v8, v5;
	[tilespmem:s14+$0x10410] =	vst v63  }
0x540: {  	[tilespmem:s14+$0x10400] =	vst v62  }
0x541: {  	s12 =	simm.s32 $0x0  }
0x542: {  	[hbm4b:s28+s12] =	stream.linear.scatter [tilespmem:s9], [sflag:$0x3], $0x1000, $0x38;
	[tilespmem:$0x11400] =	vst v63  }
0x543: {  	_ =	swait.ge [sflag:s7], $0x1000  }
0x544: {  	[sflag:s7] =	ssyncset.done $0x0  }
0x545: {  	[sflag:s7] =	ssyncadd.s32 $0xFFFFF000  }
0x546: {  	_ =	swait.ge [sflag:s5], $0x8000  }
0x547: {  	[sflag:s5] =	ssyncset.done $0x0  }
0x548: {  	s13 =	rddreg [dreg:$0xe];
	[sflag:s5] =	ssyncadd.s32 $0xFFFF8000  }
0x549: {  	[tilespmem:s8], [sflag:$0x2] =	stream.linear.gather [hbm4b:s13+s12], $0x8000, $0x38;
	[tilespmem:$0x11400] =	vst v63  }
0x54a: {  	s13 =	simm.s32 $0x0  }
.LBB2_42:
0x54b: {  	s15 =	sand.u32 $0x18, s13  }
0x54c: {  	s14 =	sshll.u32 s13, $0x7;
	s16 =	sadd.s32 $0x0, s15  }
0x54d: {  	s18 =	sand.u32 $0x380, s14;
	s19 =	sshll.u32 s16, $0xA  }
0x54e: {  	s16 =	sor.u32 $0x400, s18;
	s21 =	sand.u32 $0x3FFFFC00, s19  }
0x54f: {  	s22 =	sand.u32 $0x70, s12;
	s18 =	sadd.s32 s21, s16  }
0x550: {  	v1 =	vld [tilespmem:s12+$0x0];
	s18 =	sadd.s32 s22, s18  }
0x551: {  	v2 =	vld [tilespmem:s18+$0x0];
	_ =	sdelay $0x4  }
0x552: {  	v3 =	vmul.f32 v1, v2  }
0x553: {  	v1 =	vimm.f32 $-3.000000010e+38  }
0x554: {  	v2 =	vsub.f32 v2, v3;
	vm0 =	vgt.f32 v3, v1  }
0x555: {  	v4 =	vsel vm0, $0x3F800000, v0  }
0x556: {  	vm0 =	vgt.f32 v2, v1;
	(xrf0) =	vmax.scan.msk.f32 $0xffff, v4  }
0x557: {  	v4 =	vsel vm0, $0x3F800000, v0  }
0x558: {  	(xrf0) =	vmax.scan.msk.f32 $0xffff, v4;
	_ =	sdelay $0x3  }
0x559: {  	v4, _, _ =	vpop (xrf0)  }
0x55a: {  	(v2sf) =	vpush v4, $0xF  }
0x55b: {  	v4, _, _ =	vpop (xrf0)  }
0x55c: {  	(v2sf) =	vpush v4, $0xF;
	_ =	sdelay $0xc  }
0x55d: {  	s19 =	spop (v2sf)  }
0x55e: {  	p1 =	sgt.f32 s19, $0.0e+00  }
0x55f: {  	s20 =	spop (v2sf)  }
0x560: {  	p0 =	sgt.f32 s20, $0.0e+00;
	(xrf1) =	vsort.dscd.msk.f32 @p1 $0xffff, v3, v3;
	_ =	sdelay $0x1  }
0x561: {  	(xrf1) =	vsort.dscd.msk.f32 @p0 $0xffff, v2, v2;
	_ =	sdelay $0x8  }
0x562: {  	v2 =	vlaneseq.u32 @p1  }
0x563: {  	v2 =	vmul.u32 @p1 $0xFFFFFFFF, v2  }
0x564: {  	v3 =	vlaneseq.u32 @p0  }
0x565: {  	v3 =	vmul.u32 @p0 $0xFFFFFFFF, v3;
	v2 =	vadd.s32 @p1 $0xF, v2;
	v4, _, _ =	vpop @p1 (xrf1)  }
0x566: {  	v2 =	vperm.xlane @p1 v4, v2  }
0x567: {  	v3 =	vadd.s32 @p0 $0xF, v3;
	v4, _, _ =	vpop @p0 (xrf1)  }
0x568: {  	v2 =	vmax.f32 @p1 v1, v2;
	v3 =	vperm.xlane @p0 v4, v3  }
0x569: {  	v4 =	vmin.f32 @p1 v1, v2  }
0x56a: {  	v2 =	vmax.f32 @p1 v1, v2;
	v3 =	vmax.f32 @p0 v1, v3;
	(xrf1) =	vsort.dscd.msk.f32 @p1 $0xffff, v4, v4  }
0x56b: {  	v4 =	vmin.f32 @p0 v1, v3;
	(xrf1) =	vsort.dscd.msk.f32 @p1 $0xffff, v2, v2  }
0x56c: {  	v2 =	vmax.f32 @p0 v1, v3;
	(xrf1) =	vsort.dscd.msk.f32 @p0 $0xffff, v4, v4  }
0x56d: {  	(xrf1) =	vsort.dscd.msk.f32 @p0 $0xffff, v2, v2;
	_ =	sdelay $0x1  }
0x56e: {  	s21 =	sadd.s32 $0x0, s15  }
0x56f: {  	s18 =	sshll.u32 s21, $0xA  }
0x570: {  	s22 =	sand.u32 $0x3FFFFC00, s18;
	s18 =	simm.s32 $0x10  }
0x571: {  	s19 =	sadd.s32 s22, s16;
	s20 =	sand.u32 $0x70, s18  }
0x572: {  	s19 =	sadd.s32 s20, s19  }
0x573: {  	v5 =	vld [tilespmem:s19+$0x0]  }
0x574: {  	v3 =	vld [tilespmem:s18+$0x0];
	_ =	sdelay $0x2  }
0x575: {  	v2 =	vimm.s32 @p1 $0xF;
	v4, _, _ =	vpop @p1 (xrf1)  }
0x576: {  	v6 =	vperm.xlane @p1 v4, v2;
	v2 =	vpsel p1, v4, v1;
	v4, _, _ =	vpop @p1 (xrf1)  }
0x577: {  	v7 =	vmul.f32 v3, v5;
	v3 =	vpsel p1, v4, v1;
	v4 =	vimm.s32 @p0 $0xF;
	v8, _, _ =	vpop @p0 (xrf1)  }
0x578: {  	v6 =	vpsel p1, v6, v1;
	v9 =	vperm.xlane @p0 v8, v4;
	v4 =	vpsel p0, v8, v1;
	v10, _, _ =	vpop @p0 (xrf1)  }
0x579: {  	s20 =	simm.s32 $0x10;
	s19 =	simm.s32 $0x2;
	v8 =	vsub.f32 v5, v7;
	vm0 =	vgt.f32 v7, v6;
	v5 =	vpsel p0, v10, v1  }
.LBB2_43:
0x57a: {  	v10 =	vsel vm0, $0x3F800000, v0;
	v1 =	vpsel p0, v9, v1;
	s21 =	smov.u32 s19;
	s19 =	sadd.s32 $0x1, s19  }
0x57b: {  	p1 =	sne.s32 s19, $0x40;
	vm0 =	vgt.f32 v8, v1;
	(xrf0) =	vmax.scan.msk.f32 $0xffff, v10  }
0x57c: {  	v9 =	vsel vm0, $0x3F800000, v0  }
0x57d: {  	(xrf0) =	vmax.scan.msk.f32 $0xffff, v9;
	_ =	sdelay $0x3  }
0x57e: {  	v9, _, _ =	vpop (xrf0)  }
0x57f: {  	(v2sf) =	vpush v9, $0xF  }
0x580: {  	v9, _, _ =	vpop (xrf0)  }
0x581: {  	(v2sf) =	vpush v9, $0xF;
	_ =	sdelay $0xc  }
0x582: {  	s22 =	spop (v2sf)  }
0x583: {  	p2 =	sgt.f32 s22, $0.0e+00  }
0x584: {  	s22 =	spop (v2sf)  }
0x585: {  	v9 =	vlaneseq.u32 @p2;
	p0 =	sgt.f32 s22, $0.0e+00;
	(xrf1) =	vsort.dscd.msk.f32 @p2 $0xffff, v7, v7  }
0x586: {  	v7 =	vmul.u32 @p2 $0xFFFFFFFF, v9  }
0x587: {  	v9 =	vlaneseq.u32 @p0;
	(xrf1) =	vsort.dscd.msk.f32 @p0 $0xffff, v8, v8  }
0x588: {  	v7 =	vadd.s32 @p2 $0xF, v7;
	v8 =	vmul.u32 @p0 $0xFFFFFFFF, v9;
	_ =	sdelay $0x1  }
0x589: {  	v8 =	vadd.s32 @p0 $0xF, v8;
	_ =	sdelay $0x8  }
0x58a: {  	v9, _, _ =	vpop @p2 (xrf1)  }
0x58b: {  	v7 =	vperm.xlane @p2 v9, v7  }
0x58c: {  	v9, _, _ =	vpop @p0 (xrf1)  }
0x58d: {  	v7 =	vmax.f32 @p2 v2, v7;
	v8 =	vperm.xlane @p0 v9, v8  }
0x58e: {  	v9 =	vmax.f32 @p2 v3, v7;
	v7 =	vmin.f32 @p2 v3, v7  }
0x58f: {  	v8 =	vmax.f32 @p0 v4, v8;
	(xrf1) =	vsort.dscd.msk.f32 @p2 $0xffff, v7, v7  }
0x590: {  	v7 =	vmax.f32 @p0 v5, v8;
	v8 =	vmin.f32 @p0 v5, v8;
	(xrf1) =	vsort.dscd.msk.f32 @p2 $0xffff, v9, v9  }
0x591: {  	(xrf1) =	vsort.dscd.msk.f32 @p0 $0xffff, v8, v8  }
0x592: {  	(xrf1) =	vsort.dscd.msk.f32 @p0 $0xffff, v7, v7;
	_ =	sdelay $0x1  }
0x593: {  	s21 =	sshrl.u32 s21, $0x3  }
0x594: {  	s21 =	sadd.s32 s15, s21  }
0x595: {  	s21 =	sshll.u32 s21, $0xA  }
0x596: {  	s18 =	sadd.s32 $0x10, s18;
	s21 =	sand.u32 $0x3FFFFC00, s21  }
0x597: {  	s20 =	sadd.s32 $0x10, s20;
	s21 =	sadd.s32 s21, s16;
	s22 =	sand.u32 $0x70, s18  }
0x598: {  	s21 =	sadd.s32 s22, s21;
	v7 =	vld [tilespmem:s20+$0x0]  }
0x599: {  	v8 =	vld [tilespmem:s21+$0x0];
	_ =	sdelay $0x2  }
.Ltmp20:
0x59a: {  	v9 =	vimm.s32 @p2 $0xF;
	v10, _, _ =	vpop @p2 (xrf1);
	(pc) =	sbr.rel @p1 .LBB2_43-.Ltmp20, $4  }
0x59b: {  	v9 =	vperm.xlane @p2 v10, v9;
	v2 =	vpsel p2, v10, v2;
	v10, _, _ =	vpop @p2 (xrf1)  }
0x59c: {  	v12 =	vimm.s32 @p0 $0xF;
	v7 =	vmul.f32 v7, v8;
	v3 =	vpsel p2, v10, v3;
	v11, _, _ =	vpop @p0 (xrf1)  }
0x59d: {  	v6 =	vpsel p2, v9, v6;
	v9 =	vperm.xlane @p0 v11, v12;
	v4 =	vpsel p0, v11, v4;
	v10, _, _ =	vpop @p0 (xrf1)  }
0x59e: {  	v8 =	vsub.f32 v8, v7;
	vm0 =	vgt.f32 v7, v6;
	v5 =	vpsel p0, v10, v5  }
0x59f: {  	v6 =	vsel vm0, $0x3F800000, v0  }
0x5a0: {  	v1 =	vpsel p0, v9, v1;
	(xrf0) =	vmax.scan.msk.f32 $0xffff, v6  }
0x5a1: {  	vm15 =	vgt.f32 v8, v1  }
0x5a2: {  	v1 =	vsel vm15, $0x3F800000, v0  }
0x5a3: {  	(xrf0) =	vmax.scan.msk.f32 $0xffff, v1;
	_ =	sdelay $0x2  }
0x5a4: {  	v1, _, _ =	vpop (xrf0)  }
0x5a5: {  	(v2sf) =	vpush v1, $0xF;
	_ =	sdelay $0x1  }
0x5a6: {  	v1, _, _ =	vpop (xrf0)  }
0x5a7: {  	(v2sf) =	vpush v1, $0xF;
	_ =	sdelay $0xb  }
0x5a8: {  	s15 =	spop (v2sf)  }
0x5a9: {  	p0 =	sgt.f32 s15, $0.0e+00;
	_ =	sdelay $0x1  }
0x5aa: {  	s22 =	spop (v2sf);
	(xrf1) =	vsort.dscd.msk.f32 @p0 $0xffff, v7, v7  }
0x5ab: {  	p1 =	sgt.f32 s22, $0.0e+00;
	_ =	sdelay $0x1  }
0x5ac: {  	(xrf1) =	vsort.dscd.msk.f32 @p1 $0xffff, v8, v8;
	_ =	sdelay $0x7  }
0x5ad: {  	v1 =	vlaneseq.u32 @p0  }
0x5ae: {  	v1 =	vmul.u32 @p0 $0xFFFFFFFF, v1;
	_ =	sdelay $0x1  }
0x5af: {  	v6 =	vlaneseq.u32 @p1;
	v1 =	vadd.s32 @p0 $0xF, v1;
	v7, _, _ =	vpop @p0 (xrf1)  }
0x5b0: {  	v6 =	vmul.u32 @p1 $0xFFFFFFFF, v6;
	v1 =	vperm.xlane @p0 v7, v1;
	_ =	sdelay $0x1  }
0x5b1: {  	v6 =	vadd.s32 @p1 $0xF, v6;
	v7, _, _ =	vpop @p1 (xrf1);
	v1 =	vmax.f32 @p0 v2, v1  }
0x5b2: {  	v6 =	vperm.xlane @p1 v7, v6;
	v7 =	vmin.f32 @p0 v3, v1  }
0x5b3: {  	v1 =	vmax.f32 @p0 v3, v1;
	(xrf1) =	vsort.dscd.msk.f32 @p0 $0xffff, v7, v7  }
0x5b4: {  	(xrf1) =	vsort.dscd.msk.f32 @p0 $0xffff, v1, v1  }
0x5b5: {  	v6 =	vmax.f32 @p1 v4, v6  }
0x5b6: {  	v7 =	vmin.f32 @p1 v5, v6  }
0x5b7: {  	v1 =	vmax.f32 @p1 v5, v6;
	(xrf1) =	vsort.dscd.msk.f32 @p1 $0xffff, v7, v7  }
0x5b8: {  	(xrf1) =	vsort.dscd.msk.f32 @p1 $0xffff, v1, v1;
	_ =	sdelay $0x8  }
0x5b9: {  	v1, _, _ =	vpop @p0 (xrf1)  }
0x5ba: {  	s13 =	sadd.s32 $0x1, s13;
	v6, _, _ =	vpop @p0 (xrf1)  }
0x5bb: {  	v1 =	vpsel p0, v1, v2;
	v3 =	vpsel p0, v6, v3;
	p0 =	sne.s32 s13, $0x20  }
.Ltmp21:
0x5bc: {  	s14 =	sand.u32 $0x3FFFFF80, s14;
	(pc) =	sbr.rel @p0 .LBB2_42-.Ltmp21, $4  }
0x5bd: {  	v7, _, _ =	vpop @p1 (xrf1);
	[tilespmem:s14+$0x10430] =	vst v1  }
0x5be: {  	v8, _, _ =	vpop @p1 (xrf1);
	v63 =	vpsel p1, v7, v4;
	[tilespmem:s14+$0x10420] =	vst v3  }
0x5bf: {  	v62 =	vpsel p1, v8, v5;
	[tilespmem:s14+$0x10410] =	vst v63  }
0x5c0: {  	[tilespmem:s14+$0x10400] =	vst v62  }
0x5c1: {  	s12 =	simm.s32 $0x0  }
0x5c2: {  	[hbm4b:s29+s12] =	stream.linear.scatter [tilespmem:s9], [sflag:$0x3], $0x1000, $0x38;
	[tilespmem:$0x11400] =	vst v63  }
0x5c3: {  	_ =	swait.ge [sflag:s7], $0x1000  }
0x5c4: {  	[sflag:s7] =	ssyncset.done $0x0  }
0x5c5: {  	[sflag:s7] =	ssyncadd.s32 $0xFFFFF000  }
0x5c6: {  	_ =	swait.ge [sflag:s10], $0x8000  }
0x5c7: {  	[sflag:s10] =	ssyncset.done $0x0  }
0x5c8: {  	s13 =	rddreg [dreg:$0xf];
	[sflag:s10] =	ssyncadd.s32 $0xFFFF8000  }
0x5c9: {  	[tilespmem:s6], [sflag:$0x1] =	stream.linear.gather [hbm4b:s13+s12], $0x8000, $0x38;
	[tilespmem:$0x11400] =	vst v63  }
0x5ca: {  	s13 =	simm.s32 $0x0  }
.LBB2_46:
0x5cb: {  	s15 =	sshll.u32 s13, $0xA;
	s14 =	sshll.u32 s13, $0x7  }
0x5cc: {  	s15 =	sand.u32 $0x6000, s15;
	s16 =	sand.u32 $0x380, s14  }
0x5cd: {  	s20 =	sand.u32 $0x7000, s12;
	s15 =	sor.u32 s16, s15  }
0x5ce: {  	s16 =	sshrl.u32 s20, $0x2;
	s15 =	sor.u32 $0x8400, s15  }
0x5cf: {  	s18 =	sand.u32 $0x70, s12;
	s16 =	sadd.s32 s16, s15  }
0x5d0: {  	v1 =	vld [tilespmem:s12+$0x0];
	s16 =	sadd.s32 s18, s16  }
0x5d1: {  	v2 =	vld [tilespmem:s16+$0x0];
	_ =	sdelay $0x4  }
0x5d2: {  	v3 =	vmul.f32 v1, v2  }
0x5d3: {  	v1 =	vimm.f32 $-3.000000010e+38  }
0x5d4: {  	v2 =	vsub.f32 v2, v3;
	vm0 =	vgt.f32 v3, v1  }
0x5d5: {  	v4 =	vsel vm0, $0x3F800000, v0  }
0x5d6: {  	vm0 =	vgt.f32 v2, v1;
	(xrf0) =	vmax.scan.msk.f32 $0xffff, v4  }
0x5d7: {  	v4 =	vsel vm0, $0x3F800000, v0  }
0x5d8: {  	(xrf0) =	vmax.scan.msk.f32 $0xffff, v4;
	_ =	sdelay $0x3  }
0x5d9: {  	v4, _, _ =	vpop (xrf0)  }
0x5da: {  	(v2sf) =	vpush v4, $0xF  }
0x5db: {  	v4, _, _ =	vpop (xrf0)  }
0x5dc: {  	(v2sf) =	vpush v4, $0xF;
	_ =	sdelay $0xc  }
0x5dd: {  	s21 =	spop (v2sf)  }
0x5de: {  	p1 =	sgt.f32 s21, $0.0e+00  }
0x5df: {  	s22 =	spop (v2sf)  }
0x5e0: {  	p0 =	sgt.f32 s22, $0.0e+00;
	(xrf1) =	vsort.dscd.msk.f32 @p1 $0xffff, v3, v3;
	_ =	sdelay $0x1  }
0x5e1: {  	(xrf1) =	vsort.dscd.msk.f32 @p0 $0xffff, v2, v2;
	_ =	sdelay $0x8  }
0x5e2: {  	v2 =	vlaneseq.u32 @p1  }
0x5e3: {  	v2 =	vmul.u32 @p1 $0xFFFFFFFF, v2  }
0x5e4: {  	v3 =	vlaneseq.u32 @p0  }
0x5e5: {  	v3 =	vmul.u32 @p0 $0xFFFFFFFF, v3;
	v2 =	vadd.s32 @p1 $0xF, v2;
	v4, _, _ =	vpop @p1 (xrf1)  }
0x5e6: {  	v2 =	vperm.xlane @p1 v4, v2  }
0x5e7: {  	v3 =	vadd.s32 @p0 $0xF, v3;
	v4, _, _ =	vpop @p0 (xrf1)  }
0x5e8: {  	v2 =	vmax.f32 @p1 v1, v2;
	v3 =	vperm.xlane @p0 v4, v3  }
0x5e9: {  	v4 =	vmin.f32 @p1 v1, v2  }
0x5ea: {  	v2 =	vmax.f32 @p1 v1, v2;
	v3 =	vmax.f32 @p0 v1, v3;
	(xrf1) =	vsort.dscd.msk.f32 @p1 $0xffff, v4, v4  }
0x5eb: {  	v4 =	vmin.f32 @p0 v1, v3;
	(xrf1) =	vsort.dscd.msk.f32 @p1 $0xffff, v2, v2  }
0x5ec: {  	v2 =	vmax.f32 @p0 v1, v3;
	(xrf1) =	vsort.dscd.msk.f32 @p0 $0xffff, v4, v4  }
0x5ed: {  	(xrf1) =	vsort.dscd.msk.f32 @p0 $0xffff, v2, v2;
	_ =	sdelay $0x1  }
0x5ee: {  	s16 =	simm.s32 $0x200  }
0x5ef: {  	s19 =	sand.u32 $0x7000, s16  }
0x5f0: {  	s18 =	simm.s32 $0x10;
	s19 =	sshrl.u32 s19, $0x2  }
0x5f1: {  	s20 =	sand.u32 $0x70, s18;
	s19 =	sadd.s32 s19, s15  }
0x5f2: {  	s19 =	sadd.s32 s20, s19  }
0x5f3: {  	v5 =	vld [tilespmem:s19+$0x0]  }
0x5f4: {  	v3 =	vld [tilespmem:s18+$0x0];
	_ =	sdelay $0x2  }
0x5f5: {  	v2 =	vimm.s32 @p1 $0xF;
	v4, _, _ =	vpop @p1 (xrf1)  }
0x5f6: {  	v6 =	vperm.xlane @p1 v4, v2;
	v2 =	vpsel p1, v4, v1;
	v4, _, _ =	vpop @p1 (xrf1)  }
0x5f7: {  	v7 =	vmul.f32 v3, v5;
	v3 =	vpsel p1, v4, v1;
	v4 =	vimm.s32 @p0 $0xF;
	v8, _, _ =	vpop @p0 (xrf1)  }
0x5f8: {  	v6 =	vpsel p1, v6, v1;
	v9 =	vperm.xlane @p0 v8, v4;
	v4 =	vpsel p0, v8, v1;
	v10, _, _ =	vpop @p0 (xrf1)  }
0x5f9: {  	s19 =	simm.s32 $0x20;
	v8 =	vsub.f32 v5, v7;
	vm0 =	vgt.f32 v7, v6;
	v5 =	vpsel p0, v10, v1  }
.LBB2_47:
0x5fa: {  	v10 =	vsel vm0, $0x3F800000, v0;
	v1 =	vpsel p0, v9, v1;
	s20 =	smov.u32 s19;
	s19 =	sadd.s32 $0x10, s19  }
0x5fb: {  	p1 =	sne.s32 s19, $0x400;
	vm0 =	vgt.f32 v8, v1;
	(xrf0) =	vmax.scan.msk.f32 $0xffff, v10  }
0x5fc: {  	v9 =	vsel vm0, $0x3F800000, v0  }
0x5fd: {  	(xrf0) =	vmax.scan.msk.f32 $0xffff, v9;
	_ =	sdelay $0x3  }
0x5fe: {  	v9, _, _ =	vpop (xrf0)  }
0x5ff: {  	(v2sf) =	vpush v9, $0xF  }
0x600: {  	v9, _, _ =	vpop (xrf0)  }
0x601: {  	(v2sf) =	vpush v9, $0xF;
	_ =	sdelay $0xc  }
0x602: {  	s21 =	spop (v2sf)  }
0x603: {  	p2 =	sgt.f32 s21, $0.0e+00  }
0x604: {  	s21 =	spop (v2sf)  }
0x605: {  	v9 =	vlaneseq.u32 @p2;
	p0 =	sgt.f32 s21, $0.0e+00;
	(xrf1) =	vsort.dscd.msk.f32 @p2 $0xffff, v7, v7  }
0x606: {  	v7 =	vmul.u32 @p2 $0xFFFFFFFF, v9  }
0x607: {  	v9 =	vlaneseq.u32 @p0;
	(xrf1) =	vsort.dscd.msk.f32 @p0 $0xffff, v8, v8  }
0x608: {  	v7 =	vadd.s32 @p2 $0xF, v7;
	v8 =	vmul.u32 @p0 $0xFFFFFFFF, v9;
	_ =	sdelay $0x1  }
0x609: {  	v8 =	vadd.s32 @p0 $0xF, v8;
	_ =	sdelay $0x8  }
0x60a: {  	v9, _, _ =	vpop @p2 (xrf1)  }
0x60b: {  	v7 =	vperm.xlane @p2 v9, v7  }
0x60c: {  	v9, _, _ =	vpop @p0 (xrf1)  }
0x60d: {  	v7 =	vmax.f32 @p2 v2, v7;
	v8 =	vperm.xlane @p0 v9, v8  }
0x60e: {  	v9 =	vmax.f32 @p2 v3, v7;
	v7 =	vmin.f32 @p2 v3, v7  }
0x60f: {  	v8 =	vmax.f32 @p0 v4, v8;
	(xrf1) =	vsort.dscd.msk.f32 @p2 $0xffff, v7, v7  }
0x610: {  	v7 =	vmax.f32 @p0 v5, v8;
	v8 =	vmin.f32 @p0 v5, v8;
	(xrf1) =	vsort.dscd.msk.f32 @p2 $0xffff, v9, v9  }
0x611: {  	(xrf1) =	vsort.dscd.msk.f32 @p0 $0xffff, v8, v8  }
0x612: {  	(xrf1) =	vsort.dscd.msk.f32 @p0 $0xffff, v7, v7;
	_ =	sdelay $0x2  }
0x613: {  	s16 =	sadd.s32 $0x200, s16  }
0x614: {  	s21 =	sand.u32 $0x7000, s16  }
0x615: {  	s21 =	sshrl.u32 s21, $0x2  }
0x616: {  	s18 =	sadd.s32 $0x10, s18;
	s20 =	sand.u32 $0x70, s20;
	s21 =	sadd.s32 s21, s15  }
0x617: {  	s20 =	sadd.s32 s20, s21;
	v7 =	vld [tilespmem:s18+$0x0]  }
0x618: {  	v8 =	vld [tilespmem:s20+$0x0];
	_ =	sdelay $0x2  }
.Ltmp22:
0x619: {  	v9 =	vimm.s32 @p2 $0xF;
	v10, _, _ =	vpop @p2 (xrf1);
	(pc) =	sbr.rel @p1 .LBB2_47-.Ltmp22, $4  }
0x61a: {  	v9 =	vperm.xlane @p2 v10, v9;
	v2 =	vpsel p2, v10, v2;
	v10, _, _ =	vpop @p2 (xrf1)  }
0x61b: {  	v12 =	vimm.s32 @p0 $0xF;
	v7 =	vmul.f32 v7, v8;
	v3 =	vpsel p2, v10, v3;
	v11, _, _ =	vpop @p0 (xrf1)  }
0x61c: {  	v6 =	vpsel p2, v9, v6;
	v9 =	vperm.xlane @p0 v11, v12;
	v4 =	vpsel p0, v11, v4;
	v10, _, _ =	vpop @p0 (xrf1)  }
0x61d: {  	v8 =	vsub.f32 v8, v7;
	vm0 =	vgt.f32 v7, v6;
	v5 =	vpsel p0, v10, v5  }
0x61e: {  	v6 =	vsel vm0, $0x3F800000, v0  }
0x61f: {  	v1 =	vpsel p0, v9, v1;
	(xrf0) =	vmax.scan.msk.f32 $0xffff, v6  }
0x620: {  	vm15 =	vgt.f32 v8, v1  }
0x621: {  	v1 =	vsel vm15, $0x3F800000, v0  }
0x622: {  	(xrf0) =	vmax.scan.msk.f32 $0xffff, v1;
	_ =	sdelay $0x2  }
0x623: {  	v1, _, _ =	vpop (xrf0)  }
0x624: {  	(v2sf) =	vpush v1, $0xF;
	_ =	sdelay $0x1  }
0x625: {  	v1, _, _ =	vpop (xrf0)  }
0x626: {  	(v2sf) =	vpush v1, $0xF;
	_ =	sdelay $0xb  }
0x627: {  	s15 =	spop (v2sf)  }
0x628: {  	p0 =	sgt.f32 s15, $0.0e+00;
	_ =	sdelay $0x1  }
0x629: {  	s22 =	spop (v2sf);
	(xrf1) =	vsort.dscd.msk.f32 @p0 $0xffff, v7, v7  }
0x62a: {  	p1 =	sgt.f32 s22, $0.0e+00;
	_ =	sdelay $0x1  }
0x62b: {  	(xrf1) =	vsort.dscd.msk.f32 @p1 $0xffff, v8, v8;
	_ =	sdelay $0x7  }
0x62c: {  	v1 =	vlaneseq.u32 @p0  }
0x62d: {  	v1 =	vmul.u32 @p0 $0xFFFFFFFF, v1;
	_ =	sdelay $0x1  }
0x62e: {  	v6 =	vlaneseq.u32 @p1;
	v1 =	vadd.s32 @p0 $0xF, v1;
	v7, _, _ =	vpop @p0 (xrf1)  }
0x62f: {  	v6 =	vmul.u32 @p1 $0xFFFFFFFF, v6;
	v1 =	vperm.xlane @p0 v7, v1;
	_ =	sdelay $0x1  }
0x630: {  	v6 =	vadd.s32 @p1 $0xF, v6;
	v7, _, _ =	vpop @p1 (xrf1);
	v1 =	vmax.f32 @p0 v2, v1  }
0x631: {  	v6 =	vperm.xlane @p1 v7, v6;
	v7 =	vmin.f32 @p0 v3, v1  }
0x632: {  	v1 =	vmax.f32 @p0 v3, v1;
	(xrf1) =	vsort.dscd.msk.f32 @p0 $0xffff, v7, v7  }
0x633: {  	(xrf1) =	vsort.dscd.msk.f32 @p0 $0xffff, v1, v1  }
0x634: {  	v6 =	vmax.f32 @p1 v4, v6  }
0x635: {  	v7 =	vmin.f32 @p1 v5, v6  }
0x636: {  	v1 =	vmax.f32 @p1 v5, v6;
	(xrf1) =	vsort.dscd.msk.f32 @p1 $0xffff, v7, v7  }
0x637: {  	(xrf1) =	vsort.dscd.msk.f32 @p1 $0xffff, v1, v1;
	_ =	sdelay $0x8  }
0x638: {  	v1, _, _ =	vpop @p0 (xrf1)  }
0x639: {  	s13 =	sadd.s32 $0x1, s13;
	v6, _, _ =	vpop @p0 (xrf1)  }
0x63a: {  	v1 =	vpsel p0, v1, v2;
	v3 =	vpsel p0, v6, v3;
	p0 =	sne.s32 s13, $0x20  }
.Ltmp23:
0x63b: {  	s14 =	sand.u32 $0x3FFFFF80, s14;
	(pc) =	sbr.rel @p0 .LBB2_46-.Ltmp23, $4  }
0x63c: {  	v7, _, _ =	vpop @p1 (xrf1);
	[tilespmem:s14+$0x10430] =	vst v1  }
0x63d: {  	v8, _, _ =	vpop @p1 (xrf1);
	v63 =	vpsel p1, v7, v4;
	[tilespmem:s14+$0x10420] =	vst v3  }
0x63e: {  	v62 =	vpsel p1, v8, v5;
	[tilespmem:s14+$0x10410] =	vst v63  }
0x63f: {  	[tilespmem:s14+$0x10400] =	vst v62  }
0x640: {  	s12 =	simm.s32 $0x0  }
0x641: {  	[hbm4b:s30+s12] =	stream.linear.scatter [tilespmem:s9], [sflag:$0x3], $0x1000, $0x38;
	[tilespmem:$0x11400] =	vst v63  }
0x642: {  	_ =	swait.ge [sflag:s7], $0x1000  }
0x643: {  	[sflag:s7] =	ssyncset.done $0x0  }
0x644: {  	[sflag:s7] =	ssyncadd.s32 $0xFFFFF000  }
0x645: {  	_ =	swait.ge [sflag:s5], $0x8000  }
0x646: {  	[sflag:s5] =	ssyncset.done $0x0  }
0x647: {  	s13 =	rddreg [dreg:$0x10];
	[sflag:s5] =	ssyncadd.s32 $0xFFFF8000  }
0x648: {  	[tilespmem:s8], [sflag:$0x2] =	stream.linear.gather [hbm4b:s13+s12], $0x8000, $0x38;
	[tilespmem:$0x11400] =	vst v63  }
0x649: {  	s13 =	simm.s32 $0x0  }
.LBB2_50:
0x64a: {  	s15 =	sand.u32 $0x18, s13  }
0x64b: {  	s14 =	sshll.u32 s13, $0x7;
	s16 =	sadd.s32 $0x0, s15  }
0x64c: {  	s18 =	sand.u32 $0x380, s14;
	s19 =	sshll.u32 s16, $0xA  }
0x64d: {  	s16 =	sor.u32 $0x400, s18;
	s21 =	sand.u32 $0x3FFFFC00, s19  }
0x64e: {  	s22 =	sand.u32 $0x70, s12;
	s18 =	sadd.s32 s21, s16  }
0x64f: {  	v1 =	vld [tilespmem:s12+$0x0];
	s18 =	sadd.s32 s22, s18  }
0x650: {  	v2 =	vld [tilespmem:s18+$0x0];
	_ =	sdelay $0x4  }
0x651: {  	v3 =	vmul.f32 v1, v2  }
0x652: {  	v1 =	vimm.f32 $-3.000000010e+38  }
0x653: {  	v2 =	vsub.f32 v2, v3;
	vm0 =	vgt.f32 v3, v1  }
0x654: {  	v4 =	vsel vm0, $0x3F800000, v0  }
0x655: {  	vm0 =	vgt.f32 v2, v1;
	(xrf0) =	vmax.scan.msk.f32 $0xffff, v4  }
0x656: {  	v4 =	vsel vm0, $0x3F800000, v0  }
0x657: {  	(xrf0) =	vmax.scan.msk.f32 $0xffff, v4;
	_ =	sdelay $0x3  }
0x658: {  	v4, _, _ =	vpop (xrf0)  }
0x659: {  	(v2sf) =	vpush v4, $0xF  }
0x65a: {  	v4, _, _ =	vpop (xrf0)  }
0x65b: {  	(v2sf) =	vpush v4, $0xF;
	_ =	sdelay $0xc  }
0x65c: {  	s19 =	spop (v2sf)  }
0x65d: {  	p1 =	sgt.f32 s19, $0.0e+00  }
0x65e: {  	s20 =	spop (v2sf)  }
0x65f: {  	p0 =	sgt.f32 s20, $0.0e+00;
	(xrf1) =	vsort.dscd.msk.f32 @p1 $0xffff, v3, v3;
	_ =	sdelay $0x1  }
0x660: {  	(xrf1) =	vsort.dscd.msk.f32 @p0 $0xffff, v2, v2;
	_ =	sdelay $0x8  }
0x661: {  	v2 =	vlaneseq.u32 @p1  }
0x662: {  	v2 =	vmul.u32 @p1 $0xFFFFFFFF, v2  }
0x663: {  	v3 =	vlaneseq.u32 @p0  }
0x664: {  	v3 =	vmul.u32 @p0 $0xFFFFFFFF, v3;
	v2 =	vadd.s32 @p1 $0xF, v2;
	v4, _, _ =	vpop @p1 (xrf1)  }
0x665: {  	v2 =	vperm.xlane @p1 v4, v2  }
0x666: {  	v3 =	vadd.s32 @p0 $0xF, v3;
	v4, _, _ =	vpop @p0 (xrf1)  }
0x667: {  	v2 =	vmax.f32 @p1 v1, v2;
	v3 =	vperm.xlane @p0 v4, v3  }
0x668: {  	v4 =	vmin.f32 @p1 v1, v2  }
0x669: {  	v2 =	vmax.f32 @p1 v1, v2;
	v3 =	vmax.f32 @p0 v1, v3;
	(xrf1) =	vsort.dscd.msk.f32 @p1 $0xffff, v4, v4  }
0x66a: {  	v4 =	vmin.f32 @p0 v1, v3;
	(xrf1) =	vsort.dscd.msk.f32 @p1 $0xffff, v2, v2  }
0x66b: {  	v2 =	vmax.f32 @p0 v1, v3;
	(xrf1) =	vsort.dscd.msk.f32 @p0 $0xffff, v4, v4  }
0x66c: {  	(xrf1) =	vsort.dscd.msk.f32 @p0 $0xffff, v2, v2;
	_ =	sdelay $0x1  }
0x66d: {  	s21 =	sadd.s32 $0x0, s15  }
0x66e: {  	s18 =	sshll.u32 s21, $0xA  }
0x66f: {  	s22 =	sand.u32 $0x3FFFFC00, s18;
	s18 =	simm.s32 $0x10  }
0x670: {  	s19 =	sadd.s32 s22, s16;
	s20 =	sand.u32 $0x70, s18  }
0x671: {  	s19 =	sadd.s32 s20, s19  }
0x672: {  	v5 =	vld [tilespmem:s19+$0x0]  }
0x673: {  	v3 =	vld [tilespmem:s18+$0x0];
	_ =	sdelay $0x2  }
0x674: {  	v2 =	vimm.s32 @p1 $0xF;
	v4, _, _ =	vpop @p1 (xrf1)  }
0x675: {  	v6 =	vperm.xlane @p1 v4, v2;
	v2 =	vpsel p1, v4, v1;
	v4, _, _ =	vpop @p1 (xrf1)  }
0x676: {  	v7 =	vmul.f32 v3, v5;
	v3 =	vpsel p1, v4, v1;
	v4 =	vimm.s32 @p0 $0xF;
	v8, _, _ =	vpop @p0 (xrf1)  }
0x677: {  	v6 =	vpsel p1, v6, v1;
	v9 =	vperm.xlane @p0 v8, v4;
	v4 =	vpsel p0, v8, v1;
	v10, _, _ =	vpop @p0 (xrf1)  }
0x678: {  	s20 =	simm.s32 $0x10;
	s19 =	simm.s32 $0x2;
	v8 =	vsub.f32 v5, v7;
	vm0 =	vgt.f32 v7, v6;
	v5 =	vpsel p0, v10, v1  }
.LBB2_51:
0x679: {  	v10 =	vsel vm0, $0x3F800000, v0;
	v1 =	vpsel p0, v9, v1;
	s21 =	smov.u32 s19;
	s19 =	sadd.s32 $0x1, s19  }
0x67a: {  	p1 =	sne.s32 s19, $0x40;
	vm0 =	vgt.f32 v8, v1;
	(xrf0) =	vmax.scan.msk.f32 $0xffff, v10  }
0x67b: {  	v9 =	vsel vm0, $0x3F800000, v0  }
0x67c: {  	(xrf0) =	vmax.scan.msk.f32 $0xffff, v9;
	_ =	sdelay $0x3  }
0x67d: {  	v9, _, _ =	vpop (xrf0)  }
0x67e: {  	(v2sf) =	vpush v9, $0xF  }
0x67f: {  	v9, _, _ =	vpop (xrf0)  }
0x680: {  	(v2sf) =	vpush v9, $0xF;
	_ =	sdelay $0xc  }
0x681: {  	s22 =	spop (v2sf)  }
0x682: {  	p2 =	sgt.f32 s22, $0.0e+00  }
0x683: {  	s22 =	spop (v2sf)  }
0x684: {  	v9 =	vlaneseq.u32 @p2;
	p0 =	sgt.f32 s22, $0.0e+00;
	(xrf1) =	vsort.dscd.msk.f32 @p2 $0xffff, v7, v7  }
0x685: {  	v7 =	vmul.u32 @p2 $0xFFFFFFFF, v9  }
0x686: {  	v9 =	vlaneseq.u32 @p0;
	(xrf1) =	vsort.dscd.msk.f32 @p0 $0xffff, v8, v8  }
0x687: {  	v7 =	vadd.s32 @p2 $0xF, v7;
	v8 =	vmul.u32 @p0 $0xFFFFFFFF, v9;
	_ =	sdelay $0x1  }
0x688: {  	v8 =	vadd.s32 @p0 $0xF, v8;
	_ =	sdelay $0x8  }
0x689: {  	v9, _, _ =	vpop @p2 (xrf1)  }
0x68a: {  	v7 =	vperm.xlane @p2 v9, v7  }
0x68b: {  	v9, _, _ =	vpop @p0 (xrf1)  }
0x68c: {  	v7 =	vmax.f32 @p2 v2, v7;
	v8 =	vperm.xlane @p0 v9, v8  }
0x68d: {  	v9 =	vmax.f32 @p2 v3, v7;
	v7 =	vmin.f32 @p2 v3, v7  }
0x68e: {  	v8 =	vmax.f32 @p0 v4, v8;
	(xrf1) =	vsort.dscd.msk.f32 @p2 $0xffff, v7, v7  }
0x68f: {  	v7 =	vmax.f32 @p0 v5, v8;
	v8 =	vmin.f32 @p0 v5, v8;
	(xrf1) =	vsort.dscd.msk.f32 @p2 $0xffff, v9, v9  }
0x690: {  	(xrf1) =	vsort.dscd.msk.f32 @p0 $0xffff, v8, v8  }
0x691: {  	(xrf1) =	vsort.dscd.msk.f32 @p0 $0xffff, v7, v7;
	_ =	sdelay $0x1  }
0x692: {  	s21 =	sshrl.u32 s21, $0x3  }
0x693: {  	s21 =	sadd.s32 s15, s21  }
0x694: {  	s21 =	sshll.u32 s21, $0xA  }
0x695: {  	s18 =	sadd.s32 $0x10, s18;
	s21 =	sand.u32 $0x3FFFFC00, s21  }
0x696: {  	s20 =	sadd.s32 $0x10, s20;
	s21 =	sadd.s32 s21, s16;
	s22 =	sand.u32 $0x70, s18  }
0x697: {  	s21 =	sadd.s32 s22, s21;
	v7 =	vld [tilespmem:s20+$0x0]  }
0x698: {  	v8 =	vld [tilespmem:s21+$0x0];
	_ =	sdelay $0x2  }
.Ltmp24:
0x699: {  	v9 =	vimm.s32 @p2 $0xF;
	v10, _, _ =	vpop @p2 (xrf1);
	(pc) =	sbr.rel @p1 .LBB2_51-.Ltmp24, $4  }
0x69a: {  	v9 =	vperm.xlane @p2 v10, v9;
	v2 =	vpsel p2, v10, v2;
	v10, _, _ =	vpop @p2 (xrf1)  }
0x69b: {  	v12 =	vimm.s32 @p0 $0xF;
	v7 =	vmul.f32 v7, v8;
	v3 =	vpsel p2, v10, v3;
	v11, _, _ =	vpop @p0 (xrf1)  }
0x69c: {  	v6 =	vpsel p2, v9, v6;
	v9 =	vperm.xlane @p0 v11, v12;
	v4 =	vpsel p0, v11, v4;
	v10, _, _ =	vpop @p0 (xrf1)  }
0x69d: {  	v8 =	vsub.f32 v8, v7;
	vm0 =	vgt.f32 v7, v6;
	v5 =	vpsel p0, v10, v5  }
0x69e: {  	v6 =	vsel vm0, $0x3F800000, v0  }
0x69f: {  	v1 =	vpsel p0, v9, v1;
	(xrf0) =	vmax.scan.msk.f32 $0xffff, v6  }
0x6a0: {  	vm15 =	vgt.f32 v8, v1  }
0x6a1: {  	v1 =	vsel vm15, $0x3F800000, v0  }
0x6a2: {  	(xrf0) =	vmax.scan.msk.f32 $0xffff, v1;
	_ =	sdelay $0x2  }
0x6a3: {  	v1, _, _ =	vpop (xrf0)  }
0x6a4: {  	(v2sf) =	vpush v1, $0xF;
	_ =	sdelay $0x1  }
0x6a5: {  	v1, _, _ =	vpop (xrf0)  }
0x6a6: {  	(v2sf) =	vpush v1, $0xF;
	_ =	sdelay $0xb  }
0x6a7: {  	s15 =	spop (v2sf)  }
0x6a8: {  	p0 =	sgt.f32 s15, $0.0e+00;
	_ =	sdelay $0x1  }
0x6a9: {  	s22 =	spop (v2sf);
	(xrf1) =	vsort.dscd.msk.f32 @p0 $0xffff, v7, v7  }
0x6aa: {  	p1 =	sgt.f32 s22, $0.0e+00;
	_ =	sdelay $0x1  }
0x6ab: {  	(xrf1) =	vsort.dscd.msk.f32 @p1 $0xffff, v8, v8;
	_ =	sdelay $0x7  }
0x6ac: {  	v1 =	vlaneseq.u32 @p0  }
0x6ad: {  	v1 =	vmul.u32 @p0 $0xFFFFFFFF, v1;
	_ =	sdelay $0x1  }
0x6ae: {  	v6 =	vlaneseq.u32 @p1;
	v1 =	vadd.s32 @p0 $0xF, v1;
	v7, _, _ =	vpop @p0 (xrf1)  }
0x6af: {  	v6 =	vmul.u32 @p1 $0xFFFFFFFF, v6;
	v1 =	vperm.xlane @p0 v7, v1;
	_ =	sdelay $0x1  }
0x6b0: {  	v6 =	vadd.s32 @p1 $0xF, v6;
	v7, _, _ =	vpop @p1 (xrf1);
	v1 =	vmax.f32 @p0 v2, v1  }
0x6b1: {  	v6 =	vperm.xlane @p1 v7, v6;
	v7 =	vmin.f32 @p0 v3, v1  }
0x6b2: {  	v1 =	vmax.f32 @p0 v3, v1;
	(xrf1) =	vsort.dscd.msk.f32 @p0 $0xffff, v7, v7  }
0x6b3: {  	(xrf1) =	vsort.dscd.msk.f32 @p0 $0xffff, v1, v1  }
0x6b4: {  	v6 =	vmax.f32 @p1 v4, v6  }
0x6b5: {  	v7 =	vmin.f32 @p1 v5, v6  }
0x6b6: {  	v1 =	vmax.f32 @p1 v5, v6;
	(xrf1) =	vsort.dscd.msk.f32 @p1 $0xffff, v7, v7  }
0x6b7: {  	(xrf1) =	vsort.dscd.msk.f32 @p1 $0xffff, v1, v1;
	_ =	sdelay $0x8  }
0x6b8: {  	v1, _, _ =	vpop @p0 (xrf1)  }
0x6b9: {  	s13 =	sadd.s32 $0x1, s13;
	v6, _, _ =	vpop @p0 (xrf1)  }
0x6ba: {  	v1 =	vpsel p0, v1, v2;
	v3 =	vpsel p0, v6, v3;
	p0 =	sne.s32 s13, $0x20  }
.Ltmp25:
0x6bb: {  	s14 =	sand.u32 $0x3FFFFF80, s14;
	(pc) =	sbr.rel @p0 .LBB2_50-.Ltmp25, $4  }
0x6bc: {  	v7, _, _ =	vpop @p1 (xrf1);
	[tilespmem:s14+$0x10430] =	vst v1  }
0x6bd: {  	v8, _, _ =	vpop @p1 (xrf1);
	v63 =	vpsel p1, v7, v4;
	[tilespmem:s14+$0x10420] =	vst v3  }
0x6be: {  	v62 =	vpsel p1, v8, v5;
	[tilespmem:s14+$0x10410] =	vst v63  }
0x6bf: {  	[tilespmem:s14+$0x10400] =	vst v62  }
0x6c0: {  	s12 =	simm.s32 $0x0  }
0x6c1: {  	[hbm4b:s31+s12] =	stream.linear.scatter [tilespmem:s9], [sflag:$0x3], $0x1000, $0x38;
	[tilespmem:$0x11400] =	vst v63  }
0x6c2: {  	_ =	swait.ge [sflag:s7], $0x1000  }
0x6c3: {  	[sflag:s7] =	ssyncset.done $0x0  }
0x6c4: {  	[sflag:s7] =	ssyncadd.s32 $0xFFFFF000  }
0x6c5: {  	_ =	swait.ge [sflag:s10], $0x8000  }
0x6c6: {  	[sflag:s10] =	ssyncset.done $0x0  }
0x6c7: {  	s13 =	rddreg [dreg:$0x11];
	[sflag:s10] =	ssyncadd.s32 $0xFFFF8000  }
0x6c8: {  	[tilespmem:s6], [sflag:$0x1] =	stream.linear.gather [hbm4b:s13+s12], $0x8000, $0x38;
	[tilespmem:$0x11400] =	vst v63  }
0x6c9: {  	s13 =	simm.s32 $0x0  }
.LBB2_54:
0x6ca: {  	s15 =	sshll.u32 s13, $0xA;
	s14 =	sshll.u32 s13, $0x7  }
0x6cb: {  	s15 =	sand.u32 $0x6000, s15;
	s16 =	sand.u32 $0x380, s14  }
0x6cc: {  	s20 =	sand.u32 $0x7000, s12;
	s15 =	sor.u32 s16, s15  }
0x6cd: {  	s16 =	sshrl.u32 s20, $0x2;
	s15 =	sor.u32 $0x8400, s15  }
0x6ce: {  	s18 =	sand.u32 $0x70, s12;
	s16 =	sadd.s32 s16, s15  }
0x6cf: {  	v1 =	vld [tilespmem:s12+$0x0];
	s16 =	sadd.s32 s18, s16  }
0x6d0: {  	v2 =	vld [tilespmem:s16+$0x0];
	_ =	sdelay $0x4  }
0x6d1: {  	v3 =	vmul.f32 v1, v2  }
0x6d2: {  	v1 =	vimm.f32 $-3.000000010e+38  }
0x6d3: {  	v2 =	vsub.f32 v2, v3;
	vm0 =	vgt.f32 v3, v1  }
0x6d4: {  	v4 =	vsel vm0, $0x3F800000, v0  }
0x6d5: {  	vm0 =	vgt.f32 v2, v1;
	(xrf0) =	vmax.scan.msk.f32 $0xffff, v4  }
0x6d6: {  	v4 =	vsel vm0, $0x3F800000, v0  }
0x6d7: {  	(xrf0) =	vmax.scan.msk.f32 $0xffff, v4;
	_ =	sdelay $0x3  }
0x6d8: {  	v4, _, _ =	vpop (xrf0)  }
0x6d9: {  	(v2sf) =	vpush v4, $0xF  }
0x6da: {  	v4, _, _ =	vpop (xrf0)  }
0x6db: {  	(v2sf) =	vpush v4, $0xF;
	_ =	sdelay $0xc  }
0x6dc: {  	s21 =	spop (v2sf)  }
0x6dd: {  	p1 =	sgt.f32 s21, $0.0e+00  }
0x6de: {  	s22 =	spop (v2sf)  }
0x6df: {  	p0 =	sgt.f32 s22, $0.0e+00;
	(xrf1) =	vsort.dscd.msk.f32 @p1 $0xffff, v3, v3;
	_ =	sdelay $0x1  }
0x6e0: {  	(xrf1) =	vsort.dscd.msk.f32 @p0 $0xffff, v2, v2;
	_ =	sdelay $0x8  }
0x6e1: {  	v2 =	vlaneseq.u32 @p1  }
0x6e2: {  	v2 =	vmul.u32 @p1 $0xFFFFFFFF, v2  }
0x6e3: {  	v3 =	vlaneseq.u32 @p0  }
0x6e4: {  	v3 =	vmul.u32 @p0 $0xFFFFFFFF, v3;
	v2 =	vadd.s32 @p1 $0xF, v2;
	v4, _, _ =	vpop @p1 (xrf1)  }
0x6e5: {  	v2 =	vperm.xlane @p1 v4, v2  }
0x6e6: {  	v3 =	vadd.s32 @p0 $0xF, v3;
	v4, _, _ =	vpop @p0 (xrf1)  }
0x6e7: {  	v2 =	vmax.f32 @p1 v1, v2;
	v3 =	vperm.xlane @p0 v4, v3  }
0x6e8: {  	v4 =	vmin.f32 @p1 v1, v2  }
0x6e9: {  	v2 =	vmax.f32 @p1 v1, v2;
	v3 =	vmax.f32 @p0 v1, v3;
	(xrf1) =	vsort.dscd.msk.f32 @p1 $0xffff, v4, v4  }
0x6ea: {  	v4 =	vmin.f32 @p0 v1, v3;
	(xrf1) =	vsort.dscd.msk.f32 @p1 $0xffff, v2, v2  }
0x6eb: {  	v2 =	vmax.f32 @p0 v1, v3;
	(xrf1) =	vsort.dscd.msk.f32 @p0 $0xffff, v4, v4  }
0x6ec: {  	(xrf1) =	vsort.dscd.msk.f32 @p0 $0xffff, v2, v2;
	_ =	sdelay $0x1  }
0x6ed: {  	s16 =	simm.s32 $0x200  }
0x6ee: {  	s19 =	sand.u32 $0x7000, s16  }
0x6ef: {  	s18 =	simm.s32 $0x10;
	s19 =	sshrl.u32 s19, $0x2  }
0x6f0: {  	s20 =	sand.u32 $0x70, s18;
	s19 =	sadd.s32 s19, s15  }
0x6f1: {  	s19 =	sadd.s32 s20, s19  }
0x6f2: {  	v5 =	vld [tilespmem:s19+$0x0]  }
0x6f3: {  	v3 =	vld [tilespmem:s18+$0x0];
	_ =	sdelay $0x2  }
0x6f4: {  	v2 =	vimm.s32 @p1 $0xF;
	v4, _, _ =	vpop @p1 (xrf1)  }
0x6f5: {  	v6 =	vperm.xlane @p1 v4, v2;
	v2 =	vpsel p1, v4, v1;
	v4, _, _ =	vpop @p1 (xrf1)  }
0x6f6: {  	v7 =	vmul.f32 v3, v5;
	v3 =	vpsel p1, v4, v1;
	v4 =	vimm.s32 @p0 $0xF;
	v8, _, _ =	vpop @p0 (xrf1)  }
0x6f7: {  	v6 =	vpsel p1, v6, v1;
	v9 =	vperm.xlane @p0 v8, v4;
	v4 =	vpsel p0, v8, v1;
	v10, _, _ =	vpop @p0 (xrf1)  }
0x6f8: {  	s19 =	simm.s32 $0x20;
	v8 =	vsub.f32 v5, v7;
	vm0 =	vgt.f32 v7, v6;
	v5 =	vpsel p0, v10, v1  }
.LBB2_55:
0x6f9: {  	v10 =	vsel vm0, $0x3F800000, v0;
	v1 =	vpsel p0, v9, v1;
	s20 =	smov.u32 s19;
	s19 =	sadd.s32 $0x10, s19  }
0x6fa: {  	p1 =	sne.s32 s19, $0x400;
	vm0 =	vgt.f32 v8, v1;
	(xrf0) =	vmax.scan.msk.f32 $0xffff, v10  }
0x6fb: {  	v9 =	vsel vm0, $0x3F800000, v0  }
0x6fc: {  	(xrf0) =	vmax.scan.msk.f32 $0xffff, v9;
	_ =	sdelay $0x3  }
0x6fd: {  	v9, _, _ =	vpop (xrf0)  }
0x6fe: {  	(v2sf) =	vpush v9, $0xF  }
0x6ff: {  	v9, _, _ =	vpop (xrf0)  }
0x700: {  	(v2sf) =	vpush v9, $0xF;
	_ =	sdelay $0xc  }
0x701: {  	s21 =	spop (v2sf)  }
0x702: {  	p2 =	sgt.f32 s21, $0.0e+00  }
0x703: {  	s21 =	spop (v2sf)  }
0x704: {  	v9 =	vlaneseq.u32 @p2;
	p0 =	sgt.f32 s21, $0.0e+00;
	(xrf1) =	vsort.dscd.msk.f32 @p2 $0xffff, v7, v7  }
0x705: {  	v7 =	vmul.u32 @p2 $0xFFFFFFFF, v9  }
0x706: {  	v9 =	vlaneseq.u32 @p0;
	(xrf1) =	vsort.dscd.msk.f32 @p0 $0xffff, v8, v8  }
0x707: {  	v7 =	vadd.s32 @p2 $0xF, v7;
	v8 =	vmul.u32 @p0 $0xFFFFFFFF, v9;
	_ =	sdelay $0x1  }
0x708: {  	v8 =	vadd.s32 @p0 $0xF, v8;
	_ =	sdelay $0x8  }
0x709: {  	v9, _, _ =	vpop @p2 (xrf1)  }
0x70a: {  	v7 =	vperm.xlane @p2 v9, v7  }
0x70b: {  	v9, _, _ =	vpop @p0 (xrf1)  }
0x70c: {  	v7 =	vmax.f32 @p2 v2, v7;
	v8 =	vperm.xlane @p0 v9, v8  }
0x70d: {  	v9 =	vmax.f32 @p2 v3, v7;
	v7 =	vmin.f32 @p2 v3, v7  }
0x70e: {  	v8 =	vmax.f32 @p0 v4, v8;
	(xrf1) =	vsort.dscd.msk.f32 @p2 $0xffff, v7, v7  }
0x70f: {  	v7 =	vmax.f32 @p0 v5, v8;
	v8 =	vmin.f32 @p0 v5, v8;
	(xrf1) =	vsort.dscd.msk.f32 @p2 $0xffff, v9, v9  }
0x710: {  	(xrf1) =	vsort.dscd.msk.f32 @p0 $0xffff, v8, v8  }
0x711: {  	(xrf1) =	vsort.dscd.msk.f32 @p0 $0xffff, v7, v7;
	_ =	sdelay $0x2  }
0x712: {  	s16 =	sadd.s32 $0x200, s16  }
0x713: {  	s21 =	sand.u32 $0x7000, s16  }
0x714: {  	s21 =	sshrl.u32 s21, $0x2  }
0x715: {  	s18 =	sadd.s32 $0x10, s18;
	s20 =	sand.u32 $0x70, s20;
	s21 =	sadd.s32 s21, s15  }
0x716: {  	s20 =	sadd.s32 s20, s21;
	v7 =	vld [tilespmem:s18+$0x0]  }
0x717: {  	v8 =	vld [tilespmem:s20+$0x0];
	_ =	sdelay $0x2  }
.Ltmp26:
0x718: {  	v9 =	vimm.s32 @p2 $0xF;
	v10, _, _ =	vpop @p2 (xrf1);
	(pc) =	sbr.rel @p1 .LBB2_55-.Ltmp26, $4  }
0x719: {  	v9 =	vperm.xlane @p2 v10, v9;
	v2 =	vpsel p2, v10, v2;
	v10, _, _ =	vpop @p2 (xrf1)  }
0x71a: {  	v12 =	vimm.s32 @p0 $0xF;
	v7 =	vmul.f32 v7, v8;
	v3 =	vpsel p2, v10, v3;
	v11, _, _ =	vpop @p0 (xrf1)  }
0x71b: {  	v6 =	vpsel p2, v9, v6;
	v9 =	vperm.xlane @p0 v11, v12;
	v4 =	vpsel p0, v11, v4;
	v10, _, _ =	vpop @p0 (xrf1)  }
0x71c: {  	v8 =	vsub.f32 v8, v7;
	vm0 =	vgt.f32 v7, v6;
	v5 =	vpsel p0, v10, v5  }
0x71d: {  	v6 =	vsel vm0, $0x3F800000, v0  }
0x71e: {  	v1 =	vpsel p0, v9, v1;
	(xrf0) =	vmax.scan.msk.f32 $0xffff, v6  }
0x71f: {  	vm15 =	vgt.f32 v8, v1  }
0x720: {  	v1 =	vsel vm15, $0x3F800000, v0  }
0x721: {  	(xrf0) =	vmax.scan.msk.f32 $0xffff, v1;
	_ =	sdelay $0x2  }
0x722: {  	v1, _, _ =	vpop (xrf0)  }
0x723: {  	(v2sf) =	vpush v1, $0xF;
	_ =	sdelay $0x1  }
0x724: {  	v1, _, _ =	vpop (xrf0)  }
0x725: {  	(v2sf) =	vpush v1, $0xF;
	_ =	sdelay $0xb  }
0x726: {  	s15 =	spop (v2sf)  }
0x727: {  	p0 =	sgt.f32 s15, $0.0e+00;
	_ =	sdelay $0x1  }
0x728: {  	s22 =	spop (v2sf);
	(xrf1) =	vsort.dscd.msk.f32 @p0 $0xffff, v7, v7  }
0x729: {  	p1 =	sgt.f32 s22, $0.0e+00;
	_ =	sdelay $0x1  }
0x72a: {  	(xrf1) =	vsort.dscd.msk.f32 @p1 $0xffff, v8, v8;
	_ =	sdelay $0x7  }
0x72b: {  	v1 =	vlaneseq.u32 @p0  }
0x72c: {  	v1 =	vmul.u32 @p0 $0xFFFFFFFF, v1;
	_ =	sdelay $0x1  }
0x72d: {  	v6 =	vlaneseq.u32 @p1;
	v1 =	vadd.s32 @p0 $0xF, v1;
	v7, _, _ =	vpop @p0 (xrf1)  }
0x72e: {  	v6 =	vmul.u32 @p1 $0xFFFFFFFF, v6;
	v1 =	vperm.xlane @p0 v7, v1;
	_ =	sdelay $0x1  }
0x72f: {  	v6 =	vadd.s32 @p1 $0xF, v6;
	v7, _, _ =	vpop @p1 (xrf1);
	v1 =	vmax.f32 @p0 v2, v1  }
0x730: {  	v6 =	vperm.xlane @p1 v7, v6;
	v7 =	vmin.f32 @p0 v3, v1  }
0x731: {  	v1 =	vmax.f32 @p0 v3, v1;
	(xrf1) =	vsort.dscd.msk.f32 @p0 $0xffff, v7, v7  }
0x732: {  	(xrf1) =	vsort.dscd.msk.f32 @p0 $0xffff, v1, v1  }
0x733: {  	v6 =	vmax.f32 @p1 v4, v6  }
0x734: {  	v7 =	vmin.f32 @p1 v5, v6  }
0x735: {  	v1 =	vmax.f32 @p1 v5, v6;
	(xrf1) =	vsort.dscd.msk.f32 @p1 $0xffff, v7, v7  }
0x736: {  	(xrf1) =	vsort.dscd.msk.f32 @p1 $0xffff, v1, v1;
	_ =	sdelay $0x8  }
0x737: {  	v1, _, _ =	vpop @p0 (xrf1)  }
0x738: {  	s13 =	sadd.s32 $0x1, s13;
	v6, _, _ =	vpop @p0 (xrf1)  }
0x739: {  	v1 =	vpsel p0, v1, v2;
	v3 =	vpsel p0, v6, v3;
	p0 =	sne.s32 s13, $0x20  }
.Ltmp27:
0x73a: {  	s14 =	sand.u32 $0x3FFFFF80, s14;
	(pc) =	sbr.rel @p0 .LBB2_54-.Ltmp27, $4  }
0x73b: {  	v7, _, _ =	vpop @p1 (xrf1);
	[tilespmem:s14+$0x10430] =	vst v1  }
0x73c: {  	v8, _, _ =	vpop @p1 (xrf1);
	v63 =	vpsel p1, v7, v4;
	[tilespmem:s14+$0x10420] =	vst v3  }
0x73d: {  	v62 =	vpsel p1, v8, v5;
	[tilespmem:s14+$0x10410] =	vst v63  }
0x73e: {  	[tilespmem:s14+$0x10400] =	vst v62  }
0x73f: {  	s12 =	simm.s32 $0x0  }
0x740: {  	[hbm4b:s0+s12] =	stream.linear.scatter [tilespmem:s9], [sflag:$0x3], $0x1000, $0x38;
	[tilespmem:$0x11400] =	vst v63  }
0x741: {  	_ =	swait.ge [sflag:s7], $0x1000  }
0x742: {  	[sflag:s7] =	ssyncset.done $0x0  }
0x743: {  	[sflag:s7] =	ssyncadd.s32 $0xFFFFF000  }
0x744: {  	_ =	swait.ge [sflag:s5], $0x8000  }
0x745: {  	[sflag:s5] =	ssyncset.done $0x0  }
0x746: {  	s13 =	rddreg [dreg:$0x12];
	[sflag:s5] =	ssyncadd.s32 $0xFFFF8000  }
0x747: {  	[tilespmem:s8], [sflag:$0x2] =	stream.linear.gather [hbm4b:s13+s12], $0x8000, $0x38;
	[tilespmem:$0x11400] =	vst v63  }
0x748: {  	s13 =	simm.s32 $0x0  }
.LBB2_58:
0x749: {  	s15 =	sand.u32 $0x18, s13  }
0x74a: {  	s14 =	sshll.u32 s13, $0x7;
	s16 =	sadd.s32 $0x0, s15  }
0x74b: {  	s18 =	sand.u32 $0x380, s14;
	s19 =	sshll.u32 s16, $0xA  }
0x74c: {  	s16 =	sor.u32 $0x400, s18;
	s21 =	sand.u32 $0x3FFFFC00, s19  }
0x74d: {  	s22 =	sand.u32 $0x70, s12;
	s18 =	sadd.s32 s21, s16  }
0x74e: {  	v1 =	vld [tilespmem:s12+$0x0];
	s18 =	sadd.s32 s22, s18  }
0x74f: {  	v2 =	vld [tilespmem:s18+$0x0];
	_ =	sdelay $0x4  }
0x750: {  	v3 =	vmul.f32 v1, v2  }
0x751: {  	v1 =	vimm.f32 $-3.000000010e+38  }
0x752: {  	v2 =	vsub.f32 v2, v3;
	vm0 =	vgt.f32 v3, v1  }
0x753: {  	v4 =	vsel vm0, $0x3F800000, v0  }
0x754: {  	vm0 =	vgt.f32 v2, v1;
	(xrf0) =	vmax.scan.msk.f32 $0xffff, v4  }
0x755: {  	v4 =	vsel vm0, $0x3F800000, v0  }
0x756: {  	(xrf0) =	vmax.scan.msk.f32 $0xffff, v4;
	_ =	sdelay $0x3  }
0x757: {  	v4, _, _ =	vpop (xrf0)  }
0x758: {  	(v2sf) =	vpush v4, $0xF  }
0x759: {  	v4, _, _ =	vpop (xrf0)  }
0x75a: {  	(v2sf) =	vpush v4, $0xF;
	_ =	sdelay $0xc  }
0x75b: {  	s19 =	spop (v2sf)  }
0x75c: {  	p1 =	sgt.f32 s19, $0.0e+00  }
0x75d: {  	s20 =	spop (v2sf)  }
0x75e: {  	p0 =	sgt.f32 s20, $0.0e+00;
	(xrf1) =	vsort.dscd.msk.f32 @p1 $0xffff, v3, v3;
	_ =	sdelay $0x1  }
0x75f: {  	(xrf1) =	vsort.dscd.msk.f32 @p0 $0xffff, v2, v2;
	_ =	sdelay $0x8  }
0x760: {  	v2 =	vlaneseq.u32 @p1  }
0x761: {  	v2 =	vmul.u32 @p1 $0xFFFFFFFF, v2  }
0x762: {  	v3 =	vlaneseq.u32 @p0  }
0x763: {  	v3 =	vmul.u32 @p0 $0xFFFFFFFF, v3;
	v2 =	vadd.s32 @p1 $0xF, v2;
	v4, _, _ =	vpop @p1 (xrf1)  }
0x764: {  	v2 =	vperm.xlane @p1 v4, v2  }
0x765: {  	v3 =	vadd.s32 @p0 $0xF, v3;
	v4, _, _ =	vpop @p0 (xrf1)  }
0x766: {  	v2 =	vmax.f32 @p1 v1, v2;
	v3 =	vperm.xlane @p0 v4, v3  }
0x767: {  	v4 =	vmin.f32 @p1 v1, v2  }
0x768: {  	v2 =	vmax.f32 @p1 v1, v2;
	v3 =	vmax.f32 @p0 v1, v3;
	(xrf1) =	vsort.dscd.msk.f32 @p1 $0xffff, v4, v4  }
0x769: {  	v4 =	vmin.f32 @p0 v1, v3;
	(xrf1) =	vsort.dscd.msk.f32 @p1 $0xffff, v2, v2  }
0x76a: {  	v2 =	vmax.f32 @p0 v1, v3;
	(xrf1) =	vsort.dscd.msk.f32 @p0 $0xffff, v4, v4  }
0x76b: {  	(xrf1) =	vsort.dscd.msk.f32 @p0 $0xffff, v2, v2;
	_ =	sdelay $0x1  }
0x76c: {  	s21 =	sadd.s32 $0x0, s15  }
0x76d: {  	s18 =	sshll.u32 s21, $0xA  }
0x76e: {  	s22 =	sand.u32 $0x3FFFFC00, s18;
	s18 =	simm.s32 $0x10  }
0x76f: {  	s19 =	sadd.s32 s22, s16;
	s20 =	sand.u32 $0x70, s18  }
0x770: {  	s19 =	sadd.s32 s20, s19  }
0x771: {  	v5 =	vld [tilespmem:s19+$0x0]  }
0x772: {  	v3 =	vld [tilespmem:s18+$0x0];
	_ =	sdelay $0x2  }
0x773: {  	v2 =	vimm.s32 @p1 $0xF;
	v4, _, _ =	vpop @p1 (xrf1)  }
0x774: {  	v6 =	vperm.xlane @p1 v4, v2;
	v2 =	vpsel p1, v4, v1;
	v4, _, _ =	vpop @p1 (xrf1)  }
0x775: {  	v7 =	vmul.f32 v3, v5;
	v3 =	vpsel p1, v4, v1;
	v4 =	vimm.s32 @p0 $0xF;
	v8, _, _ =	vpop @p0 (xrf1)  }
0x776: {  	v6 =	vpsel p1, v6, v1;
	v9 =	vperm.xlane @p0 v8, v4;
	v4 =	vpsel p0, v8, v1;
	v10, _, _ =	vpop @p0 (xrf1)  }
0x777: {  	s20 =	simm.s32 $0x10;
	s19 =	simm.s32 $0x2;
	v8 =	vsub.f32 v5, v7;
	vm0 =	vgt.f32 v7, v6;
	v5 =	vpsel p0, v10, v1  }
.LBB2_59:
0x778: {  	v10 =	vsel vm0, $0x3F800000, v0;
	v1 =	vpsel p0, v9, v1;
	s21 =	smov.u32 s19;
	s19 =	sadd.s32 $0x1, s19  }
0x779: {  	p1 =	sne.s32 s19, $0x40;
	vm0 =	vgt.f32 v8, v1;
	(xrf0) =	vmax.scan.msk.f32 $0xffff, v10  }
0x77a: {  	v9 =	vsel vm0, $0x3F800000, v0  }
0x77b: {  	(xrf0) =	vmax.scan.msk.f32 $0xffff, v9;
	_ =	sdelay $0x3  }
0x77c: {  	v9, _, _ =	vpop (xrf0)  }
0x77d: {  	(v2sf) =	vpush v9, $0xF  }
0x77e: {  	v9, _, _ =	vpop (xrf0)  }
0x77f: {  	(v2sf) =	vpush v9, $0xF;
	_ =	sdelay $0xc  }
0x780: {  	s22 =	spop (v2sf)  }
0x781: {  	p2 =	sgt.f32 s22, $0.0e+00  }
0x782: {  	s22 =	spop (v2sf)  }
0x783: {  	v9 =	vlaneseq.u32 @p2;
	p0 =	sgt.f32 s22, $0.0e+00;
	(xrf1) =	vsort.dscd.msk.f32 @p2 $0xffff, v7, v7  }
0x784: {  	v7 =	vmul.u32 @p2 $0xFFFFFFFF, v9  }
0x785: {  	v9 =	vlaneseq.u32 @p0;
	(xrf1) =	vsort.dscd.msk.f32 @p0 $0xffff, v8, v8  }
0x786: {  	v7 =	vadd.s32 @p2 $0xF, v7;
	v8 =	vmul.u32 @p0 $0xFFFFFFFF, v9;
	_ =	sdelay $0x1  }
0x787: {  	v8 =	vadd.s32 @p0 $0xF, v8;
	_ =	sdelay $0x8  }
0x788: {  	v9, _, _ =	vpop @p2 (xrf1)  }
0x789: {  	v7 =	vperm.xlane @p2 v9, v7  }
0x78a: {  	v9, _, _ =	vpop @p0 (xrf1)  }
0x78b: {  	v7 =	vmax.f32 @p2 v2, v7;
	v8 =	vperm.xlane @p0 v9, v8  }
0x78c: {  	v9 =	vmax.f32 @p2 v3, v7;
	v7 =	vmin.f32 @p2 v3, v7  }
0x78d: {  	v8 =	vmax.f32 @p0 v4, v8;
	(xrf1) =	vsort.dscd.msk.f32 @p2 $0xffff, v7, v7  }
0x78e: {  	v7 =	vmax.f32 @p0 v5, v8;
	v8 =	vmin.f32 @p0 v5, v8;
	(xrf1) =	vsort.dscd.msk.f32 @p2 $0xffff, v9, v9  }
0x78f: {  	(xrf1) =	vsort.dscd.msk.f32 @p0 $0xffff, v8, v8  }
0x790: {  	(xrf1) =	vsort.dscd.msk.f32 @p0 $0xffff, v7, v7;
	_ =	sdelay $0x1  }
0x791: {  	s21 =	sshrl.u32 s21, $0x3  }
0x792: {  	s21 =	sadd.s32 s15, s21  }
0x793: {  	s21 =	sshll.u32 s21, $0xA  }
0x794: {  	s18 =	sadd.s32 $0x10, s18;
	s21 =	sand.u32 $0x3FFFFC00, s21  }
0x795: {  	s20 =	sadd.s32 $0x10, s20;
	s21 =	sadd.s32 s21, s16;
	s22 =	sand.u32 $0x70, s18  }
0x796: {  	s21 =	sadd.s32 s22, s21;
	v7 =	vld [tilespmem:s20+$0x0]  }
0x797: {  	v8 =	vld [tilespmem:s21+$0x0];
	_ =	sdelay $0x2  }
.Ltmp28:
0x798: {  	v9 =	vimm.s32 @p2 $0xF;
	v10, _, _ =	vpop @p2 (xrf1);
	(pc) =	sbr.rel @p1 .LBB2_59-.Ltmp28, $4  }
0x799: {  	v9 =	vperm.xlane @p2 v10, v9;
	v2 =	vpsel p2, v10, v2;
	v10, _, _ =	vpop @p2 (xrf1)  }
0x79a: {  	v12 =	vimm.s32 @p0 $0xF;
	v7 =	vmul.f32 v7, v8;
	v3 =	vpsel p2, v10, v3;
	v11, _, _ =	vpop @p0 (xrf1)  }
0x79b: {  	v6 =	vpsel p2, v9, v6;
	v9 =	vperm.xlane @p0 v11, v12;
	v4 =	vpsel p0, v11, v4;
	v10, _, _ =	vpop @p0 (xrf1)  }
0x79c: {  	v8 =	vsub.f32 v8, v7;
	vm0 =	vgt.f32 v7, v6;
	v5 =	vpsel p0, v10, v5  }
0x79d: {  	v6 =	vsel vm0, $0x3F800000, v0  }
0x79e: {  	v1 =	vpsel p0, v9, v1;
	(xrf0) =	vmax.scan.msk.f32 $0xffff, v6  }
0x79f: {  	vm15 =	vgt.f32 v8, v1  }
0x7a0: {  	v1 =	vsel vm15, $0x3F800000, v0  }
0x7a1: {  	(xrf0) =	vmax.scan.msk.f32 $0xffff, v1;
	_ =	sdelay $0x2  }
0x7a2: {  	v1, _, _ =	vpop (xrf0)  }
0x7a3: {  	(v2sf) =	vpush v1, $0xF;
	_ =	sdelay $0x1  }
0x7a4: {  	v1, _, _ =	vpop (xrf0)  }
0x7a5: {  	(v2sf) =	vpush v1, $0xF;
	_ =	sdelay $0xb  }
0x7a6: {  	s15 =	spop (v2sf)  }
0x7a7: {  	p0 =	sgt.f32 s15, $0.0e+00;
	_ =	sdelay $0x1  }
0x7a8: {  	s22 =	spop (v2sf);
	(xrf1) =	vsort.dscd.msk.f32 @p0 $0xffff, v7, v7  }
0x7a9: {  	p1 =	sgt.f32 s22, $0.0e+00;
	_ =	sdelay $0x1  }
0x7aa: {  	(xrf1) =	vsort.dscd.msk.f32 @p1 $0xffff, v8, v8;
	_ =	sdelay $0x7  }
0x7ab: {  	v1 =	vlaneseq.u32 @p0  }
0x7ac: {  	v1 =	vmul.u32 @p0 $0xFFFFFFFF, v1;
	_ =	sdelay $0x1  }
0x7ad: {  	v6 =	vlaneseq.u32 @p1;
	v1 =	vadd.s32 @p0 $0xF, v1;
	v7, _, _ =	vpop @p0 (xrf1)  }
0x7ae: {  	v6 =	vmul.u32 @p1 $0xFFFFFFFF, v6;
	v1 =	vperm.xlane @p0 v7, v1;
	_ =	sdelay $0x1  }
0x7af: {  	v6 =	vadd.s32 @p1 $0xF, v6;
	v7, _, _ =	vpop @p1 (xrf1);
	v1 =	vmax.f32 @p0 v2, v1  }
0x7b0: {  	v6 =	vperm.xlane @p1 v7, v6;
	v7 =	vmin.f32 @p0 v3, v1  }
0x7b1: {  	v1 =	vmax.f32 @p0 v3, v1;
	(xrf1) =	vsort.dscd.msk.f32 @p0 $0xffff, v7, v7  }
0x7b2: {  	(xrf1) =	vsort.dscd.msk.f32 @p0 $0xffff, v1, v1  }
0x7b3: {  	v6 =	vmax.f32 @p1 v4, v6  }
0x7b4: {  	v7 =	vmin.f32 @p1 v5, v6  }
0x7b5: {  	v1 =	vmax.f32 @p1 v5, v6;
	(xrf1) =	vsort.dscd.msk.f32 @p1 $0xffff, v7, v7  }
0x7b6: {  	(xrf1) =	vsort.dscd.msk.f32 @p1 $0xffff, v1, v1;
	_ =	sdelay $0x8  }
0x7b7: {  	v1, _, _ =	vpop @p0 (xrf1)  }
0x7b8: {  	s13 =	sadd.s32 $0x1, s13;
	v6, _, _ =	vpop @p0 (xrf1)  }
0x7b9: {  	v1 =	vpsel p0, v1, v2;
	v3 =	vpsel p0, v6, v3;
	p0 =	sne.s32 s13, $0x20  }
.Ltmp29:
0x7ba: {  	s14 =	sand.u32 $0x3FFFFF80, s14;
	(pc) =	sbr.rel @p0 .LBB2_58-.Ltmp29, $4  }
0x7bb: {  	v7, _, _ =	vpop @p1 (xrf1);
	[tilespmem:s14+$0x10430] =	vst v1  }
0x7bc: {  	v8, _, _ =	vpop @p1 (xrf1);
	v63 =	vpsel p1, v7, v4;
	[tilespmem:s14+$0x10420] =	vst v3  }
0x7bd: {  	v62 =	vpsel p1, v8, v5;
	[tilespmem:s14+$0x10410] =	vst v63  }
0x7be: {  	[tilespmem:s14+$0x10400] =	vst v62  }
0x7bf: {  	s12 =	simm.s32 $0x0  }
0x7c0: {  	[hbm4b:s1+s12] =	stream.linear.scatter [tilespmem:s9], [sflag:$0x3], $0x1000, $0x38;
	[tilespmem:$0x11400] =	vst v63  }
0x7c1: {  	_ =	swait.ge [sflag:s7], $0x1000  }
0x7c2: {  	[sflag:s7] =	ssyncset.done $0x0  }
0x7c3: {  	[sflag:s7] =	ssyncadd.s32 $0xFFFFF000  }
0x7c4: {  	_ =	swait.ge [sflag:s10], $0x8000  }
0x7c5: {  	[sflag:s10] =	ssyncset.done $0x0  }
0x7c6: {  	s13 =	simm.s32 $0x0;
	[sflag:s10] =	ssyncadd.s32 $0xFFFF8000  }
.LBB2_62:
0x7c7: {  	s15 =	sshll.u32 s13, $0xA;
	s14 =	sshll.u32 s13, $0x7  }
0x7c8: {  	s15 =	sand.u32 $0x6000, s15;
	s16 =	sand.u32 $0x380, s14  }
0x7c9: {  	s20 =	sand.u32 $0x7000, s12;
	s15 =	sor.u32 s16, s15  }
0x7ca: {  	s16 =	sshrl.u32 s20, $0x2;
	s15 =	sor.u32 $0x8400, s15  }
0x7cb: {  	s18 =	sand.u32 $0x70, s12;
	s16 =	sadd.s32 s16, s15  }
0x7cc: {  	v1 =	vld [tilespmem:s12+$0x0];
	s16 =	sadd.s32 s18, s16  }
0x7cd: {  	v2 =	vld [tilespmem:s16+$0x0];
	_ =	sdelay $0x4  }
0x7ce: {  	v3 =	vmul.f32 v1, v2  }
0x7cf: {  	v1 =	vimm.f32 $-3.000000010e+38  }
0x7d0: {  	v2 =	vsub.f32 v2, v3;
	vm0 =	vgt.f32 v3, v1  }
0x7d1: {  	v4 =	vsel vm0, $0x3F800000, v0  }
0x7d2: {  	vm0 =	vgt.f32 v2, v1;
	(xrf0) =	vmax.scan.msk.f32 $0xffff, v4  }
0x7d3: {  	v4 =	vsel vm0, $0x3F800000, v0  }
0x7d4: {  	(xrf0) =	vmax.scan.msk.f32 $0xffff, v4;
	_ =	sdelay $0x3  }
0x7d5: {  	v4, _, _ =	vpop (xrf0)  }
0x7d6: {  	(v2sf) =	vpush v4, $0xF  }
0x7d7: {  	v4, _, _ =	vpop (xrf0)  }
0x7d8: {  	(v2sf) =	vpush v4, $0xF;
	_ =	sdelay $0xc  }
0x7d9: {  	s21 =	spop (v2sf)  }
0x7da: {  	p1 =	sgt.f32 s21, $0.0e+00  }
0x7db: {  	s22 =	spop (v2sf)  }
0x7dc: {  	p0 =	sgt.f32 s22, $0.0e+00;
	(xrf1) =	vsort.dscd.msk.f32 @p1 $0xffff, v3, v3;
	_ =	sdelay $0x1  }
0x7dd: {  	(xrf1) =	vsort.dscd.msk.f32 @p0 $0xffff, v2, v2;
	_ =	sdelay $0x8  }
0x7de: {  	v2 =	vlaneseq.u32 @p1  }
0x7df: {  	v2 =	vmul.u32 @p1 $0xFFFFFFFF, v2  }
0x7e0: {  	v3 =	vlaneseq.u32 @p0  }
0x7e1: {  	v3 =	vmul.u32 @p0 $0xFFFFFFFF, v3;
	v2 =	vadd.s32 @p1 $0xF, v2;
	v4, _, _ =	vpop @p1 (xrf1)  }
0x7e2: {  	v2 =	vperm.xlane @p1 v4, v2  }
0x7e3: {  	v3 =	vadd.s32 @p0 $0xF, v3;
	v4, _, _ =	vpop @p0 (xrf1)  }
0x7e4: {  	v2 =	vmax.f32 @p1 v1, v2;
	v3 =	vperm.xlane @p0 v4, v3  }
0x7e5: {  	v4 =	vmin.f32 @p1 v1, v2  }
0x7e6: {  	v2 =	vmax.f32 @p1 v1, v2;
	v3 =	vmax.f32 @p0 v1, v3;
	(xrf1) =	vsort.dscd.msk.f32 @p1 $0xffff, v4, v4  }
0x7e7: {  	v4 =	vmin.f32 @p0 v1, v3;
	(xrf1) =	vsort.dscd.msk.f32 @p1 $0xffff, v2, v2  }
0x7e8: {  	v2 =	vmax.f32 @p0 v1, v3;
	(xrf1) =	vsort.dscd.msk.f32 @p0 $0xffff, v4, v4  }
0x7e9: {  	(xrf1) =	vsort.dscd.msk.f32 @p0 $0xffff, v2, v2;
	_ =	sdelay $0x1  }
0x7ea: {  	s16 =	simm.s32 $0x200  }
0x7eb: {  	s19 =	sand.u32 $0x7000, s16  }
0x7ec: {  	s18 =	simm.s32 $0x10;
	s19 =	sshrl.u32 s19, $0x2  }
0x7ed: {  	s20 =	sand.u32 $0x70, s18;
	s19 =	sadd.s32 s19, s15  }
0x7ee: {  	s19 =	sadd.s32 s20, s19  }
0x7ef: {  	v5 =	vld [tilespmem:s19+$0x0]  }
0x7f0: {  	v3 =	vld [tilespmem:s18+$0x0];
	_ =	sdelay $0x2  }
0x7f1: {  	v2 =	vimm.s32 @p1 $0xF;
	v4, _, _ =	vpop @p1 (xrf1)  }
0x7f2: {  	v6 =	vperm.xlane @p1 v4, v2;
	v2 =	vpsel p1, v4, v1;
	v4, _, _ =	vpop @p1 (xrf1)  }
0x7f3: {  	v7 =	vmul.f32 v3, v5;
	v3 =	vpsel p1, v4, v1;
	v4 =	vimm.s32 @p0 $0xF;
	v8, _, _ =	vpop @p0 (xrf1)  }
0x7f4: {  	v6 =	vpsel p1, v6, v1;
	v9 =	vperm.xlane @p0 v8, v4;
	v4 =	vpsel p0, v8, v1;
	v10, _, _ =	vpop @p0 (xrf1)  }
0x7f5: {  	s19 =	simm.s32 $0x20;
	v8 =	vsub.f32 v5, v7;
	vm0 =	vgt.f32 v7, v6;
	v5 =	vpsel p0, v10, v1  }
.LBB2_63:
0x7f6: {  	v10 =	vsel vm0, $0x3F800000, v0;
	v1 =	vpsel p0, v9, v1;
	s20 =	smov.u32 s19;
	s19 =	sadd.s32 $0x10, s19  }
0x7f7: {  	p1 =	sne.s32 s19, $0x400;
	vm0 =	vgt.f32 v8, v1;
	(xrf0) =	vmax.scan.msk.f32 $0xffff, v10  }
0x7f8: {  	v9 =	vsel vm0, $0x3F800000, v0  }
0x7f9: {  	(xrf0) =	vmax.scan.msk.f32 $0xffff, v9;
	_ =	sdelay $0x3  }
0x7fa: {  	v9, _, _ =	vpop (xrf0)  }
0x7fb: {  	(v2sf) =	vpush v9, $0xF  }
0x7fc: {  	v9, _, _ =	vpop (xrf0)  }
0x7fd: {  	(v2sf) =	vpush v9, $0xF;
	_ =	sdelay $0xc  }
0x7fe: {  	s21 =	spop (v2sf)  }
0x7ff: {  	p2 =	sgt.f32 s21, $0.0e+00  }
0x800: {  	s21 =	spop (v2sf)  }
0x801: {  	v9 =	vlaneseq.u32 @p2;
	p0 =	sgt.f32 s21, $0.0e+00;
	(xrf1) =	vsort.dscd.msk.f32 @p2 $0xffff, v7, v7  }
0x802: {  	v7 =	vmul.u32 @p2 $0xFFFFFFFF, v9  }
0x803: {  	v9 =	vlaneseq.u32 @p0;
	(xrf1) =	vsort.dscd.msk.f32 @p0 $0xffff, v8, v8  }
0x804: {  	v7 =	vadd.s32 @p2 $0xF, v7;
	v8 =	vmul.u32 @p0 $0xFFFFFFFF, v9;
	_ =	sdelay $0x1  }
0x805: {  	v8 =	vadd.s32 @p0 $0xF, v8;
	_ =	sdelay $0x8  }
0x806: {  	v9, _, _ =	vpop @p2 (xrf1)  }
0x807: {  	v7 =	vperm.xlane @p2 v9, v7  }
0x808: {  	v9, _, _ =	vpop @p0 (xrf1)  }
0x809: {  	v7 =	vmax.f32 @p2 v2, v7;
	v8 =	vperm.xlane @p0 v9, v8  }
0x80a: {  	v9 =	vmax.f32 @p2 v3, v7;
	v7 =	vmin.f32 @p2 v3, v7  }
0x80b: {  	v8 =	vmax.f32 @p0 v4, v8;
	(xrf1) =	vsort.dscd.msk.f32 @p2 $0xffff, v7, v7  }
0x80c: {  	v7 =	vmax.f32 @p0 v5, v8;
	v8 =	vmin.f32 @p0 v5, v8;
	(xrf1) =	vsort.dscd.msk.f32 @p2 $0xffff, v9, v9  }
0x80d: {  	(xrf1) =	vsort.dscd.msk.f32 @p0 $0xffff, v8, v8  }
0x80e: {  	(xrf1) =	vsort.dscd.msk.f32 @p0 $0xffff, v7, v7;
	_ =	sdelay $0x2  }
0x80f: {  	s16 =	sadd.s32 $0x200, s16  }
0x810: {  	s21 =	sand.u32 $0x7000, s16  }
0x811: {  	s21 =	sshrl.u32 s21, $0x2  }
0x812: {  	s18 =	sadd.s32 $0x10, s18;
	s20 =	sand.u32 $0x70, s20;
	s21 =	sadd.s32 s21, s15  }
0x813: {  	s20 =	sadd.s32 s20, s21;
	v7 =	vld [tilespmem:s18+$0x0]  }
0x814: {  	v8 =	vld [tilespmem:s20+$0x0];
	_ =	sdelay $0x2  }
.Ltmp30:
0x815: {  	v9 =	vimm.s32 @p2 $0xF;
	v10, _, _ =	vpop @p2 (xrf1);
	(pc) =	sbr.rel @p1 .LBB2_63-.Ltmp30, $4  }
0x816: {  	v9 =	vperm.xlane @p2 v10, v9;
	v2 =	vpsel p2, v10, v2;
	v10, _, _ =	vpop @p2 (xrf1)  }
0x817: {  	v12 =	vimm.s32 @p0 $0xF;
	v7 =	vmul.f32 v7, v8;
	v3 =	vpsel p2, v10, v3;
	v11, _, _ =	vpop @p0 (xrf1)  }
0x818: {  	v6 =	vpsel p2, v9, v6;
	v9 =	vperm.xlane @p0 v11, v12;
	v4 =	vpsel p0, v11, v4;
	v10, _, _ =	vpop @p0 (xrf1)  }
0x819: {  	v8 =	vsub.f32 v8, v7;
	vm0 =	vgt.f32 v7, v6;
	v5 =	vpsel p0, v10, v5  }
0x81a: {  	v6 =	vsel vm0, $0x3F800000, v0  }
0x81b: {  	v1 =	vpsel p0, v9, v1;
	(xrf0) =	vmax.scan.msk.f32 $0xffff, v6  }
0x81c: {  	vm15 =	vgt.f32 v8, v1  }
0x81d: {  	v1 =	vsel vm15, $0x3F800000, v0  }
0x81e: {  	(xrf0) =	vmax.scan.msk.f32 $0xffff, v1;
	_ =	sdelay $0x2  }
0x81f: {  	v1, _, _ =	vpop (xrf0)  }
0x820: {  	(v2sf) =	vpush v1, $0xF;
	_ =	sdelay $0x1  }
0x821: {  	v1, _, _ =	vpop (xrf0)  }
0x822: {  	(v2sf) =	vpush v1, $0xF;
	_ =	sdelay $0xb  }
0x823: {  	s15 =	spop (v2sf)  }
0x824: {  	p0 =	sgt.f32 s15, $0.0e+00;
	_ =	sdelay $0x1  }
0x825: {  	s22 =	spop (v2sf);
	(xrf1) =	vsort.dscd.msk.f32 @p0 $0xffff, v7, v7  }
0x826: {  	p1 =	sgt.f32 s22, $0.0e+00;
	_ =	sdelay $0x1  }
0x827: {  	(xrf1) =	vsort.dscd.msk.f32 @p1 $0xffff, v8, v8;
	_ =	sdelay $0x7  }
0x828: {  	v1 =	vlaneseq.u32 @p0  }
0x829: {  	v1 =	vmul.u32 @p0 $0xFFFFFFFF, v1;
	_ =	sdelay $0x1  }
0x82a: {  	v6 =	vlaneseq.u32 @p1;
	v1 =	vadd.s32 @p0 $0xF, v1;
	v7, _, _ =	vpop @p0 (xrf1)  }
0x82b: {  	v6 =	vmul.u32 @p1 $0xFFFFFFFF, v6;
	v1 =	vperm.xlane @p0 v7, v1;
	_ =	sdelay $0x1  }
0x82c: {  	v6 =	vadd.s32 @p1 $0xF, v6;
	v7, _, _ =	vpop @p1 (xrf1);
	v1 =	vmax.f32 @p0 v2, v1  }
0x82d: {  	v6 =	vperm.xlane @p1 v7, v6;
	v7 =	vmin.f32 @p0 v3, v1  }
0x82e: {  	v1 =	vmax.f32 @p0 v3, v1;
	(xrf1) =	vsort.dscd.msk.f32 @p0 $0xffff, v7, v7  }
0x82f: {  	(xrf1) =	vsort.dscd.msk.f32 @p0 $0xffff, v1, v1  }
0x830: {  	v6 =	vmax.f32 @p1 v4, v6  }
0x831: {  	v7 =	vmin.f32 @p1 v5, v6  }
0x832: {  	v1 =	vmax.f32 @p1 v5, v6;
	(xrf1) =	vsort.dscd.msk.f32 @p1 $0xffff, v7, v7  }
0x833: {  	(xrf1) =	vsort.dscd.msk.f32 @p1 $0xffff, v1, v1;
	_ =	sdelay $0x8  }
0x834: {  	v1, _, _ =	vpop @p0 (xrf1)  }
0x835: {  	s13 =	sadd.s32 $0x1, s13;
	v6, _, _ =	vpop @p0 (xrf1)  }
0x836: {  	v1 =	vpsel p0, v1, v2;
	v3 =	vpsel p0, v6, v3;
	p0 =	sne.s32 s13, $0x20  }
.Ltmp31:
0x837: {  	s14 =	sand.u32 $0x3FFFFF80, s14;
	(pc) =	sbr.rel @p0 .LBB2_62-.Ltmp31, $4  }
0x838: {  	v7, _, _ =	vpop @p1 (xrf1);
	[tilespmem:s14+$0x10430] =	vst v1  }
0x839: {  	v8, _, _ =	vpop @p1 (xrf1);
	v63 =	vpsel p1, v7, v4;
	[tilespmem:s14+$0x10420] =	vst v3  }
0x83a: {  	v62 =	vpsel p1, v8, v5;
	[tilespmem:s14+$0x10410] =	vst v63  }
0x83b: {  	[tilespmem:s14+$0x10400] =	vst v62  }
0x83c: {  	s11 =	sadd.s32 $0x1, s11  }
0x83d: {  	p0 =	sne.s32 s11, s4  }
.Ltmp32:
0x83e: {  	_ = 	snop;
	(pc) =	sbr.rel @p0 .LBB2_1-.Ltmp32, $4  }
0x83f: {  	[hbm4b:s2+s17] =	stream.linear.scatter [tilespmem:s9], [sflag:$0x3], $0x1000, $0x38;
	[tilespmem:$0x11400] =	vst v63  }
0x840: {  	_ =	swait.ge [sflag:s7], $0x1000  }
0x841: {  	[sflag:s7] =	ssyncset.done $0x0  }
0x842: {  	[sflag:s7] =	ssyncadd.s32 $0xFFFFF000  }
0x843: {  	_ =	sfence.sel $0x180000  }
0x844: {  	[bflag:$0x0] =	sbarrier.arrive $0xFFFF  }
0x845: {  	_ =	strace $0x90000047  }
0x846: {  	s0 =	stileid.u32;
	[bflag:$0x2] =	sbarrier.arrive $0xFFFF  }
0x847: {  	p0 =	sne.s32 s0, $0x0;
	s0 =	rddreg [dreg:$0x2]  }
0x848: {  	s0 =	sadd.s32 @!p0 $0x100000, s0  }
0x849: {  	[sflag:s0] =	ssyncadd.tile.s32 @!p0 $0x1;
	_ =	shalt  }
.Lfunc_end2:
_tile_overlayer_lowered:
.L_overlay_start_2:
0x84a: {  	(tag) =	ssettag $0x2  }
0x84b: {  	s0 =	rddreg [dreg:$0x0];
	s2 =	stileid.u32  }
0x84c: {  	s1 =	rddreg [dreg:$0x1];
	p0 =	sne.s32 s2, $0x0  }
0x84d: {  	s3 =	rddreg [dreg:$0x2];
	[bflag:$0x3] =	sbarrier.arrive $0xFFFF;
	s2 =	simm.s32 @!p0 $0x1C03  }
0x84e: {  	[timem:s3], [sflag:s2] =	dma.local @!p0 [hbm:s0], s1  }
0x84f: {  	s0 =	simm.s32 @!p0 $0x3  }
0x850: {  	_ =	swait.ge @!p0 [sflag:s0], s1  }
0x851: {  	s1 =	ssub.s32 @!p0 $0x0, s1;
	[sflag:s0] =	ssyncset.done @!p0 $0x0  }
0x852: {  	[sflag:s0] =	ssyncadd.s32 @!p0 s1  }
0x853: {  	[bflag:$0x3] =	sbarrier.arrive $0xFFFF  }
0x854: {  	_ =	shalt  }

</sc_bundles>
